<compile_context>
chip_gen: v7x
topology: tpu7x:2x2x1
jax: 0.10.2.dev20260603
libtpu: 0.0.44.dev20260713+nightly
codegen_flags: <defaults>
</compile_context>

<pallas_src>
import functools

import jax
import jax.numpy as jnp
from jax import lax
from jax.experimental import pallas as pl
from jax.experimental.pallas import tpu as pltpu
from jax.experimental.pallas import tpu_sc as plsc

NUM_GRAPHS = 100
INPUT_SIZE = 100
HID = 128
BOTTLENECK = 256
FFN = 1024
K = 5
N = NUM_GRAPHS * INPUT_SIZE
E = 320000
EPS = 1e-15

_PREC = jax.lax.Precision.HIGHEST

_NC = 2
_NS = 16
_NW = _NC * _NS
_EB = 40
_EPW = E // _NW
_NBATCH = _EPW // _EB
_EBP = 48
_RPT = 624
_RTAIL = N - _NS * _RPT


def _elu(v):
    return jnp.where(v > 0, v, jnp.exp(jnp.minimum(v, 0.0)) - 1.0)


_MLP_BLK = 2560


def _mlp_body(x_ref, w1_ref, b1_ref, w2_ref, b2_ref, out_ref, mid_ref):
    @pl.when(pl.program_id(0) == 0)
    def _():
        mid_ref[...] = _elu(
            jnp.dot(x_ref[...], w1_ref[...],
                    preferred_element_type=jnp.float32, precision=_PREC)
            + b1_ref[...])

    out_ref[...] = _elu(
        jnp.dot(mid_ref[...], w2_ref[...],
                preferred_element_type=jnp.float32, precision=_PREC)
        + b2_ref[...])


def _mlp(x, w1, b1, w2, b2):
    nb = (INPUT_SIZE * HID) // _MLP_BLK
    return pl.pallas_call(
        _mlp_body,
        grid=(nb,),
        in_specs=[
            pl.BlockSpec((NUM_GRAPHS, BOTTLENECK), lambda i: (0, 0)),
            pl.BlockSpec((BOTTLENECK, FFN), lambda i: (0, 0)),
            pl.BlockSpec((1, FFN), lambda i: (0, 0)),
            pl.BlockSpec((FFN, _MLP_BLK), lambda i: (0, i)),
            pl.BlockSpec((1, _MLP_BLK), lambda i: (0, i)),
        ],
        out_specs=pl.BlockSpec((NUM_GRAPHS, _MLP_BLK), lambda i: (0, i)),
        out_shape=jax.ShapeDtypeStruct((NUM_GRAPHS, INPUT_SIZE * HID),
                                       jnp.float32),
        scratch_shapes=[pltpu.VMEM((NUM_GRAPHS, FFN), jnp.float32)],
    )(x, w1, b1, w2, b2)


_ROWB = 2000


def _xg_body(xin_ref, g_ref, root_ref, xg_ref, r_ref):
    xg_ref[...] = jnp.dot(xin_ref[...], g_ref[...],
                          preferred_element_type=jnp.float32, precision=_PREC)
    r_ref[...] = jnp.dot(xin_ref[...], root_ref[...],
                         preferred_element_type=jnp.float32, precision=_PREC)


def _xg(xin, g, root):
    return pl.pallas_call(
        _xg_body,
        grid=(N // _ROWB,),
        in_specs=[
            pl.BlockSpec((_ROWB, HID), lambda i: (i, 0)),
            pl.BlockSpec((HID, K * HID), lambda i: (0, 0)),
            pl.BlockSpec((HID, HID), lambda i: (0, 0)),
        ],
        out_specs=[
            pl.BlockSpec((_ROWB, K * HID), lambda i: (i, 0)),
            pl.BlockSpec((_ROWB, HID), lambda i: (i, 0)),
        ],
        out_shape=[
            jax.ShapeDtypeStruct((N, K * HID), jnp.float32),
            jax.ShapeDtypeStruct((N, HID), jnp.float32),
        ],
    )(xin, g, root)


_HCHUNK = 6400
_HROWS = 80


def _hist_body(dstc_ref, out_ref, acc_ref):
    i = pl.program_id(0)

    @pl.when(i == 0)
    def _():
        acc_ref[...] = jnp.zeros_like(acc_ref)

    dc = dstc_ref[...]
    a_ids = lax.broadcasted_iota(jnp.int32, (_HCHUNK, _HROWS), 1)
    b_ids = lax.broadcasted_iota(jnp.int32, (_HCHUNK, HID), 1)
    mask_at = ((dc // HID) == a_ids).astype(jnp.float32)
    onehot_b = ((dc % HID) == b_ids).astype(jnp.float32)
    acc_ref[...] += lax.dot_general(
        mask_at, onehot_b, dimension_numbers=(((0,), (0,)), ((), ())),
        preferred_element_type=jnp.float32)

    @pl.when(i == pl.num_programs(0) - 1)
    def _():
        out_ref[...] = acc_ref[...]


def _hist(dst):
    nchunk = E // _HCHUNK
    dstc = dst.reshape(E, 1)
    return pl.pallas_call(
        _hist_body,
        grid=(nchunk,),
        in_specs=[pl.BlockSpec((_HCHUNK, 1), lambda i: (i, 0))],
        out_specs=pl.BlockSpec((_HROWS, HID), lambda i: (0, 0)),
        out_shape=jax.ShapeDtypeStruct((_HROWS, HID), jnp.float32),
        scratch_shapes=[pltpu.VMEM((_HROWS, HID), jnp.float32)],
    )(dstc)


@functools.cache
def _make_conv():
    mesh = plsc.VectorSubcoreMesh(core_axis_name="c", subcore_axis_name="s")
    out_type = jax.ShapeDtypeStruct((_NC, N, HID), jnp.float32)

    scratch = [
        pltpu.VMEM_SHARED((N, HID), jnp.float32),
        pltpu.VMEM((_EB, K * HID), jnp.float32),
        pltpu.VMEM((_EB, HID), jnp.float32),
        pltpu.VMEM((K * _EBP + 16,), jnp.float32),
        pltpu.VMEM((_EBP,), jnp.float32),
        pltpu.VMEM((_EB,), jnp.int32),
        pltpu.VMEM((_EB,), jnp.int32),
        pltpu.VMEM((HID,), jnp.float32),
        pltpu.SemaphoreType.DMA,
    ]

    def body(xg_hbm, src_hbm, dst_hbm, attr_hbm, prm_hbm, agg_out,
             agg_sp, rows_v, msg_v, gw_v, attr_v, sidx_v, didx_v, prm_v,
             sem):
        c = lax.axis_index("c")
        s = lax.axis_index("s")
        wid = s * _NC + c

        zero16 = jnp.zeros((16,), jnp.float32)

        pltpu.sync_copy(prm_hbm, prm_v)
        for q in range(_EBP // 16):
            attr_v[pl.ds(q * 16, 16)] = jnp.zeros((16,), jnp.float32)

        def fill_zero(i, carry):
            for cb in range(HID // 16):
                msg_v[i, pl.ds(cb * 16, 16)] = zero16
            return carry

        lax.fori_loop(0, _EB, fill_zero, 0)

        rbase = s * _RPT
        nfull = _RPT // _EB
        tail = _RPT % _EB
        for t in range(nfull):
            pltpu.sync_copy(msg_v, agg_sp.at[pl.ds(rbase + t * _EB, _EB)])
        if tail:
            pltpu.sync_copy(msg_v.at[pl.ds(0, tail)],
                            agg_sp.at[pl.ds(rbase + nfull * _EB, tail)])

        @pl.when(s == _NS - 1)
        def _():
            pltpu.sync_copy(msg_v.at[pl.ds(0, _RTAIL)],
                            agg_sp.at[pl.ds(_NS * _RPT, _RTAIL)])

        plsc.subcore_barrier()

        ew0 = wid * _EPW
        pvec = prm_v[pl.ds(0, 16)]

        def batch(j, carry):
            eb = ew0 + j * _EB
            pltpu.sync_copy(src_hbm.at[pl.ds(eb, _EB)], sidx_v)
            pltpu.sync_copy(dst_hbm.at[pl.ds(eb, _EB)], didx_v)
            pltpu.sync_copy(attr_hbm.at[pl.ds(eb, _EB)],
                            attr_v.at[pl.ds(0, _EB)])
            pltpu.async_copy(xg_hbm.at[sidx_v], rows_v, sem).wait()

            for v in range(_EBP // 16):
                a = attr_v[pl.ds(v * 16, 16)]
                for k in range(K):
                    t = a - pvec[k]
                    gw_v[pl.ds(k * _EBP + v * 16, 16)] = jnp.exp(
                        t * t * pvec[8 + k])

            def ebody(i, ecarry):
                w0 = gw_v[pl.ds(i, 16)][0]
                w1 = gw_v[pl.ds(_EBP + i, 16)][0]
                w2 = gw_v[pl.ds(2 * _EBP + i, 16)][0]
                w3 = gw_v[pl.ds(3 * _EBP + i, 16)][0]
                w4 = gw_v[pl.ds(4 * _EBP + i, 16)][0]
                for cb in range(HID // 16):
                    o = cb * 16
                    acc = rows_v[i, pl.ds(o, 16)] * w0
                    acc = acc + rows_v[i, pl.ds(HID + o, 16)] * w1
                    acc = acc + rows_v[i, pl.ds(2 * HID + o, 16)] * w2
                    acc = acc + rows_v[i, pl.ds(3 * HID + o, 16)] * w3
                    acc = acc + rows_v[i, pl.ds(4 * HID + o, 16)] * w4
                    msg_v[i, pl.ds(o, 16)] = acc
                return ecarry

            lax.fori_loop(0, _EB, ebody, 0)

            pltpu.sync_copy(msg_v, agg_sp.at[didx_v], add=True)
            return carry

        lax.fori_loop(0, _NBATCH, batch, 0)

        plsc.subcore_barrier()
        pltpu.sync_copy(agg_sp.at[pl.ds(rbase, _RPT)],
                        agg_out.at[c, pl.ds(rbase, _RPT)])

        @pl.when(s == _NS - 1)
        def _():
            pltpu.sync_copy(agg_sp.at[pl.ds(_NS * _RPT, _RTAIL)],
                            agg_out.at[c, pl.ds(_NS * _RPT, _RTAIL)])

    return pl.kernel(body, mesh=mesh, out_type=out_type,
                     scratch_types=scratch)


_EROWB = 2000


def _epi_body(apply_act, aggp_ref, cnt_ref, r_ref, b_ref, h_ref, out_ref):
    agg = aggp_ref[0] + aggp_ref[1]
    val = (agg / jnp.clip(cnt_ref[...], 1.0, None)
           + r_ref[...] + b_ref[...])
    if apply_act:
        val = _elu(val)
    out_ref[...] = val + h_ref[...]


def _epilogue(aggp, cnt, r, b2d, h, apply_act):
    body = functools.partial(_epi_body, apply_act)
    return pl.pallas_call(
        body,
        grid=(N // _EROWB,),
        in_specs=[
            pl.BlockSpec((_NC, _EROWB, HID), lambda i: (0, i, 0)),
            pl.BlockSpec((_EROWB, 1), lambda i: (i, 0)),
            pl.BlockSpec((_EROWB, HID), lambda i: (i, 0)),
            pl.BlockSpec((1, HID), lambda i: (0, 0)),
            pl.BlockSpec((_EROWB, HID), lambda i: (i, 0)),
        ],
        out_specs=pl.BlockSpec((_EROWB, HID), lambda i: (i, 0)),
        out_shape=jax.ShapeDtypeStruct((N, HID), jnp.float32),
    )(aggp, cnt, r, b2d, h)


def kernel(x, edge_index, edge_attr, fc1_w, fc1_b, fc2_w, fc2_b,
           g0, mu0, sigma0, root0, b0, g1, mu1, sigma1, root1, b1):
    src = edge_index[0]
    dst = edge_index[1]

    def pack_params(mu, sigma):
        alpha = -0.5 / (EPS + sigma[:, 0] ** 2)
        p = jnp.zeros((HID,), jnp.float32)
        return p.at[0:K].set(mu[:, 0]).at[8:8 + K].set(alpha)

    p0 = pack_params(mu0, sigma0)
    p1 = pack_params(mu1, sigma1)

    h = _mlp(x, fc1_w, fc1_b.reshape(1, FFN),
             fc2_w, fc2_b.reshape(1, INPUT_SIZE * HID)).reshape(N, HID)

    cnt = _hist(dst).reshape(_HROWS * HID)[:N].reshape(N, 1)

    xg0, r0 = _xg(h, g0, root0)
    aggp0 = _make_conv()(xg0, src, dst, edge_attr, p0)
    out0 = _epilogue(aggp0, cnt, r0, b0.reshape(1, HID), h, True)

    xg1, r1 = _xg(out0, g1, root1)
    aggp1 = _make_conv()(xg1, src, dst, edge_attr, p1)
    out = _epilogue(aggp1, cnt, r1, b1.reshape(1, HID), h, False)
    return out

# --- scband reference (transcript-rebuilt; emitter-appended) ---
"""Pipeline reference for scband-decoder-37443524886913 (READ-ONLY COPY).

The authoritative reference and input builder live on the scoring server;
editing this copy changes nothing except your own understanding.
"""

import jax, jax.numpy as jnp
import numpy as np

NUM_GRAPHS = 100
INPUT_SIZE = 100
HID = 128
BOTTLENECK = 256
FFN = 1024
K = 5
N = NUM_GRAPHS * INPUT_SIZE
E = 320000
EPS = 1e-15


def setup_inputs(seed: int = 0) -> dict:
    key = jax.random.key(seed)
    ks = jax.random.split(key, 20)
    inp = {}
    inp["x"] = jax.random.normal(ks[0], (NUM_GRAPHS, BOTTLENECK), dtype=jnp.float32)
    inp["edge_index"] = jax.random.randint(ks[1], (2, E), 0, N, dtype=jnp.int32)
    inp["edge_attr"] = jax.random.uniform(ks[2], (E,), dtype=jnp.float32)
    # learned parameters
    inp["fc1_w"] = jax.random.normal(ks[3], (BOTTLENECK, FFN), dtype=jnp.float32) * 0.05
    inp["fc1_b"] = jnp.zeros((FFN,), dtype=jnp.float32)
    inp["fc2_w"] = jax.random.normal(ks[4], (FFN, INPUT_SIZE * HID), dtype=jnp.float32) * 0.05
    inp["fc2_b"] = jnp.zeros((INPUT_SIZE * HID,), dtype=jnp.float32)
    # GMMConv layer 0: 128 -> 128, dim=1, kernel_size=5
    inp["g0"] = jax.random.normal(ks[5], (HID, K * HID), dtype=jnp.float32) * 0.05
    inp["mu0"] = jax.random.normal(ks[6], (K, 1), dtype=jnp.float32)
    inp["sigma0"] = jax.random.uniform(ks[7], (K, 1), dtype=jnp.float32) + 0.5
    inp["root0"] = jax.random.normal(ks[8], (HID, HID), dtype=jnp.float32) * 0.05
    inp["b0"] = jnp.zeros((HID,), dtype=jnp.float32)
    # GMMConv layer 1: 128 -> 128, dim=1, kernel_size=5
    inp["g1"] = jax.random.normal(ks[9], (HID, K * HID), dtype=jnp.float32) * 0.05
    inp["mu1"] = jax.random.normal(ks[10], (K, 1), dtype=jnp.float32)
    inp["sigma1"] = jax.random.uniform(ks[11], (K, 1), dtype=jnp.float32) + 0.5
    inp["root1"] = jax.random.normal(ks[12], (HID, HID), dtype=jnp.float32) * 0.05
    inp["b1"] = jnp.zeros((HID,), dtype=jnp.float32)
    return inp


def _gmm_conv(xin, src, dst, pseudo, g, mu, sigma, root_w, bias):
    # x transformed by shared gaussian mixing matrix g: [N, K*out]
    xg = xin @ g
    xj = xg[src].reshape(-1, K, HID)  # gather source node features per edge
    gw = -0.5 * (pseudo[:, None, :] - mu[None, :, :]) ** 2
    gw = gw / (EPS + sigma[None, :, :] ** 2)
    gw = jnp.exp(gw.sum(axis=-1))  # [E, K]
    msg = (xj * gw[:, :, None]).sum(axis=1)  # [E, out]
    agg = jax.ops.segment_sum(msg, dst, num_segments=N)
    cnt = jax.ops.segment_sum(jnp.ones((msg.shape[0],), dtype=msg.dtype), dst, num_segments=N)
    agg = agg / jnp.clip(cnt, 1.0, None)[:, None]  # mean aggregation
    return agg + xin @ root_w + bias


def reference(x, edge_index, edge_attr, fc1_w, fc1_b, fc2_w, fc2_b,
              g0, mu0, sigma0, root0, b0, g1, mu1, sigma1, root1, b1):
    src = edge_index[0]
    dst = edge_index[1]
    pseudo = edge_attr[:, None]  # edge_weight.unsqueeze(1) -> [E, 1]
    h = jax.nn.elu(x @ fc1_w + fc1_b)
    h = jax.nn.elu(h @ fc2_w + fc2_b)
    h = h.reshape(NUM_GRAPHS * INPUT_SIZE, HID)
    out = h
    # up_conv 0 (idx=0 != depth-2): act then skip
    out = jax.nn.elu(_gmm_conv(out, src, dst, pseudo, g0, mu0, sigma0, root0, b0))
    out = out + h
    # up_conv 1 (idx=1 == depth-2): no act, then skip
    out = _gmm_conv(out, src, dst, pseudo, g1, mu1, sigma1, root1, b1)
    out = out + h
    return out

if __name__ == "__main__":
    import jax
    _d = setup_inputs()
    print(jax.jit(kernel)(*tuple(_d.values())))

</pallas_src>

<mosaic_0001>
#map = affine_map<(d0, d1) -> (0, 0)>
#map1 = affine_map<(d0, d1) -> (0)>
#map2 = affine_map<(d0, d1) -> (0, 0, 0)>
module attributes {stable_mosaic.version = 14 : i64} {
  func.func @body(%arg0: i32, %arg1: i32, %arg2: memref<10000x640xf32, #tpu.memory_space<hbm>>, %arg3: memref<320000xi32, #tpu.memory_space<hbm>>, %arg4: memref<320000xi32, #tpu.memory_space<hbm>>, %arg5: memref<320000xf32, #tpu.memory_space<hbm>>, %arg6: memref<128xf32, #tpu.memory_space<hbm>>, %arg7: memref<2x10000x128xf32, #tpu.memory_space<hbm>>, %arg8: memref<10000x128xf32, #tpu.memory_space<vmem_shared>>, %arg9: memref<40x640xf32, #tpu.memory_space<vmem>>, %arg10: memref<40x128xf32, #tpu.memory_space<vmem>>, %arg11: memref<256xf32, #tpu.memory_space<vmem>>, %arg12: memref<48xf32, #tpu.memory_space<vmem>>, %arg13: memref<40xi32, #tpu.memory_space<vmem>>, %arg14: memref<40xi32, #tpu.memory_space<vmem>>, %arg15: memref<128xf32, #tpu.memory_space<vmem>>, %arg16: memref<!tpu.dma_semaphore, #tpu.memory_space<semaphore_mem>>) attributes {dimension_semantics = [#tpu.dimension_semantics<core_parallel>, #tpu.dimension_semantics<subcore_parallel>], iteration_bounds = array<i64: 2, 16>, scalar_prefetch = 0 : i64, scratch_operands = 9 : i64, tpu.core_type = #tpu.core_type<sc_vector_subcore>, window_params = [{transform_indices = #map}, {transform_indices = #map1}, {transform_indices = #map1}, {transform_indices = #map1}, {transform_indices = #map1}, {transform_indices = #map2}]} {
    %mul3A = arith.constant 2 : i32
    %mul3A_0 = arith.muli %arg1, %mul3A : i32
    %add3A = arith.addi %mul3A_0, %arg0 : i32
    %broadcast_in_dim3A = arith.constant 0.000000e+00 : f32
    %broadcast_in_dim3A_1 = vector.broadcast %broadcast_in_dim3A : f32 to vector<16xf32>
    "tpu.region"() ({
      %run_scoped3A = tpu.sem_alloc : memref<!tpu.dma_semaphore, #tpu.memory_space<semaphore_mem>>
      tpu.enqueue_dma source(%arg6 : memref<128xf32, #tpu.memory_space<hbm>>) target(%arg15 : memref<128xf32, #tpu.memory_space<vmem>>) target_semaphore(%run_scoped3A : memref<!tpu.dma_semaphore, #tpu.memory_space<semaphore_mem>>)
      tpu.wait_dma2 semaphore(%run_scoped3A : memref<!tpu.dma_semaphore, #tpu.memory_space<semaphore_mem>>) src(%arg6 : memref<128xf32, #tpu.memory_space<hbm>>) dst(%arg15 : memref<128xf32, #tpu.memory_space<vmem>>)
      tpu.yield
    }) : () -> ()
    %broadcast_in_dim3A_2 = arith.constant 0.000000e+00 : f32
    %broadcast_in_dim3A_3 = vector.broadcast %broadcast_in_dim3A_2 : f32 to vector<16xf32>
    %swap3A = arith.constant 0 : index
    %swap3A_4 = tpu.vector_load %arg12[%swap3A] {strides = array<i32>} : memref<48xf32, #tpu.memory_space<vmem>>, vector<16xf32>,
    %swap3A_5 = vector.shape_cast %swap3A_4 : vector<16xf32> to vector<16xf32>
    %swap3A_6 = vector.shape_cast %broadcast_in_dim3A_3 : vector<16xf32> to vector<16xf32>
    tpu.vector_store %arg12[%swap3A], %swap3A_6 {strides = array<i32>} : memref<48xf32, #tpu.memory_space<vmem>>, vector<16xf32>,
    %broadcast_in_dim3A_7 = arith.constant 0.000000e+00 : f32
    %broadcast_in_dim3A_8 = vector.broadcast %broadcast_in_dim3A_7 : f32 to vector<16xf32>
    %swap3A_9 = arith.constant 16 : index
    %swap3A_10 = tpu.vector_load %arg12[%swap3A_9] {strides = array<i32>} : memref<48xf32, #tpu.memory_space<vmem>>, vector<16xf32>,
    %swap3A_11 = vector.shape_cast %swap3A_10 : vector<16xf32> to vector<16xf32>
    %swap3A_12 = vector.shape_cast %broadcast_in_dim3A_8 : vector<16xf32> to vector<16xf32>
    tpu.vector_store %arg12[%swap3A_9], %swap3A_12 {strides = array<i32>} : memref<48xf32, #tpu.memory_space<vmem>>, vector<16xf32>,
    %broadcast_in_dim3A_13 = arith.constant 0.000000e+00 : f32
    %broadcast_in_dim3A_14 = vector.broadcast %broadcast_in_dim3A_13 : f32 to vector<16xf32>
    %swap3A_15 = arith.constant 32 : index
    %swap3A_16 = tpu.vector_load %arg12[%swap3A_15] {strides = array<i32>} : memref<48xf32, #tpu.memory_space<vmem>>, vector<16xf32>,
    %swap3A_17 = vector.shape_cast %swap3A_16 : vector<16xf32> to vector<16xf32>
    %swap3A_18 = vector.shape_cast %broadcast_in_dim3A_14 : vector<16xf32> to vector<16xf32>
    tpu.vector_store %arg12[%swap3A_15], %swap3A_18 {strides = array<i32>} : memref<48xf32, #tpu.memory_space<vmem>>, vector<16xf32>,
    %scan3A = arith.constant 0 : i32
    %scan3A_19 = arith.constant 0 : i32
    %scan3A_20 = arith.constant 40 : i32
    %scan3A_21 = arith.addi %scan3A_19, %scan3A_20 : i32
    %scan3A_22 = arith.constant 1 : i32
    scf.for %scan3A_76 = %scan3A_19 to %scan3A_21 step %scan3A_22  : i32 {
      %swap3A_77 = arith.index_cast %scan3A_76 : i32 to index
      %swap3A_78 = arith.constant 0 : index
      %swap3A_79 = tpu.vector_load %arg10[%swap3A_77, %swap3A_78] {strides = array<i32>} : memref<40x128xf32, #tpu.memory_space<vmem>>, vector<1x16xf32>,
      %swap3A_80 = vector.shape_cast %swap3A_79 : vector<1x16xf32> to vector<16xf32>
      %swap3A_81 = vector.shape_cast %broadcast_in_dim3A_1 : vector<16xf32> to vector<1x16xf32>
      tpu.vector_store %arg10[%swap3A_77, %swap3A_78], %swap3A_81 {strides = array<i32>} : memref<40x128xf32, #tpu.memory_space<vmem>>, vector<1x16xf32>,
      %swap3A_82 = arith.index_cast %scan3A_76 : i32 to index
      %swap3A_83 = arith.constant 16 : index
      %swap3A_84 = tpu.vector_load %arg10[%swap3A_82, %swap3A_83] {strides = array<i32>} : memref<40x128xf32, #tpu.memory_space<vmem>>, vector<1x16xf32>,
      %swap3A_85 = vector.shape_cast %swap3A_84 : vector<1x16xf32> to vector<16xf32>
      %swap3A_86 = vector.shape_cast %broadcast_in_dim3A_1 : vector<16xf32> to vector<1x16xf32>
      tpu.vector_store %arg10[%swap3A_82, %swap3A_83], %swap3A_86 {strides = array<i32>} : memref<40x128xf32, #tpu.memory_space<vmem>>, vector<1x16xf32>,
      %swap3A_87 = arith.index_cast %scan3A_76 : i32 to index
      %swap3A_88 = arith.constant 32 : index
      %swap3A_89 = tpu.vector_load %arg10[%swap3A_87, %swap3A_88] {strides = array<i32>} : memref<40x128xf32, #tpu.memory_space<vmem>>, vector<1x16xf32>,
      %swap3A_90 = vector.shape_cast %swap3A_89 : vector<1x16xf32> to vector<16xf32>
      %swap3A_91 = vector.shape_cast %broadcast_in_dim3A_1 : vector<16xf32> to vector<1x16xf32>
      tpu.vector_store %arg10[%swap3A_87, %swap3A_88], %swap3A_91 {strides = array<i32>} : memref<40x128xf32, #tpu.memory_space<vmem>>, vector<1x16xf32>,
      %swap3A_92 = arith.index_cast %scan3A_76 : i32 to index
      %swap3A_93 = arith.constant 48 : index
      %swap3A_94 = tpu.vector_load %arg10[%swap3A_92, %swap3A_93] {strides = array<i32>} : memref<40x128xf32, #tpu.memory_space<vmem>>, vector<1x16xf32>,
      %swap3A_95 = vector.shape_cast %swap3A_94 : vector<1x16xf32> to vector<16xf32>
      %swap3A_96 = vector.shape_cast %broadcast_in_dim3A_1 : vector<16xf32> to vector<1x16xf32>
      tpu.vector_store %arg10[%swap3A_92, %swap3A_93], %swap3A_96 {strides = array<i32>} : memref<40x128xf32, #tpu.memory_space<vmem>>, vector<1x16xf32>,
      %swap3A_97 = arith.index_cast %scan3A_76 : i32 to index
      %swap3A_98 = arith.constant 64 : index
      %swap3A_99 = tpu.vector_load %arg10[%swap3A_97, %swap3A_98] {strides = array<i32>} : memref<40x128xf32, #tpu.memory_space<vmem>>, vector<1x16xf32>,
      %swap3A_100 = vector.shape_cast %swap3A_99 : vector<1x16xf32> to vector<16xf32>
      %swap3A_101 = vector.shape_cast %broadcast_in_dim3A_1 : vector<16xf32> to vector<1x16xf32>
      tpu.vector_store %arg10[%swap3A_97, %swap3A_98], %swap3A_101 {strides = array<i32>} : memref<40x128xf32, #tpu.memory_space<vmem>>, vector<1x16xf32>,
      %swap3A_102 = arith.index_cast %scan3A_76 : i32 to index
      %swap3A_103 = arith.constant 80 : index
      %swap3A_104 = tpu.vector_load %arg10[%swap3A_102, %swap3A_103] {strides = array<i32>} : memref<40x128xf32, #tpu.memory_space<vmem>>, vector<1x16xf32>,
      %swap3A_105 = vector.shape_cast %swap3A_104 : vector<1x16xf32> to vector<16xf32>
      %swap3A_106 = vector.shape_cast %broadcast_in_dim3A_1 : vector<16xf32> to vector<1x16xf32>
      tpu.vector_store %arg10[%swap3A_102, %swap3A_103], %swap3A_106 {strides = array<i32>} : memref<40x128xf32, #tpu.memory_space<vmem>>, vector<1x16xf32>,
      %swap3A_107 = arith.index_cast %scan3A_76 : i32 to index
      %swap3A_108 = arith.constant 96 : index
      %swap3A_109 = tpu.vector_load %arg10[%swap3A_107, %swap3A_108] {strides = array<i32>} : memref<40x128xf32, #tpu.memory_space<vmem>>, vector<1x16xf32>,
      %swap3A_110 = vector.shape_cast %swap3A_109 : vector<1x16xf32> to vector<16xf32>
      %swap3A_111 = vector.shape_cast %broadcast_in_dim3A_1 : vector<16xf32> to vector<1x16xf32>
      tpu.vector_store %arg10[%swap3A_107, %swap3A_108], %swap3A_111 {strides = array<i32>} : memref<40x128xf32, #tpu.memory_space<vmem>>, vector<1x16xf32>,
      %swap3A_112 = arith.index_cast %scan3A_76 : i32 to index
      %swap3A_113 = arith.constant 112 : index
      %swap3A_114 = tpu.vector_load %arg10[%swap3A_112, %swap3A_113] {strides = array<i32>} : memref<40x128xf32, #tpu.memory_space<vmem>>, vector<1x16xf32>,
      %swap3A_115 = vector.shape_cast %swap3A_114 : vector<1x16xf32> to vector<16xf32>
      %swap3A_116 = vector.shape_cast %broadcast_in_dim3A_1 : vector<16xf32> to vector<1x16xf32>
      tpu.vector_store %arg10[%swap3A_112, %swap3A_113], %swap3A_116 {strides = array<i32>} : memref<40x128xf32, #tpu.memory_space<vmem>>, vector<1x16xf32>,
    }
    %scan3A_23 = arith.constant 40 : i32
    %mul3A_24 = arith.constant 624 : i32
    %mul3A_25 = arith.muli %arg1, %mul3A_24 : i32
    %add3A_26 = arith.constant 0 : i32
    %add3A_27 = arith.addi %mul3A_25, %add3A_26 : i32
    "tpu.region"() ({
      %run_scoped3A = tpu.sem_alloc : memref<!tpu.dma_semaphore, #tpu.memory_space<semaphore_mem>>
      %dma_start3A = arith.constant 0 : i32
      %dma_start3A_76 = tpu.memref_slice %arg8[%add3A_27, %dma_start3A] : memref<10000x128xf32, #tpu.memory_space<vmem_shared>> -> memref<40x128xf32, #tpu.memory_space<vmem_shared>>
      %dma_start3A_77 = arith.constant 0 : i32
      %dma_start3A_78 = tpu.memref_slice %arg8[%add3A_27, %dma_start3A_77] : memref<10000x128xf32, #tpu.memory_space<vmem_shared>> -> memref<40x128xf32, #tpu.memory_space<vmem_shared>>
      tpu.enqueue_dma source(%arg10 : memref<40x128xf32, #tpu.memory_space<vmem>>) target(%dma_start3A_78 : memref<40x128xf32, #tpu.memory_space<vmem_shared>>) target_semaphore(%run_scoped3A : memref<!tpu.dma_semaphore, #tpu.memory_space<semaphore_mem>>)
      %dma_wait3A = arith.constant 0 : i32
      %dma_wait3A_79 = tpu.memref_slice %arg8[%add3A_27, %dma_wait3A] : memref<10000x128xf32, #tpu.memory_space<vmem_shared>> -> memref<40x128xf32, #tpu.memory_space<vmem_shared>>
      %dma_wait3A_80 = arith.constant 0 : i32
      %dma_wait3A_81 = tpu.memref_slice %arg8[%add3A_27, %dma_wait3A_80] : memref<10000x128xf32, #tpu.memory_space<vmem_shared>> -> memref<40x128xf32, #tpu.memory_space<vmem_shared>>
      tpu.wait_dma2 semaphore(%run_scoped3A : memref<!tpu.dma_semaphore, #tpu.memory_space<semaphore_mem>>) src(%arg10 : memref<40x128xf32, #tpu.memory_space<vmem>>) dst(%dma_wait3A_81 : memref<40x128xf32, #tpu.memory_space<vmem_shared>>)
      tpu.yield
    }) : () -> ()
    %add3A_28 = arith.constant 40 : i32
    %add3A_29 = arith.addi %mul3A_25, %add3A_28 : i32
    "tpu.region"() ({
      %run_scoped3A = tpu.sem_alloc : memref<!tpu.dma_semaphore, #tpu.memory_space<semaphore_mem>>
      %dma_start3A = arith.constant 0 : i32
      %dma_start3A_76 = tpu.memref_slice %arg8[%add3A_29, %dma_start3A] : memref<10000x128xf32, #tpu.memory_space<vmem_shared>> -> memref<40x128xf32, #tpu.memory_space<vmem_shared>>
      %dma_start3A_77 = arith.constant 0 : i32
      %dma_start3A_78 = tpu.memref_slice %arg8[%add3A_29, %dma_start3A_77] : memref<10000x128xf32, #tpu.memory_space<vmem_shared>> -> memref<40x128xf32, #tpu.memory_space<vmem_shared>>
      tpu.enqueue_dma source(%arg10 : memref<40x128xf32, #tpu.memory_space<vmem>>) target(%dma_start3A_78 : memref<40x128xf32, #tpu.memory_space<vmem_shared>>) target_semaphore(%run_scoped3A : memref<!tpu.dma_semaphore, #tpu.memory_space<semaphore_mem>>)
      %dma_wait3A = arith.constant 0 : i32
      %dma_wait3A_79 = tpu.memref_slice %arg8[%add3A_29, %dma_wait3A] : memref<10000x128xf32, #tpu.memory_space<vmem_shared>> -> memref<40x128xf32, #tpu.memory_space<vmem_shared>>
      %dma_wait3A_80 = arith.constant 0 : i32
      %dma_wait3A_81 = tpu.memref_slice %arg8[%add3A_29, %dma_wait3A_80] : memref<10000x128xf32, #tpu.memory_space<vmem_shared>> -> memref<40x128xf32, #tpu.memory_space<vmem_shared>>
      tpu.wait_dma2 semaphore(%run_scoped3A : memref<!tpu.dma_semaphore, #tpu.memory_space<semaphore_mem>>) src(%arg10 : memref<40x128xf32, #tpu.memory_space<vmem>>) dst(%dma_wait3A_81 : memref<40x128xf32, #tpu.memory_space<vmem_shared>>)
      tpu.yield
    }) : () -> ()
    %add3A_30 = arith.constant 80 : i32
    %add3A_31 = arith.addi %mul3A_25, %add3A_30 : i32
    "tpu.region"() ({
      %run_scoped3A = tpu.sem_alloc : memref<!tpu.dma_semaphore, #tpu.memory_space<semaphore_mem>>
      %dma_start3A = arith.constant 0 : i32
      %dma_start3A_76 = tpu.memref_slice %arg8[%add3A_31, %dma_start3A] : memref<10000x128xf32, #tpu.memory_space<vmem_shared>> -> memref<40x128xf32, #tpu.memory_space<vmem_shared>>
      %dma_start3A_77 = arith.constant 0 : i32
      %dma_start3A_78 = tpu.memref_slice %arg8[%add3A_31, %dma_start3A_77] : memref<10000x128xf32, #tpu.memory_space<vmem_shared>> -> memref<40x128xf32, #tpu.memory_space<vmem_shared>>
      tpu.enqueue_dma source(%arg10 : memref<40x128xf32, #tpu.memory_space<vmem>>) target(%dma_start3A_78 : memref<40x128xf32, #tpu.memory_space<vmem_shared>>) target_semaphore(%run_scoped3A : memref<!tpu.dma_semaphore, #tpu.memory_space<semaphore_mem>>)
      %dma_wait3A = arith.constant 0 : i32
      %dma_wait3A_79 = tpu.memref_slice %arg8[%add3A_31, %dma_wait3A] : memref<10000x128xf32, #tpu.memory_space<vmem_shared>> -> memref<40x128xf32, #tpu.memory_space<vmem_shared>>
      %dma_wait3A_80 = arith.constant 0 : i32
      %dma_wait3A_81 = tpu.memref_slice %arg8[%add3A_31, %dma_wait3A_80] : memref<10000x128xf32, #tpu.memory_space<vmem_shared>> -> memref<40x128xf32, #tpu.memory_space<vmem_shared>>
      tpu.wait_dma2 semaphore(%run_scoped3A : memref<!tpu.dma_semaphore, #tpu.memory_space<semaphore_mem>>) src(%arg10 : memref<40x128xf32, #tpu.memory_space<vmem>>) dst(%dma_wait3A_81 : memref<40x128xf32, #tpu.memory_space<vmem_shared>>)
      tpu.yield
    }) : () -> ()
    %add3A_32 = arith.constant 120 : i32
    %add3A_33 = arith.addi %mul3A_25, %add3A_32 : i32
    "tpu.region"() ({
      %run_scoped3A = tpu.sem_alloc : memref<!tpu.dma_semaphore, #tpu.memory_space<semaphore_mem>>
      %dma_start3A = arith.constant 0 : i32
      %dma_start3A_76 = tpu.memref_slice %arg8[%add3A_33, %dma_start3A] : memref<10000x128xf32, #tpu.memory_space<vmem_shared>> -> memref<40x128xf32, #tpu.memory_space<vmem_shared>>
      %dma_start3A_77 = arith.constant 0 : i32
      %dma_start3A_78 = tpu.memref_slice %arg8[%add3A_33, %dma_start3A_77] : memref<10000x128xf32, #tpu.memory_space<vmem_shared>> -> memref<40x128xf32, #tpu.memory_space<vmem_shared>>
      tpu.enqueue_dma source(%arg10 : memref<40x128xf32, #tpu.memory_space<vmem>>) target(%dma_start3A_78 : memref<40x128xf32, #tpu.memory_space<vmem_shared>>) target_semaphore(%run_scoped3A : memref<!tpu.dma_semaphore, #tpu.memory_space<semaphore_mem>>)
      %dma_wait3A = arith.constant 0 : i32
      %dma_wait3A_79 = tpu.memref_slice %arg8[%add3A_33, %dma_wait3A] : memref<10000x128xf32, #tpu.memory_space<vmem_shared>> -> memref<40x128xf32, #tpu.memory_space<vmem_shared>>
      %dma_wait3A_80 = arith.constant 0 : i32
      %dma_wait3A_81 = tpu.memref_slice %arg8[%add3A_33, %dma_wait3A_80] : memref<10000x128xf32, #tpu.memory_space<vmem_shared>> -> memref<40x128xf32, #tpu.memory_space<vmem_shared>>
      tpu.wait_dma2 semaphore(%run_scoped3A : memref<!tpu.dma_semaphore, #tpu.memory_space<semaphore_mem>>) src(%arg10 : memref<40x128xf32, #tpu.memory_space<vmem>>) dst(%dma_wait3A_81 : memref<40x128xf32, #tpu.memory_space<vmem_shared>>)
      tpu.yield
    }) : () -> ()
    %add3A_34 = arith.constant 160 : i32
    %add3A_35 = arith.addi %mul3A_25, %add3A_34 : i32
    "tpu.region"() ({
      %run_scoped3A = tpu.sem_alloc : memref<!tpu.dma_semaphore, #tpu.memory_space<semaphore_mem>>
      %dma_start3A = arith.constant 0 : i32
      %dma_start3A_76 = tpu.memref_slice %arg8[%add3A_35, %dma_start3A] : memref<10000x128xf32, #tpu.memory_space<vmem_shared>> -> memref<40x128xf32, #tpu.memory_space<vmem_shared>>
      %dma_start3A_77 = arith.constant 0 : i32
      %dma_start3A_78 = tpu.memref_slice %arg8[%add3A_35, %dma_start3A_77] : memref<10000x128xf32, #tpu.memory_space<vmem_shared>> -> memref<40x128xf32, #tpu.memory_space<vmem_shared>>
      tpu.enqueue_dma source(%arg10 : memref<40x128xf32, #tpu.memory_space<vmem>>) target(%dma_start3A_78 : memref<40x128xf32, #tpu.memory_space<vmem_shared>>) target_semaphore(%run_scoped3A : memref<!tpu.dma_semaphore, #tpu.memory_space<semaphore_mem>>)
      %dma_wait3A = arith.constant 0 : i32
      %dma_wait3A_79 = tpu.memref_slice %arg8[%add3A_35, %dma_wait3A] : memref<10000x128xf32, #tpu.memory_space<vmem_shared>> -> memref<40x128xf32, #tpu.memory_space<vmem_shared>>
      %dma_wait3A_80 = arith.constant 0 : i32
      %dma_wait3A_81 = tpu.memref_slice %arg8[%add3A_35, %dma_wait3A_80] : memref<10000x128xf32, #tpu.memory_space<vmem_shared>> -> memref<40x128xf32, #tpu.memory_space<vmem_shared>>
      tpu.wait_dma2 semaphore(%run_scoped3A : memref<!tpu.dma_semaphore, #tpu.memory_space<semaphore_mem>>) src(%arg10 : memref<40x128xf32, #tpu.memory_space<vmem>>) dst(%dma_wait3A_81 : memref<40x128xf32, #tpu.memory_space<vmem_shared>>)
      tpu.yield
    }) : () -> ()
    %add3A_36 = arith.constant 200 : i32
    %add3A_37 = arith.addi %mul3A_25, %add3A_36 : i32
    "tpu.region"() ({
      %run_scoped3A = tpu.sem_alloc : memref<!tpu.dma_semaphore, #tpu.memory_space<semaphore_mem>>
      %dma_start3A = arith.constant 0 : i32
      %dma_start3A_76 = tpu.memref_slice %arg8[%add3A_37, %dma_start3A] : memref<10000x128xf32, #tpu.memory_space<vmem_shared>> -> memref<40x128xf32, #tpu.memory_space<vmem_shared>>
      %dma_start3A_77 = arith.constant 0 : i32
      %dma_start3A_78 = tpu.memref_slice %arg8[%add3A_37, %dma_start3A_77] : memref<10000x128xf32, #tpu.memory_space<vmem_shared>> -> memref<40x128xf32, #tpu.memory_space<vmem_shared>>
      tpu.enqueue_dma source(%arg10 : memref<40x128xf32, #tpu.memory_space<vmem>>) target(%dma_start3A_78 : memref<40x128xf32, #tpu.memory_space<vmem_shared>>) target_semaphore(%run_scoped3A : memref<!tpu.dma_semaphore, #tpu.memory_space<semaphore_mem>>)
      %dma_wait3A = arith.constant 0 : i32
      %dma_wait3A_79 = tpu.memref_slice %arg8[%add3A_37, %dma_wait3A] : memref<10000x128xf32, #tpu.memory_space<vmem_shared>> -> memref<40x128xf32, #tpu.memory_space<vmem_shared>>
      %dma_wait3A_80 = arith.constant 0 : i32
      %dma_wait3A_81 = tpu.memref_slice %arg8[%add3A_37, %dma_wait3A_80] : memref<10000x128xf32, #tpu.memory_space<vmem_shared>> -> memref<40x128xf32, #tpu.memory_space<vmem_shared>>
      tpu.wait_dma2 semaphore(%run_scoped3A : memref<!tpu.dma_semaphore, #tpu.memory_space<semaphore_mem>>) src(%arg10 : memref<40x128xf32, #tpu.memory_space<vmem>>) dst(%dma_wait3A_81 : memref<40x128xf32, #tpu.memory_space<vmem_shared>>)
      tpu.yield
    }) : () -> ()
    %add3A_38 = arith.constant 240 : i32
    %add3A_39 = arith.addi %mul3A_25, %add3A_38 : i32
    "tpu.region"() ({
      %run_scoped3A = tpu.sem_alloc : memref<!tpu.dma_semaphore, #tpu.memory_space<semaphore_mem>>
      %dma_start3A = arith.constant 0 : i32
      %dma_start3A_76 = tpu.memref_slice %arg8[%add3A_39, %dma_start3A] : memref<10000x128xf32, #tpu.memory_space<vmem_shared>> -> memref<40x128xf32, #tpu.memory_space<vmem_shared>>
      %dma_start3A_77 = arith.constant 0 : i32
      %dma_start3A_78 = tpu.memref_slice %arg8[%add3A_39, %dma_start3A_77] : memref<10000x128xf32, #tpu.memory_space<vmem_shared>> -> memref<40x128xf32, #tpu.memory_space<vmem_shared>>
      tpu.enqueue_dma source(%arg10 : memref<40x128xf32, #tpu.memory_space<vmem>>) target(%dma_start3A_78 : memref<40x128xf32, #tpu.memory_space<vmem_shared>>) target_semaphore(%run_scoped3A : memref<!tpu.dma_semaphore, #tpu.memory_space<semaphore_mem>>)
      %dma_wait3A = arith.constant 0 : i32
      %dma_wait3A_79 = tpu.memref_slice %arg8[%add3A_39, %dma_wait3A] : memref<10000x128xf32, #tpu.memory_space<vmem_shared>> -> memref<40x128xf32, #tpu.memory_space<vmem_shared>>
      %dma_wait3A_80 = arith.constant 0 : i32
      %dma_wait3A_81 = tpu.memref_slice %arg8[%add3A_39, %dma_wait3A_80] : memref<10000x128xf32, #tpu.memory_space<vmem_shared>> -> memref<40x128xf32, #tpu.memory_space<vmem_shared>>
      tpu.wait_dma2 semaphore(%run_scoped3A : memref<!tpu.dma_semaphore, #tpu.memory_space<semaphore_mem>>) src(%arg10 : memref<40x128xf32, #tpu.memory_space<vmem>>) dst(%dma_wait3A_81 : memref<40x128xf32, #tpu.memory_space<vmem_shared>>)
      tpu.yield
    }) : () -> ()
    %add3A_40 = arith.constant 280 : i32
    %add3A_41 = arith.addi %mul3A_25, %add3A_40 : i32
    "tpu.region"() ({
      %run_scoped3A = tpu.sem_alloc : memref<!tpu.dma_semaphore, #tpu.memory_space<semaphore_mem>>
      %dma_start3A = arith.constant 0 : i32
      %dma_start3A_76 = tpu.memref_slice %arg8[%add3A_41, %dma_start3A] : memref<10000x128xf32, #tpu.memory_space<vmem_shared>> -> memref<40x128xf32, #tpu.memory_space<vmem_shared>>
      %dma_start3A_77 = arith.constant 0 : i32
      %dma_start3A_78 = tpu.memref_slice %arg8[%add3A_41, %dma_start3A_77] : memref<10000x128xf32, #tpu.memory_space<vmem_shared>> -> memref<40x128xf32, #tpu.memory_space<vmem_shared>>
      tpu.enqueue_dma source(%arg10 : memref<40x128xf32, #tpu.memory_space<vmem>>) target(%dma_start3A_78 : memref<40x128xf32, #tpu.memory_space<vmem_shared>>) target_semaphore(%run_scoped3A : memref<!tpu.dma_semaphore, #tpu.memory_space<semaphore_mem>>)
      %dma_wait3A = arith.constant 0 : i32
      %dma_wait3A_79 = tpu.memref_slice %arg8[%add3A_41, %dma_wait3A] : memref<10000x128xf32, #tpu.memory_space<vmem_shared>> -> memref<40x128xf32, #tpu.memory_space<vmem_shared>>
      %dma_wait3A_80 = arith.constant 0 : i32
      %dma_wait3A_81 = tpu.memref_slice %arg8[%add3A_41, %dma_wait3A_80] : memref<10000x128xf32, #tpu.memory_space<vmem_shared>> -> memref<40x128xf32, #tpu.memory_space<vmem_shared>>
      tpu.wait_dma2 semaphore(%run_scoped3A : memref<!tpu.dma_semaphore, #tpu.memory_space<semaphore_mem>>) src(%arg10 : memref<40x128xf32, #tpu.memory_space<vmem>>) dst(%dma_wait3A_81 : memref<40x128xf32, #tpu.memory_space<vmem_shared>>)
      tpu.yield
    }) : () -> ()
    %add3A_42 = arith.constant 320 : i32
    %add3A_43 = arith.addi %mul3A_25, %add3A_42 : i32
    "tpu.region"() ({
      %run_scoped3A = tpu.sem_alloc : memref<!tpu.dma_semaphore, #tpu.memory_space<semaphore_mem>>
      %dma_start3A = arith.constant 0 : i32
      %dma_start3A_76 = tpu.memref_slice %arg8[%add3A_43, %dma_start3A] : memref<10000x128xf32, #tpu.memory_space<vmem_shared>> -> memref<40x128xf32, #tpu.memory_space<vmem_shared>>
      %dma_start3A_77 = arith.constant 0 : i32
      %dma_start3A_78 = tpu.memref_slice %arg8[%add3A_43, %dma_start3A_77] : memref<10000x128xf32, #tpu.memory_space<vmem_shared>> -> memref<40x128xf32, #tpu.memory_space<vmem_shared>>
      tpu.enqueue_dma source(%arg10 : memref<40x128xf32, #tpu.memory_space<vmem>>) target(%dma_start3A_78 : memref<40x128xf32, #tpu.memory_space<vmem_shared>>) target_semaphore(%run_scoped3A : memref<!tpu.dma_semaphore, #tpu.memory_space<semaphore_mem>>)
      %dma_wait3A = arith.constant 0 : i32
      %dma_wait3A_79 = tpu.memref_slice %arg8[%add3A_43, %dma_wait3A] : memref<10000x128xf32, #tpu.memory_space<vmem_shared>> -> memref<40x128xf32, #tpu.memory_space<vmem_shared>>
      %dma_wait3A_80 = arith.constant 0 : i32
      %dma_wait3A_81 = tpu.memref_slice %arg8[%add3A_43, %dma_wait3A_80] : memref<10000x128xf32, #tpu.memory_space<vmem_shared>> -> memref<40x128xf32, #tpu.memory_space<vmem_shared>>
      tpu.wait_dma2 semaphore(%run_scoped3A : memref<!tpu.dma_semaphore, #tpu.memory_space<semaphore_mem>>) src(%arg10 : memref<40x128xf32, #tpu.memory_space<vmem>>) dst(%dma_wait3A_81 : memref<40x128xf32, #tpu.memory_space<vmem_shared>>)
      tpu.yield
    }) : () -> ()
    %add3A_44 = arith.constant 360 : i32
    %add3A_45 = arith.addi %mul3A_25, %add3A_44 : i32
    "tpu.region"() ({
      %run_scoped3A = tpu.sem_alloc : memref<!tpu.dma_semaphore, #tpu.memory_space<semaphore_mem>>
      %dma_start3A = arith.constant 0 : i32
      %dma_start3A_76 = tpu.memref_slice %arg8[%add3A_45, %dma_start3A] : memref<10000x128xf32, #tpu.memory_space<vmem_shared>> -> memref<40x128xf32, #tpu.memory_space<vmem_shared>>
      %dma_start3A_77 = arith.constant 0 : i32
      %dma_start3A_78 = tpu.memref_slice %arg8[%add3A_45, %dma_start3A_77] : memref<10000x128xf32, #tpu.memory_space<vmem_shared>> -> memref<40x128xf32, #tpu.memory_space<vmem_shared>>
      tpu.enqueue_dma source(%arg10 : memref<40x128xf32, #tpu.memory_space<vmem>>) target(%dma_start3A_78 : memref<40x128xf32, #tpu.memory_space<vmem_shared>>) target_semaphore(%run_scoped3A : memref<!tpu.dma_semaphore, #tpu.memory_space<semaphore_mem>>)
      %dma_wait3A = arith.constant 0 : i32
      %dma_wait3A_79 = tpu.memref_slice %arg8[%add3A_45, %dma_wait3A] : memref<10000x128xf32, #tpu.memory_space<vmem_shared>> -> memref<40x128xf32, #tpu.memory_space<vmem_shared>>
      %dma_wait3A_80 = arith.constant 0 : i32
      %dma_wait3A_81 = tpu.memref_slice %arg8[%add3A_45, %dma_wait3A_80] : memref<10000x128xf32, #tpu.memory_space<vmem_shared>> -> memref<40x128xf32, #tpu.memory_space<vmem_shared>>
      tpu.wait_dma2 semaphore(%run_scoped3A : memref<!tpu.dma_semaphore, #tpu.memory_space<semaphore_mem>>) src(%arg10 : memref<40x128xf32, #tpu.memory_space<vmem>>) dst(%dma_wait3A_81 : memref<40x128xf32, #tpu.memory_space<vmem_shared>>)
      tpu.yield
    }) : () -> ()
    %add3A_46 = arith.constant 400 : i32
    %add3A_47 = arith.addi %mul3A_25, %add3A_46 : i32
    "tpu.region"() ({
      %run_scoped3A = tpu.sem_alloc : memref<!tpu.dma_semaphore, #tpu.memory_space<semaphore_mem>>
      %dma_start3A = arith.constant 0 : i32
      %dma_start3A_76 = tpu.memref_slice %arg8[%add3A_47, %dma_start3A] : memref<10000x128xf32, #tpu.memory_space<vmem_shared>> -> memref<40x128xf32, #tpu.memory_space<vmem_shared>>
      %dma_start3A_77 = arith.constant 0 : i32
      %dma_start3A_78 = tpu.memref_slice %arg8[%add3A_47, %dma_start3A_77] : memref<10000x128xf32, #tpu.memory_space<vmem_shared>> -> memref<40x128xf32, #tpu.memory_space<vmem_shared>>
      tpu.enqueue_dma source(%arg10 : memref<40x128xf32, #tpu.memory_space<vmem>>) target(%dma_start3A_78 : memref<40x128xf32, #tpu.memory_space<vmem_shared>>) target_semaphore(%run_scoped3A : memref<!tpu.dma_semaphore, #tpu.memory_space<semaphore_mem>>)
      %dma_wait3A = arith.constant 0 : i32
      %dma_wait3A_79 = tpu.memref_slice %arg8[%add3A_47, %dma_wait3A] : memref<10000x128xf32, #tpu.memory_space<vmem_shared>> -> memref<40x128xf32, #tpu.memory_space<vmem_shared>>
      %dma_wait3A_80 = arith.constant 0 : i32
      %dma_wait3A_81 = tpu.memref_slice %arg8[%add3A_47, %dma_wait3A_80] : memref<10000x128xf32, #tpu.memory_space<vmem_shared>> -> memref<40x128xf32, #tpu.memory_space<vmem_shared>>
      tpu.wait_dma2 semaphore(%run_scoped3A : memref<!tpu.dma_semaphore, #tpu.memory_space<semaphore_mem>>) src(%arg10 : memref<40x128xf32, #tpu.memory_space<vmem>>) dst(%dma_wait3A_81 : memref<40x128xf32, #tpu.memory_space<vmem_shared>>)
      tpu.yield
    }) : () -> ()
    %add3A_48 = arith.constant 440 : i32
    %add3A_49 = arith.addi %mul3A_25, %add3A_48 : i32
    "tpu.region"() ({
      %run_scoped3A = tpu.sem_alloc : memref<!tpu.dma_semaphore, #tpu.memory_space<semaphore_mem>>
      %dma_start3A = arith.constant 0 : i32
      %dma_start3A_76 = tpu.memref_slice %arg8[%add3A_49, %dma_start3A] : memref<10000x128xf32, #tpu.memory_space<vmem_shared>> -> memref<40x128xf32, #tpu.memory_space<vmem_shared>>
      %dma_start3A_77 = arith.constant 0 : i32
      %dma_start3A_78 = tpu.memref_slice %arg8[%add3A_49, %dma_start3A_77] : memref<10000x128xf32, #tpu.memory_space<vmem_shared>> -> memref<40x128xf32, #tpu.memory_space<vmem_shared>>
      tpu.enqueue_dma source(%arg10 : memref<40x128xf32, #tpu.memory_space<vmem>>) target(%dma_start3A_78 : memref<40x128xf32, #tpu.memory_space<vmem_shared>>) target_semaphore(%run_scoped3A : memref<!tpu.dma_semaphore, #tpu.memory_space<semaphore_mem>>)
      %dma_wait3A = arith.constant 0 : i32
      %dma_wait3A_79 = tpu.memref_slice %arg8[%add3A_49, %dma_wait3A] : memref<10000x128xf32, #tpu.memory_space<vmem_shared>> -> memref<40x128xf32, #tpu.memory_space<vmem_shared>>
      %dma_wait3A_80 = arith.constant 0 : i32
      %dma_wait3A_81 = tpu.memref_slice %arg8[%add3A_49, %dma_wait3A_80] : memref<10000x128xf32, #tpu.memory_space<vmem_shared>> -> memref<40x128xf32, #tpu.memory_space<vmem_shared>>
      tpu.wait_dma2 semaphore(%run_scoped3A : memref<!tpu.dma_semaphore, #tpu.memory_space<semaphore_mem>>) src(%arg10 : memref<40x128xf32, #tpu.memory_space<vmem>>) dst(%dma_wait3A_81 : memref<40x128xf32, #tpu.memory_space<vmem_shared>>)
      tpu.yield
    }) : () -> ()
    %add3A_50 = arith.constant 480 : i32
    %add3A_51 = arith.addi %mul3A_25, %add3A_50 : i32
    "tpu.region"() ({
      %run_scoped3A = tpu.sem_alloc : memref<!tpu.dma_semaphore, #tpu.memory_space<semaphore_mem>>
      %dma_start3A = arith.constant 0 : i32
      %dma_start3A_76 = tpu.memref_slice %arg8[%add3A_51, %dma_start3A] : memref<10000x128xf32, #tpu.memory_space<vmem_shared>> -> memref<40x128xf32, #tpu.memory_space<vmem_shared>>
      %dma_start3A_77 = arith.constant 0 : i32
      %dma_start3A_78 = tpu.memref_slice %arg8[%add3A_51, %dma_start3A_77] : memref<10000x128xf32, #tpu.memory_space<vmem_shared>> -> memref<40x128xf32, #tpu.memory_space<vmem_shared>>
      tpu.enqueue_dma source(%arg10 : memref<40x128xf32, #tpu.memory_space<vmem>>) target(%dma_start3A_78 : memref<40x128xf32, #tpu.memory_space<vmem_shared>>) target_semaphore(%run_scoped3A : memref<!tpu.dma_semaphore, #tpu.memory_space<semaphore_mem>>)
      %dma_wait3A = arith.constant 0 : i32
      %dma_wait3A_79 = tpu.memref_slice %arg8[%add3A_51, %dma_wait3A] : memref<10000x128xf32, #tpu.memory_space<vmem_shared>> -> memref<40x128xf32, #tpu.memory_space<vmem_shared>>
      %dma_wait3A_80 = arith.constant 0 : i32
      %dma_wait3A_81 = tpu.memref_slice %arg8[%add3A_51, %dma_wait3A_80] : memref<10000x128xf32, #tpu.memory_space<vmem_shared>> -> memref<40x128xf32, #tpu.memory_space<vmem_shared>>
      tpu.wait_dma2 semaphore(%run_scoped3A : memref<!tpu.dma_semaphore, #tpu.memory_space<semaphore_mem>>) src(%arg10 : memref<40x128xf32, #tpu.memory_space<vmem>>) dst(%dma_wait3A_81 : memref<40x128xf32, #tpu.memory_space<vmem_shared>>)
      tpu.yield
    }) : () -> ()
    %add3A_52 = arith.constant 520 : i32
    %add3A_53 = arith.addi %mul3A_25, %add3A_52 : i32
    "tpu.region"() ({
      %run_scoped3A = tpu.sem_alloc : memref<!tpu.dma_semaphore, #tpu.memory_space<semaphore_mem>>
      %dma_start3A = arith.constant 0 : i32
      %dma_start3A_76 = tpu.memref_slice %arg8[%add3A_53, %dma_start3A] : memref<10000x128xf32, #tpu.memory_space<vmem_shared>> -> memref<40x128xf32, #tpu.memory_space<vmem_shared>>
      %dma_start3A_77 = arith.constant 0 : i32
      %dma_start3A_78 = tpu.memref_slice %arg8[%add3A_53, %dma_start3A_77] : memref<10000x128xf32, #tpu.memory_space<vmem_shared>> -> memref<40x128xf32, #tpu.memory_space<vmem_shared>>
      tpu.enqueue_dma source(%arg10 : memref<40x128xf32, #tpu.memory_space<vmem>>) target(%dma_start3A_78 : memref<40x128xf32, #tpu.memory_space<vmem_shared>>) target_semaphore(%run_scoped3A : memref<!tpu.dma_semaphore, #tpu.memory_space<semaphore_mem>>)
      %dma_wait3A = arith.constant 0 : i32
      %dma_wait3A_79 = tpu.memref_slice %arg8[%add3A_53, %dma_wait3A] : memref<10000x128xf32, #tpu.memory_space<vmem_shared>> -> memref<40x128xf32, #tpu.memory_space<vmem_shared>>
      %dma_wait3A_80 = arith.constant 0 : i32
      %dma_wait3A_81 = tpu.memref_slice %arg8[%add3A_53, %dma_wait3A_80] : memref<10000x128xf32, #tpu.memory_space<vmem_shared>> -> memref<40x128xf32, #tpu.memory_space<vmem_shared>>
      tpu.wait_dma2 semaphore(%run_scoped3A : memref<!tpu.dma_semaphore, #tpu.memory_space<semaphore_mem>>) src(%arg10 : memref<40x128xf32, #tpu.memory_space<vmem>>) dst(%dma_wait3A_81 : memref<40x128xf32, #tpu.memory_space<vmem_shared>>)
      tpu.yield
    }) : () -> ()
    %add3A_54 = arith.constant 560 : i32
    %add3A_55 = arith.addi %mul3A_25, %add3A_54 : i32
    "tpu.region"() ({
      %run_scoped3A = tpu.sem_alloc : memref<!tpu.dma_semaphore, #tpu.memory_space<semaphore_mem>>
      %dma_start3A = arith.constant 0 : i32
      %dma_start3A_76 = tpu.memref_slice %arg8[%add3A_55, %dma_start3A] : memref<10000x128xf32, #tpu.memory_space<vmem_shared>> -> memref<40x128xf32, #tpu.memory_space<vmem_shared>>
      %dma_start3A_77 = arith.constant 0 : i32
      %dma_start3A_78 = tpu.memref_slice %arg8[%add3A_55, %dma_start3A_77] : memref<10000x128xf32, #tpu.memory_space<vmem_shared>> -> memref<40x128xf32, #tpu.memory_space<vmem_shared>>
      tpu.enqueue_dma source(%arg10 : memref<40x128xf32, #tpu.memory_space<vmem>>) target(%dma_start3A_78 : memref<40x128xf32, #tpu.memory_space<vmem_shared>>) target_semaphore(%run_scoped3A : memref<!tpu.dma_semaphore, #tpu.memory_space<semaphore_mem>>)
      %dma_wait3A = arith.constant 0 : i32
      %dma_wait3A_79 = tpu.memref_slice %arg8[%add3A_55, %dma_wait3A] : memref<10000x128xf32, #tpu.memory_space<vmem_shared>> -> memref<40x128xf32, #tpu.memory_space<vmem_shared>>
      %dma_wait3A_80 = arith.constant 0 : i32
      %dma_wait3A_81 = tpu.memref_slice %arg8[%add3A_55, %dma_wait3A_80] : memref<10000x128xf32, #tpu.memory_space<vmem_shared>> -> memref<40x128xf32, #tpu.memory_space<vmem_shared>>
      tpu.wait_dma2 semaphore(%run_scoped3A : memref<!tpu.dma_semaphore, #tpu.memory_space<semaphore_mem>>) src(%arg10 : memref<40x128xf32, #tpu.memory_space<vmem>>) dst(%dma_wait3A_81 : memref<40x128xf32, #tpu.memory_space<vmem_shared>>)
      tpu.yield
    }) : () -> ()
    %add3A_56 = arith.constant 600 : i32
    %add3A_57 = arith.addi %mul3A_25, %add3A_56 : i32
    "tpu.region"() ({
      %run_scoped3A = tpu.sem_alloc : memref<!tpu.dma_semaphore, #tpu.memory_space<semaphore_mem>>
      %dma_start3A = arith.constant 0 : i32
      %dma_start3A_76 = arith.constant 0 : i32
      %dma_start3A_77 = tpu.memref_slice %arg10[%dma_start3A, %dma_start3A_76] : memref<40x128xf32, #tpu.memory_space<vmem>> -> memref<24x128xf32, #tpu.memory_space<vmem>>
      %dma_start3A_78 = arith.constant 0 : i32
      %dma_start3A_79 = tpu.memref_slice %arg8[%add3A_57, %dma_start3A_78] : memref<10000x128xf32, #tpu.memory_space<vmem_shared>> -> memref<24x128xf32, #tpu.memory_space<vmem_shared>>
      %dma_start3A_80 = arith.constant 0 : i32
      %dma_start3A_81 = tpu.memref_slice %arg8[%add3A_57, %dma_start3A_80] : memref<10000x128xf32, #tpu.memory_space<vmem_shared>> -> memref<24x128xf32, #tpu.memory_space<vmem_shared>>
      %dma_start3A_82 = arith.constant 0 : i32
      %dma_start3A_83 = arith.constant 0 : i32
      %dma_start3A_84 = tpu.memref_slice %arg10[%dma_start3A_82, %dma_start3A_83] : memref<40x128xf32, #tpu.memory_space<vmem>> -> memref<24x128xf32, #tpu.memory_space<vmem>>
      tpu.enqueue_dma source(%dma_start3A_84 : memref<24x128xf32, #tpu.memory_space<vmem>>) target(%dma_start3A_81 : memref<24x128xf32, #tpu.memory_space<vmem_shared>>) target_semaphore(%run_scoped3A : memref<!tpu.dma_semaphore, #tpu.memory_space<semaphore_mem>>)
      %dma_wait3A = arith.constant 0 : i32
      %dma_wait3A_85 = arith.constant 0 : i32
      %dma_wait3A_86 = tpu.memref_slice %arg10[%dma_wait3A, %dma_wait3A_85] : memref<40x128xf32, #tpu.memory_space<vmem>> -> memref<24x128xf32, #tpu.memory_space<vmem>>
      %dma_wait3A_87 = arith.constant 0 : i32
      %dma_wait3A_88 = tpu.memref_slice %arg8[%add3A_57, %dma_wait3A_87] : memref<10000x128xf32, #tpu.memory_space<vmem_shared>> -> memref<24x128xf32, #tpu.memory_space<vmem_shared>>
      %dma_wait3A_89 = arith.constant 0 : i32
      %dma_wait3A_90 = tpu.memref_slice %arg8[%add3A_57, %dma_wait3A_89] : memref<10000x128xf32, #tpu.memory_space<vmem_shared>> -> memref<24x128xf32, #tpu.memory_space<vmem_shared>>
      %dma_wait3A_91 = arith.constant 0 : i32
      %dma_wait3A_92 = arith.constant 0 : i32
      %dma_wait3A_93 = tpu.memref_slice %arg10[%dma_wait3A_91, %dma_wait3A_92] : memref<40x128xf32, #tpu.memory_space<vmem>> -> memref<24x128xf32, #tpu.memory_space<vmem>>
      tpu.wait_dma2 semaphore(%run_scoped3A : memref<!tpu.dma_semaphore, #tpu.memory_space<semaphore_mem>>) src(%dma_wait3A_93 : memref<24x128xf32, #tpu.memory_space<vmem>>) dst(%dma_wait3A_90 : memref<24x128xf32, #tpu.memory_space<vmem_shared>>)
      tpu.yield
    }) : () -> ()
    %eq3A = arith.constant 15 : i32
    %eq3A_58 = arith.cmpi eq, %arg1, %eq3A : i32
    %convert_element_type3A = arith.extui %eq3A_58 : i1 to i32
    %cond3A = arith.constant 0 : i32
    %cond3A_59 = arith.cmpi ne, %convert_element_type3A, %cond3A : i32
    scf.if %cond3A_59 {
      "tpu.region"() ({
        %run_scoped3A = tpu.sem_alloc : memref<!tpu.dma_semaphore, #tpu.memory_space<semaphore_mem>>
        %dma_start3A = arith.constant 0 : i32
        %dma_start3A_76 = arith.constant 0 : i32
        %dma_start3A_77 = tpu.memref_slice %arg10[%dma_start3A, %dma_start3A_76] : memref<40x128xf32, #tpu.memory_space<vmem>> -> memref<16x128xf32, #tpu.memory_space<vmem>>
        %dma_start3A_78 = arith.constant 9984 : i32
        %dma_start3A_79 = arith.constant 0 : i32
        %dma_start3A_80 = tpu.memref_slice %arg8[%dma_start3A_78, %dma_start3A_79] : memref<10000x128xf32, #tpu.memory_space<vmem_shared>> -> memref<16x128xf32, #tpu.memory_space<vmem_shared>>
        %dma_start3A_81 = arith.constant 9984 : i32
        %dma_start3A_82 = arith.constant 0 : i32
        %dma_start3A_83 = tpu.memref_slice %arg8[%dma_start3A_81, %dma_start3A_82] : memref<10000x128xf32, #tpu.memory_space<vmem_shared>> -> memref<16x128xf32, #tpu.memory_space<vmem_shared>>
        %dma_start3A_84 = arith.constant 0 : i32
        %dma_start3A_85 = arith.constant 0 : i32
        %dma_start3A_86 = tpu.memref_slice %arg10[%dma_start3A_84, %dma_start3A_85] : memref<40x128xf32, #tpu.memory_space<vmem>> -> memref<16x128xf32, #tpu.memory_space<vmem>>
        tpu.enqueue_dma source(%dma_start3A_86 : memref<16x128xf32, #tpu.memory_space<vmem>>) target(%dma_start3A_83 : memref<16x128xf32, #tpu.memory_space<vmem_shared>>) target_semaphore(%run_scoped3A : memref<!tpu.dma_semaphore, #tpu.memory_space<semaphore_mem>>)
        %dma_wait3A = arith.constant 0 : i32
        %dma_wait3A_87 = arith.constant 0 : i32
        %dma_wait3A_88 = tpu.memref_slice %arg10[%dma_wait3A, %dma_wait3A_87] : memref<40x128xf32, #tpu.memory_space<vmem>> -> memref<16x128xf32, #tpu.memory_space<vmem>>
        %dma_wait3A_89 = arith.constant 9984 : i32
        %dma_wait3A_90 = arith.constant 0 : i32
        %dma_wait3A_91 = tpu.memref_slice %arg8[%dma_wait3A_89, %dma_wait3A_90] : memref<10000x128xf32, #tpu.memory_space<vmem_shared>> -> memref<16x128xf32, #tpu.memory_space<vmem_shared>>
        %dma_wait3A_92 = arith.constant 9984 : i32
        %dma_wait3A_93 = arith.constant 0 : i32
        %dma_wait3A_94 = tpu.memref_slice %arg8[%dma_wait3A_92, %dma_wait3A_93] : memref<10000x128xf32, #tpu.memory_space<vmem_shared>> -> memref<16x128xf32, #tpu.memory_space<vmem_shared>>
        %dma_wait3A_95 = arith.constant 0 : i32
        %dma_wait3A_96 = arith.constant 0 : i32
        %dma_wait3A_97 = tpu.memref_slice %arg10[%dma_wait3A_95, %dma_wait3A_96] : memref<40x128xf32, #tpu.memory_space<vmem>> -> memref<16x128xf32, #tpu.memory_space<vmem>>
        tpu.wait_dma2 semaphore(%run_scoped3A : memref<!tpu.dma_semaphore, #tpu.memory_space<semaphore_mem>>) src(%dma_wait3A_97 : memref<16x128xf32, #tpu.memory_space<vmem>>) dst(%dma_wait3A_94 : memref<16x128xf32, #tpu.memory_space<vmem_shared>>)
        tpu.yield
      }) : () -> ()
    } else {
    }
    %barrier3A = arith.constant 0 : index
    tpu.barrier barrier_id(%barrier3A)
    %mul3A_60 = arith.constant 10000 : i32
    %mul3A_61 = arith.muli %add3A, %mul3A_60 : i32
    %get3A = arith.constant 0 : index
    %get3A_62 = tpu.vector_load %arg15[%get3A] {strides = array<i32>} : memref<128xf32, #tpu.memory_space<vmem>>, vector<16xf32>,
    %get3A_63 = vector.shape_cast %get3A_62 : vector<16xf32> to vector<16xf32>
    %scan3A_64 = arith.constant 0 : i32
    %scan3A_65 = arith.constant 0 : i32
    %scan3A_66 = arith.constant 250 : i32
    %scan3A_67 = arith.addi %scan3A_65, %scan3A_66 : i32
    %scan3A_68 = arith.constant 1 : i32
    scf.for %scan3A_76 = %scan3A_65 to %scan3A_67 step %scan3A_68  : i32 {
      %mul3A_77 = arith.constant 40 : i32
      %mul3A_78 = arith.muli %scan3A_76, %mul3A_77 : i32
      %add3A_79 = arith.addi %mul3A_61, %mul3A_78 : i32
      "tpu.region"() ({
        %run_scoped3A = tpu.sem_alloc : memref<!tpu.dma_semaphore, #tpu.memory_space<semaphore_mem>>
        %dma_start3A_305 = tpu.memref_slice %arg3[%add3A_79] : memref<320000xi32, #tpu.memory_space<hbm>> -> memref<40xi32, #tpu.memory_space<hbm>>
        %dma_start3A_306 = tpu.memref_slice %arg3[%add3A_79] : memref<320000xi32, #tpu.memory_space<hbm>> -> memref<40xi32, #tpu.memory_space<hbm>>
        tpu.enqueue_dma source(%dma_start3A_306 : memref<40xi32, #tpu.memory_space<hbm>>) target(%arg13 : memref<40xi32, #tpu.memory_space<vmem>>) target_semaphore(%run_scoped3A : memref<!tpu.dma_semaphore, #tpu.memory_space<semaphore_mem>>)
        %dma_wait3A_307 = tpu.memref_slice %arg3[%add3A_79] : memref<320000xi32, #tpu.memory_space<hbm>> -> memref<40xi32, #tpu.memory_space<hbm>>
        %dma_wait3A_308 = tpu.memref_slice %arg3[%add3A_79] : memref<320000xi32, #tpu.memory_space<hbm>> -> memref<40xi32, #tpu.memory_space<hbm>>
        tpu.wait_dma2 semaphore(%run_scoped3A : memref<!tpu.dma_semaphore, #tpu.memory_space<semaphore_mem>>) src(%dma_wait3A_308 : memref<40xi32, #tpu.memory_space<hbm>>) dst(%arg13 : memref<40xi32, #tpu.memory_space<vmem>>)
        tpu.yield
      }) : () -> ()
      "tpu.region"() ({
        %run_scoped3A = tpu.sem_alloc : memref<!tpu.dma_semaphore, #tpu.memory_space<semaphore_mem>>
        %dma_start3A_305 = tpu.memref_slice %arg4[%add3A_79] : memref<320000xi32, #tpu.memory_space<hbm>> -> memref<40xi32, #tpu.memory_space<hbm>>
        %dma_start3A_306 = tpu.memref_slice %arg4[%add3A_79] : memref<320000xi32, #tpu.memory_space<hbm>> -> memref<40xi32, #tpu.memory_space<hbm>>
        tpu.enqueue_dma source(%dma_start3A_306 : memref<40xi32, #tpu.memory_space<hbm>>) target(%arg14 : memref<40xi32, #tpu.memory_space<vmem>>) target_semaphore(%run_scoped3A : memref<!tpu.dma_semaphore, #tpu.memory_space<semaphore_mem>>)
        %dma_wait3A_307 = tpu.memref_slice %arg4[%add3A_79] : memref<320000xi32, #tpu.memory_space<hbm>> -> memref<40xi32, #tpu.memory_space<hbm>>
        %dma_wait3A_308 = tpu.memref_slice %arg4[%add3A_79] : memref<320000xi32, #tpu.memory_space<hbm>> -> memref<40xi32, #tpu.memory_space<hbm>>
        tpu.wait_dma2 semaphore(%run_scoped3A : memref<!tpu.dma_semaphore, #tpu.memory_space<semaphore_mem>>) src(%dma_wait3A_308 : memref<40xi32, #tpu.memory_space<hbm>>) dst(%arg14 : memref<40xi32, #tpu.memory_space<vmem>>)
        tpu.yield
      }) : () -> ()
      "tpu.region"() ({
        %run_scoped3A = tpu.sem_alloc : memref<!tpu.dma_semaphore, #tpu.memory_space<semaphore_mem>>
        %dma_start3A_305 = arith.constant 0 : i32
        %dma_start3A_306 = tpu.memref_slice %arg12[%dma_start3A_305] : memref<48xf32, #tpu.memory_space<vmem>> -> memref<40xf32, #tpu.memory_space<vmem>>
        %dma_start3A_307 = tpu.memref_slice %arg5[%add3A_79] : memref<320000xf32, #tpu.memory_space<hbm>> -> memref<40xf32, #tpu.memory_space<hbm>>
        %dma_start3A_308 = arith.constant 0 : i32
        %dma_start3A_309 = tpu.memref_slice %arg12[%dma_start3A_308] : memref<48xf32, #tpu.memory_space<vmem>> -> memref<40xf32, #tpu.memory_space<vmem>>
        %dma_start3A_310 = tpu.memref_slice %arg5[%add3A_79] : memref<320000xf32, #tpu.memory_space<hbm>> -> memref<40xf32, #tpu.memory_space<hbm>>
        tpu.enqueue_dma source(%dma_start3A_310 : memref<40xf32, #tpu.memory_space<hbm>>) target(%dma_start3A_309 : memref<40xf32, #tpu.memory_space<vmem>>) target_semaphore(%run_scoped3A : memref<!tpu.dma_semaphore, #tpu.memory_space<semaphore_mem>>)
        %dma_wait3A_311 = arith.constant 0 : i32
        %dma_wait3A_312 = tpu.memref_slice %arg12[%dma_wait3A_311] : memref<48xf32, #tpu.memory_space<vmem>> -> memref<40xf32, #tpu.memory_space<vmem>>
        %dma_wait3A_313 = tpu.memref_slice %arg5[%add3A_79] : memref<320000xf32, #tpu.memory_space<hbm>> -> memref<40xf32, #tpu.memory_space<hbm>>
        %dma_wait3A_314 = arith.constant 0 : i32
        %dma_wait3A_315 = tpu.memref_slice %arg12[%dma_wait3A_314] : memref<48xf32, #tpu.memory_space<vmem>> -> memref<40xf32, #tpu.memory_space<vmem>>
        %dma_wait3A_316 = tpu.memref_slice %arg5[%add3A_79] : memref<320000xf32, #tpu.memory_space<hbm>> -> memref<40xf32, #tpu.memory_space<hbm>>
        tpu.wait_dma2 semaphore(%run_scoped3A : memref<!tpu.dma_semaphore, #tpu.memory_space<semaphore_mem>>) src(%dma_wait3A_316 : memref<40xf32, #tpu.memory_space<hbm>>) dst(%dma_wait3A_315 : memref<40xf32, #tpu.memory_space<vmem>>)
        tpu.yield
      }) : () -> ()
      %dma_start3A = arith.constant 0 : i32
      %dma_start3A_80 = arith.constant 0 : i32
      %dma_start3A_81 = tpu.memref_slice %arg2[%dma_start3A, %dma_start3A_80] : memref<10000x640xf32, #tpu.memory_space<hbm>> -> memref<10000x640xf32, #tpu.memory_space<hbm>>
      tpu.enqueue_indirect_dma source(%dma_start3A_81 : memref<10000x640xf32, #tpu.memory_space<hbm>>) target(%arg9 : memref<40x640xf32, #tpu.memory_space<vmem>>) offsets(%arg13 : memref<40xi32, #tpu.memory_space<vmem>>) semaphore(%arg16 : memref<!tpu.dma_semaphore, #tpu.memory_space<semaphore_mem>>)
      %dma_wait3A = arith.constant 0 : i32
      %dma_wait3A_82 = arith.constant 0 : i32
      %dma_wait3A_83 = tpu.memref_slice %arg2[%dma_wait3A, %dma_wait3A_82] : memref<10000x640xf32, #tpu.memory_space<hbm>> -> memref<10000x640xf32, #tpu.memory_space<hbm>>
      tpu.wait_indirect_dma semaphore(%arg16 : memref<!tpu.dma_semaphore, #tpu.memory_space<semaphore_mem>>) src(%dma_wait3A_83 : memref<10000x640xf32, #tpu.memory_space<hbm>>) dst(%arg9 : memref<40x640xf32, #tpu.memory_space<vmem>>)
      %get3A_84 = arith.constant 0 : index
      %get3A_85 = tpu.vector_load %arg12[%get3A_84] {strides = array<i32>} : memref<48xf32, #tpu.memory_space<vmem>>, vector<16xf32>,
      %get3A_86 = vector.shape_cast %get3A_85 : vector<16xf32> to vector<16xf32>
      %slice3A = vector.extract_strided_slice %get3A_63 {offsets = [0], sizes = [1], strides = [1]} : vector<16xf32> to vector<1xf32>
      %squeeze3A = vector.extract %slice3A[0] : f32 from vector<1xf32>
      %sub3A = vector.broadcast %squeeze3A : f32 to vector<16xf32>
      %sub3A_87 = arith.subf %get3A_86, %sub3A : vector<16xf32>
      %mul3A_88 = arith.mulf %sub3A_87, %sub3A_87 : vector<16xf32>
      %slice3A_89 = vector.extract_strided_slice %get3A_63 {offsets = [8], sizes = [1], strides = [1]} : vector<16xf32> to vector<1xf32>
      %squeeze3A_90 = vector.extract %slice3A_89[0] : f32 from vector<1xf32>
      %mul3A_91 = vector.broadcast %squeeze3A_90 : f32 to vector<16xf32>
      %mul3A_92 = arith.mulf %mul3A_88, %mul3A_91 : vector<16xf32>
      %exp3A = math.exp %mul3A_92 : vector<16xf32>
      %swap3A_93 = arith.constant 0 : index
      %swap3A_94 = tpu.vector_load %arg11[%swap3A_93] {strides = array<i32>} : memref<256xf32, #tpu.memory_space<vmem>>, vector<16xf32>,
      %swap3A_95 = vector.shape_cast %swap3A_94 : vector<16xf32> to vector<16xf32>
      %swap3A_96 = vector.shape_cast %exp3A : vector<16xf32> to vector<16xf32>
      tpu.vector_store %arg11[%swap3A_93], %swap3A_96 {strides = array<i32>} : memref<256xf32, #tpu.memory_space<vmem>>, vector<16xf32>,
      %slice3A_97 = vector.extract_strided_slice %get3A_63 {offsets = [1], sizes = [1], strides = [1]} : vector<16xf32> to vector<1xf32>
      %squeeze3A_98 = vector.extract %slice3A_97[0] : f32 from vector<1xf32>
      %sub3A_99 = vector.broadcast %squeeze3A_98 : f32 to vector<16xf32>
      %sub3A_100 = arith.subf %get3A_86, %sub3A_99 : vector<16xf32>
      %mul3A_101 = arith.mulf %sub3A_100, %sub3A_100 : vector<16xf32>
      %slice3A_102 = vector.extract_strided_slice %get3A_63 {offsets = [9], sizes = [1], strides = [1]} : vector<16xf32> to vector<1xf32>
      %squeeze3A_103 = vector.extract %slice3A_102[0] : f32 from vector<1xf32>
      %mul3A_104 = vector.broadcast %squeeze3A_103 : f32 to vector<16xf32>
      %mul3A_105 = arith.mulf %mul3A_101, %mul3A_104 : vector<16xf32>
      %exp3A_106 = math.exp %mul3A_105 : vector<16xf32>
      %swap3A_107 = arith.constant 48 : index
      %swap3A_108 = tpu.vector_load %arg11[%swap3A_107] {strides = array<i32>} : memref<256xf32, #tpu.memory_space<vmem>>, vector<16xf32>,
      %swap3A_109 = vector.shape_cast %swap3A_108 : vector<16xf32> to vector<16xf32>
      %swap3A_110 = vector.shape_cast %exp3A_106 : vector<16xf32> to vector<16xf32>
      tpu.vector_store %arg11[%swap3A_107], %swap3A_110 {strides = array<i32>} : memref<256xf32, #tpu.memory_space<vmem>>, vector<16xf32>,
      %slice3A_111 = vector.extract_strided_slice %get3A_63 {offsets = [2], sizes = [1], strides = [1]} : vector<16xf32> to vector<1xf32>
      %squeeze3A_112 = vector.extract %slice3A_111[0] : f32 from vector<1xf32>
      %sub3A_113 = vector.broadcast %squeeze3A_112 : f32 to vector<16xf32>
      %sub3A_114 = arith.subf %get3A_86, %sub3A_113 : vector<16xf32>
      %mul3A_115 = arith.mulf %sub3A_114, %sub3A_114 : vector<16xf32>
      %slice3A_116 = vector.extract_strided_slice %get3A_63 {offsets = [10], sizes = [1], strides = [1]} : vector<16xf32> to vector<1xf32>
      %squeeze3A_117 = vector.extract %slice3A_116[0] : f32 from vector<1xf32>
      %mul3A_118 = vector.broadcast %squeeze3A_117 : f32 to vector<16xf32>
      %mul3A_119 = arith.mulf %mul3A_115, %mul3A_118 : vector<16xf32>
      %exp3A_120 = math.exp %mul3A_119 : vector<16xf32>
      %swap3A_121 = arith.constant 96 : index
      %swap3A_122 = tpu.vector_load %arg11[%swap3A_121] {strides = array<i32>} : memref<256xf32, #tpu.memory_space<vmem>>, vector<16xf32>,
      %swap3A_123 = vector.shape_cast %swap3A_122 : vector<16xf32> to vector<16xf32>
      %swap3A_124 = vector.shape_cast %exp3A_120 : vector<16xf32> to vector<16xf32>
      tpu.vector_store %arg11[%swap3A_121], %swap3A_124 {strides = array<i32>} : memref<256xf32, #tpu.memory_space<vmem>>, vector<16xf32>,
      %slice3A_125 = vector.extract_strided_slice %get3A_63 {offsets = [3], sizes = [1], strides = [1]} : vector<16xf32> to vector<1xf32>
      %squeeze3A_126 = vector.extract %slice3A_125[0] : f32 from vector<1xf32>
      %sub3A_127 = vector.broadcast %squeeze3A_126 : f32 to vector<16xf32>
      %sub3A_128 = arith.subf %get3A_86, %sub3A_127 : vector<16xf32>
      %mul3A_129 = arith.mulf %sub3A_128, %sub3A_128 : vector<16xf32>
      %slice3A_130 = vector.extract_strided_slice %get3A_63 {offsets = [11], sizes = [1], strides = [1]} : vector<16xf32> to vector<1xf32>
      %squeeze3A_131 = vector.extract %slice3A_130[0] : f32 from vector<1xf32>
      %mul3A_132 = vector.broadcast %squeeze3A_131 : f32 to vector<16xf32>
      %mul3A_133 = arith.mulf %mul3A_129, %mul3A_132 : vector<16xf32>
      %exp3A_134 = math.exp %mul3A_133 : vector<16xf32>
      %swap3A_135 = arith.constant 144 : index
      %swap3A_136 = tpu.vector_load %arg11[%swap3A_135] {strides = array<i32>} : memref<256xf32, #tpu.memory_space<vmem>>, vector<16xf32>,
      %swap3A_137 = vector.shape_cast %swap3A_136 : vector<16xf32> to vector<16xf32>
      %swap3A_138 = vector.shape_cast %exp3A_134 : vector<16xf32> to vector<16xf32>
      tpu.vector_store %arg11[%swap3A_135], %swap3A_138 {strides = array<i32>} : memref<256xf32, #tpu.memory_space<vmem>>, vector<16xf32>,
      %slice3A_139 = vector.extract_strided_slice %get3A_63 {offsets = [4], sizes = [1], strides = [1]} : vector<16xf32> to vector<1xf32>
      %squeeze3A_140 = vector.extract %slice3A_139[0] : f32 from vector<1xf32>
      %sub3A_141 = vector.broadcast %squeeze3A_140 : f32 to vector<16xf32>
      %sub3A_142 = arith.subf %get3A_86, %sub3A_141 : vector<16xf32>
      %mul3A_143 = arith.mulf %sub3A_142, %sub3A_142 : vector<16xf32>
      %slice3A_144 = vector.extract_strided_slice %get3A_63 {offsets = [12], sizes = [1], strides = [1]} : vector<16xf32> to vector<1xf32>
      %squeeze3A_145 = vector.extract %slice3A_144[0] : f32 from vector<1xf32>
      %mul3A_146 = vector.broadcast %squeeze3A_145 : f32 to vector<16xf32>
      %mul3A_147 = arith.mulf %mul3A_143, %mul3A_146 : vector<16xf32>
      %exp3A_148 = math.exp %mul3A_147 : vector<16xf32>
      %swap3A_149 = arith.constant 192 : index
      %swap3A_150 = tpu.vector_load %arg11[%swap3A_149] {strides = array<i32>} : memref<256xf32, #tpu.memory_space<vmem>>, vector<16xf32>,
      %swap3A_151 = vector.shape_cast %swap3A_150 : vector<16xf32> to vector<16xf32>
      %swap3A_152 = vector.shape_cast %exp3A_148 : vector<16xf32> to vector<16xf32>
      tpu.vector_store %arg11[%swap3A_149], %swap3A_152 {strides = array<i32>} : memref<256xf32, #tpu.memory_space<vmem>>, vector<16xf32>,
      %get3A_153 = arith.constant 16 : index
      %get3A_154 = tpu.vector_load %arg12[%get3A_153] {strides = array<i32>} : memref<48xf32, #tpu.memory_space<vmem>>, vector<16xf32>,
      %get3A_155 = vector.shape_cast %get3A_154 : vector<16xf32> to vector<16xf32>
      %slice3A_156 = vector.extract_strided_slice %get3A_63 {offsets = [0], sizes = [1], strides = [1]} : vector<16xf32> to vector<1xf32>
      %squeeze3A_157 = vector.extract %slice3A_156[0] : f32 from vector<1xf32>
      %sub3A_158 = vector.broadcast %squeeze3A_157 : f32 to vector<16xf32>
      %sub3A_159 = arith.subf %get3A_155, %sub3A_158 : vector<16xf32>
      %mul3A_160 = arith.mulf %sub3A_159, %sub3A_159 : vector<16xf32>
      %slice3A_161 = vector.extract_strided_slice %get3A_63 {offsets = [8], sizes = [1], strides = [1]} : vector<16xf32> to vector<1xf32>
      %squeeze3A_162 = vector.extract %slice3A_161[0] : f32 from vector<1xf32>
      %mul3A_163 = vector.broadcast %squeeze3A_162 : f32 to vector<16xf32>
      %mul3A_164 = arith.mulf %mul3A_160, %mul3A_163 : vector<16xf32>
      %exp3A_165 = math.exp %mul3A_164 : vector<16xf32>
      %swap3A_166 = arith.constant 16 : index
      %swap3A_167 = tpu.vector_load %arg11[%swap3A_166] {strides = array<i32>} : memref<256xf32, #tpu.memory_space<vmem>>, vector<16xf32>,
      %swap3A_168 = vector.shape_cast %swap3A_167 : vector<16xf32> to vector<16xf32>
      %swap3A_169 = vector.shape_cast %exp3A_165 : vector<16xf32> to vector<16xf32>
      tpu.vector_store %arg11[%swap3A_166], %swap3A_169 {strides = array<i32>} : memref<256xf32, #tpu.memory_space<vmem>>, vector<16xf32>,
      %slice3A_170 = vector.extract_strided_slice %get3A_63 {offsets = [1], sizes = [1], strides = [1]} : vector<16xf32> to vector<1xf32>
      %squeeze3A_171 = vector.extract %slice3A_170[0] : f32 from vector<1xf32>
      %sub3A_172 = vector.broadcast %squeeze3A_171 : f32 to vector<16xf32>
      %sub3A_173 = arith.subf %get3A_155, %sub3A_172 : vector<16xf32>
      %mul3A_174 = arith.mulf %sub3A_173, %sub3A_173 : vector<16xf32>
      %slice3A_175 = vector.extract_strided_slice %get3A_63 {offsets = [9], sizes = [1], strides = [1]} : vector<16xf32> to vector<1xf32>
      %squeeze3A_176 = vector.extract %slice3A_175[0] : f32 from vector<1xf32>
      %mul3A_177 = vector.broadcast %squeeze3A_176 : f32 to vector<16xf32>
      %mul3A_178 = arith.mulf %mul3A_174, %mul3A_177 : vector<16xf32>
      %exp3A_179 = math.exp %mul3A_178 : vector<16xf32>
      %swap3A_180 = arith.constant 64 : index
      %swap3A_181 = tpu.vector_load %arg11[%swap3A_180] {strides = array<i32>} : memref<256xf32, #tpu.memory_space<vmem>>, vector<16xf32>,
      %swap3A_182 = vector.shape_cast %swap3A_181 : vector<16xf32> to vector<16xf32>
      %swap3A_183 = vector.shape_cast %exp3A_179 : vector<16xf32> to vector<16xf32>
      tpu.vector_store %arg11[%swap3A_180], %swap3A_183 {strides = array<i32>} : memref<256xf32, #tpu.memory_space<vmem>>, vector<16xf32>,
      %slice3A_184 = vector.extract_strided_slice %get3A_63 {offsets = [2], sizes = [1], strides = [1]} : vector<16xf32> to vector<1xf32>
      %squeeze3A_185 = vector.extract %slice3A_184[0] : f32 from vector<1xf32>
      %sub3A_186 = vector.broadcast %squeeze3A_185 : f32 to vector<16xf32>
      %sub3A_187 = arith.subf %get3A_155, %sub3A_186 : vector<16xf32>
      %mul3A_188 = arith.mulf %sub3A_187, %sub3A_187 : vector<16xf32>
      %slice3A_189 = vector.extract_strided_slice %get3A_63 {offsets = [10], sizes = [1], strides = [1]} : vector<16xf32> to vector<1xf32>
      %squeeze3A_190 = vector.extract %slice3A_189[0] : f32 from vector<1xf32>
      %mul3A_191 = vector.broadcast %squeeze3A_190 : f32 to vector<16xf32>
      %mul3A_192 = arith.mulf %mul3A_188, %mul3A_191 : vector<16xf32>
      %exp3A_193 = math.exp %mul3A_192 : vector<16xf32>
      %swap3A_194 = arith.constant 112 : index
      %swap3A_195 = tpu.vector_load %arg11[%swap3A_194] {strides = array<i32>} : memref<256xf32, #tpu.memory_space<vmem>>, vector<16xf32>,
      %swap3A_196 = vector.shape_cast %swap3A_195 : vector<16xf32> to vector<16xf32>
      %swap3A_197 = vector.shape_cast %exp3A_193 : vector<16xf32> to vector<16xf32>
      tpu.vector_store %arg11[%swap3A_194], %swap3A_197 {strides = array<i32>} : memref<256xf32, #tpu.memory_space<vmem>>, vector<16xf32>,
      %slice3A_198 = vector.extract_strided_slice %get3A_63 {offsets = [3], sizes = [1], strides = [1]} : vector<16xf32> to vector<1xf32>
      %squeeze3A_199 = vector.extract %slice3A_198[0] : f32 from vector<1xf32>
      %sub3A_200 = vector.broadcast %squeeze3A_199 : f32 to vector<16xf32>
      %sub3A_201 = arith.subf %get3A_155, %sub3A_200 : vector<16xf32>
      %mul3A_202 = arith.mulf %sub3A_201, %sub3A_201 : vector<16xf32>
      %slice3A_203 = vector.extract_strided_slice %get3A_63 {offsets = [11], sizes = [1], strides = [1]} : vector<16xf32> to vector<1xf32>
      %squeeze3A_204 = vector.extract %slice3A_203[0] : f32 from vector<1xf32>
      %mul3A_205 = vector.broadcast %squeeze3A_204 : f32 to vector<16xf32>
      %mul3A_206 = arith.mulf %mul3A_202, %mul3A_205 : vector<16xf32>
      %exp3A_207 = math.exp %mul3A_206 : vector<16xf32>
      %swap3A_208 = arith.constant 160 : index
      %swap3A_209 = tpu.vector_load %arg11[%swap3A_208] {strides = array<i32>} : memref<256xf32, #tpu.memory_space<vmem>>, vector<16xf32>,
      %swap3A_210 = vector.shape_cast %swap3A_209 : vector<16xf32> to vector<16xf32>
      %swap3A_211 = vector.shape_cast %exp3A_207 : vector<16xf32> to vector<16xf32>
      tpu.vector_store %arg11[%swap3A_208], %swap3A_211 {strides = array<i32>} : memref<256xf32, #tpu.memory_space<vmem>>, vector<16xf32>,
      %slice3A_212 = vector.extract_strided_slice %get3A_63 {offsets = [4], sizes = [1], strides = [1]} : vector<16xf32> to vector<1xf32>
      %squeeze3A_213 = vector.extract %slice3A_212[0] : f32 from vector<1xf32>
      %sub3A_214 = vector.broadcast %squeeze3A_213 : f32 to vector<16xf32>
      %sub3A_215 = arith.subf %get3A_155, %sub3A_214 : vector<16xf32>
      %mul3A_216 = arith.mulf %sub3A_215, %sub3A_215 : vector<16xf32>
      %slice3A_217 = vector.extract_strided_slice %get3A_63 {offsets = [12], sizes = [1], strides = [1]} : vector<16xf32> to vector<1xf32>
      %squeeze3A_218 = vector.extract %slice3A_217[0] : f32 from vector<1xf32>
      %mul3A_219 = vector.broadcast %squeeze3A_218 : f32 to vector<16xf32>
      %mul3A_220 = arith.mulf %mul3A_216, %mul3A_219 : vector<16xf32>
      %exp3A_221 = math.exp %mul3A_220 : vector<16xf32>
      %swap3A_222 = arith.constant 208 : index
      %swap3A_223 = tpu.vector_load %arg11[%swap3A_222] {strides = array<i32>} : memref<256xf32, #tpu.memory_space<vmem>>, vector<16xf32>,
      %swap3A_224 = vector.shape_cast %swap3A_223 : vector<16xf32> to vector<16xf32>
      %swap3A_225 = vector.shape_cast %exp3A_221 : vector<16xf32> to vector<16xf32>
      tpu.vector_store %arg11[%swap3A_222], %swap3A_225 {strides = array<i32>} : memref<256xf32, #tpu.memory_space<vmem>>, vector<16xf32>,
      %get3A_226 = arith.constant 32 : index
      %get3A_227 = tpu.vector_load %arg12[%get3A_226] {strides = array<i32>} : memref<48xf32, #tpu.memory_space<vmem>>, vector<16xf32>,
      %get3A_228 = vector.shape_cast %get3A_227 : vector<16xf32> to vector<16xf32>
      %slice3A_229 = vector.extract_strided_slice %get3A_63 {offsets = [0], sizes = [1], strides = [1]} : vector<16xf32> to vector<1xf32>
      %squeeze3A_230 = vector.extract %slice3A_229[0] : f32 from vector<1xf32>
      %sub3A_231 = vector.broadcast %squeeze3A_230 : f32 to vector<16xf32>
      %sub3A_232 = arith.subf %get3A_228, %sub3A_231 : vector<16xf32>
      %mul3A_233 = arith.mulf %sub3A_232, %sub3A_232 : vector<16xf32>
      %slice3A_234 = vector.extract_strided_slice %get3A_63 {offsets = [8], sizes = [1], strides = [1]} : vector<16xf32> to vector<1xf32>
      %squeeze3A_235 = vector.extract %slice3A_234[0] : f32 from vector<1xf32>
      %mul3A_236 = vector.broadcast %squeeze3A_235 : f32 to vector<16xf32>
      %mul3A_237 = arith.mulf %mul3A_233, %mul3A_236 : vector<16xf32>
      %exp3A_238 = math.exp %mul3A_237 : vector<16xf32>
      %swap3A_239 = arith.constant 32 : index
      %swap3A_240 = tpu.vector_load %arg11[%swap3A_239] {strides = array<i32>} : memref<256xf32, #tpu.memory_space<vmem>>, vector<16xf32>,
      %swap3A_241 = vector.shape_cast %swap3A_240 : vector<16xf32> to vector<16xf32>
      %swap3A_242 = vector.shape_cast %exp3A_238 : vector<16xf32> to vector<16xf32>
      tpu.vector_store %arg11[%swap3A_239], %swap3A_242 {strides = array<i32>} : memref<256xf32, #tpu.memory_space<vmem>>, vector<16xf32>,
      %slice3A_243 = vector.extract_strided_slice %get3A_63 {offsets = [1], sizes = [1], strides = [1]} : vector<16xf32> to vector<1xf32>
      %squeeze3A_244 = vector.extract %slice3A_243[0] : f32 from vector<1xf32>
      %sub3A_245 = vector.broadcast %squeeze3A_244 : f32 to vector<16xf32>
      %sub3A_246 = arith.subf %get3A_228, %sub3A_245 : vector<16xf32>
      %mul3A_247 = arith.mulf %sub3A_246, %sub3A_246 : vector<16xf32>
      %slice3A_248 = vector.extract_strided_slice %get3A_63 {offsets = [9], sizes = [1], strides = [1]} : vector<16xf32> to vector<1xf32>
      %squeeze3A_249 = vector.extract %slice3A_248[0] : f32 from vector<1xf32>
      %mul3A_250 = vector.broadcast %squeeze3A_249 : f32 to vector<16xf32>
      %mul3A_251 = arith.mulf %mul3A_247, %mul3A_250 : vector<16xf32>
      %exp3A_252 = math.exp %mul3A_251 : vector<16xf32>
      %swap3A_253 = arith.constant 80 : index
      %swap3A_254 = tpu.vector_load %arg11[%swap3A_253] {strides = array<i32>} : memref<256xf32, #tpu.memory_space<vmem>>, vector<16xf32>,
      %swap3A_255 = vector.shape_cast %swap3A_254 : vector<16xf32> to vector<16xf32>
      %swap3A_256 = vector.shape_cast %exp3A_252 : vector<16xf32> to vector<16xf32>
      tpu.vector_store %arg11[%swap3A_253], %swap3A_256 {strides = array<i32>} : memref<256xf32, #tpu.memory_space<vmem>>, vector<16xf32>,
      %slice3A_257 = vector.extract_strided_slice %get3A_63 {offsets = [2], sizes = [1], strides = [1]} : vector<16xf32> to vector<1xf32>
      %squeeze3A_258 = vector.extract %slice3A_257[0] : f32 from vector<1xf32>
      %sub3A_259 = vector.broadcast %squeeze3A_258 : f32 to vector<16xf32>
      %sub3A_260 = arith.subf %get3A_228, %sub3A_259 : vector<16xf32>
      %mul3A_261 = arith.mulf %sub3A_260, %sub3A_260 : vector<16xf32>
      %slice3A_262 = vector.extract_strided_slice %get3A_63 {offsets = [10], sizes = [1], strides = [1]} : vector<16xf32> to vector<1xf32>
      %squeeze3A_263 = vector.extract %slice3A_262[0] : f32 from vector<1xf32>
      %mul3A_264 = vector.broadcast %squeeze3A_263 : f32 to vector<16xf32>
      %mul3A_265 = arith.mulf %mul3A_261, %mul3A_264 : vector<16xf32>
      %exp3A_266 = math.exp %mul3A_265 : vector<16xf32>
      %swap3A_267 = arith.constant 128 : index
      %swap3A_268 = tpu.vector_load %arg11[%swap3A_267] {strides = array<i32>} : memref<256xf32, #tpu.memory_space<vmem>>, vector<16xf32>,
      %swap3A_269 = vector.shape_cast %swap3A_268 : vector<16xf32> to vector<16xf32>
      %swap3A_270 = vector.shape_cast %exp3A_266 : vector<16xf32> to vector<16xf32>
      tpu.vector_store %arg11[%swap3A_267], %swap3A_270 {strides = array<i32>} : memref<256xf32, #tpu.memory_space<vmem>>, vector<16xf32>,
      %slice3A_271 = vector.extract_strided_slice %get3A_63 {offsets = [3], sizes = [1], strides = [1]} : vector<16xf32> to vector<1xf32>
      %squeeze3A_272 = vector.extract %slice3A_271[0] : f32 from vector<1xf32>
      %sub3A_273 = vector.broadcast %squeeze3A_272 : f32 to vector<16xf32>
      %sub3A_274 = arith.subf %get3A_228, %sub3A_273 : vector<16xf32>
      %mul3A_275 = arith.mulf %sub3A_274, %sub3A_274 : vector<16xf32>
      %slice3A_276 = vector.extract_strided_slice %get3A_63 {offsets = [11], sizes = [1], strides = [1]} : vector<16xf32> to vector<1xf32>
      %squeeze3A_277 = vector.extract %slice3A_276[0] : f32 from vector<1xf32>
      %mul3A_278 = vector.broadcast %squeeze3A_277 : f32 to vector<16xf32>
      %mul3A_279 = arith.mulf %mul3A_275, %mul3A_278 : vector<16xf32>
      %exp3A_280 = math.exp %mul3A_279 : vector<16xf32>
      %swap3A_281 = arith.constant 176 : index
      %swap3A_282 = tpu.vector_load %arg11[%swap3A_281] {strides = array<i32>} : memref<256xf32, #tpu.memory_space<vmem>>, vector<16xf32>,
      %swap3A_283 = vector.shape_cast %swap3A_282 : vector<16xf32> to vector<16xf32>
      %swap3A_284 = vector.shape_cast %exp3A_280 : vector<16xf32> to vector<16xf32>
      tpu.vector_store %arg11[%swap3A_281], %swap3A_284 {strides = array<i32>} : memref<256xf32, #tpu.memory_space<vmem>>, vector<16xf32>,
      %slice3A_285 = vector.extract_strided_slice %get3A_63 {offsets = [4], sizes = [1], strides = [1]} : vector<16xf32> to vector<1xf32>
      %squeeze3A_286 = vector.extract %slice3A_285[0] : f32 from vector<1xf32>
      %sub3A_287 = vector.broadcast %squeeze3A_286 : f32 to vector<16xf32>
      %sub3A_288 = arith.subf %get3A_228, %sub3A_287 : vector<16xf32>
      %mul3A_289 = arith.mulf %sub3A_288, %sub3A_288 : vector<16xf32>
      %slice3A_290 = vector.extract_strided_slice %get3A_63 {offsets = [12], sizes = [1], strides = [1]} : vector<16xf32> to vector<1xf32>
      %squeeze3A_291 = vector.extract %slice3A_290[0] : f32 from vector<1xf32>
      %mul3A_292 = vector.broadcast %squeeze3A_291 : f32 to vector<16xf32>
      %mul3A_293 = arith.mulf %mul3A_289, %mul3A_292 : vector<16xf32>
      %exp3A_294 = math.exp %mul3A_293 : vector<16xf32>
      %swap3A_295 = arith.constant 224 : index
      %swap3A_296 = tpu.vector_load %arg11[%swap3A_295] {strides = array<i32>} : memref<256xf32, #tpu.memory_space<vmem>>, vector<16xf32>,
      %swap3A_297 = vector.shape_cast %swap3A_296 : vector<16xf32> to vector<16xf32>
      %swap3A_298 = vector.shape_cast %exp3A_294 : vector<16xf32> to vector<16xf32>
      tpu.vector_store %arg11[%swap3A_295], %swap3A_298 {strides = array<i32>} : memref<256xf32, #tpu.memory_space<vmem>>, vector<16xf32>,
      %scan3A_299 = arith.constant 0 : i32
      %scan3A_300 = arith.constant 0 : i32
      %scan3A_301 = arith.constant 40 : i32
      %scan3A_302 = arith.addi %scan3A_300, %scan3A_301 : i32
      %scan3A_303 = arith.constant 1 : i32
      scf.for %scan3A_305 = %scan3A_300 to %scan3A_302 step %scan3A_303  : i32 {
        %get3A_306 = arith.index_cast %scan3A_305 : i32 to index
        %get3A_307 = tpu.vector_load %arg11[%get3A_306] {strides = array<i32>} : memref<256xf32, #tpu.memory_space<vmem>>, vector<16xf32>,
        %get3A_308 = vector.shape_cast %get3A_307 : vector<16xf32> to vector<16xf32>
        %slice3A_309 = vector.extract_strided_slice %get3A_308 {offsets = [0], sizes = [1], strides = [1]} : vector<16xf32> to vector<1xf32>
        %squeeze3A_310 = vector.extract %slice3A_309[0] : f32 from vector<1xf32>
        %add3A_311 = arith.constant 48 : i32
        %add3A_312 = arith.addi %add3A_311, %scan3A_305 : i32
        %get3A_313 = arith.index_cast %add3A_312 : i32 to index
        %get3A_314 = tpu.vector_load %arg11[%get3A_313] {strides = array<i32>} : memref<256xf32, #tpu.memory_space<vmem>>, vector<16xf32>,
        %get3A_315 = vector.shape_cast %get3A_314 : vector<16xf32> to vector<16xf32>
        %slice3A_316 = vector.extract_strided_slice %get3A_315 {offsets = [0], sizes = [1], strides = [1]} : vector<16xf32> to vector<1xf32>
        %squeeze3A_317 = vector.extract %slice3A_316[0] : f32 from vector<1xf32>
        %add3A_318 = arith.constant 96 : i32
        %add3A_319 = arith.addi %add3A_318, %scan3A_305 : i32
        %get3A_320 = arith.index_cast %add3A_319 : i32 to index
        %get3A_321 = tpu.vector_load %arg11[%get3A_320] {strides = array<i32>} : memref<256xf32, #tpu.memory_space<vmem>>, vector<16xf32>,
        %get3A_322 = vector.shape_cast %get3A_321 : vector<16xf32> to vector<16xf32>
        %slice3A_323 = vector.extract_strided_slice %get3A_322 {offsets = [0], sizes = [1], strides = [1]} : vector<16xf32> to vector<1xf32>
        %squeeze3A_324 = vector.extract %slice3A_323[0] : f32 from vector<1xf32>
        %add3A_325 = arith.constant 144 : i32
        %add3A_326 = arith.addi %add3A_325, %scan3A_305 : i32
        %get3A_327 = arith.index_cast %add3A_326 : i32 to index
        %get3A_328 = tpu.vector_load %arg11[%get3A_327] {strides = array<i32>} : memref<256xf32, #tpu.memory_space<vmem>>, vector<16xf32>,
        %get3A_329 = vector.shape_cast %get3A_328 : vector<16xf32> to vector<16xf32>
        %slice3A_330 = vector.extract_strided_slice %get3A_329 {offsets = [0], sizes = [1], strides = [1]} : vector<16xf32> to vector<1xf32>
        %squeeze3A_331 = vector.extract %slice3A_330[0] : f32 from vector<1xf32>
        %add3A_332 = arith.constant 192 : i32
        %add3A_333 = arith.addi %add3A_332, %scan3A_305 : i32
        %get3A_334 = arith.index_cast %add3A_333 : i32 to index
        %get3A_335 = tpu.vector_load %arg11[%get3A_334] {strides = array<i32>} : memref<256xf32, #tpu.memory_space<vmem>>, vector<16xf32>,
        %get3A_336 = vector.shape_cast %get3A_335 : vector<16xf32> to vector<16xf32>
        %slice3A_337 = vector.extract_strided_slice %get3A_336 {offsets = [0], sizes = [1], strides = [1]} : vector<16xf32> to vector<1xf32>
        %squeeze3A_338 = vector.extract %slice3A_337[0] : f32 from vector<1xf32>
        %get3A_339 = arith.index_cast %scan3A_305 : i32 to index
        %get3A_340 = arith.constant 0 : index
        %get3A_341 = tpu.vector_load %arg9[%get3A_339, %get3A_340] {strides = array<i32>} : memref<40x640xf32, #tpu.memory_space<vmem>>, vector<1x16xf32>,
        %get3A_342 = vector.shape_cast %get3A_341 : vector<1x16xf32> to vector<16xf32>
        %mul3A_343 = vector.broadcast %squeeze3A_310 : f32 to vector<16xf32>
        %mul3A_344 = arith.mulf %get3A_342, %mul3A_343 : vector<16xf32>
        %get3A_345 = arith.index_cast %scan3A_305 : i32 to index
        %get3A_346 = arith.constant 128 : index
        %get3A_347 = tpu.vector_load %arg9[%get3A_345, %get3A_346] {strides = array<i32>} : memref<40x640xf32, #tpu.memory_space<vmem>>, vector<1x16xf32>,
        %get3A_348 = vector.shape_cast %get3A_347 : vector<1x16xf32> to vector<16xf32>
        %mul3A_349 = vector.broadcast %squeeze3A_317 : f32 to vector<16xf32>
        %mul3A_350 = arith.mulf %get3A_348, %mul3A_349 : vector<16xf32>
        %add3A_351 = arith.addf %mul3A_344, %mul3A_350 : vector<16xf32>
        %get3A_352 = arith.index_cast %scan3A_305 : i32 to index
        %get3A_353 = arith.constant 256 : index
        %get3A_354 = tpu.vector_load %arg9[%get3A_352, %get3A_353] {strides = array<i32>} : memref<40x640xf32, #tpu.memory_space<vmem>>, vector<1x16xf32>,
        %get3A_355 = vector.shape_cast %get3A_354 : vector<1x16xf32> to vector<16xf32>
        %mul3A_356 = vector.broadcast %squeeze3A_324 : f32 to vector<16xf32>
        %mul3A_357 = arith.mulf %get3A_355, %mul3A_356 : vector<16xf32>
        %add3A_358 = arith.addf %add3A_351, %mul3A_357 : vector<16xf32>
        %get3A_359 = arith.index_cast %scan3A_305 : i32 to index
        %get3A_360 = arith.constant 384 : index
        %get3A_361 = tpu.vector_load %arg9[%get3A_359, %get3A_360] {strides = array<i32>} : memref<40x640xf32, #tpu.memory_space<vmem>>, vector<1x16xf32>,
        %get3A_362 = vector.shape_cast %get3A_361 : vector<1x16xf32> to vector<16xf32>
        %mul3A_363 = vector.broadcast %squeeze3A_331 : f32 to vector<16xf32>
        %mul3A_364 = arith.mulf %get3A_362, %mul3A_363 : vector<16xf32>
        %add3A_365 = arith.addf %add3A_358, %mul3A_364 : vector<16xf32>
        %get3A_366 = arith.index_cast %scan3A_305 : i32 to index
        %get3A_367 = arith.constant 512 : index
        %get3A_368 = tpu.vector_load %arg9[%get3A_366, %get3A_367] {strides = array<i32>} : memref<40x640xf32, #tpu.memory_space<vmem>>, vector<1x16xf32>,
        %get3A_369 = vector.shape_cast %get3A_368 : vector<1x16xf32> to vector<16xf32>
        %mul3A_370 = vector.broadcast %squeeze3A_338 : f32 to vector<16xf32>
        %mul3A_371 = arith.mulf %get3A_369, %mul3A_370 : vector<16xf32>
        %add3A_372 = arith.addf %add3A_365, %mul3A_371 : vector<16xf32>
        %swap3A_373 = arith.index_cast %scan3A_305 : i32 to index
        %swap3A_374 = arith.constant 0 : index
        %swap3A_375 = tpu.vector_load %arg10[%swap3A_373, %swap3A_374] {strides = array<i32>} : memref<40x128xf32, #tpu.memory_space<vmem>>, vector<1x16xf32>,
        %swap3A_376 = vector.shape_cast %swap3A_375 : vector<1x16xf32> to vector<16xf32>
        %swap3A_377 = vector.shape_cast %add3A_372 : vector<16xf32> to vector<1x16xf32>
        tpu.vector_store %arg10[%swap3A_373, %swap3A_374], %swap3A_377 {strides = array<i32>} : memref<40x128xf32, #tpu.memory_space<vmem>>, vector<1x16xf32>,
        %get3A_378 = arith.index_cast %scan3A_305 : i32 to index
        %get3A_379 = arith.constant 16 : index
        %get3A_380 = tpu.vector_load %arg9[%get3A_378, %get3A_379] {strides = array<i32>} : memref<40x640xf32, #tpu.memory_space<vmem>>, vector<1x16xf32>,
        %get3A_381 = vector.shape_cast %get3A_380 : vector<1x16xf32> to vector<16xf32>
        %mul3A_382 = vector.broadcast %squeeze3A_310 : f32 to vector<16xf32>
        %mul3A_383 = arith.mulf %get3A_381, %mul3A_382 : vector<16xf32>
        %get3A_384 = arith.index_cast %scan3A_305 : i32 to index
        %get3A_385 = arith.constant 144 : index
        %get3A_386 = tpu.vector_load %arg9[%get3A_384, %get3A_385] {strides = array<i32>} : memref<40x640xf32, #tpu.memory_space<vmem>>, vector<1x16xf32>,
        %get3A_387 = vector.shape_cast %get3A_386 : vector<1x16xf32> to vector<16xf32>
        %mul3A_388 = vector.broadcast %squeeze3A_317 : f32 to vector<16xf32>
        %mul3A_389 = arith.mulf %get3A_387, %mul3A_388 : vector<16xf32>
        %add3A_390 = arith.addf %mul3A_383, %mul3A_389 : vector<16xf32>
        %get3A_391 = arith.index_cast %scan3A_305 : i32 to index
        %get3A_392 = arith.constant 272 : index
        %get3A_393 = tpu.vector_load %arg9[%get3A_391, %get3A_392] {strides = array<i32>} : memref<40x640xf32, #tpu.memory_space<vmem>>, vector<1x16xf32>,
        %get3A_394 = vector.shape_cast %get3A_393 : vector<1x16xf32> to vector<16xf32>
        %mul3A_395 = vector.broadcast %squeeze3A_324 : f32 to vector<16xf32>
        %mul3A_396 = arith.mulf %get3A_394, %mul3A_395 : vector<16xf32>
        %add3A_397 = arith.addf %add3A_390, %mul3A_396 : vector<16xf32>
        %get3A_398 = arith.index_cast %scan3A_305 : i32 to index
        %get3A_399 = arith.constant 400 : index
        %get3A_400 = tpu.vector_load %arg9[%get3A_398, %get3A_399] {strides = array<i32>} : memref<40x640xf32, #tpu.memory_space<vmem>>, vector<1x16xf32>,
        %get3A_401 = vector.shape_cast %get3A_400 : vector<1x16xf32> to vector<16xf32>
        %mul3A_402 = vector.broadcast %squeeze3A_331 : f32 to vector<16xf32>
        %mul3A_403 = arith.mulf %get3A_401, %mul3A_402 : vector<16xf32>
        %add3A_404 = arith.addf %add3A_397, %mul3A_403 : vector<16xf32>
        %get3A_405 = arith.index_cast %scan3A_305 : i32 to index
        %get3A_406 = arith.constant 528 : index
        %get3A_407 = tpu.vector_load %arg9[%get3A_405, %get3A_406] {strides = array<i32>} : memref<40x640xf32, #tpu.memory_space<vmem>>, vector<1x16xf32>,
        %get3A_408 = vector.shape_cast %get3A_407 : vector<1x16xf32> to vector<16xf32>
        %mul3A_409 = vector.broadcast %squeeze3A_338 : f32 to vector<16xf32>
        %mul3A_410 = arith.mulf %get3A_408, %mul3A_409 : vector<16xf32>
        %add3A_411 = arith.addf %add3A_404, %mul3A_410 : vector<16xf32>
        %swap3A_412 = arith.index_cast %scan3A_305 : i32 to index
        %swap3A_413 = arith.constant 16 : index
        %swap3A_414 = tpu.vector_load %arg10[%swap3A_412, %swap3A_413] {strides = array<i32>} : memref<40x128xf32, #tpu.memory_space<vmem>>, vector<1x16xf32>,
        %swap3A_415 = vector.shape_cast %swap3A_414 : vector<1x16xf32> to vector<16xf32>
        %swap3A_416 = vector.shape_cast %add3A_411 : vector<16xf32> to vector<1x16xf32>
        tpu.vector_store %arg10[%swap3A_412, %swap3A_413], %swap3A_416 {strides = array<i32>} : memref<40x128xf32, #tpu.memory_space<vmem>>, vector<1x16xf32>,
        %get3A_417 = arith.index_cast %scan3A_305 : i32 to index
        %get3A_418 = arith.constant 32 : index
        %get3A_419 = tpu.vector_load %arg9[%get3A_417, %get3A_418] {strides = array<i32>} : memref<40x640xf32, #tpu.memory_space<vmem>>, vector<1x16xf32>,
        %get3A_420 = vector.shape_cast %get3A_419 : vector<1x16xf32> to vector<16xf32>
        %mul3A_421 = vector.broadcast %squeeze3A_310 : f32 to vector<16xf32>
        %mul3A_422 = arith.mulf %get3A_420, %mul3A_421 : vector<16xf32>
        %get3A_423 = arith.index_cast %scan3A_305 : i32 to index
        %get3A_424 = arith.constant 160 : index
        %get3A_425 = tpu.vector_load %arg9[%get3A_423, %get3A_424] {strides = array<i32>} : memref<40x640xf32, #tpu.memory_space<vmem>>, vector<1x16xf32>,
        %get3A_426 = vector.shape_cast %get3A_425 : vector<1x16xf32> to vector<16xf32>
        %mul3A_427 = vector.broadcast %squeeze3A_317 : f32 to vector<16xf32>
        %mul3A_428 = arith.mulf %get3A_426, %mul3A_427 : vector<16xf32>
        %add3A_429 = arith.addf %mul3A_422, %mul3A_428 : vector<16xf32>
        %get3A_430 = arith.index_cast %scan3A_305 : i32 to index
        %get3A_431 = arith.constant 288 : index
        %get3A_432 = tpu.vector_load %arg9[%get3A_430, %get3A_431] {strides = array<i32>} : memref<40x640xf32, #tpu.memory_space<vmem>>, vector<1x16xf32>,
        %get3A_433 = vector.shape_cast %get3A_432 : vector<1x16xf32> to vector<16xf32>
        %mul3A_434 = vector.broadcast %squeeze3A_324 : f32 to vector<16xf32>
        %mul3A_435 = arith.mulf %get3A_433, %mul3A_434 : vector<16xf32>
        %add3A_436 = arith.addf %add3A_429, %mul3A_435 : vector<16xf32>
        %get3A_437 = arith.index_cast %scan3A_305 : i32 to index
        %get3A_438 = arith.constant 416 : index
        %get3A_439 = tpu.vector_load %arg9[%get3A_437, %get3A_438] {strides = array<i32>} : memref<40x640xf32, #tpu.memory_space<vmem>>, vector<1x16xf32>,
        %get3A_440 = vector.shape_cast %get3A_439 : vector<1x16xf32> to vector<16xf32>
        %mul3A_441 = vector.broadcast %squeeze3A_331 : f32 to vector<16xf32>
        %mul3A_442 = arith.mulf %get3A_440, %mul3A_441 : vector<16xf32>
        %add3A_443 = arith.addf %add3A_436, %mul3A_442 : vector<16xf32>
        %get3A_444 = arith.index_cast %scan3A_305 : i32 to index
        %get3A_445 = arith.constant 544 : index
        %get3A_446 = tpu.vector_load %arg9[%get3A_444, %get3A_445] {strides = array<i32>} : memref<40x640xf32, #tpu.memory_space<vmem>>, vector<1x16xf32>,
        %get3A_447 = vector.shape_cast %get3A_446 : vector<1x16xf32> to vector<16xf32>
        %mul3A_448 = vector.broadcast %squeeze3A_338 : f32 to vector<16xf32>
        %mul3A_449 = arith.mulf %get3A_447, %mul3A_448 : vector<16xf32>
        %add3A_450 = arith.addf %add3A_443, %mul3A_449 : vector<16xf32>
        %swap3A_451 = arith.index_cast %scan3A_305 : i32 to index
        %swap3A_452 = arith.constant 32 : index
        %swap3A_453 = tpu.vector_load %arg10[%swap3A_451, %swap3A_452] {strides = array<i32>} : memref<40x128xf32, #tpu.memory_space<vmem>>, vector<1x16xf32>,
        %swap3A_454 = vector.shape_cast %swap3A_453 : vector<1x16xf32> to vector<16xf32>
        %swap3A_455 = vector.shape_cast %add3A_450 : vector<16xf32> to vector<1x16xf32>
        tpu.vector_store %arg10[%swap3A_451, %swap3A_452], %swap3A_455 {strides = array<i32>} : memref<40x128xf32, #tpu.memory_space<vmem>>, vector<1x16xf32>,
        %get3A_456 = arith.index_cast %scan3A_305 : i32 to index
        %get3A_457 = arith.constant 48 : index
        %get3A_458 = tpu.vector_load %arg9[%get3A_456, %get3A_457] {strides = array<i32>} : memref<40x640xf32, #tpu.memory_space<vmem>>, vector<1x16xf32>,
        %get3A_459 = vector.shape_cast %get3A_458 : vector<1x16xf32> to vector<16xf32>
        %mul3A_460 = vector.broadcast %squeeze3A_310 : f32 to vector<16xf32>
        %mul3A_461 = arith.mulf %get3A_459, %mul3A_460 : vector<16xf32>
        %get3A_462 = arith.index_cast %scan3A_305 : i32 to index
        %get3A_463 = arith.constant 176 : index
        %get3A_464 = tpu.vector_load %arg9[%get3A_462, %get3A_463] {strides = array<i32>} : memref<40x640xf32, #tpu.memory_space<vmem>>, vector<1x16xf32>,
        %get3A_465 = vector.shape_cast %get3A_464 : vector<1x16xf32> to vector<16xf32>
        %mul3A_466 = vector.broadcast %squeeze3A_317 : f32 to vector<16xf32>
        %mul3A_467 = arith.mulf %get3A_465, %mul3A_466 : vector<16xf32>
        %add3A_468 = arith.addf %mul3A_461, %mul3A_467 : vector<16xf32>
        %get3A_469 = arith.index_cast %scan3A_305 : i32 to index
        %get3A_470 = arith.constant 304 : index
        %get3A_471 = tpu.vector_load %arg9[%get3A_469, %get3A_470] {strides = array<i32>} : memref<40x640xf32, #tpu.memory_space<vmem>>, vector<1x16xf32>,
        %get3A_472 = vector.shape_cast %get3A_471 : vector<1x16xf32> to vector<16xf32>
        %mul3A_473 = vector.broadcast %squeeze3A_324 : f32 to vector<16xf32>
        %mul3A_474 = arith.mulf %get3A_472, %mul3A_473 : vector<16xf32>
        %add3A_475 = arith.addf %add3A_468, %mul3A_474 : vector<16xf32>
        %get3A_476 = arith.index_cast %scan3A_305 : i32 to index
        %get3A_477 = arith.constant 432 : index
        %get3A_478 = tpu.vector_load %arg9[%get3A_476, %get3A_477] {strides = array<i32>} : memref<40x640xf32, #tpu.memory_space<vmem>>, vector<1x16xf32>,
        %get3A_479 = vector.shape_cast %get3A_478 : vector<1x16xf32> to vector<16xf32>
        %mul3A_480 = vector.broadcast %squeeze3A_331 : f32 to vector<16xf32>
        %mul3A_481 = arith.mulf %get3A_479, %mul3A_480 : vector<16xf32>
        %add3A_482 = arith.addf %add3A_475, %mul3A_481 : vector<16xf32>
        %get3A_483 = arith.index_cast %scan3A_305 : i32 to index
        %get3A_484 = arith.constant 560 : index
        %get3A_485 = tpu.vector_load %arg9[%get3A_483, %get3A_484] {strides = array<i32>} : memref<40x640xf32, #tpu.memory_space<vmem>>, vector<1x16xf32>,
        %get3A_486 = vector.shape_cast %get3A_485 : vector<1x16xf32> to vector<16xf32>
        %mul3A_487 = vector.broadcast %squeeze3A_338 : f32 to vector<16xf32>
        %mul3A_488 = arith.mulf %get3A_486, %mul3A_487 : vector<16xf32>
        %add3A_489 = arith.addf %add3A_482, %mul3A_488 : vector<16xf32>
        %swap3A_490 = arith.index_cast %scan3A_305 : i32 to index
        %swap3A_491 = arith.constant 48 : index
        %swap3A_492 = tpu.vector_load %arg10[%swap3A_490, %swap3A_491] {strides = array<i32>} : memref<40x128xf32, #tpu.memory_space<vmem>>, vector<1x16xf32>,
        %swap3A_493 = vector.shape_cast %swap3A_492 : vector<1x16xf32> to vector<16xf32>
        %swap3A_494 = vector.shape_cast %add3A_489 : vector<16xf32> to vector<1x16xf32>
        tpu.vector_store %arg10[%swap3A_490, %swap3A_491], %swap3A_494 {strides = array<i32>} : memref<40x128xf32, #tpu.memory_space<vmem>>, vector<1x16xf32>,
        %get3A_495 = arith.index_cast %scan3A_305 : i32 to index
        %get3A_496 = arith.constant 64 : index
        %get3A_497 = tpu.vector_load %arg9[%get3A_495, %get3A_496] {strides = array<i32>} : memref<40x640xf32, #tpu.memory_space<vmem>>, vector<1x16xf32>,
        %get3A_498 = vector.shape_cast %get3A_497 : vector<1x16xf32> to vector<16xf32>
        %mul3A_499 = vector.broadcast %squeeze3A_310 : f32 to vector<16xf32>
        %mul3A_500 = arith.mulf %get3A_498, %mul3A_499 : vector<16xf32>
        %get3A_501 = arith.index_cast %scan3A_305 : i32 to index
        %get3A_502 = arith.constant 192 : index
        %get3A_503 = tpu.vector_load %arg9[%get3A_501, %get3A_502] {strides = array<i32>} : memref<40x640xf32, #tpu.memory_space<vmem>>, vector<1x16xf32>,
        %get3A_504 = vector.shape_cast %get3A_503 : vector<1x16xf32> to vector<16xf32>
        %mul3A_505 = vector.broadcast %squeeze3A_317 : f32 to vector<16xf32>
        %mul3A_506 = arith.mulf %get3A_504, %mul3A_505 : vector<16xf32>
        %add3A_507 = arith.addf %mul3A_500, %mul3A_506 : vector<16xf32>
        %get3A_508 = arith.index_cast %scan3A_305 : i32 to index
        %get3A_509 = arith.constant 320 : index
        %get3A_510 = tpu.vector_load %arg9[%get3A_508, %get3A_509] {strides = array<i32>} : memref<40x640xf32, #tpu.memory_space<vmem>>, vector<1x16xf32>,
        %get3A_511 = vector.shape_cast %get3A_510 : vector<1x16xf32> to vector<16xf32>
        %mul3A_512 = vector.broadcast %squeeze3A_324 : f32 to vector<16xf32>
        %mul3A_513 = arith.mulf %get3A_511, %mul3A_512 : vector<16xf32>
        %add3A_514 = arith.addf %add3A_507, %mul3A_513 : vector<16xf32>
        %get3A_515 = arith.index_cast %scan3A_305 : i32 to index
        %get3A_516 = arith.constant 448 : index
        %get3A_517 = tpu.vector_load %arg9[%get3A_515, %get3A_516] {strides = array<i32>} : memref<40x640xf32, #tpu.memory_space<vmem>>, vector<1x16xf32>,
        %get3A_518 = vector.shape_cast %get3A_517 : vector<1x16xf32> to vector<16xf32>
        %mul3A_519 = vector.broadcast %squeeze3A_331 : f32 to vector<16xf32>
        %mul3A_520 = arith.mulf %get3A_518, %mul3A_519 : vector<16xf32>
        %add3A_521 = arith.addf %add3A_514, %mul3A_520 : vector<16xf32>
        %get3A_522 = arith.index_cast %scan3A_305 : i32 to index
        %get3A_523 = arith.constant 576 : index
        %get3A_524 = tpu.vector_load %arg9[%get3A_522, %get3A_523] {strides = array<i32>} : memref<40x640xf32, #tpu.memory_space<vmem>>, vector<1x16xf32>,
        %get3A_525 = vector.shape_cast %get3A_524 : vector<1x16xf32> to vector<16xf32>
        %mul3A_526 = vector.broadcast %squeeze3A_338 : f32 to vector<16xf32>
        %mul3A_527 = arith.mulf %get3A_525, %mul3A_526 : vector<16xf32>
        %add3A_528 = arith.addf %add3A_521, %mul3A_527 : vector<16xf32>
        %swap3A_529 = arith.index_cast %scan3A_305 : i32 to index
        %swap3A_530 = arith.constant 64 : index
        %swap3A_531 = tpu.vector_load %arg10[%swap3A_529, %swap3A_530] {strides = array<i32>} : memref<40x128xf32, #tpu.memory_space<vmem>>, vector<1x16xf32>,
        %swap3A_532 = vector.shape_cast %swap3A_531 : vector<1x16xf32> to vector<16xf32>
        %swap3A_533 = vector.shape_cast %add3A_528 : vector<16xf32> to vector<1x16xf32>
        tpu.vector_store %arg10[%swap3A_529, %swap3A_530], %swap3A_533 {strides = array<i32>} : memref<40x128xf32, #tpu.memory_space<vmem>>, vector<1x16xf32>,
        %get3A_534 = arith.index_cast %scan3A_305 : i32 to index
        %get3A_535 = arith.constant 80 : index
        %get3A_536 = tpu.vector_load %arg9[%get3A_534, %get3A_535] {strides = array<i32>} : memref<40x640xf32, #tpu.memory_space<vmem>>, vector<1x16xf32>,
        %get3A_537 = vector.shape_cast %get3A_536 : vector<1x16xf32> to vector<16xf32>
        %mul3A_538 = vector.broadcast %squeeze3A_310 : f32 to vector<16xf32>
        %mul3A_539 = arith.mulf %get3A_537, %mul3A_538 : vector<16xf32>
        %get3A_540 = arith.index_cast %scan3A_305 : i32 to index
        %get3A_541 = arith.constant 208 : index
        %get3A_542 = tpu.vector_load %arg9[%get3A_540, %get3A_541] {strides = array<i32>} : memref<40x640xf32, #tpu.memory_space<vmem>>, vector<1x16xf32>,
        %get3A_543 = vector.shape_cast %get3A_542 : vector<1x16xf32> to vector<16xf32>
        %mul3A_544 = vector.broadcast %squeeze3A_317 : f32 to vector<16xf32>
        %mul3A_545 = arith.mulf %get3A_543, %mul3A_544 : vector<16xf32>
        %add3A_546 = arith.addf %mul3A_539, %mul3A_545 : vector<16xf32>
        %get3A_547 = arith.index_cast %scan3A_305 : i32 to index
        %get3A_548 = arith.constant 336 : index
        %get3A_549 = tpu.vector_load %arg9[%get3A_547, %get3A_548] {strides = array<i32>} : memref<40x640xf32, #tpu.memory_space<vmem>>, vector<1x16xf32>,
        %get3A_550 = vector.shape_cast %get3A_549 : vector<1x16xf32> to vector<16xf32>
        %mul3A_551 = vector.broadcast %squeeze3A_324 : f32 to vector<16xf32>
        %mul3A_552 = arith.mulf %get3A_550, %mul3A_551 : vector<16xf32>
        %add3A_553 = arith.addf %add3A_546, %mul3A_552 : vector<16xf32>
        %get3A_554 = arith.index_cast %scan3A_305 : i32 to index
        %get3A_555 = arith.constant 464 : index
        %get3A_556 = tpu.vector_load %arg9[%get3A_554, %get3A_555] {strides = array<i32>} : memref<40x640xf32, #tpu.memory_space<vmem>>, vector<1x16xf32>,
        %get3A_557 = vector.shape_cast %get3A_556 : vector<1x16xf32> to vector<16xf32>
        %mul3A_558 = vector.broadcast %squeeze3A_331 : f32 to vector<16xf32>
        %mul3A_559 = arith.mulf %get3A_557, %mul3A_558 : vector<16xf32>
        %add3A_560 = arith.addf %add3A_553, %mul3A_559 : vector<16xf32>
        %get3A_561 = arith.index_cast %scan3A_305 : i32 to index
        %get3A_562 = arith.constant 592 : index
        %get3A_563 = tpu.vector_load %arg9[%get3A_561, %get3A_562] {strides = array<i32>} : memref<40x640xf32, #tpu.memory_space<vmem>>, vector<1x16xf32>,
        %get3A_564 = vector.shape_cast %get3A_563 : vector<1x16xf32> to vector<16xf32>
        %mul3A_565 = vector.broadcast %squeeze3A_338 : f32 to vector<16xf32>
        %mul3A_566 = arith.mulf %get3A_564, %mul3A_565 : vector<16xf32>
        %add3A_567 = arith.addf %add3A_560, %mul3A_566 : vector<16xf32>
        %swap3A_568 = arith.index_cast %scan3A_305 : i32 to index
        %swap3A_569 = arith.constant 80 : index
        %swap3A_570 = tpu.vector_load %arg10[%swap3A_568, %swap3A_569] {strides = array<i32>} : memref<40x128xf32, #tpu.memory_space<vmem>>, vector<1x16xf32>,
        %swap3A_571 = vector.shape_cast %swap3A_570 : vector<1x16xf32> to vector<16xf32>
        %swap3A_572 = vector.shape_cast %add3A_567 : vector<16xf32> to vector<1x16xf32>
        tpu.vector_store %arg10[%swap3A_568, %swap3A_569], %swap3A_572 {strides = array<i32>} : memref<40x128xf32, #tpu.memory_space<vmem>>, vector<1x16xf32>,
        %get3A_573 = arith.index_cast %scan3A_305 : i32 to index
        %get3A_574 = arith.constant 96 : index
        %get3A_575 = tpu.vector_load %arg9[%get3A_573, %get3A_574] {strides = array<i32>} : memref<40x640xf32, #tpu.memory_space<vmem>>, vector<1x16xf32>,
        %get3A_576 = vector.shape_cast %get3A_575 : vector<1x16xf32> to vector<16xf32>
        %mul3A_577 = vector.broadcast %squeeze3A_310 : f32 to vector<16xf32>
        %mul3A_578 = arith.mulf %get3A_576, %mul3A_577 : vector<16xf32>
        %get3A_579 = arith.index_cast %scan3A_305 : i32 to index
        %get3A_580 = arith.constant 224 : index
        %get3A_581 = tpu.vector_load %arg9[%get3A_579, %get3A_580] {strides = array<i32>} : memref<40x640xf32, #tpu.memory_space<vmem>>, vector<1x16xf32>,
        %get3A_582 = vector.shape_cast %get3A_581 : vector<1x16xf32> to vector<16xf32>
        %mul3A_583 = vector.broadcast %squeeze3A_317 : f32 to vector<16xf32>
        %mul3A_584 = arith.mulf %get3A_582, %mul3A_583 : vector<16xf32>
        %add3A_585 = arith.addf %mul3A_578, %mul3A_584 : vector<16xf32>
        %get3A_586 = arith.index_cast %scan3A_305 : i32 to index
        %get3A_587 = arith.constant 352 : index
        %get3A_588 = tpu.vector_load %arg9[%get3A_586, %get3A_587] {strides = array<i32>} : memref<40x640xf32, #tpu.memory_space<vmem>>, vector<1x16xf32>,
        %get3A_589 = vector.shape_cast %get3A_588 : vector<1x16xf32> to vector<16xf32>
        %mul3A_590 = vector.broadcast %squeeze3A_324 : f32 to vector<16xf32>
        %mul3A_591 = arith.mulf %get3A_589, %mul3A_590 : vector<16xf32>
        %add3A_592 = arith.addf %add3A_585, %mul3A_591 : vector<16xf32>
        %get3A_593 = arith.index_cast %scan3A_305 : i32 to index
        %get3A_594 = arith.constant 480 : index
        %get3A_595 = tpu.vector_load %arg9[%get3A_593, %get3A_594] {strides = array<i32>} : memref<40x640xf32, #tpu.memory_space<vmem>>, vector<1x16xf32>,
        %get3A_596 = vector.shape_cast %get3A_595 : vector<1x16xf32> to vector<16xf32>
        %mul3A_597 = vector.broadcast %squeeze3A_331 : f32 to vector<16xf32>
        %mul3A_598 = arith.mulf %get3A_596, %mul3A_597 : vector<16xf32>
        %add3A_599 = arith.addf %add3A_592, %mul3A_598 : vector<16xf32>
        %get3A_600 = arith.index_cast %scan3A_305 : i32 to index
        %get3A_601 = arith.constant 608 : index
        %get3A_602 = tpu.vector_load %arg9[%get3A_600, %get3A_601] {strides = array<i32>} : memref<40x640xf32, #tpu.memory_space<vmem>>, vector<1x16xf32>,
        %get3A_603 = vector.shape_cast %get3A_602 : vector<1x16xf32> to vector<16xf32>
        %mul3A_604 = vector.broadcast %squeeze3A_338 : f32 to vector<16xf32>
        %mul3A_605 = arith.mulf %get3A_603, %mul3A_604 : vector<16xf32>
        %add3A_606 = arith.addf %add3A_599, %mul3A_605 : vector<16xf32>
        %swap3A_607 = arith.index_cast %scan3A_305 : i32 to index
        %swap3A_608 = arith.constant 96 : index
        %swap3A_609 = tpu.vector_load %arg10[%swap3A_607, %swap3A_608] {strides = array<i32>} : memref<40x128xf32, #tpu.memory_space<vmem>>, vector<1x16xf32>,
        %swap3A_610 = vector.shape_cast %swap3A_609 : vector<1x16xf32> to vector<16xf32>
        %swap3A_611 = vector.shape_cast %add3A_606 : vector<16xf32> to vector<1x16xf32>
        tpu.vector_store %arg10[%swap3A_607, %swap3A_608], %swap3A_611 {strides = array<i32>} : memref<40x128xf32, #tpu.memory_space<vmem>>, vector<1x16xf32>,
        %get3A_612 = arith.index_cast %scan3A_305 : i32 to index
        %get3A_613 = arith.constant 112 : index
        %get3A_614 = tpu.vector_load %arg9[%get3A_612, %get3A_613] {strides = array<i32>} : memref<40x640xf32, #tpu.memory_space<vmem>>, vector<1x16xf32>,
        %get3A_615 = vector.shape_cast %get3A_614 : vector<1x16xf32> to vector<16xf32>
        %mul3A_616 = vector.broadcast %squeeze3A_310 : f32 to vector<16xf32>
        %mul3A_617 = arith.mulf %get3A_615, %mul3A_616 : vector<16xf32>
        %get3A_618 = arith.index_cast %scan3A_305 : i32 to index
        %get3A_619 = arith.constant 240 : index
        %get3A_620 = tpu.vector_load %arg9[%get3A_618, %get3A_619] {strides = array<i32>} : memref<40x640xf32, #tpu.memory_space<vmem>>, vector<1x16xf32>,
        %get3A_621 = vector.shape_cast %get3A_620 : vector<1x16xf32> to vector<16xf32>
        %mul3A_622 = vector.broadcast %squeeze3A_317 : f32 to vector<16xf32>
        %mul3A_623 = arith.mulf %get3A_621, %mul3A_622 : vector<16xf32>
        %add3A_624 = arith.addf %mul3A_617, %mul3A_623 : vector<16xf32>
        %get3A_625 = arith.index_cast %scan3A_305 : i32 to index
        %get3A_626 = arith.constant 368 : index
        %get3A_627 = tpu.vector_load %arg9[%get3A_625, %get3A_626] {strides = array<i32>} : memref<40x640xf32, #tpu.memory_space<vmem>>, vector<1x16xf32>,
        %get3A_628 = vector.shape_cast %get3A_627 : vector<1x16xf32> to vector<16xf32>
        %mul3A_629 = vector.broadcast %squeeze3A_324 : f32 to vector<16xf32>
        %mul3A_630 = arith.mulf %get3A_628, %mul3A_629 : vector<16xf32>
        %add3A_631 = arith.addf %add3A_624, %mul3A_630 : vector<16xf32>
        %get3A_632 = arith.index_cast %scan3A_305 : i32 to index
        %get3A_633 = arith.constant 496 : index
        %get3A_634 = tpu.vector_load %arg9[%get3A_632, %get3A_633] {strides = array<i32>} : memref<40x640xf32, #tpu.memory_space<vmem>>, vector<1x16xf32>,
        %get3A_635 = vector.shape_cast %get3A_634 : vector<1x16xf32> to vector<16xf32>
        %mul3A_636 = vector.broadcast %squeeze3A_331 : f32 to vector<16xf32>
        %mul3A_637 = arith.mulf %get3A_635, %mul3A_636 : vector<16xf32>
        %add3A_638 = arith.addf %add3A_631, %mul3A_637 : vector<16xf32>
        %get3A_639 = arith.index_cast %scan3A_305 : i32 to index
        %get3A_640 = arith.constant 624 : index
        %get3A_641 = tpu.vector_load %arg9[%get3A_639, %get3A_640] {strides = array<i32>} : memref<40x640xf32, #tpu.memory_space<vmem>>, vector<1x16xf32>,
        %get3A_642 = vector.shape_cast %get3A_641 : vector<1x16xf32> to vector<16xf32>
        %mul3A_643 = vector.broadcast %squeeze3A_338 : f32 to vector<16xf32>
        %mul3A_644 = arith.mulf %get3A_642, %mul3A_643 : vector<16xf32>
        %add3A_645 = arith.addf %add3A_638, %mul3A_644 : vector<16xf32>
        %swap3A_646 = arith.index_cast %scan3A_305 : i32 to index
        %swap3A_647 = arith.constant 112 : index
        %swap3A_648 = tpu.vector_load %arg10[%swap3A_646, %swap3A_647] {strides = array<i32>} : memref<40x128xf32, #tpu.memory_space<vmem>>, vector<1x16xf32>,
        %swap3A_649 = vector.shape_cast %swap3A_648 : vector<1x16xf32> to vector<16xf32>
        %swap3A_650 = vector.shape_cast %add3A_645 : vector<16xf32> to vector<1x16xf32>
        tpu.vector_store %arg10[%swap3A_646, %swap3A_647], %swap3A_650 {strides = array<i32>} : memref<40x128xf32, #tpu.memory_space<vmem>>, vector<1x16xf32>,
      }
      %scan3A_304 = arith.constant 40 : i32
      "tpu.region"() ({
        %run_scoped3A = tpu.sem_alloc : memref<!tpu.dma_semaphore, #tpu.memory_space<semaphore_mem>>
        %dma_start3A_305 = arith.constant 0 : i32
        %dma_start3A_306 = arith.constant 0 : i32
        %dma_start3A_307 = tpu.memref_slice %arg8[%dma_start3A_305, %dma_start3A_306] : memref<10000x128xf32, #tpu.memory_space<vmem_shared>> -> memref<10000x128xf32, #tpu.memory_space<vmem_shared>>
        tpu.enqueue_indirect_dma source(%arg10 : memref<40x128xf32, #tpu.memory_space<vmem>>) target(%dma_start3A_307 : memref<10000x128xf32, #tpu.memory_space<vmem_shared>>) offsets(%arg14 : memref<40xi32, #tpu.memory_space<vmem>>) semaphore(%run_scoped3A : memref<!tpu.dma_semaphore, #tpu.memory_space<semaphore_mem>>) {add = true}
        %dma_wait3A_308 = arith.constant 0 : i32
        %dma_wait3A_309 = arith.constant 0 : i32
        %dma_wait3A_310 = tpu.memref_slice %arg8[%dma_wait3A_308, %dma_wait3A_309] : memref<10000x128xf32, #tpu.memory_space<vmem_shared>> -> memref<10000x128xf32, #tpu.memory_space<vmem_shared>>
        tpu.wait_indirect_dma semaphore(%run_scoped3A : memref<!tpu.dma_semaphore, #tpu.memory_space<semaphore_mem>>) src(%arg10 : memref<40x128xf32, #tpu.memory_space<vmem>>) dst(%dma_wait3A_310 : memref<10000x128xf32, #tpu.memory_space<vmem_shared>>)
        tpu.yield
      }) : () -> ()
    }
    %scan3A_69 = arith.constant 250 : i32
    %barrier3A_70 = arith.constant 0 : index
    tpu.barrier barrier_id(%barrier3A_70)
    "tpu.region"() ({
      %run_scoped3A = tpu.sem_alloc : memref<!tpu.dma_semaphore, #tpu.memory_space<semaphore_mem>>
      %dma_start3A = arith.constant 0 : i32
      %dma_start3A_76 = tpu.memref_slice %arg7[%arg0, %mul3A_25, %dma_start3A] : memref<2x10000x128xf32, #tpu.memory_space<hbm>> -> memref<1x624x128xf32, #tpu.memory_space<hbm>>
      %dma_start3A_77 = tpu.memref_squeeze %dma_start3A_76 : memref<1x624x128xf32, #tpu.memory_space<hbm>> -> memref<624x128xf32, #tpu.memory_space<hbm>>
      %dma_start3A_78 = arith.constant 0 : i32
      %dma_start3A_79 = tpu.memref_slice %arg8[%mul3A_25, %dma_start3A_78] : memref<10000x128xf32, #tpu.memory_space<vmem_shared>> -> memref<624x128xf32, #tpu.memory_space<vmem_shared>>
      tpu.enqueue_dma source(%dma_start3A_79 : memref<624x128xf32, #tpu.memory_space<vmem_shared>>) target(%dma_start3A_77 : memref<624x128xf32, #tpu.memory_space<hbm>>) target_semaphore(%run_scoped3A : memref<!tpu.dma_semaphore, #tpu.memory_space<semaphore_mem>>)
      %dma_wait3A = arith.constant 0 : i32
      %dma_wait3A_80 = tpu.memref_slice %arg7[%arg0, %mul3A_25, %dma_wait3A] : memref<2x10000x128xf32, #tpu.memory_space<hbm>> -> memref<1x624x128xf32, #tpu.memory_space<hbm>>
      %dma_wait3A_81 = tpu.memref_squeeze %dma_wait3A_80 : memref<1x624x128xf32, #tpu.memory_space<hbm>> -> memref<624x128xf32, #tpu.memory_space<hbm>>
      %dma_wait3A_82 = arith.constant 0 : i32
      %dma_wait3A_83 = tpu.memref_slice %arg8[%mul3A_25, %dma_wait3A_82] : memref<10000x128xf32, #tpu.memory_space<vmem_shared>> -> memref<624x128xf32, #tpu.memory_space<vmem_shared>>
      tpu.wait_dma2 semaphore(%run_scoped3A : memref<!tpu.dma_semaphore, #tpu.memory_space<semaphore_mem>>) src(%dma_wait3A_83 : memref<624x128xf32, #tpu.memory_space<vmem_shared>>) dst(%dma_wait3A_81 : memref<624x128xf32, #tpu.memory_space<hbm>>)
      tpu.yield
    }) : () -> ()
    %eq3A_71 = arith.constant 15 : i32
    %eq3A_72 = arith.cmpi eq, %arg1, %eq3A_71 : i32
    %convert_element_type3A_73 = arith.extui %eq3A_72 : i1 to i32
    %cond3A_74 = arith.constant 0 : i32
    %cond3A_75 = arith.cmpi ne, %convert_element_type3A_73, %cond3A_74 : i32
    scf.if %cond3A_75 {
      "tpu.region"() ({
        %run_scoped3A = tpu.sem_alloc : memref<!tpu.dma_semaphore, #tpu.memory_space<semaphore_mem>>
        %dma_start3A = arith.constant 9984 : i32
        %dma_start3A_76 = arith.constant 0 : i32
        %dma_start3A_77 = tpu.memref_slice %arg7[%arg0, %dma_start3A, %dma_start3A_76] : memref<2x10000x128xf32, #tpu.memory_space<hbm>> -> memref<1x16x128xf32, #tpu.memory_space<hbm>>
        %dma_start3A_78 = tpu.memref_squeeze %dma_start3A_77 : memref<1x16x128xf32, #tpu.memory_space<hbm>> -> memref<16x128xf32, #tpu.memory_space<hbm>>
        %dma_start3A_79 = arith.constant 9984 : i32
        %dma_start3A_80 = arith.constant 0 : i32
        %dma_start3A_81 = tpu.memref_slice %arg8[%dma_start3A_79, %dma_start3A_80] : memref<10000x128xf32, #tpu.memory_space<vmem_shared>> -> memref<16x128xf32, #tpu.memory_space<vmem_shared>>
        tpu.enqueue_dma source(%dma_start3A_81 : memref<16x128xf32, #tpu.memory_space<vmem_shared>>) target(%dma_start3A_78 : memref<16x128xf32, #tpu.memory_space<hbm>>) target_semaphore(%run_scoped3A : memref<!tpu.dma_semaphore, #tpu.memory_space<semaphore_mem>>)
        %dma_wait3A = arith.constant 9984 : i32
        %dma_wait3A_82 = arith.constant 0 : i32
        %dma_wait3A_83 = tpu.memref_slice %arg7[%arg0, %dma_wait3A, %dma_wait3A_82] : memref<2x10000x128xf32, #tpu.memory_space<hbm>> -> memref<1x16x128xf32, #tpu.memory_space<hbm>>
        %dma_wait3A_84 = tpu.memref_squeeze %dma_wait3A_83 : memref<1x16x128xf32, #tpu.memory_space<hbm>> -> memref<16x128xf32, #tpu.memory_space<hbm>>
        %dma_wait3A_85 = arith.constant 9984 : i32
        %dma_wait3A_86 = arith.constant 0 : i32
        %dma_wait3A_87 = tpu.memref_slice %arg8[%dma_wait3A_85, %dma_wait3A_86] : memref<10000x128xf32, #tpu.memory_space<vmem_shared>> -> memref<16x128xf32, #tpu.memory_space<vmem_shared>>
        tpu.wait_dma2 semaphore(%run_scoped3A : memref<!tpu.dma_semaphore, #tpu.memory_space<semaphore_mem>>) src(%dma_wait3A_87 : memref<16x128xf32, #tpu.memory_space<vmem_shared>>) dst(%dma_wait3A_84 : memref<16x128xf32, #tpu.memory_space<hbm>>)
        tpu.yield
      }) : () -> ()
    } else {
    }
    return
  }
}

#map = affine_map<(d0, d1) -> (0, 0)>
#map1 = affine_map<(d0, d1) -> (0)>
#map2 = affine_map<(d0, d1) -> (0, 0, 0)>
module attributes {stable_mosaic.version = 14 : i64} {
  func.func @body(%arg0: i32, %arg1: i32, %arg2: memref<10000x640xf32, #tpu.memory_space<hbm>>, %arg3: memref<320000xi32, #tpu.memory_space<hbm>>, %arg4: memref<320000xi32, #tpu.memory_space<hbm>>, %arg5: memref<320000xf32, #tpu.memory_space<hbm>>, %arg6: memref<128xf32, #tpu.memory_space<hbm>>, %arg7: memref<2x10000x128xf32, #tpu.memory_space<hbm>>, %arg8: memref<10000x128xf32, #tpu.memory_space<vmem_shared>>, %arg9: memref<40x640xf32, #tpu.memory_space<vmem>>, %arg10: memref<40x128xf32, #tpu.memory_space<vmem>>, %arg11: memref<256xf32, #tpu.memory_space<vmem>>, %arg12: memref<48xf32, #tpu.memory_space<vmem>>, %arg13: memref<40xi32, #tpu.memory_space<vmem>>, %arg14: memref<40xi32, #tpu.memory_space<vmem>>, %arg15: memref<128xf32, #tpu.memory_space<vmem>>, %arg16: memref<!tpu.dma_semaphore, #tpu.memory_space<semaphore_mem>>) attributes {dimension_semantics = [#tpu.dimension_semantics<core_parallel>, #tpu.dimension_semantics<subcore_parallel>], iteration_bounds = array<i64: 2, 16>, scalar_prefetch = 0 : i64, scratch_operands = 9 : i64, tpu.core_type = #tpu.core_type<sc_vector_subcore>, window_params = [{transform_indices = #map}, {transform_indices = #map1}, {transform_indices = #map1}, {transform_indices = #map1}, {transform_indices = #map1}, {transform_indices = #map2}]} {
    %mul3A = arith.constant 2 : i32
    %mul3A_0 = arith.muli %arg1, %mul3A : i32
    %add3A = arith.addi %mul3A_0, %arg0 : i32
    %broadcast_in_dim3A = arith.constant 0.000000e+00 : f32
    %broadcast_in_dim3A_1 = vector.broadcast %broadcast_in_dim3A : f32 to vector<16xf32>
    "tpu.region"() ({
      %run_scoped3A = tpu.sem_alloc : memref<!tpu.dma_semaphore, #tpu.memory_space<semaphore_mem>>
      tpu.enqueue_dma source(%arg6 : memref<128xf32, #tpu.memory_space<hbm>>) target(%arg15 : memref<128xf32, #tpu.memory_space<vmem>>) target_semaphore(%run_scoped3A : memref<!tpu.dma_semaphore, #tpu.memory_space<semaphore_mem>>)
      tpu.wait_dma2 semaphore(%run_scoped3A : memref<!tpu.dma_semaphore, #tpu.memory_space<semaphore_mem>>) src(%arg6 : memref<128xf32, #tpu.memory_space<hbm>>) dst(%arg15 : memref<128xf32, #tpu.memory_space<vmem>>)
      tpu.yield
    }) : () -> ()
    %broadcast_in_dim3A_2 = arith.constant 0.000000e+00 : f32
    %broadcast_in_dim3A_3 = vector.broadcast %broadcast_in_dim3A_2 : f32 to vector<16xf32>
    %swap3A = arith.constant 0 : index
    %swap3A_4 = tpu.vector_load %arg12[%swap3A] {strides = array<i32>} : memref<48xf32, #tpu.memory_space<vmem>>, vector<16xf32>,
    %swap3A_5 = vector.shape_cast %swap3A_4 : vector<16xf32> to vector<16xf32>
    %swap3A_6 = vector.shape_cast %broadcast_in_dim3A_3 : vector<16xf32> to vector<16xf32>
    tpu.vector_store %arg12[%swap3A], %swap3A_6 {strides = array<i32>} : memref<48xf32, #tpu.memory_space<vmem>>, vector<16xf32>,
    %broadcast_in_dim3A_7 = arith.constant 0.000000e+00 : f32
    %broadcast_in_dim3A_8 = vector.broadcast %broadcast_in_dim3A_7 : f32 to vector<16xf32>
    %swap3A_9 = arith.constant 16 : index
    %swap3A_10 = tpu.vector_load %arg12[%swap3A_9] {strides = array<i32>} : memref<48xf32, #tpu.memory_space<vmem>>, vector<16xf32>,
    %swap3A_11 = vector.shape_cast %swap3A_10 : vector<16xf32> to vector<16xf32>
    %swap3A_12 = vector.shape_cast %broadcast_in_dim3A_8 : vector<16xf32> to vector<16xf32>
    tpu.vector_store %arg12[%swap3A_9], %swap3A_12 {strides = array<i32>} : memref<48xf32, #tpu.memory_space<vmem>>, vector<16xf32>,
    %broadcast_in_dim3A_13 = arith.constant 0.000000e+00 : f32
    %broadcast_in_dim3A_14 = vector.broadcast %broadcast_in_dim3A_13 : f32 to vector<16xf32>
    %swap3A_15 = arith.constant 32 : index
    %swap3A_16 = tpu.vector_load %arg12[%swap3A_15] {strides = array<i32>} : memref<48xf32, #tpu.memory_space<vmem>>, vector<16xf32>,
    %swap3A_17 = vector.shape_cast %swap3A_16 : vector<16xf32> to vector<16xf32>
    %swap3A_18 = vector.shape_cast %broadcast_in_dim3A_14 : vector<16xf32> to vector<16xf32>
    tpu.vector_store %arg12[%swap3A_15], %swap3A_18 {strides = array<i32>} : memref<48xf32, #tpu.memory_space<vmem>>, vector<16xf32>,
    %scan3A = arith.constant 0 : i32
    %scan3A_19 = arith.constant 0 : i32
    %scan3A_20 = arith.constant 40 : i32
    %scan3A_21 = arith.addi %scan3A_19, %scan3A_20 : i32
    %scan3A_22 = arith.constant 1 : i32
    scf.for %scan3A_76 = %scan3A_19 to %scan3A_21 step %scan3A_22  : i32 {
      %swap3A_77 = arith.index_cast %scan3A_76 : i32 to index
      %swap3A_78 = arith.constant 0 : index
      %swap3A_79 = tpu.vector_load %arg10[%swap3A_77, %swap3A_78] {strides = array<i32>} : memref<40x128xf32, #tpu.memory_space<vmem>>, vector<1x16xf32>,
      %swap3A_80 = vector.shape_cast %swap3A_79 : vector<1x16xf32> to vector<16xf32>
      %swap3A_81 = vector.shape_cast %broadcast_in_dim3A_1 : vector<16xf32> to vector<1x16xf32>
      tpu.vector_store %arg10[%swap3A_77, %swap3A_78], %swap3A_81 {strides = array<i32>} : memref<40x128xf32, #tpu.memory_space<vmem>>, vector<1x16xf32>,
      %swap3A_82 = arith.index_cast %scan3A_76 : i32 to index
      %swap3A_83 = arith.constant 16 : index
      %swap3A_84 = tpu.vector_load %arg10[%swap3A_82, %swap3A_83] {strides = array<i32>} : memref<40x128xf32, #tpu.memory_space<vmem>>, vector<1x16xf32>,
      %swap3A_85 = vector.shape_cast %swap3A_84 : vector<1x16xf32> to vector<16xf32>
      %swap3A_86 = vector.shape_cast %broadcast_in_dim3A_1 : vector<16xf32> to vector<1x16xf32>
      tpu.vector_store %arg10[%swap3A_82, %swap3A_83], %swap3A_86 {strides = array<i32>} : memref<40x128xf32, #tpu.memory_space<vmem>>, vector<1x16xf32>,
      %swap3A_87 = arith.index_cast %scan3A_76 : i32 to index
      %swap3A_88 = arith.constant 32 : index
      %swap3A_89 = tpu.vector_load %arg10[%swap3A_87, %swap3A_88] {strides = array<i32>} : memref<40x128xf32, #tpu.memory_space<vmem>>, vector<1x16xf32>,
      %swap3A_90 = vector.shape_cast %swap3A_89 : vector<1x16xf32> to vector<16xf32>
      %swap3A_91 = vector.shape_cast %broadcast_in_dim3A_1 : vector<16xf32> to vector<1x16xf32>
      tpu.vector_store %arg10[%swap3A_87, %swap3A_88], %swap3A_91 {strides = array<i32>} : memref<40x128xf32, #tpu.memory_space<vmem>>, vector<1x16xf32>,
      %swap3A_92 = arith.index_cast %scan3A_76 : i32 to index
      %swap3A_93 = arith.constant 48 : index
      %swap3A_94 = tpu.vector_load %arg10[%swap3A_92, %swap3A_93] {strides = array<i32>} : memref<40x128xf32, #tpu.memory_space<vmem>>, vector<1x16xf32>,
      %swap3A_95 = vector.shape_cast %swap3A_94 : vector<1x16xf32> to vector<16xf32>
      %swap3A_96 = vector.shape_cast %broadcast_in_dim3A_1 : vector<16xf32> to vector<1x16xf32>
      tpu.vector_store %arg10[%swap3A_92, %swap3A_93], %swap3A_96 {strides = array<i32>} : memref<40x128xf32, #tpu.memory_space<vmem>>, vector<1x16xf32>,
      %swap3A_97 = arith.index_cast %scan3A_76 : i32 to index
      %swap3A_98 = arith.constant 64 : index
      %swap3A_99 = tpu.vector_load %arg10[%swap3A_97, %swap3A_98] {strides = array<i32>} : memref<40x128xf32, #tpu.memory_space<vmem>>, vector<1x16xf32>,
      %swap3A_100 = vector.shape_cast %swap3A_99 : vector<1x16xf32> to vector<16xf32>
      %swap3A_101 = vector.shape_cast %broadcast_in_dim3A_1 : vector<16xf32> to vector<1x16xf32>
      tpu.vector_store %arg10[%swap3A_97, %swap3A_98], %swap3A_101 {strides = array<i32>} : memref<40x128xf32, #tpu.memory_space<vmem>>, vector<1x16xf32>,
      %swap3A_102 = arith.index_cast %scan3A_76 : i32 to index
      %swap3A_103 = arith.constant 80 : index
      %swap3A_104 = tpu.vector_load %arg10[%swap3A_102, %swap3A_103] {strides = array<i32>} : memref<40x128xf32, #tpu.memory_space<vmem>>, vector<1x16xf32>,
      %swap3A_105 = vector.shape_cast %swap3A_104 : vector<1x16xf32> to vector<16xf32>
      %swap3A_106 = vector.shape_cast %broadcast_in_dim3A_1 : vector<16xf32> to vector<1x16xf32>
      tpu.vector_store %arg10[%swap3A_102, %swap3A_103], %swap3A_106 {strides = array<i32>} : memref<40x128xf32, #tpu.memory_space<vmem>>, vector<1x16xf32>,
      %swap3A_107 = arith.index_cast %scan3A_76 : i32 to index
      %swap3A_108 = arith.constant 96 : index
      %swap3A_109 = tpu.vector_load %arg10[%swap3A_107, %swap3A_108] {strides = array<i32>} : memref<40x128xf32, #tpu.memory_space<vmem>>, vector<1x16xf32>,
      %swap3A_110 = vector.shape_cast %swap3A_109 : vector<1x16xf32> to vector<16xf32>
      %swap3A_111 = vector.shape_cast %broadcast_in_dim3A_1 : vector<16xf32> to vector<1x16xf32>
      tpu.vector_store %arg10[%swap3A_107, %swap3A_108], %swap3A_111 {strides = array<i32>} : memref<40x128xf32, #tpu.memory_space<vmem>>, vector<1x16xf32>,
      %swap3A_112 = arith.index_cast %scan3A_76 : i32 to index
      %swap3A_113 = arith.constant 112 : index
      %swap3A_114 = tpu.vector_load %arg10[%swap3A_112, %swap3A_113] {strides = array<i32>} : memref<40x128xf32, #tpu.memory_space<vmem>>, vector<1x16xf32>,
      %swap3A_115 = vector.shape_cast %swap3A_114 : vector<1x16xf32> to vector<16xf32>
      %swap3A_116 = vector.shape_cast %broadcast_in_dim3A_1 : vector<16xf32> to vector<1x16xf32>
      tpu.vector_store %arg10[%swap3A_112, %swap3A_113], %swap3A_116 {strides = array<i32>} : memref<40x128xf32, #tpu.memory_space<vmem>>, vector<1x16xf32>,
    }
    %scan3A_23 = arith.constant 40 : i32
    %mul3A_24 = arith.constant 624 : i32
    %mul3A_25 = arith.muli %arg1, %mul3A_24 : i32
    %add3A_26 = arith.constant 0 : i32
    %add3A_27 = arith.addi %mul3A_25, %add3A_26 : i32
    "tpu.region"() ({
      %run_scoped3A = tpu.sem_alloc : memref<!tpu.dma_semaphore, #tpu.memory_space<semaphore_mem>>
      %dma_start3A = arith.constant 0 : i32
      %dma_start3A_76 = tpu.memref_slice %arg8[%add3A_27, %dma_start3A] : memref<10000x128xf32, #tpu.memory_space<vmem_shared>> -> memref<40x128xf32, #tpu.memory_space<vmem_shared>>
      %dma_start3A_77 = arith.constant 0 : i32
      %dma_start3A_78 = tpu.memref_slice %arg8[%add3A_27, %dma_start3A_77] : memref<10000x128xf32, #tpu.memory_space<vmem_shared>> -> memref<40x128xf32, #tpu.memory_space<vmem_shared>>
      tpu.enqueue_dma source(%arg10 : memref<40x128xf32, #tpu.memory_space<vmem>>) target(%dma_start3A_78 : memref<40x128xf32, #tpu.memory_space<vmem_shared>>) target_semaphore(%run_scoped3A : memref<!tpu.dma_semaphore, #tpu.memory_space<semaphore_mem>>)
      %dma_wait3A = arith.constant 0 : i32
      %dma_wait3A_79 = tpu.memref_slice %arg8[%add3A_27, %dma_wait3A] : memref<10000x128xf32, #tpu.memory_space<vmem_shared>> -> memref<40x128xf32, #tpu.memory_space<vmem_shared>>
      %dma_wait3A_80 = arith.constant 0 : i32
      %dma_wait3A_81 = tpu.memref_slice %arg8[%add3A_27, %dma_wait3A_80] : memref<10000x128xf32, #tpu.memory_space<vmem_shared>> -> memref<40x128xf32, #tpu.memory_space<vmem_shared>>
      tpu.wait_dma2 semaphore(%run_scoped3A : memref<!tpu.dma_semaphore, #tpu.memory_space<semaphore_mem>>) src(%arg10 : memref<40x128xf32, #tpu.memory_space<vmem>>) dst(%dma_wait3A_81 : memref<40x128xf32, #tpu.memory_space<vmem_shared>>)
      tpu.yield
    }) : () -> ()
    %add3A_28 = arith.constant 40 : i32
    %add3A_29 = arith.addi %mul3A_25, %add3A_28 : i32
    "tpu.region"() ({
      %run_scoped3A = tpu.sem_alloc : memref<!tpu.dma_semaphore, #tpu.memory_space<semaphore_mem>>
      %dma_start3A = arith.constant 0 : i32
      %dma_start3A_76 = tpu.memref_slice %arg8[%add3A_29, %dma_start3A] : memref<10000x128xf32, #tpu.memory_space<vmem_shared>> -> memref<40x128xf32, #tpu.memory_space<vmem_shared>>
      %dma_start3A_77 = arith.constant 0 : i32
      %dma_start3A_78 = tpu.memref_slice %arg8[%add3A_29, %dma_start3A_77] : memref<10000x128xf32, #tpu.memory_space<vmem_shared>> -> memref<40x128xf32, #tpu.memory_space<vmem_shared>>
      tpu.enqueue_dma source(%arg10 : memref<40x128xf32, #tpu.memory_space<vmem>>) target(%dma_start3A_78 : memref<40x128xf32, #tpu.memory_space<vmem_shared>>) target_semaphore(%run_scoped3A : memref<!tpu.dma_semaphore, #tpu.memory_space<semaphore_mem>>)
      %dma_wait3A = arith.constant 0 : i32
      %dma_wait3A_79 = tpu.memref_slice %arg8[%add3A_29, %dma_wait3A] : memref<10000x128xf32, #tpu.memory_space<vmem_shared>> -> memref<40x128xf32, #tpu.memory_space<vmem_shared>>
      %dma_wait3A_80 = arith.constant 0 : i32
      %dma_wait3A_81 = tpu.memref_slice %arg8[%add3A_29, %dma_wait3A_80] : memref<10000x128xf32, #tpu.memory_space<vmem_shared>> -> memref<40x128xf32, #tpu.memory_space<vmem_shared>>
      tpu.wait_dma2 semaphore(%run_scoped3A : memref<!tpu.dma_semaphore, #tpu.memory_space<semaphore_mem>>) src(%arg10 : memref<40x128xf32, #tpu.memory_space<vmem>>) dst(%dma_wait3A_81 : memref<40x128xf32, #tpu.memory_space<vmem_shared>>)
      tpu.yield
    }) : () -> ()
    %add3A_30 = arith.constant 80 : i32
    %add3A_31 = arith.addi %mul3A_25, %add3A_30 : i32
    "tpu.region"() ({
      %run_scoped3A = tpu.sem_alloc : memref<!tpu.dma_semaphore, #tpu.memory_space<semaphore_mem>>
      %dma_start3A = arith.constant 0 : i32
      %dma_start3A_76 = tpu.memref_slice %arg8[%add3A_31, %dma_start3A] : memref<10000x128xf32, #tpu.memory_space<vmem_shared>> -> memref<40x128xf32, #tpu.memory_space<vmem_shared>>
      %dma_start3A_77 = arith.constant 0 : i32
      %dma_start3A_78 = tpu.memref_slice %arg8[%add3A_31, %dma_start3A_77] : memref<10000x128xf32, #tpu.memory_space<vmem_shared>> -> memref<40x128xf32, #tpu.memory_space<vmem_shared>>
      tpu.enqueue_dma source(%arg10 : memref<40x128xf32, #tpu.memory_space<vmem>>) target(%dma_start3A_78 : memref<40x128xf32, #tpu.memory_space<vmem_shared>>) target_semaphore(%run_scoped3A : memref<!tpu.dma_semaphore, #tpu.memory_space<semaphore_mem>>)
      %dma_wait3A = arith.constant 0 : i32
      %dma_wait3A_79 = tpu.memref_slice %arg8[%add3A_31, %dma_wait3A] : memref<10000x128xf32, #tpu.memory_space<vmem_shared>> -> memref<40x128xf32, #tpu.memory_space<vmem_shared>>
      %dma_wait3A_80 = arith.constant 0 : i32
      %dma_wait3A_81 = tpu.memref_slice %arg8[%add3A_31, %dma_wait3A_80] : memref<10000x128xf32, #tpu.memory_space<vmem_shared>> -> memref<40x128xf32, #tpu.memory_space<vmem_shared>>
      tpu.wait_dma2 semaphore(%run_scoped3A : memref<!tpu.dma_semaphore, #tpu.memory_space<semaphore_mem>>) src(%arg10 : memref<40x128xf32, #tpu.memory_space<vmem>>) dst(%dma_wait3A_81 : memref<40x128xf32, #tpu.memory_space<vmem_shared>>)
      tpu.yield
    }) : () -> ()
    %add3A_32 = arith.constant 120 : i32
    %add3A_33 = arith.addi %mul3A_25, %add3A_32 : i32
    "tpu.region"() ({
      %run_scoped3A = tpu.sem_alloc : memref<!tpu.dma_semaphore, #tpu.memory_space<semaphore_mem>>
      %dma_start3A = arith.constant 0 : i32
      %dma_start3A_76 = tpu.memref_slice %arg8[%add3A_33, %dma_start3A] : memref<10000x128xf32, #tpu.memory_space<vmem_shared>> -> memref<40x128xf32, #tpu.memory_space<vmem_shared>>
      %dma_start3A_77 = arith.constant 0 : i32
      %dma_start3A_78 = tpu.memref_slice %arg8[%add3A_33, %dma_start3A_77] : memref<10000x128xf32, #tpu.memory_space<vmem_shared>> -> memref<40x128xf32, #tpu.memory_space<vmem_shared>>
      tpu.enqueue_dma source(%arg10 : memref<40x128xf32, #tpu.memory_space<vmem>>) target(%dma_start3A_78 : memref<40x128xf32, #tpu.memory_space<vmem_shared>>) target_semaphore(%run_scoped3A : memref<!tpu.dma_semaphore, #tpu.memory_space<semaphore_mem>>)
      %dma_wait3A = arith.constant 0 : i32
      %dma_wait3A_79 = tpu.memref_slice %arg8[%add3A_33, %dma_wait3A] : memref<10000x128xf32, #tpu.memory_space<vmem_shared>> -> memref<40x128xf32, #tpu.memory_space<vmem_shared>>
      %dma_wait3A_80 = arith.constant 0 : i32
      %dma_wait3A_81 = tpu.memref_slice %arg8[%add3A_33, %dma_wait3A_80] : memref<10000x128xf32, #tpu.memory_space<vmem_shared>> -> memref<40x128xf32, #tpu.memory_space<vmem_shared>>
      tpu.wait_dma2 semaphore(%run_scoped3A : memref<!tpu.dma_semaphore, #tpu.memory_space<semaphore_mem>>) src(%arg10 : memref<40x128xf32, #tpu.memory_space<vmem>>) dst(%dma_wait3A_81 : memref<40x128xf32, #tpu.memory_space<vmem_shared>>)
      tpu.yield
    }) : () -> ()
    %add3A_34 = arith.constant 160 : i32
    %add3A_35 = arith.addi %mul3A_25, %add3A_34 : i32
    "tpu.region"() ({
      %run_scoped3A = tpu.sem_alloc : memref<!tpu.dma_semaphore, #tpu.memory_space<semaphore_mem>>
      %dma_start3A = arith.constant 0 : i32
      %dma_start3A_76 = tpu.memref_slice %arg8[%add3A_35, %dma_start3A] : memref<10000x128xf32, #tpu.memory_space<vmem_shared>> -> memref<40x128xf32, #tpu.memory_space<vmem_shared>>
      %dma_start3A_77 = arith.constant 0 : i32
      %dma_start3A_78 = tpu.memref_slice %arg8[%add3A_35, %dma_start3A_77] : memref<10000x128xf32, #tpu.memory_space<vmem_shared>> -> memref<40x128xf32, #tpu.memory_space<vmem_shared>>
      tpu.enqueue_dma source(%arg10 : memref<40x128xf32, #tpu.memory_space<vmem>>) target(%dma_start3A_78 : memref<40x128xf32, #tpu.memory_space<vmem_shared>>) target_semaphore(%run_scoped3A : memref<!tpu.dma_semaphore, #tpu.memory_space<semaphore_mem>>)
      %dma_wait3A = arith.constant 0 : i32
      %dma_wait3A_79 = tpu.memref_slice %arg8[%add3A_35, %dma_wait3A] : memref<10000x128xf32, #tpu.memory_space<vmem_shared>> -> memref<40x128xf32, #tpu.memory_space<vmem_shared>>
      %dma_wait3A_80 = arith.constant 0 : i32
      %dma_wait3A_81 = tpu.memref_slice %arg8[%add3A_35, %dma_wait3A_80] : memref<10000x128xf32, #tpu.memory_space<vmem_shared>> -> memref<40x128xf32, #tpu.memory_space<vmem_shared>>
      tpu.wait_dma2 semaphore(%run_scoped3A : memref<!tpu.dma_semaphore, #tpu.memory_space<semaphore_mem>>) src(%arg10 : memref<40x128xf32, #tpu.memory_space<vmem>>) dst(%dma_wait3A_81 : memref<40x128xf32, #tpu.memory_space<vmem_shared>>)
      tpu.yield
    }) : () -> ()
    %add3A_36 = arith.constant 200 : i32
    %add3A_37 = arith.addi %mul3A_25, %add3A_36 : i32
    "tpu.region"() ({
      %run_scoped3A = tpu.sem_alloc : memref<!tpu.dma_semaphore, #tpu.memory_space<semaphore_mem>>
      %dma_start3A = arith.constant 0 : i32
      %dma_start3A_76 = tpu.memref_slice %arg8[%add3A_37, %dma_start3A] : memref<10000x128xf32, #tpu.memory_space<vmem_shared>> -> memref<40x128xf32, #tpu.memory_space<vmem_shared>>
      %dma_start3A_77 = arith.constant 0 : i32
      %dma_start3A_78 = tpu.memref_slice %arg8[%add3A_37, %dma_start3A_77] : memref<10000x128xf32, #tpu.memory_space<vmem_shared>> -> memref<40x128xf32, #tpu.memory_space<vmem_shared>>
      tpu.enqueue_dma source(%arg10 : memref<40x128xf32, #tpu.memory_space<vmem>>) target(%dma_start3A_78 : memref<40x128xf32, #tpu.memory_space<vmem_shared>>) target_semaphore(%run_scoped3A : memref<!tpu.dma_semaphore, #tpu.memory_space<semaphore_mem>>)
      %dma_wait3A = arith.constant 0 : i32
      %dma_wait3A_79 = tpu.memref_slice %arg8[%add3A_37, %dma_wait3A] : memref<10000x128xf32, #tpu.memory_space<vmem_shared>> -> memref<40x128xf32, #tpu.memory_space<vmem_shared>>
      %dma_wait3A_80 = arith.constant 0 : i32
      %dma_wait3A_81 = tpu.memref_slice %arg8[%add3A_37, %dma_wait3A_80] : memref<10000x128xf32, #tpu.memory_space<vmem_shared>> -> memref<40x128xf32, #tpu.memory_space<vmem_shared>>
      tpu.wait_dma2 semaphore(%run_scoped3A : memref<!tpu.dma_semaphore, #tpu.memory_space<semaphore_mem>>) src(%arg10 : memref<40x128xf32, #tpu.memory_space<vmem>>) dst(%dma_wait3A_81 : memref<40x128xf32, #tpu.memory_space<vmem_shared>>)
      tpu.yield
    }) : () -> ()
    %add3A_38 = arith.constant 240 : i32
    %add3A_39 = arith.addi %mul3A_25, %add3A_38 : i32
    "tpu.region"() ({
      %run_scoped3A = tpu.sem_alloc : memref<!tpu.dma_semaphore, #tpu.memory_space<semaphore_mem>>
      %dma_start3A = arith.constant 0 : i32
      %dma_start3A_76 = tpu.memref_slice %arg8[%add3A_39, %dma_start3A] : memref<10000x128xf32, #tpu.memory_space<vmem_shared>> -> memref<40x128xf32, #tpu.memory_space<vmem_shared>>
      %dma_start3A_77 = arith.constant 0 : i32
      %dma_start3A_78 = tpu.memref_slice %arg8[%add3A_39, %dma_start3A_77] : memref<10000x128xf32, #tpu.memory_space<vmem_shared>> -> memref<40x128xf32, #tpu.memory_space<vmem_shared>>
      tpu.enqueue_dma source(%arg10 : memref<40x128xf32, #tpu.memory_space<vmem>>) target(%dma_start3A_78 : memref<40x128xf32, #tpu.memory_space<vmem_shared>>) target_semaphore(%run_scoped3A : memref<!tpu.dma_semaphore, #tpu.memory_space<semaphore_mem>>)
      %dma_wait3A = arith.constant 0 : i32
      %dma_wait3A_79 = tpu.memref_slice %arg8[%add3A_39, %dma_wait3A] : memref<10000x128xf32, #tpu.memory_space<vmem_shared>> -> memref<40x128xf32, #tpu.memory_space<vmem_shared>>
      %dma_wait3A_80 = arith.constant 0 : i32
      %dma_wait3A_81 = tpu.memref_slice %arg8[%add3A_39, %dma_wait3A_80] : memref<10000x128xf32, #tpu.memory_space<vmem_shared>> -> memref<40x128xf32, #tpu.memory_space<vmem_shared>>
      tpu.wait_dma2 semaphore(%run_scoped3A : memref<!tpu.dma_semaphore, #tpu.memory_space<semaphore_mem>>) src(%arg10 : memref<40x128xf32, #tpu.memory_space<vmem>>) dst(%dma_wait3A_81 : memref<40x128xf32, #tpu.memory_space<vmem_shared>>)
      tpu.yield
    }) : () -> ()
    %add3A_40 = arith.constant 280 : i32
    %add3A_41 = arith.addi %mul3A_25, %add3A_40 : i32
    "tpu.region"() ({
      %run_scoped3A = tpu.sem_alloc : memref<!tpu.dma_semaphore, #tpu.memory_space<semaphore_mem>>
      %dma_start3A = arith.constant 0 : i32
      %dma_start3A_76 = tpu.memref_slice %arg8[%add3A_41, %dma_start3A] : memref<10000x128xf32, #tpu.memory_space<vmem_shared>> -> memref<40x128xf32, #tpu.memory_space<vmem_shared>>
      %dma_start3A_77 = arith.constant 0 : i32
      %dma_start3A_78 = tpu.memref_slice %arg8[%add3A_41, %dma_start3A_77] : memref<10000x128xf32, #tpu.memory_space<vmem_shared>> -> memref<40x128xf32, #tpu.memory_space<vmem_shared>>
      tpu.enqueue_dma source(%arg10 : memref<40x128xf32, #tpu.memory_space<vmem>>) target(%dma_start3A_78 : memref<40x128xf32, #tpu.memory_space<vmem_shared>>) target_semaphore(%run_scoped3A : memref<!tpu.dma_semaphore, #tpu.memory_space<semaphore_mem>>)
      %dma_wait3A = arith.constant 0 : i32
      %dma_wait3A_79 = tpu.memref_slice %arg8[%add3A_41, %dma_wait3A] : memref<10000x128xf32, #tpu.memory_space<vmem_shared>> -> memref<40x128xf32, #tpu.memory_space<vmem_shared>>
      %dma_wait3A_80 = arith.constant 0 : i32
      %dma_wait3A_81 = tpu.memref_slice %arg8[%add3A_41, %dma_wait3A_80] : memref<10000x128xf32, #tpu.memory_space<vmem_shared>> -> memref<40x128xf32, #tpu.memory_space<vmem_shared>>
      tpu.wait_dma2 semaphore(%run_scoped3A : memref<!tpu.dma_semaphore, #tpu.memory_space<semaphore_mem>>) src(%arg10 : memref<40x128xf32, #tpu.memory_space<vmem>>) dst(%dma_wait3A_81 : memref<40x128xf32, #tpu.memory_space<vmem_shared>>)
      tpu.yield
    }) : () -> ()
    %add3A_42 = arith.constant 320 : i32
    %add3A_43 = arith.addi %mul3A_25, %add3A_42 : i32
    "tpu.region"() ({
      %run_scoped3A = tpu.sem_alloc : memref<!tpu.dma_semaphore, #tpu.memory_space<semaphore_mem>>
      %dma_start3A = arith.constant 0 : i32
      %dma_start3A_76 = tpu.memref_slice %arg8[%add3A_43, %dma_start3A] : memref<10000x128xf32, #tpu.memory_space<vmem_shared>> -> memref<40x128xf32, #tpu.memory_space<vmem_shared>>
      %dma_start3A_77 = arith.constant 0 : i32
      %dma_start3A_78 = tpu.memref_slice %arg8[%add3A_43, %dma_start3A_77] : memref<10000x128xf32, #tpu.memory_space<vmem_shared>> -> memref<40x128xf32, #tpu.memory_space<vmem_shared>>
      tpu.enqueue_dma source(%arg10 : memref<40x128xf32, #tpu.memory_space<vmem>>) target(%dma_start3A_78 : memref<40x128xf32, #tpu.memory_space<vmem_shared>>) target_semaphore(%run_scoped3A : memref<!tpu.dma_semaphore, #tpu.memory_space<semaphore_mem>>)
      %dma_wait3A = arith.constant 0 : i32
      %dma_wait3A_79 = tpu.memref_slice %arg8[%add3A_43, %dma_wait3A] : memref<10000x128xf32, #tpu.memory_space<vmem_shared>> -> memref<40x128xf32, #tpu.memory_space<vmem_shared>>
      %dma_wait3A_80 = arith.constant 0 : i32
      %dma_wait3A_81 = tpu.memref_slice %arg8[%add3A_43, %dma_wait3A_80] : memref<10000x128xf32, #tpu.memory_space<vmem_shared>> -> memref<40x128xf32, #tpu.memory_space<vmem_shared>>
      tpu.wait_dma2 semaphore(%run_scoped3A : memref<!tpu.dma_semaphore, #tpu.memory_space<semaphore_mem>>) src(%arg10 : memref<40x128xf32, #tpu.memory_space<vmem>>) dst(%dma_wait3A_81 : memref<40x128xf32, #tpu.memory_space<vmem_shared>>)
      tpu.yield
    }) : () -> ()
    %add3A_44 = arith.constant 360 : i32
    %add3A_45 = arith.addi %mul3A_25, %add3A_44 : i32
    "tpu.region"() ({
      %run_scoped3A = tpu.sem_alloc : memref<!tpu.dma_semaphore, #tpu.memory_space<semaphore_mem>>
      %dma_start3A = arith.constant 0 : i32
      %dma_start3A_76 = tpu.memref_slice %arg8[%add3A_45, %dma_start3A] : memref<10000x128xf32, #tpu.memory_space<vmem_shared>> -> memref<40x128xf32, #tpu.memory_space<vmem_shared>>
      %dma_start3A_77 = arith.constant 0 : i32
      %dma_start3A_78 = tpu.memref_slice %arg8[%add3A_45, %dma_start3A_77] : memref<10000x128xf32, #tpu.memory_space<vmem_shared>> -> memref<40x128xf32, #tpu.memory_space<vmem_shared>>
      tpu.enqueue_dma source(%arg10 : memref<40x128xf32, #tpu.memory_space<vmem>>) target(%dma_start3A_78 : memref<40x128xf32, #tpu.memory_space<vmem_shared>>) target_semaphore(%run_scoped3A : memref<!tpu.dma_semaphore, #tpu.memory_space<semaphore_mem>>)
      %dma_wait3A = arith.constant 0 : i32
      %dma_wait3A_79 = tpu.memref_slice %arg8[%add3A_45, %dma_wait3A] : memref<10000x128xf32, #tpu.memory_space<vmem_shared>> -> memref<40x128xf32, #tpu.memory_space<vmem_shared>>
      %dma_wait3A_80 = arith.constant 0 : i32
      %dma_wait3A_81 = tpu.memref_slice %arg8[%add3A_45, %dma_wait3A_80] : memref<10000x128xf32, #tpu.memory_space<vmem_shared>> -> memref<40x128xf32, #tpu.memory_space<vmem_shared>>
      tpu.wait_dma2 semaphore(%run_scoped3A : memref<!tpu.dma_semaphore, #tpu.memory_space<semaphore_mem>>) src(%arg10 : memref<40x128xf32, #tpu.memory_space<vmem>>) dst(%dma_wait3A_81 : memref<40x128xf32, #tpu.memory_space<vmem_shared>>)
      tpu.yield
    }) : () -> ()
    %add3A_46 = arith.constant 400 : i32
    %add3A_47 = arith.addi %mul3A_25, %add3A_46 : i32
    "tpu.region"() ({
      %run_scoped3A = tpu.sem_alloc : memref<!tpu.dma_semaphore, #tpu.memory_space<semaphore_mem>>
      %dma_start3A = arith.constant 0 : i32
      %dma_start3A_76 = tpu.memref_slice %arg8[%add3A_47, %dma_start3A] : memref<10000x128xf32, #tpu.memory_space<vmem_shared>> -> memref<40x128xf32, #tpu.memory_space<vmem_shared>>
      %dma_start3A_77 = arith.constant 0 : i32
      %dma_start3A_78 = tpu.memref_slice %arg8[%add3A_47, %dma_start3A_77] : memref<10000x128xf32, #tpu.memory_space<vmem_shared>> -> memref<40x128xf32, #tpu.memory_space<vmem_shared>>
      tpu.enqueue_dma source(%arg10 : memref<40x128xf32, #tpu.memory_space<vmem>>) target(%dma_start3A_78 : memref<40x128xf32, #tpu.memory_space<vmem_shared>>) target_semaphore(%run_scoped3A : memref<!tpu.dma_semaphore, #tpu.memory_space<semaphore_mem>>)
      %dma_wait3A = arith.constant 0 : i32
      %dma_wait3A_79 = tpu.memref_slice %arg8[%add3A_47, %dma_wait3A] : memref<10000x128xf32, #tpu.memory_space<vmem_shared>> -> memref<40x128xf32, #tpu.memory_space<vmem_shared>>
      %dma_wait3A_80 = arith.constant 0 : i32
      %dma_wait3A_81 = tpu.memref_slice %arg8[%add3A_47, %dma_wait3A_80] : memref<10000x128xf32, #tpu.memory_space<vmem_shared>> -> memref<40x128xf32, #tpu.memory_space<vmem_shared>>
      tpu.wait_dma2 semaphore(%run_scoped3A : memref<!tpu.dma_semaphore, #tpu.memory_space<semaphore_mem>>) src(%arg10 : memref<40x128xf32, #tpu.memory_space<vmem>>) dst(%dma_wait3A_81 : memref<40x128xf32, #tpu.memory_space<vmem_shared>>)
      tpu.yield
    }) : () -> ()
    %add3A_48 = arith.constant 440 : i32
    %add3A_49 = arith.addi %mul3A_25, %add3A_48 : i32
    "tpu.region"() ({
      %run_scoped3A = tpu.sem_alloc : memref<!tpu.dma_semaphore, #tpu.memory_space<semaphore_mem>>
      %dma_start3A = arith.constant 0 : i32
      %dma_start3A_76 = tpu.memref_slice %arg8[%add3A_49, %dma_start3A] : memref<10000x128xf32, #tpu.memory_space<vmem_shared>> -> memref<40x128xf32, #tpu.memory_space<vmem_shared>>
      %dma_start3A_77 = arith.constant 0 : i32
      %dma_start3A_78 = tpu.memref_slice %arg8[%add3A_49, %dma_start3A_77] : memref<10000x128xf32, #tpu.memory_space<vmem_shared>> -> memref<40x128xf32, #tpu.memory_space<vmem_shared>>
      tpu.enqueue_dma source(%arg10 : memref<40x128xf32, #tpu.memory_space<vmem>>) target(%dma_start3A_78 : memref<40x128xf32, #tpu.memory_space<vmem_shared>>) target_semaphore(%run_scoped3A : memref<!tpu.dma_semaphore, #tpu.memory_space<semaphore_mem>>)
      %dma_wait3A = arith.constant 0 : i32
      %dma_wait3A_79 = tpu.memref_slice %arg8[%add3A_49, %dma_wait3A] : memref<10000x128xf32, #tpu.memory_space<vmem_shared>> -> memref<40x128xf32, #tpu.memory_space<vmem_shared>>
      %dma_wait3A_80 = arith.constant 0 : i32
      %dma_wait3A_81 = tpu.memref_slice %arg8[%add3A_49, %dma_wait3A_80] : memref<10000x128xf32, #tpu.memory_space<vmem_shared>> -> memref<40x128xf32, #tpu.memory_space<vmem_shared>>
      tpu.wait_dma2 semaphore(%run_scoped3A : memref<!tpu.dma_semaphore, #tpu.memory_space<semaphore_mem>>) src(%arg10 : memref<40x128xf32, #tpu.memory_space<vmem>>) dst(%dma_wait3A_81 : memref<40x128xf32, #tpu.memory_space<vmem_shared>>)
      tpu.yield
    }) : () -> ()
    %add3A_50 = arith.constant 480 : i32
    %add3A_51 = arith.addi %mul3A_25, %add3A_50 : i32
    "tpu.region"() ({
      %run_scoped3A = tpu.sem_alloc : memref<!tpu.dma_semaphore, #tpu.memory_space<semaphore_mem>>
      %dma_start3A = arith.constant 0 : i32
      %dma_start3A_76 = tpu.memref_slice %arg8[%add3A_51, %dma_start3A] : memref<10000x128xf32, #tpu.memory_space<vmem_shared>> -> memref<40x128xf32, #tpu.memory_space<vmem_shared>>
      %dma_start3A_77 = arith.constant 0 : i32
      %dma_start3A_78 = tpu.memref_slice %arg8[%add3A_51, %dma_start3A_77] : memref<10000x128xf32, #tpu.memory_space<vmem_shared>> -> memref<40x128xf32, #tpu.memory_space<vmem_shared>>
      tpu.enqueue_dma source(%arg10 : memref<40x128xf32, #tpu.memory_space<vmem>>) target(%dma_start3A_78 : memref<40x128xf32, #tpu.memory_space<vmem_shared>>) target_semaphore(%run_scoped3A : memref<!tpu.dma_semaphore, #tpu.memory_space<semaphore_mem>>)
      %dma_wait3A = arith.constant 0 : i32
      %dma_wait3A_79 = tpu.memref_slice %arg8[%add3A_51, %dma_wait3A] : memref<10000x128xf32, #tpu.memory_space<vmem_shared>> -> memref<40x128xf32, #tpu.memory_space<vmem_shared>>
      %dma_wait3A_80 = arith.constant 0 : i32
      %dma_wait3A_81 = tpu.memref_slice %arg8[%add3A_51, %dma_wait3A_80] : memref<10000x128xf32, #tpu.memory_space<vmem_shared>> -> memref<40x128xf32, #tpu.memory_space<vmem_shared>>
      tpu.wait_dma2 semaphore(%run_scoped3A : memref<!tpu.dma_semaphore, #tpu.memory_space<semaphore_mem>>) src(%arg10 : memref<40x128xf32, #tpu.memory_space<vmem>>) dst(%dma_wait3A_81 : memref<40x128xf32, #tpu.memory_space<vmem_shared>>)
      tpu.yield
    }) : () -> ()
    %add3A_52 = arith.constant 520 : i32
    %add3A_53 = arith.addi %mul3A_25, %add3A_52 : i32
    "tpu.region"() ({
      %run_scoped3A = tpu.sem_alloc : memref<!tpu.dma_semaphore, #tpu.memory_space<semaphore_mem>>
      %dma_start3A = arith.constant 0 : i32
      %dma_start3A_76 = tpu.memref_slice %arg8[%add3A_53, %dma_start3A] : memref<10000x128xf32, #tpu.memory_space<vmem_shared>> -> memref<40x128xf32, #tpu.memory_space<vmem_shared>>
      %dma_start3A_77 = arith.constant 0 : i32
      %dma_start3A_78 = tpu.memref_slice %arg8[%add3A_53, %dma_start3A_77] : memref<10000x128xf32, #tpu.memory_space<vmem_shared>> -> memref<40x128xf32, #tpu.memory_space<vmem_shared>>
      tpu.enqueue_dma source(%arg10 : memref<40x128xf32, #tpu.memory_space<vmem>>) target(%dma_start3A_78 : memref<40x128xf32, #tpu.memory_space<vmem_shared>>) target_semaphore(%run_scoped3A : memref<!tpu.dma_semaphore, #tpu.memory_space<semaphore_mem>>)
      %dma_wait3A = arith.constant 0 : i32
      %dma_wait3A_79 = tpu.memref_slice %arg8[%add3A_53, %dma_wait3A] : memref<10000x128xf32, #tpu.memory_space<vmem_shared>> -> memref<40x128xf32, #tpu.memory_space<vmem_shared>>
      %dma_wait3A_80 = arith.constant 0 : i32
      %dma_wait3A_81 = tpu.memref_slice %arg8[%add3A_53, %dma_wait3A_80] : memref<10000x128xf32, #tpu.memory_space<vmem_shared>> -> memref<40x128xf32, #tpu.memory_space<vmem_shared>>
      tpu.wait_dma2 semaphore(%run_scoped3A : memref<!tpu.dma_semaphore, #tpu.memory_space<semaphore_mem>>) src(%arg10 : memref<40x128xf32, #tpu.memory_space<vmem>>) dst(%dma_wait3A_81 : memref<40x128xf32, #tpu.memory_space<vmem_shared>>)
      tpu.yield
    }) : () -> ()
    %add3A_54 = arith.constant 560 : i32
    %add3A_55 = arith.addi %mul3A_25, %add3A_54 : i32
    "tpu.region"() ({
      %run_scoped3A = tpu.sem_alloc : memref<!tpu.dma_semaphore, #tpu.memory_space<semaphore_mem>>
      %dma_start3A = arith.constant 0 : i32
      %dma_start3A_76 = tpu.memref_slice %arg8[%add3A_55, %dma_start3A] : memref<10000x128xf32, #tpu.memory_space<vmem_shared>> -> memref<40x128xf32, #tpu.memory_space<vmem_shared>>
      %dma_start3A_77 = arith.constant 0 : i32
      %dma_start3A_78 = tpu.memref_slice %arg8[%add3A_55, %dma_start3A_77] : memref<10000x128xf32, #tpu.memory_space<vmem_shared>> -> memref<40x128xf32, #tpu.memory_space<vmem_shared>>
      tpu.enqueue_dma source(%arg10 : memref<40x128xf32, #tpu.memory_space<vmem>>) target(%dma_start3A_78 : memref<40x128xf32, #tpu.memory_space<vmem_shared>>) target_semaphore(%run_scoped3A : memref<!tpu.dma_semaphore, #tpu.memory_space<semaphore_mem>>)
      %dma_wait3A = arith.constant 0 : i32
      %dma_wait3A_79 = tpu.memref_slice %arg8[%add3A_55, %dma_wait3A] : memref<10000x128xf32, #tpu.memory_space<vmem_shared>> -> memref<40x128xf32, #tpu.memory_space<vmem_shared>>
      %dma_wait3A_80 = arith.constant 0 : i32
      %dma_wait3A_81 = tpu.memref_slice %arg8[%add3A_55, %dma_wait3A_80] : memref<10000x128xf32, #tpu.memory_space<vmem_shared>> -> memref<40x128xf32, #tpu.memory_space<vmem_shared>>
      tpu.wait_dma2 semaphore(%run_scoped3A : memref<!tpu.dma_semaphore, #tpu.memory_space<semaphore_mem>>) src(%arg10 : memref<40x128xf32, #tpu.memory_space<vmem>>) dst(%dma_wait3A_81 : memref<40x128xf32, #tpu.memory_space<vmem_shared>>)
      tpu.yield
    }) : () -> ()
    %add3A_56 = arith.constant 600 : i32
    %add3A_57 = arith.addi %mul3A_25, %add3A_56 : i32
    "tpu.region"() ({
      %run_scoped3A = tpu.sem_alloc : memref<!tpu.dma_semaphore, #tpu.memory_space<semaphore_mem>>
      %dma_start3A = arith.constant 0 : i32
      %dma_start3A_76 = arith.constant 0 : i32
      %dma_start3A_77 = tpu.memref_slice %arg10[%dma_start3A, %dma_start3A_76] : memref<40x128xf32, #tpu.memory_space<vmem>> -> memref<24x128xf32, #tpu.memory_space<vmem>>
      %dma_start3A_78 = arith.constant 0 : i32
      %dma_start3A_79 = tpu.memref_slice %arg8[%add3A_57, %dma_start3A_78] : memref<10000x128xf32, #tpu.memory_space<vmem_shared>> -> memref<24x128xf32, #tpu.memory_space<vmem_shared>>
      %dma_start3A_80 = arith.constant 0 : i32
      %dma_start3A_81 = tpu.memref_slice %arg8[%add3A_57, %dma_start3A_80] : memref<10000x128xf32, #tpu.memory_space<vmem_shared>> -> memref<24x128xf32, #tpu.memory_space<vmem_shared>>
      %dma_start3A_82 = arith.constant 0 : i32
      %dma_start3A_83 = arith.constant 0 : i32
      %dma_start3A_84 = tpu.memref_slice %arg10[%dma_start3A_82, %dma_start3A_83] : memref<40x128xf32, #tpu.memory_space<vmem>> -> memref<24x128xf32, #tpu.memory_space<vmem>>
      tpu.enqueue_dma source(%dma_start3A_84 : memref<24x128xf32, #tpu.memory_space<vmem>>) target(%dma_start3A_81 : memref<24x128xf32, #tpu.memory_space<vmem_shared>>) target_semaphore(%run_scoped3A : memref<!tpu.dma_semaphore, #tpu.memory_space<semaphore_mem>>)
      %dma_wait3A = arith.constant 0 : i32
      %dma_wait3A_85 = arith.constant 0 : i32
      %dma_wait3A_86 = tpu.memref_slice %arg10[%dma_wait3A, %dma_wait3A_85] : memref<40x128xf32, #tpu.memory_space<vmem>> -> memref<24x128xf32, #tpu.memory_space<vmem>>
      %dma_wait3A_87 = arith.constant 0 : i32
      %dma_wait3A_88 = tpu.memref_slice %arg8[%add3A_57, %dma_wait3A_87] : memref<10000x128xf32, #tpu.memory_space<vmem_shared>> -> memref<24x128xf32, #tpu.memory_space<vmem_shared>>
      %dma_wait3A_89 = arith.constant 0 : i32
      %dma_wait3A_90 = tpu.memref_slice %arg8[%add3A_57, %dma_wait3A_89] : memref<10000x128xf32, #tpu.memory_space<vmem_shared>> -> memref<24x128xf32, #tpu.memory_space<vmem_shared>>
      %dma_wait3A_91 = arith.constant 0 : i32
      %dma_wait3A_92 = arith.constant 0 : i32
      %dma_wait3A_93 = tpu.memref_slice %arg10[%dma_wait3A_91, %dma_wait3A_92] : memref<40x128xf32, #tpu.memory_space<vmem>> -> memref<24x128xf32, #tpu.memory_space<vmem>>
      tpu.wait_dma2 semaphore(%run_scoped3A : memref<!tpu.dma_semaphore, #tpu.memory_space<semaphore_mem>>) src(%dma_wait3A_93 : memref<24x128xf32, #tpu.memory_space<vmem>>) dst(%dma_wait3A_90 : memref<24x128xf32, #tpu.memory_space<vmem_shared>>)
      tpu.yield
    }) : () -> ()
    %eq3A = arith.constant 15 : i32
    %eq3A_58 = arith.cmpi eq, %arg1, %eq3A : i32
    %convert_element_type3A = arith.extui %eq3A_58 : i1 to i32
    %cond3A = arith.constant 0 : i32
    %cond3A_59 = arith.cmpi ne, %convert_element_type3A, %cond3A : i32
    scf.if %cond3A_59 {
      "tpu.region"() ({
        %run_scoped3A = tpu.sem_alloc : memref<!tpu.dma_semaphore, #tpu.memory_space<semaphore_mem>>
        %dma_start3A = arith.constant 0 : i32
        %dma_start3A_76 = arith.constant 0 : i32
        %dma_start3A_77 = tpu.memref_slice %arg10[%dma_start3A, %dma_start3A_76] : memref<40x128xf32, #tpu.memory_space<vmem>> -> memref<16x128xf32, #tpu.memory_space<vmem>>
        %dma_start3A_78 = arith.constant 9984 : i32
        %dma_start3A_79 = arith.constant 0 : i32
        %dma_start3A_80 = tpu.memref_slice %arg8[%dma_start3A_78, %dma_start3A_79] : memref<10000x128xf32, #tpu.memory_space<vmem_shared>> -> memref<16x128xf32, #tpu.memory_space<vmem_shared>>
        %dma_start3A_81 = arith.constant 9984 : i32
        %dma_start3A_82 = arith.constant 0 : i32
        %dma_start3A_83 = tpu.memref_slice %arg8[%dma_start3A_81, %dma_start3A_82] : memref<10000x128xf32, #tpu.memory_space<vmem_shared>> -> memref<16x128xf32, #tpu.memory_space<vmem_shared>>
        %dma_start3A_84 = arith.constant 0 : i32
        %dma_start3A_85 = arith.constant 0 : i32
        %dma_start3A_86 = tpu.memref_slice %arg10[%dma_start3A_84, %dma_start3A_85] : memref<40x128xf32, #tpu.memory_space<vmem>> -> memref<16x128xf32, #tpu.memory_space<vmem>>
        tpu.enqueue_dma source(%dma_start3A_86 : memref<16x128xf32, #tpu.memory_space<vmem>>) target(%dma_start3A_83 : memref<16x128xf32, #tpu.memory_space<vmem_shared>>) target_semaphore(%run_scoped3A : memref<!tpu.dma_semaphore, #tpu.memory_space<semaphore_mem>>)
        %dma_wait3A = arith.constant 0 : i32
        %dma_wait3A_87 = arith.constant 0 : i32
        %dma_wait3A_88 = tpu.memref_slice %arg10[%dma_wait3A, %dma_wait3A_87] : memref<40x128xf32, #tpu.memory_space<vmem>> -> memref<16x128xf32, #tpu.memory_space<vmem>>
        %dma_wait3A_89 = arith.constant 9984 : i32
        %dma_wait3A_90 = arith.constant 0 : i32
        %dma_wait3A_91 = tpu.memref_slice %arg8[%dma_wait3A_89, %dma_wait3A_90] : memref<10000x128xf32, #tpu.memory_space<vmem_shared>> -> memref<16x128xf32, #tpu.memory_space<vmem_shared>>
        %dma_wait3A_92 = arith.constant 9984 : i32
        %dma_wait3A_93 = arith.constant 0 : i32
        %dma_wait3A_94 = tpu.memref_slice %arg8[%dma_wait3A_92, %dma_wait3A_93] : memref<10000x128xf32, #tpu.memory_space<vmem_shared>> -> memref<16x128xf32, #tpu.memory_space<vmem_shared>>
        %dma_wait3A_95 = arith.constant 0 : i32
        %dma_wait3A_96 = arith.constant 0 : i32
        %dma_wait3A_97 = tpu.memref_slice %arg10[%dma_wait3A_95, %dma_wait3A_96] : memref<40x128xf32, #tpu.memory_space<vmem>> -> memref<16x128xf32, #tpu.memory_space<vmem>>
        tpu.wait_dma2 semaphore(%run_scoped3A : memref<!tpu.dma_semaphore, #tpu.memory_space<semaphore_mem>>) src(%dma_wait3A_97 : memref<16x128xf32, #tpu.memory_space<vmem>>) dst(%dma_wait3A_94 : memref<16x128xf32, #tpu.memory_space<vmem_shared>>)
        tpu.yield
      }) : () -> ()
    } else {
    }
    %barrier3A = arith.constant 0 : index
    tpu.barrier barrier_id(%barrier3A)
    %mul3A_60 = arith.constant 10000 : i32
    %mul3A_61 = arith.muli %add3A, %mul3A_60 : i32
    %get3A = arith.constant 0 : index
    %get3A_62 = tpu.vector_load %arg15[%get3A] {strides = array<i32>} : memref<128xf32, #tpu.memory_space<vmem>>, vector<16xf32>,
    %get3A_63 = vector.shape_cast %get3A_62 : vector<16xf32> to vector<16xf32>
    %scan3A_64 = arith.constant 0 : i32
    %scan3A_65 = arith.constant 0 : i32
    %scan3A_66 = arith.constant 250 : i32
    %scan3A_67 = arith.addi %scan3A_65, %scan3A_66 : i32
    %scan3A_68 = arith.constant 1 : i32
    scf.for %scan3A_76 = %scan3A_65 to %scan3A_67 step %scan3A_68  : i32 {
      %mul3A_77 = arith.constant 40 : i32
      %mul3A_78 = arith.muli %scan3A_76, %mul3A_77 : i32
      %add3A_79 = arith.addi %mul3A_61, %mul3A_78 : i32
      "tpu.region"() ({
        %run_scoped3A = tpu.sem_alloc : memref<!tpu.dma_semaphore, #tpu.memory_space<semaphore_mem>>
        %dma_start3A_305 = tpu.memref_slice %arg3[%add3A_79] : memref<320000xi32, #tpu.memory_space<hbm>> -> memref<40xi32, #tpu.memory_space<hbm>>
        %dma_start3A_306 = tpu.memref_slice %arg3[%add3A_79] : memref<320000xi32, #tpu.memory_space<hbm>> -> memref<40xi32, #tpu.memory_space<hbm>>
        tpu.enqueue_dma source(%dma_start3A_306 : memref<40xi32, #tpu.memory_space<hbm>>) target(%arg13 : memref<40xi32, #tpu.memory_space<vmem>>) target_semaphore(%run_scoped3A : memref<!tpu.dma_semaphore, #tpu.memory_space<semaphore_mem>>)
        %dma_wait3A_307 = tpu.memref_slice %arg3[%add3A_79] : memref<320000xi32, #tpu.memory_space<hbm>> -> memref<40xi32, #tpu.memory_space<hbm>>
        %dma_wait3A_308 = tpu.memref_slice %arg3[%add3A_79] : memref<320000xi32, #tpu.memory_space<hbm>> -> memref<40xi32, #tpu.memory_space<hbm>>
        tpu.wait_dma2 semaphore(%run_scoped3A : memref<!tpu.dma_semaphore, #tpu.memory_space<semaphore_mem>>) src(%dma_wait3A_308 : memref<40xi32, #tpu.memory_space<hbm>>) dst(%arg13 : memref<40xi32, #tpu.memory_space<vmem>>)
        tpu.yield
      }) : () -> ()
      "tpu.region"() ({
        %run_scoped3A = tpu.sem_alloc : memref<!tpu.dma_semaphore, #tpu.memory_space<semaphore_mem>>
        %dma_start3A_305 = tpu.memref_slice %arg4[%add3A_79] : memref<320000xi32, #tpu.memory_space<hbm>> -> memref<40xi32, #tpu.memory_space<hbm>>
        %dma_start3A_306 = tpu.memref_slice %arg4[%add3A_79] : memref<320000xi32, #tpu.memory_space<hbm>> -> memref<40xi32, #tpu.memory_space<hbm>>
        tpu.enqueue_dma source(%dma_start3A_306 : memref<40xi32, #tpu.memory_space<hbm>>) target(%arg14 : memref<40xi32, #tpu.memory_space<vmem>>) target_semaphore(%run_scoped3A : memref<!tpu.dma_semaphore, #tpu.memory_space<semaphore_mem>>)
        %dma_wait3A_307 = tpu.memref_slice %arg4[%add3A_79] : memref<320000xi32, #tpu.memory_space<hbm>> -> memref<40xi32, #tpu.memory_space<hbm>>
        %dma_wait3A_308 = tpu.memref_slice %arg4[%add3A_79] : memref<320000xi32, #tpu.memory_space<hbm>> -> memref<40xi32, #tpu.memory_space<hbm>>
        tpu.wait_dma2 semaphore(%run_scoped3A : memref<!tpu.dma_semaphore, #tpu.memory_space<semaphore_mem>>) src(%dma_wait3A_308 : memref<40xi32, #tpu.memory_space<hbm>>) dst(%arg14 : memref<40xi32, #tpu.memory_space<vmem>>)
        tpu.yield
      }) : () -> ()
      "tpu.region"() ({
        %run_scoped3A = tpu.sem_alloc : memref<!tpu.dma_semaphore, #tpu.memory_space<semaphore_mem>>
        %dma_start3A_305 = arith.constant 0 : i32
        %dma_start3A_306 = tpu.memref_slice %arg12[%dma_start3A_305] : memref<48xf32, #tpu.memory_space<vmem>> -> memref<40xf32, #tpu.memory_space<vmem>>
        %dma_start3A_307 = tpu.memref_slice %arg5[%add3A_79] : memref<320000xf32, #tpu.memory_space<hbm>> -> memref<40xf32, #tpu.memory_space<hbm>>
        %dma_start3A_308 = arith.constant 0 : i32
        %dma_start3A_309 = tpu.memref_slice %arg12[%dma_start3A_308] : memref<48xf32, #tpu.memory_space<vmem>> -> memref<40xf32, #tpu.memory_space<vmem>>
        %dma_start3A_310 = tpu.memref_slice %arg5[%add3A_79] : memref<320000xf32, #tpu.memory_space<hbm>> -> memref<40xf32, #tpu.memory_space<hbm>>
        tpu.enqueue_dma source(%dma_start3A_310 : memref<40xf32, #tpu.memory_space<hbm>>) target(%dma_start3A_309 : memref<40xf32, #tpu.memory_space<vmem>>) target_semaphore(%run_scoped3A : memref<!tpu.dma_semaphore, #tpu.memory_space<semaphore_mem>>)
        %dma_wait3A_311 = arith.constant 0 : i32
        %dma_wait3A_312 = tpu.memref_slice %arg12[%dma_wait3A_311] : memref<48xf32, #tpu.memory_space<vmem>> -> memref<40xf32, #tpu.memory_space<vmem>>
        %dma_wait3A_313 = tpu.memref_slice %arg5[%add3A_79] : memref<320000xf32, #tpu.memory_space<hbm>> -> memref<40xf32, #tpu.memory_space<hbm>>
        %dma_wait3A_314 = arith.constant 0 : i32
        %dma_wait3A_315 = tpu.memref_slice %arg12[%dma_wait3A_314] : memref<48xf32, #tpu.memory_space<vmem>> -> memref<40xf32, #tpu.memory_space<vmem>>
        %dma_wait3A_316 = tpu.memref_slice %arg5[%add3A_79] : memref<320000xf32, #tpu.memory_space<hbm>> -> memref<40xf32, #tpu.memory_space<hbm>>
        tpu.wait_dma2 semaphore(%run_scoped3A : memref<!tpu.dma_semaphore, #tpu.memory_space<semaphore_mem>>) src(%dma_wait3A_316 : memref<40xf32, #tpu.memory_space<hbm>>) dst(%dma_wait3A_315 : memref<40xf32, #tpu.memory_space<vmem>>)
        tpu.yield
      }) : () -> ()
      %dma_start3A = arith.constant 0 : i32
      %dma_start3A_80 = arith.constant 0 : i32
      %dma_start3A_81 = tpu.memref_slice %arg2[%dma_start3A, %dma_start3A_80] : memref<10000x640xf32, #tpu.memory_space<hbm>> -> memref<10000x640xf32, #tpu.memory_space<hbm>>
      tpu.enqueue_indirect_dma source(%dma_start3A_81 : memref<10000x640xf32, #tpu.memory_space<hbm>>) target(%arg9 : memref<40x640xf32, #tpu.memory_space<vmem>>) offsets(%arg13 : memref<40xi32, #tpu.memory_space<vmem>>) semaphore(%arg16 : memref<!tpu.dma_semaphore, #tpu.memory_space<semaphore_mem>>)
      %dma_wait3A = arith.constant 0 : i32
      %dma_wait3A_82 = arith.constant 0 : i32
      %dma_wait3A_83 = tpu.memref_slice %arg2[%dma_wait3A, %dma_wait3A_82] : memref<10000x640xf32, #tpu.memory_space<hbm>> -> memref<10000x640xf32, #tpu.memory_space<hbm>>
      tpu.wait_indirect_dma semaphore(%arg16 : memref<!tpu.dma_semaphore, #tpu.memory_space<semaphore_mem>>) src(%dma_wait3A_83 : memref<10000x640xf32, #tpu.memory_space<hbm>>) dst(%arg9 : memref<40x640xf32, #tpu.memory_space<vmem>>)
      %get3A_84 = arith.constant 0 : index
      %get3A_85 = tpu.vector_load %arg12[%get3A_84] {strides = array<i32>} : memref<48xf32, #tpu.memory_space<vmem>>, vector<16xf32>,
      %get3A_86 = vector.shape_cast %get3A_85 : vector<16xf32> to vector<16xf32>
      %slice3A = vector.extract_strided_slice %get3A_63 {offsets = [0], sizes = [1], strides = [1]} : vector<16xf32> to vector<1xf32>
      %squeeze3A = vector.extract %slice3A[0] : f32 from vector<1xf32>
      %sub3A = vector.broadcast %squeeze3A : f32 to vector<16xf32>
      %sub3A_87 = arith.subf %get3A_86, %sub3A : vector<16xf32>
      %mul3A_88 = arith.mulf %sub3A_87, %sub3A_87 : vector<16xf32>
      %slice3A_89 = vector.extract_strided_slice %get3A_63 {offsets = [8], sizes = [1], strides = [1]} : vector<16xf32> to vector<1xf32>
      %squeeze3A_90 = vector.extract %slice3A_89[0] : f32 from vector<1xf32>
      %mul3A_91 = vector.broadcast %squeeze3A_90 : f32 to vector<16xf32>
      %mul3A_92 = arith.mulf %mul3A_88, %mul3A_91 : vector<16xf32>
      %exp3A = math.exp %mul3A_92 : vector<16xf32>
      %swap3A_93 = arith.constant 0 : index
      %swap3A_94 = tpu.vector_load %arg11[%swap3A_93] {strides = array<i32>} : memref<256xf32, #tpu.memory_space<vmem>>, vector<16xf32>,
      %swap3A_95 = vector.shape_cast %swap3A_94 : vector<16xf32> to vector<16xf32>
      %swap3A_96 = vector.shape_cast %exp3A : vector<16xf32> to vector<16xf32>
      tpu.vector_store %arg11[%swap3A_93], %swap3A_96 {strides = array<i32>} : memref<256xf32, #tpu.memory_space<vmem>>, vector<16xf32>,
      %slice3A_97 = vector.extract_strided_slice %get3A_63 {offsets = [1], sizes = [1], strides = [1]} : vector<16xf32> to vector<1xf32>
      %squeeze3A_98 = vector.extract %slice3A_97[0] : f32 from vector<1xf32>
      %sub3A_99 = vector.broadcast %squeeze3A_98 : f32 to vector<16xf32>
      %sub3A_100 = arith.subf %get3A_86, %sub3A_99 : vector<16xf32>
      %mul3A_101 = arith.mulf %sub3A_100, %sub3A_100 : vector<16xf32>
      %slice3A_102 = vector.extract_strided_slice %get3A_63 {offsets = [9], sizes = [1], strides = [1]} : vector<16xf32> to vector<1xf32>
      %squeeze3A_103 = vector.extract %slice3A_102[0] : f32 from vector<1xf32>
      %mul3A_104 = vector.broadcast %squeeze3A_103 : f32 to vector<16xf32>
      %mul3A_105 = arith.mulf %mul3A_101, %mul3A_104 : vector<16xf32>
      %exp3A_106 = math.exp %mul3A_105 : vector<16xf32>
      %swap3A_107 = arith.constant 48 : index
      %swap3A_108 = tpu.vector_load %arg11[%swap3A_107] {strides = array<i32>} : memref<256xf32, #tpu.memory_space<vmem>>, vector<16xf32>,
      %swap3A_109 = vector.shape_cast %swap3A_108 : vector<16xf32> to vector<16xf32>
      %swap3A_110 = vector.shape_cast %exp3A_106 : vector<16xf32> to vector<16xf32>
      tpu.vector_store %arg11[%swap3A_107], %swap3A_110 {strides = array<i32>} : memref<256xf32, #tpu.memory_space<vmem>>, vector<16xf32>,
      %slice3A_111 = vector.extract_strided_slice %get3A_63 {offsets = [2], sizes = [1], strides = [1]} : vector<16xf32> to vector<1xf32>
      %squeeze3A_112 = vector.extract %slice3A_111[0] : f32 from vector<1xf32>
      %sub3A_113 = vector.broadcast %squeeze3A_112 : f32 to vector<16xf32>
      %sub3A_114 = arith.subf %get3A_86, %sub3A_113 : vector<16xf32>
      %mul3A_115 = arith.mulf %sub3A_114, %sub3A_114 : vector<16xf32>
      %slice3A_116 = vector.extract_strided_slice %get3A_63 {offsets = [10], sizes = [1], strides = [1]} : vector<16xf32> to vector<1xf32>
      %squeeze3A_117 = vector.extract %slice3A_116[0] : f32 from vector<1xf32>
      %mul3A_118 = vector.broadcast %squeeze3A_117 : f32 to vector<16xf32>
      %mul3A_119 = arith.mulf %mul3A_115, %mul3A_118 : vector<16xf32>
      %exp3A_120 = math.exp %mul3A_119 : vector<16xf32>
      %swap3A_121 = arith.constant 96 : index
      %swap3A_122 = tpu.vector_load %arg11[%swap3A_121] {strides = array<i32>} : memref<256xf32, #tpu.memory_space<vmem>>, vector<16xf32>,
      %swap3A_123 = vector.shape_cast %swap3A_122 : vector<16xf32> to vector<16xf32>
      %swap3A_124 = vector.shape_cast %exp3A_120 : vector<16xf32> to vector<16xf32>
      tpu.vector_store %arg11[%swap3A_121], %swap3A_124 {strides = array<i32>} : memref<256xf32, #tpu.memory_space<vmem>>, vector<16xf32>,
      %slice3A_125 = vector.extract_strided_slice %get3A_63 {offsets = [3], sizes = [1], strides = [1]} : vector<16xf32> to vector<1xf32>
      %squeeze3A_126 = vector.extract %slice3A_125[0] : f32 from vector<1xf32>
      %sub3A_127 = vector.broadcast %squeeze3A_126 : f32 to vector<16xf32>
      %sub3A_128 = arith.subf %get3A_86, %sub3A_127 : vector<16xf32>
      %mul3A_129 = arith.mulf %sub3A_128, %sub3A_128 : vector<16xf32>
      %slice3A_130 = vector.extract_strided_slice %get3A_63 {offsets = [11], sizes = [1], strides = [1]} : vector<16xf32> to vector<1xf32>
      %squeeze3A_131 = vector.extract %slice3A_130[0] : f32 from vector<1xf32>
      %mul3A_132 = vector.broadcast %squeeze3A_131 : f32 to vector<16xf32>
      %mul3A_133 = arith.mulf %mul3A_129, %mul3A_132 : vector<16xf32>
      %exp3A_134 = math.exp %mul3A_133 : vector<16xf32>
      %swap3A_135 = arith.constant 144 : index
      %swap3A_136 = tpu.vector_load %arg11[%swap3A_135] {strides = array<i32>} : memref<256xf32, #tpu.memory_space<vmem>>, vector<16xf32>,
      %swap3A_137 = vector.shape_cast %swap3A_136 : vector<16xf32> to vector<16xf32>
      %swap3A_138 = vector.shape_cast %exp3A_134 : vector<16xf32> to vector<16xf32>
      tpu.vector_store %arg11[%swap3A_135], %swap3A_138 {strides = array<i32>} : memref<256xf32, #tpu.memory_space<vmem>>, vector<16xf32>,
      %slice3A_139 = vector.extract_strided_slice %get3A_63 {offsets = [4], sizes = [1], strides = [1]} : vector<16xf32> to vector<1xf32>
      %squeeze3A_140 = vector.extract %slice3A_139[0] : f32 from vector<1xf32>
      %sub3A_141 = vector.broadcast %squeeze3A_140 : f32 to vector<16xf32>
      %sub3A_142 = arith.subf %get3A_86, %sub3A_141 : vector<16xf32>
      %mul3A_143 = arith.mulf %sub3A_142, %sub3A_142 : vector<16xf32>
      %slice3A_144 = vector.extract_strided_slice %get3A_63 {offsets = [12], sizes = [1], strides = [1]} : vector<16xf32> to vector<1xf32>
      %squeeze3A_145 = vector.extract %slice3A_144[0] : f32 from vector<1xf32>
      %mul3A_146 = vector.broadcast %squeeze3A_145 : f32 to vector<16xf32>
      %mul3A_147 = arith.mulf %mul3A_143, %mul3A_146 : vector<16xf32>
      %exp3A_148 = math.exp %mul3A_147 : vector<16xf32>
      %swap3A_149 = arith.constant 192 : index
      %swap3A_150 = tpu.vector_load %arg11[%swap3A_149] {strides = array<i32>} : memref<256xf32, #tpu.memory_space<vmem>>, vector<16xf32>,
      %swap3A_151 = vector.shape_cast %swap3A_150 : vector<16xf32> to vector<16xf32>
      %swap3A_152 = vector.shape_cast %exp3A_148 : vector<16xf32> to vector<16xf32>
      tpu.vector_store %arg11[%swap3A_149], %swap3A_152 {strides = array<i32>} : memref<256xf32, #tpu.memory_space<vmem>>, vector<16xf32>,
      %get3A_153 = arith.constant 16 : index
      %get3A_154 = tpu.vector_load %arg12[%get3A_153] {strides = array<i32>} : memref<48xf32, #tpu.memory_space<vmem>>, vector<16xf32>,
      %get3A_155 = vector.shape_cast %get3A_154 : vector<16xf32> to vector<16xf32>
      %slice3A_156 = vector.extract_strided_slice %get3A_63 {offsets = [0], sizes = [1], strides = [1]} : vector<16xf32> to vector<1xf32>
      %squeeze3A_157 = vector.extract %slice3A_156[0] : f32 from vector<1xf32>
      %sub3A_158 = vector.broadcast %squeeze3A_157 : f32 to vector<16xf32>
      %sub3A_159 = arith.subf %get3A_155, %sub3A_158 : vector<16xf32>
      %mul3A_160 = arith.mulf %sub3A_159, %sub3A_159 : vector<16xf32>
      %slice3A_161 = vector.extract_strided_slice %get3A_63 {offsets = [8], sizes = [1], strides = [1]} : vector<16xf32> to vector<1xf32>
      %squeeze3A_162 = vector.extract %slice3A_161[0] : f32 from vector<1xf32>
      %mul3A_163 = vector.broadcast %squeeze3A_162 : f32 to vector<16xf32>
      %mul3A_164 = arith.mulf %mul3A_160, %mul3A_163 : vector<16xf32>
      %exp3A_165 = math.exp %mul3A_164 : vector<16xf32>
      %swap3A_166 = arith.constant 16 : index
      %swap3A_167 = tpu.vector_load %arg11[%swap3A_166] {strides = array<i32>} : memref<256xf32, #tpu.memory_space<vmem>>, vector<16xf32>,
      %swap3A_168 = vector.shape_cast %swap3A_167 : vector<16xf32> to vector<16xf32>
      %swap3A_169 = vector.shape_cast %exp3A_165 : vector<16xf32> to vector<16xf32>
      tpu.vector_store %arg11[%swap3A_166], %swap3A_169 {strides = array<i32>} : memref<256xf32, #tpu.memory_space<vmem>>, vector<16xf32>,
      %slice3A_170 = vector.extract_strided_slice %get3A_63 {offsets = [1], sizes = [1], strides = [1]} : vector<16xf32> to vector<1xf32>
      %squeeze3A_171 = vector.extract %slice3A_170[0] : f32 from vector<1xf32>
      %sub3A_172 = vector.broadcast %squeeze3A_171 : f32 to vector<16xf32>
      %sub3A_173 = arith.subf %get3A_155, %sub3A_172 : vector<16xf32>
      %mul3A_174 = arith.mulf %sub3A_173, %sub3A_173 : vector<16xf32>
      %slice3A_175 = vector.extract_strided_slice %get3A_63 {offsets = [9], sizes = [1], strides = [1]} : vector<16xf32> to vector<1xf32>
      %squeeze3A_176 = vector.extract %slice3A_175[0] : f32 from vector<1xf32>
      %mul3A_177 = vector.broadcast %squeeze3A_176 : f32 to vector<16xf32>
      %mul3A_178 = arith.mulf %mul3A_174, %mul3A_177 : vector<16xf32>
      %exp3A_179 = math.exp %mul3A_178 : vector<16xf32>
      %swap3A_180 = arith.constant 64 : index
      %swap3A_181 = tpu.vector_load %arg11[%swap3A_180] {strides = array<i32>} : memref<256xf32, #tpu.memory_space<vmem>>, vector<16xf32>,
      %swap3A_182 = vector.shape_cast %swap3A_181 : vector<16xf32> to vector<16xf32>
      %swap3A_183 = vector.shape_cast %exp3A_179 : vector<16xf32> to vector<16xf32>
      tpu.vector_store %arg11[%swap3A_180], %swap3A_183 {strides = array<i32>} : memref<256xf32, #tpu.memory_space<vmem>>, vector<16xf32>,
      %slice3A_184 = vector.extract_strided_slice %get3A_63 {offsets = [2], sizes = [1], strides = [1]} : vector<16xf32> to vector<1xf32>
      %squeeze3A_185 = vector.extract %slice3A_184[0] : f32 from vector<1xf32>
      %sub3A_186 = vector.broadcast %squeeze3A_185 : f32 to vector<16xf32>
      %sub3A_187 = arith.subf %get3A_155, %sub3A_186 : vector<16xf32>
      %mul3A_188 = arith.mulf %sub3A_187, %sub3A_187 : vector<16xf32>
      %slice3A_189 = vector.extract_strided_slice %get3A_63 {offsets = [10], sizes = [1], strides = [1]} : vector<16xf32> to vector<1xf32>
      %squeeze3A_190 = vector.extract %slice3A_189[0] : f32 from vector<1xf32>
      %mul3A_191 = vector.broadcast %squeeze3A_190 : f32 to vector<16xf32>
      %mul3A_192 = arith.mulf %mul3A_188, %mul3A_191 : vector<16xf32>
      %exp3A_193 = math.exp %mul3A_192 : vector<16xf32>
      %swap3A_194 = arith.constant 112 : index
      %swap3A_195 = tpu.vector_load %arg11[%swap3A_194] {strides = array<i32>} : memref<256xf32, #tpu.memory_space<vmem>>, vector<16xf32>,
      %swap3A_196 = vector.shape_cast %swap3A_195 : vector<16xf32> to vector<16xf32>
      %swap3A_197 = vector.shape_cast %exp3A_193 : vector<16xf32> to vector<16xf32>
      tpu.vector_store %arg11[%swap3A_194], %swap3A_197 {strides = array<i32>} : memref<256xf32, #tpu.memory_space<vmem>>, vector<16xf32>,
      %slice3A_198 = vector.extract_strided_slice %get3A_63 {offsets = [3], sizes = [1], strides = [1]} : vector<16xf32> to vector<1xf32>
      %squeeze3A_199 = vector.extract %slice3A_198[0] : f32 from vector<1xf32>
      %sub3A_200 = vector.broadcast %squeeze3A_199 : f32 to vector<16xf32>
      %sub3A_201 = arith.subf %get3A_155, %sub3A_200 : vector<16xf32>
      %mul3A_202 = arith.mulf %sub3A_201, %sub3A_201 : vector<16xf32>
      %slice3A_203 = vector.extract_strided_slice %get3A_63 {offsets = [11], sizes = [1], strides = [1]} : vector<16xf32> to vector<1xf32>
      %squeeze3A_204 = vector.extract %slice3A_203[0] : f32 from vector<1xf32>
      %mul3A_205 = vector.broadcast %squeeze3A_204 : f32 to vector<16xf32>
      %mul3A_206 = arith.mulf %mul3A_202, %mul3A_205 : vector<16xf32>
      %exp3A_207 = math.exp %mul3A_206 : vector<16xf32>
      %swap3A_208 = arith.constant 160 : index
      %swap3A_209 = tpu.vector_load %arg11[%swap3A_208] {strides = array<i32>} : memref<256xf32, #tpu.memory_space<vmem>>, vector<16xf32>,
      %swap3A_210 = vector.shape_cast %swap3A_209 : vector<16xf32> to vector<16xf32>
      %swap3A_211 = vector.shape_cast %exp3A_207 : vector<16xf32> to vector<16xf32>
      tpu.vector_store %arg11[%swap3A_208], %swap3A_211 {strides = array<i32>} : memref<256xf32, #tpu.memory_space<vmem>>, vector<16xf32>,
      %slice3A_212 = vector.extract_strided_slice %get3A_63 {offsets = [4], sizes = [1], strides = [1]} : vector<16xf32> to vector<1xf32>
      %squeeze3A_213 = vector.extract %slice3A_212[0] : f32 from vector<1xf32>
      %sub3A_214 = vector.broadcast %squeeze3A_213 : f32 to vector<16xf32>
      %sub3A_215 = arith.subf %get3A_155, %sub3A_214 : vector<16xf32>
      %mul3A_216 = arith.mulf %sub3A_215, %sub3A_215 : vector<16xf32>
      %slice3A_217 = vector.extract_strided_slice %get3A_63 {offsets = [12], sizes = [1], strides = [1]} : vector<16xf32> to vector<1xf32>
      %squeeze3A_218 = vector.extract %slice3A_217[0] : f32 from vector<1xf32>
      %mul3A_219 = vector.broadcast %squeeze3A_218 : f32 to vector<16xf32>
      %mul3A_220 = arith.mulf %mul3A_216, %mul3A_219 : vector<16xf32>
      %exp3A_221 = math.exp %mul3A_220 : vector<16xf32>
      %swap3A_222 = arith.constant 208 : index
      %swap3A_223 = tpu.vector_load %arg11[%swap3A_222] {strides = array<i32>} : memref<256xf32, #tpu.memory_space<vmem>>, vector<16xf32>,
      %swap3A_224 = vector.shape_cast %swap3A_223 : vector<16xf32> to vector<16xf32>
      %swap3A_225 = vector.shape_cast %exp3A_221 : vector<16xf32> to vector<16xf32>
      tpu.vector_store %arg11[%swap3A_222], %swap3A_225 {strides = array<i32>} : memref<256xf32, #tpu.memory_space<vmem>>, vector<16xf32>,
      %get3A_226 = arith.constant 32 : index
      %get3A_227 = tpu.vector_load %arg12[%get3A_226] {strides = array<i32>} : memref<48xf32, #tpu.memory_space<vmem>>, vector<16xf32>,
      %get3A_228 = vector.shape_cast %get3A_227 : vector<16xf32> to vector<16xf32>
      %slice3A_229 = vector.extract_strided_slice %get3A_63 {offsets = [0], sizes = [1], strides = [1]} : vector<16xf32> to vector<1xf32>
      %squeeze3A_230 = vector.extract %slice3A_229[0] : f32 from vector<1xf32>
      %sub3A_231 = vector.broadcast %squeeze3A_230 : f32 to vector<16xf32>
      %sub3A_232 = arith.subf %get3A_228, %sub3A_231 : vector<16xf32>
      %mul3A_233 = arith.mulf %sub3A_232, %sub3A_232 : vector<16xf32>
      %slice3A_234 = vector.extract_strided_slice %get3A_63 {offsets = [8], sizes = [1], strides = [1]} : vector<16xf32> to vector<1xf32>
      %squeeze3A_235 = vector.extract %slice3A_234[0] : f32 from vector<1xf32>
      %mul3A_236 = vector.broadcast %squeeze3A_235 : f32 to vector<16xf32>
      %mul3A_237 = arith.mulf %mul3A_233, %mul3A_236 : vector<16xf32>
      %exp3A_238 = math.exp %mul3A_237 : vector<16xf32>
      %swap3A_239 = arith.constant 32 : index
      %swap3A_240 = tpu.vector_load %arg11[%swap3A_239] {strides = array<i32>} : memref<256xf32, #tpu.memory_space<vmem>>, vector<16xf32>,
      %swap3A_241 = vector.shape_cast %swap3A_240 : vector<16xf32> to vector<16xf32>
      %swap3A_242 = vector.shape_cast %exp3A_238 : vector<16xf32> to vector<16xf32>
      tpu.vector_store %arg11[%swap3A_239], %swap3A_242 {strides = array<i32>} : memref<256xf32, #tpu.memory_space<vmem>>, vector<16xf32>,
      %slice3A_243 = vector.extract_strided_slice %get3A_63 {offsets = [1], sizes = [1], strides = [1]} : vector<16xf32> to vector<1xf32>
      %squeeze3A_244 = vector.extract %slice3A_243[0] : f32 from vector<1xf32>
      %sub3A_245 = vector.broadcast %squeeze3A_244 : f32 to vector<16xf32>
      %sub3A_246 = arith.subf %get3A_228, %sub3A_245 : vector<16xf32>
      %mul3A_247 = arith.mulf %sub3A_246, %sub3A_246 : vector<16xf32>
      %slice3A_248 = vector.extract_strided_slice %get3A_63 {offsets = [9], sizes = [1], strides = [1]} : vector<16xf32> to vector<1xf32>
      %squeeze3A_249 = vector.extract %slice3A_248[0] : f32 from vector<1xf32>
      %mul3A_250 = vector.broadcast %squeeze3A_249 : f32 to vector<16xf32>
      %mul3A_251 = arith.mulf %mul3A_247, %mul3A_250 : vector<16xf32>
      %exp3A_252 = math.exp %mul3A_251 : vector<16xf32>
      %swap3A_253 = arith.constant 80 : index
      %swap3A_254 = tpu.vector_load %arg11[%swap3A_253] {strides = array<i32>} : memref<256xf32, #tpu.memory_space<vmem>>, vector<16xf32>,
      %swap3A_255 = vector.shape_cast %swap3A_254 : vector<16xf32> to vector<16xf32>
      %swap3A_256 = vector.shape_cast %exp3A_252 : vector<16xf32> to vector<16xf32>
      tpu.vector_store %arg11[%swap3A_253], %swap3A_256 {strides = array<i32>} : memref<256xf32, #tpu.memory_space<vmem>>, vector<16xf32>,
      %slice3A_257 = vector.extract_strided_slice %get3A_63 {offsets = [2], sizes = [1], strides = [1]} : vector<16xf32> to vector<1xf32>
      %squeeze3A_258 = vector.extract %slice3A_257[0] : f32 from vector<1xf32>
      %sub3A_259 = vector.broadcast %squeeze3A_258 : f32 to vector<16xf32>
      %sub3A_260 = arith.subf %get3A_228, %sub3A_259 : vector<16xf32>
      %mul3A_261 = arith.mulf %sub3A_260, %sub3A_260 : vector<16xf32>
      %slice3A_262 = vector.extract_strided_slice %get3A_63 {offsets = [10], sizes = [1], strides = [1]} : vector<16xf32> to vector<1xf32>
      %squeeze3A_263 = vector.extract %slice3A_262[0] : f32 from vector<1xf32>
      %mul3A_264 = vector.broadcast %squeeze3A_263 : f32 to vector<16xf32>
      %mul3A_265 = arith.mulf %mul3A_261, %mul3A_264 : vector<16xf32>
      %exp3A_266 = math.exp %mul3A_265 : vector<16xf32>
      %swap3A_267 = arith.constant 128 : index
      %swap3A_268 = tpu.vector_load %arg11[%swap3A_267] {strides = array<i32>} : memref<256xf32, #tpu.memory_space<vmem>>, vector<16xf32>,
      %swap3A_269 = vector.shape_cast %swap3A_268 : vector<16xf32> to vector<16xf32>
      %swap3A_270 = vector.shape_cast %exp3A_266 : vector<16xf32> to vector<16xf32>
      tpu.vector_store %arg11[%swap3A_267], %swap3A_270 {strides = array<i32>} : memref<256xf32, #tpu.memory_space<vmem>>, vector<16xf32>,
      %slice3A_271 = vector.extract_strided_slice %get3A_63 {offsets = [3], sizes = [1], strides = [1]} : vector<16xf32> to vector<1xf32>
      %squeeze3A_272 = vector.extract %slice3A_271[0] : f32 from vector<1xf32>
      %sub3A_273 = vector.broadcast %squeeze3A_272 : f32 to vector<16xf32>
      %sub3A_274 = arith.subf %get3A_228, %sub3A_273 : vector<16xf32>
      %mul3A_275 = arith.mulf %sub3A_274, %sub3A_274 : vector<16xf32>
      %slice3A_276 = vector.extract_strided_slice %get3A_63 {offsets = [11], sizes = [1], strides = [1]} : vector<16xf32> to vector<1xf32>
      %squeeze3A_277 = vector.extract %slice3A_276[0] : f32 from vector<1xf32>
      %mul3A_278 = vector.broadcast %squeeze3A_277 : f32 to vector<16xf32>
      %mul3A_279 = arith.mulf %mul3A_275, %mul3A_278 : vector<16xf32>
      %exp3A_280 = math.exp %mul3A_279 : vector<16xf32>
      %swap3A_281 = arith.constant 176 : index
      %swap3A_282 = tpu.vector_load %arg11[%swap3A_281] {strides = array<i32>} : memref<256xf32, #tpu.memory_space<vmem>>, vector<16xf32>,
      %swap3A_283 = vector.shape_cast %swap3A_282 : vector<16xf32> to vector<16xf32>
      %swap3A_284 = vector.shape_cast %exp3A_280 : vector<16xf32> to vector<16xf32>
      tpu.vector_store %arg11[%swap3A_281], %swap3A_284 {strides = array<i32>} : memref<256xf32, #tpu.memory_space<vmem>>, vector<16xf32>,
      %slice3A_285 = vector.extract_strided_slice %get3A_63 {offsets = [4], sizes = [1], strides = [1]} : vector<16xf32> to vector<1xf32>
      %squeeze3A_286 = vector.extract %slice3A_285[0] : f32 from vector<1xf32>
      %sub3A_287 = vector.broadcast %squeeze3A_286 : f32 to vector<16xf32>
      %sub3A_288 = arith.subf %get3A_228, %sub3A_287 : vector<16xf32>
      %mul3A_289 = arith.mulf %sub3A_288, %sub3A_288 : vector<16xf32>
      %slice3A_290 = vector.extract_strided_slice %get3A_63 {offsets = [12], sizes = [1], strides = [1]} : vector<16xf32> to vector<1xf32>
      %squeeze3A_291 = vector.extract %slice3A_290[0] : f32 from vector<1xf32>
      %mul3A_292 = vector.broadcast %squeeze3A_291 : f32 to vector<16xf32>
      %mul3A_293 = arith.mulf %mul3A_289, %mul3A_292 : vector<16xf32>
      %exp3A_294 = math.exp %mul3A_293 : vector<16xf32>
      %swap3A_295 = arith.constant 224 : index
      %swap3A_296 = tpu.vector_load %arg11[%swap3A_295] {strides = array<i32>} : memref<256xf32, #tpu.memory_space<vmem>>, vector<16xf32>,
      %swap3A_297 = vector.shape_cast %swap3A_296 : vector<16xf32> to vector<16xf32>
      %swap3A_298 = vector.shape_cast %exp3A_294 : vector<16xf32> to vector<16xf32>
      tpu.vector_store %arg11[%swap3A_295], %swap3A_298 {strides = array<i32>} : memref<256xf32, #tpu.memory_space<vmem>>, vector<16xf32>,
      %scan3A_299 = arith.constant 0 : i32
      %scan3A_300 = arith.constant 0 : i32
      %scan3A_301 = arith.constant 40 : i32
      %scan3A_302 = arith.addi %scan3A_300, %scan3A_301 : i32
      %scan3A_303 = arith.constant 1 : i32
      scf.for %scan3A_305 = %scan3A_300 to %scan3A_302 step %scan3A_303  : i32 {
        %get3A_306 = arith.index_cast %scan3A_305 : i32 to index
        %get3A_307 = tpu.vector_load %arg11[%get3A_306] {strides = array<i32>} : memref<256xf32, #tpu.memory_space<vmem>>, vector<16xf32>,
        %get3A_308 = vector.shape_cast %get3A_307 : vector<16xf32> to vector<16xf32>
        %slice3A_309 = vector.extract_strided_slice %get3A_308 {offsets = [0], sizes = [1], strides = [1]} : vector<16xf32> to vector<1xf32>
        %squeeze3A_310 = vector.extract %slice3A_309[0] : f32 from vector<1xf32>
        %add3A_311 = arith.constant 48 : i32
        %add3A_312 = arith.addi %add3A_311, %scan3A_305 : i32
        %get3A_313 = arith.index_cast %add3A_312 : i32 to index
        %get3A_314 = tpu.vector_load %arg11[%get3A_313] {strides = array<i32>} : memref<256xf32, #tpu.memory_space<vmem>>, vector<16xf32>,
        %get3A_315 = vector.shape_cast %get3A_314 : vector<16xf32> to vector<16xf32>
        %slice3A_316 = vector.extract_strided_slice %get3A_315 {offsets = [0], sizes = [1], strides = [1]} : vector<16xf32> to vector<1xf32>
        %squeeze3A_317 = vector.extract %slice3A_316[0] : f32 from vector<1xf32>
        %add3A_318 = arith.constant 96 : i32
        %add3A_319 = arith.addi %add3A_318, %scan3A_305 : i32
        %get3A_320 = arith.index_cast %add3A_319 : i32 to index
        %get3A_321 = tpu.vector_load %arg11[%get3A_320] {strides = array<i32>} : memref<256xf32, #tpu.memory_space<vmem>>, vector<16xf32>,
        %get3A_322 = vector.shape_cast %get3A_321 : vector<16xf32> to vector<16xf32>
        %slice3A_323 = vector.extract_strided_slice %get3A_322 {offsets = [0], sizes = [1], strides = [1]} : vector<16xf32> to vector<1xf32>
        %squeeze3A_324 = vector.extract %slice3A_323[0] : f32 from vector<1xf32>
        %add3A_325 = arith.constant 144 : i32
        %add3A_326 = arith.addi %add3A_325, %scan3A_305 : i32
        %get3A_327 = arith.index_cast %add3A_326 : i32 to index
        %get3A_328 = tpu.vector_load %arg11[%get3A_327] {strides = array<i32>} : memref<256xf32, #tpu.memory_space<vmem>>, vector<16xf32>,
        %get3A_329 = vector.shape_cast %get3A_328 : vector<16xf32> to vector<16xf32>
        %slice3A_330 = vector.extract_strided_slice %get3A_329 {offsets = [0], sizes = [1], strides = [1]} : vector<16xf32> to vector<1xf32>
        %squeeze3A_331 = vector.extract %slice3A_330[0] : f32 from vector<1xf32>
        %add3A_332 = arith.constant 192 : i32
        %add3A_333 = arith.addi %add3A_332, %scan3A_305 : i32
        %get3A_334 = arith.index_cast %add3A_333 : i32 to index
        %get3A_335 = tpu.vector_load %arg11[%get3A_334] {strides = array<i32>} : memref<256xf32, #tpu.memory_space<vmem>>, vector<16xf32>,
        %get3A_336 = vector.shape_cast %get3A_335 : vector<16xf32> to vector<16xf32>
        %slice3A_337 = vector.extract_strided_slice %get3A_336 {offsets = [0], sizes = [1], strides = [1]} : vector<16xf32> to vector<1xf32>
        %squeeze3A_338 = vector.extract %slice3A_337[0] : f32 from vector<1xf32>
        %get3A_339 = arith.index_cast %scan3A_305 : i32 to index
        %get3A_340 = arith.constant 0 : index
        %get3A_341 = tpu.vector_load %arg9[%get3A_339, %get3A_340] {strides = array<i32>} : memref<40x640xf32, #tpu.memory_space<vmem>>, vector<1x16xf32>,
        %get3A_342 = vector.shape_cast %get3A_341 : vector<1x16xf32> to vector<16xf32>
        %mul3A_343 = vector.broadcast %squeeze3A_310 : f32 to vector<16xf32>
        %mul3A_344 = arith.mulf %get3A_342, %mul3A_343 : vector<16xf32>
        %get3A_345 = arith.index_cast %scan3A_305 : i32 to index
        %get3A_346 = arith.constant 128 : index
        %get3A_347 = tpu.vector_load %arg9[%get3A_345, %get3A_346] {strides = array<i32>} : memref<40x640xf32, #tpu.memory_space<vmem>>, vector<1x16xf32>,
        %get3A_348 = vector.shape_cast %get3A_347 : vector<1x16xf32> to vector<16xf32>
        %mul3A_349 = vector.broadcast %squeeze3A_317 : f32 to vector<16xf32>
        %mul3A_350 = arith.mulf %get3A_348, %mul3A_349 : vector<16xf32>
        %add3A_351 = arith.addf %mul3A_344, %mul3A_350 : vector<16xf32>
        %get3A_352 = arith.index_cast %scan3A_305 : i32 to index
        %get3A_353 = arith.constant 256 : index
        %get3A_354 = tpu.vector_load %arg9[%get3A_352, %get3A_353] {strides = array<i32>} : memref<40x640xf32, #tpu.memory_space<vmem>>, vector<1x16xf32>,
        %get3A_355 = vector.shape_cast %get3A_354 : vector<1x16xf32> to vector<16xf32>
        %mul3A_356 = vector.broadcast %squeeze3A_324 : f32 to vector<16xf32>
        %mul3A_357 = arith.mulf %get3A_355, %mul3A_356 : vector<16xf32>
        %add3A_358 = arith.addf %add3A_351, %mul3A_357 : vector<16xf32>
        %get3A_359 = arith.index_cast %scan3A_305 : i32 to index
        %get3A_360 = arith.constant 384 : index
        %get3A_361 = tpu.vector_load %arg9[%get3A_359, %get3A_360] {strides = array<i32>} : memref<40x640xf32, #tpu.memory_space<vmem>>, vector<1x16xf32>,
        %get3A_362 = vector.shape_cast %get3A_361 : vector<1x16xf32> to vector<16xf32>
        %mul3A_363 = vector.broadcast %squeeze3A_331 : f32 to vector<16xf32>
        %mul3A_364 = arith.mulf %get3A_362, %mul3A_363 : vector<16xf32>
        %add3A_365 = arith.addf %add3A_358, %mul3A_364 : vector<16xf32>
        %get3A_366 = arith.index_cast %scan3A_305 : i32 to index
        %get3A_367 = arith.constant 512 : index
        %get3A_368 = tpu.vector_load %arg9[%get3A_366, %get3A_367] {strides = array<i32>} : memref<40x640xf32, #tpu.memory_space<vmem>>, vector<1x16xf32>,
        %get3A_369 = vector.shape_cast %get3A_368 : vector<1x16xf32> to vector<16xf32>
        %mul3A_370 = vector.broadcast %squeeze3A_338 : f32 to vector<16xf32>
        %mul3A_371 = arith.mulf %get3A_369, %mul3A_370 : vector<16xf32>
        %add3A_372 = arith.addf %add3A_365, %mul3A_371 : vector<16xf32>
        %swap3A_373 = arith.index_cast %scan3A_305 : i32 to index
        %swap3A_374 = arith.constant 0 : index
        %swap3A_375 = tpu.vector_load %arg10[%swap3A_373, %swap3A_374] {strides = array<i32>} : memref<40x128xf32, #tpu.memory_space<vmem>>, vector<1x16xf32>,
        %swap3A_376 = vector.shape_cast %swap3A_375 : vector<1x16xf32> to vector<16xf32>
        %swap3A_377 = vector.shape_cast %add3A_372 : vector<16xf32> to vector<1x16xf32>
        tpu.vector_store %arg10[%swap3A_373, %swap3A_374], %swap3A_377 {strides = array<i32>} : memref<40x128xf32, #tpu.memory_space<vmem>>, vector<1x16xf32>,
        %get3A_378 = arith.index_cast %scan3A_305 : i32 to index
        %get3A_379 = arith.constant 16 : index
        %get3A_380 = tpu.vector_load %arg9[%get3A_378, %get3A_379] {strides = array<i32>} : memref<40x640xf32, #tpu.memory_space<vmem>>, vector<1x16xf32>,
        %get3A_381 = vector.shape_cast %get3A_380 : vector<1x16xf32> to vector<16xf32>
        %mul3A_382 = vector.broadcast %squeeze3A_310 : f32 to vector<16xf32>
        %mul3A_383 = arith.mulf %get3A_381, %mul3A_382 : vector<16xf32>
        %get3A_384 = arith.index_cast %scan3A_305 : i32 to index
        %get3A_385 = arith.constant 144 : index
        %get3A_386 = tpu.vector_load %arg9[%get3A_384, %get3A_385] {strides = array<i32>} : memref<40x640xf32, #tpu.memory_space<vmem>>, vector<1x16xf32>,
        %get3A_387 = vector.shape_cast %get3A_386 : vector<1x16xf32> to vector<16xf32>
        %mul3A_388 = vector.broadcast %squeeze3A_317 : f32 to vector<16xf32>
        %mul3A_389 = arith.mulf %get3A_387, %mul3A_388 : vector<16xf32>
        %add3A_390 = arith.addf %mul3A_383, %mul3A_389 : vector<16xf32>
        %get3A_391 = arith.index_cast %scan3A_305 : i32 to index
        %get3A_392 = arith.constant 272 : index
        %get3A_393 = tpu.vector_load %arg9[%get3A_391, %get3A_392] {strides = array<i32>} : memref<40x640xf32, #tpu.memory_space<vmem>>, vector<1x16xf32>,
        %get3A_394 = vector.shape_cast %get3A_393 : vector<1x16xf32> to vector<16xf32>
        %mul3A_395 = vector.broadcast %squeeze3A_324 : f32 to vector<16xf32>
        %mul3A_396 = arith.mulf %get3A_394, %mul3A_395 : vector<16xf32>
        %add3A_397 = arith.addf %add3A_390, %mul3A_396 : vector<16xf32>
        %get3A_398 = arith.index_cast %scan3A_305 : i32 to index
        %get3A_399 = arith.constant 400 : index
        %get3A_400 = tpu.vector_load %arg9[%get3A_398, %get3A_399] {strides = array<i32>} : memref<40x640xf32, #tpu.memory_space<vmem>>, vector<1x16xf32>,
        %get3A_401 = vector.shape_cast %get3A_400 : vector<1x16xf32> to vector<16xf32>
        %mul3A_402 = vector.broadcast %squeeze3A_331 : f32 to vector<16xf32>
        %mul3A_403 = arith.mulf %get3A_401, %mul3A_402 : vector<16xf32>
        %add3A_404 = arith.addf %add3A_397, %mul3A_403 : vector<16xf32>
        %get3A_405 = arith.index_cast %scan3A_305 : i32 to index
        %get3A_406 = arith.constant 528 : index
        %get3A_407 = tpu.vector_load %arg9[%get3A_405, %get3A_406] {strides = array<i32>} : memref<40x640xf32, #tpu.memory_space<vmem>>, vector<1x16xf32>,
        %get3A_408 = vector.shape_cast %get3A_407 : vector<1x16xf32> to vector<16xf32>
        %mul3A_409 = vector.broadcast %squeeze3A_338 : f32 to vector<16xf32>
        %mul3A_410 = arith.mulf %get3A_408, %mul3A_409 : vector<16xf32>
        %add3A_411 = arith.addf %add3A_404, %mul3A_410 : vector<16xf32>
        %swap3A_412 = arith.index_cast %scan3A_305 : i32 to index
        %swap3A_413 = arith.constant 16 : index
        %swap3A_414 = tpu.vector_load %arg10[%swap3A_412, %swap3A_413] {strides = array<i32>} : memref<40x128xf32, #tpu.memory_space<vmem>>, vector<1x16xf32>,
        %swap3A_415 = vector.shape_cast %swap3A_414 : vector<1x16xf32> to vector<16xf32>
        %swap3A_416 = vector.shape_cast %add3A_411 : vector<16xf32> to vector<1x16xf32>
        tpu.vector_store %arg10[%swap3A_412, %swap3A_413], %swap3A_416 {strides = array<i32>} : memref<40x128xf32, #tpu.memory_space<vmem>>, vector<1x16xf32>,
        %get3A_417 = arith.index_cast %scan3A_305 : i32 to index
        %get3A_418 = arith.constant 32 : index
        %get3A_419 = tpu.vector_load %arg9[%get3A_417, %get3A_418] {strides = array<i32>} : memref<40x640xf32, #tpu.memory_space<vmem>>, vector<1x16xf32>,
        %get3A_420 = vector.shape_cast %get3A_419 : vector<1x16xf32> to vector<16xf32>
        %mul3A_421 = vector.broadcast %squeeze3A_310 : f32 to vector<16xf32>
        %mul3A_422 = arith.mulf %get3A_420, %mul3A_421 : vector<16xf32>
        %get3A_423 = arith.index_cast %scan3A_305 : i32 to index
        %get3A_424 = arith.constant 160 : index
        %get3A_425 = tpu.vector_load %arg9[%get3A_423, %get3A_424] {strides = array<i32>} : memref<40x640xf32, #tpu.memory_space<vmem>>, vector<1x16xf32>,
        %get3A_426 = vector.shape_cast %get3A_425 : vector<1x16xf32> to vector<16xf32>
        %mul3A_427 = vector.broadcast %squeeze3A_317 : f32 to vector<16xf32>
        %mul3A_428 = arith.mulf %get3A_426, %mul3A_427 : vector<16xf32>
        %add3A_429 = arith.addf %mul3A_422, %mul3A_428 : vector<16xf32>
        %get3A_430 = arith.index_cast %scan3A_305 : i32 to index
        %get3A_431 = arith.constant 288 : index
        %get3A_432 = tpu.vector_load %arg9[%get3A_430, %get3A_431] {strides = array<i32>} : memref<40x640xf32, #tpu.memory_space<vmem>>, vector<1x16xf32>,
        %get3A_433 = vector.shape_cast %get3A_432 : vector<1x16xf32> to vector<16xf32>
        %mul3A_434 = vector.broadcast %squeeze3A_324 : f32 to vector<16xf32>
        %mul3A_435 = arith.mulf %get3A_433, %mul3A_434 : vector<16xf32>
        %add3A_436 = arith.addf %add3A_429, %mul3A_435 : vector<16xf32>
        %get3A_437 = arith.index_cast %scan3A_305 : i32 to index
        %get3A_438 = arith.constant 416 : index
        %get3A_439 = tpu.vector_load %arg9[%get3A_437, %get3A_438] {strides = array<i32>} : memref<40x640xf32, #tpu.memory_space<vmem>>, vector<1x16xf32>,
        %get3A_440 = vector.shape_cast %get3A_439 : vector<1x16xf32> to vector<16xf32>
        %mul3A_441 = vector.broadcast %squeeze3A_331 : f32 to vector<16xf32>
        %mul3A_442 = arith.mulf %get3A_440, %mul3A_441 : vector<16xf32>
        %add3A_443 = arith.addf %add3A_436, %mul3A_442 : vector<16xf32>
        %get3A_444 = arith.index_cast %scan3A_305 : i32 to index
        %get3A_445 = arith.constant 544 : index
        %get3A_446 = tpu.vector_load %arg9[%get3A_444, %get3A_445] {strides = array<i32>} : memref<40x640xf32, #tpu.memory_space<vmem>>, vector<1x16xf32>,
        %get3A_447 = vector.shape_cast %get3A_446 : vector<1x16xf32> to vector<16xf32>
        %mul3A_448 = vector.broadcast %squeeze3A_338 : f32 to vector<16xf32>
        %mul3A_449 = arith.mulf %get3A_447, %mul3A_448 : vector<16xf32>
        %add3A_450 = arith.addf %add3A_443, %mul3A_449 : vector<16xf32>
        %swap3A_451 = arith.index_cast %scan3A_305 : i32 to index
        %swap3A_452 = arith.constant 32 : index
        %swap3A_453 = tpu.vector_load %arg10[%swap3A_451, %swap3A_452] {strides = array<i32>} : memref<40x128xf32, #tpu.memory_space<vmem>>, vector<1x16xf32>,
        %swap3A_454 = vector.shape_cast %swap3A_453 : vector<1x16xf32> to vector<16xf32>
        %swap3A_455 = vector.shape_cast %add3A_450 : vector<16xf32> to vector<1x16xf32>
        tpu.vector_store %arg10[%swap3A_451, %swap3A_452], %swap3A_455 {strides = array<i32>} : memref<40x128xf32, #tpu.memory_space<vmem>>, vector<1x16xf32>,
        %get3A_456 = arith.index_cast %scan3A_305 : i32 to index
        %get3A_457 = arith.constant 48 : index
        %get3A_458 = tpu.vector_load %arg9[%get3A_456, %get3A_457] {strides = array<i32>} : memref<40x640xf32, #tpu.memory_space<vmem>>, vector<1x16xf32>,
        %get3A_459 = vector.shape_cast %get3A_458 : vector<1x16xf32> to vector<16xf32>
        %mul3A_460 = vector.broadcast %squeeze3A_310 : f32 to vector<16xf32>
        %mul3A_461 = arith.mulf %get3A_459, %mul3A_460 : vector<16xf32>
        %get3A_462 = arith.index_cast %scan3A_305 : i32 to index
        %get3A_463 = arith.constant 176 : index
        %get3A_464 = tpu.vector_load %arg9[%get3A_462, %get3A_463] {strides = array<i32>} : memref<40x640xf32, #tpu.memory_space<vmem>>, vector<1x16xf32>,
        %get3A_465 = vector.shape_cast %get3A_464 : vector<1x16xf32> to vector<16xf32>
        %mul3A_466 = vector.broadcast %squeeze3A_317 : f32 to vector<16xf32>
        %mul3A_467 = arith.mulf %get3A_465, %mul3A_466 : vector<16xf32>
        %add3A_468 = arith.addf %mul3A_461, %mul3A_467 : vector<16xf32>
        %get3A_469 = arith.index_cast %scan3A_305 : i32 to index
        %get3A_470 = arith.constant 304 : index
        %get3A_471 = tpu.vector_load %arg9[%get3A_469, %get3A_470] {strides = array<i32>} : memref<40x640xf32, #tpu.memory_space<vmem>>, vector<1x16xf32>,
        %get3A_472 = vector.shape_cast %get3A_471 : vector<1x16xf32> to vector<16xf32>
        %mul3A_473 = vector.broadcast %squeeze3A_324 : f32 to vector<16xf32>
        %mul3A_474 = arith.mulf %get3A_472, %mul3A_473 : vector<16xf32>
        %add3A_475 = arith.addf %add3A_468, %mul3A_474 : vector<16xf32>
        %get3A_476 = arith.index_cast %scan3A_305 : i32 to index
        %get3A_477 = arith.constant 432 : index
        %get3A_478 = tpu.vector_load %arg9[%get3A_476, %get3A_477] {strides = array<i32>} : memref<40x640xf32, #tpu.memory_space<vmem>>, vector<1x16xf32>,
        %get3A_479 = vector.shape_cast %get3A_478 : vector<1x16xf32> to vector<16xf32>
        %mul3A_480 = vector.broadcast %squeeze3A_331 : f32 to vector<16xf32>
        %mul3A_481 = arith.mulf %get3A_479, %mul3A_480 : vector<16xf32>
        %add3A_482 = arith.addf %add3A_475, %mul3A_481 : vector<16xf32>
        %get3A_483 = arith.index_cast %scan3A_305 : i32 to index
        %get3A_484 = arith.constant 560 : index
        %get3A_485 = tpu.vector_load %arg9[%get3A_483, %get3A_484] {strides = array<i32>} : memref<40x640xf32, #tpu.memory_space<vmem>>, vector<1x16xf32>,
        %get3A_486 = vector.shape_cast %get3A_485 : vector<1x16xf32> to vector<16xf32>
        %mul3A_487 = vector.broadcast %squeeze3A_338 : f32 to vector<16xf32>
        %mul3A_488 = arith.mulf %get3A_486, %mul3A_487 : vector<16xf32>
        %add3A_489 = arith.addf %add3A_482, %mul3A_488 : vector<16xf32>
        %swap3A_490 = arith.index_cast %scan3A_305 : i32 to index
        %swap3A_491 = arith.constant 48 : index
        %swap3A_492 = tpu.vector_load %arg10[%swap3A_490, %swap3A_491] {strides = array<i32>} : memref<40x128xf32, #tpu.memory_space<vmem>>, vector<1x16xf32>,
        %swap3A_493 = vector.shape_cast %swap3A_492 : vector<1x16xf32> to vector<16xf32>
        %swap3A_494 = vector.shape_cast %add3A_489 : vector<16xf32> to vector<1x16xf32>
        tpu.vector_store %arg10[%swap3A_490, %swap3A_491], %swap3A_494 {strides = array<i32>} : memref<40x128xf32, #tpu.memory_space<vmem>>, vector<1x16xf32>,
        %get3A_495 = arith.index_cast %scan3A_305 : i32 to index
        %get3A_496 = arith.constant 64 : index
        %get3A_497 = tpu.vector_load %arg9[%get3A_495, %get3A_496] {strides = array<i32>} : memref<40x640xf32, #tpu.memory_space<vmem>>, vector<1x16xf32>,
        %get3A_498 = vector.shape_cast %get3A_497 : vector<1x16xf32> to vector<16xf32>
        %mul3A_499 = vector.broadcast %squeeze3A_310 : f32 to vector<16xf32>
        %mul3A_500 = arith.mulf %get3A_498, %mul3A_499 : vector<16xf32>
        %get3A_501 = arith.index_cast %scan3A_305 : i32 to index
        %get3A_502 = arith.constant 192 : index
        %get3A_503 = tpu.vector_load %arg9[%get3A_501, %get3A_502] {strides = array<i32>} : memref<40x640xf32, #tpu.memory_space<vmem>>, vector<1x16xf32>,
        %get3A_504 = vector.shape_cast %get3A_503 : vector<1x16xf32> to vector<16xf32>
        %mul3A_505 = vector.broadcast %squeeze3A_317 : f32 to vector<16xf32>
        %mul3A_506 = arith.mulf %get3A_504, %mul3A_505 : vector<16xf32>
        %add3A_507 = arith.addf %mul3A_500, %mul3A_506 : vector<16xf32>
        %get3A_508 = arith.index_cast %scan3A_305 : i32 to index
        %get3A_509 = arith.constant 320 : index
        %get3A_510 = tpu.vector_load %arg9[%get3A_508, %get3A_509] {strides = array<i32>} : memref<40x640xf32, #tpu.memory_space<vmem>>, vector<1x16xf32>,
        %get3A_511 = vector.shape_cast %get3A_510 : vector<1x16xf32> to vector<16xf32>
        %mul3A_512 = vector.broadcast %squeeze3A_324 : f32 to vector<16xf32>
        %mul3A_513 = arith.mulf %get3A_511, %mul3A_512 : vector<16xf32>
        %add3A_514 = arith.addf %add3A_507, %mul3A_513 : vector<16xf32>
        %get3A_515 = arith.index_cast %scan3A_305 : i32 to index
        %get3A_516 = arith.constant 448 : index
        %get3A_517 = tpu.vector_load %arg9[%get3A_515, %get3A_516] {strides = array<i32>} : memref<40x640xf32, #tpu.memory_space<vmem>>, vector<1x16xf32>,
        %get3A_518 = vector.shape_cast %get3A_517 : vector<1x16xf32> to vector<16xf32>
        %mul3A_519 = vector.broadcast %squeeze3A_331 : f32 to vector<16xf32>
        %mul3A_520 = arith.mulf %get3A_518, %mul3A_519 : vector<16xf32>
        %add3A_521 = arith.addf %add3A_514, %mul3A_520 : vector<16xf32>
        %get3A_522 = arith.index_cast %scan3A_305 : i32 to index
        %get3A_523 = arith.constant 576 : index
        %get3A_524 = tpu.vector_load %arg9[%get3A_522, %get3A_523] {strides = array<i32>} : memref<40x640xf32, #tpu.memory_space<vmem>>, vector<1x16xf32>,
        %get3A_525 = vector.shape_cast %get3A_524 : vector<1x16xf32> to vector<16xf32>
        %mul3A_526 = vector.broadcast %squeeze3A_338 : f32 to vector<16xf32>
        %mul3A_527 = arith.mulf %get3A_525, %mul3A_526 : vector<16xf32>
        %add3A_528 = arith.addf %add3A_521, %mul3A_527 : vector<16xf32>
        %swap3A_529 = arith.index_cast %scan3A_305 : i32 to index
        %swap3A_530 = arith.constant 64 : index
        %swap3A_531 = tpu.vector_load %arg10[%swap3A_529, %swap3A_530] {strides = array<i32>} : memref<40x128xf32, #tpu.memory_space<vmem>>, vector<1x16xf32>,
        %swap3A_532 = vector.shape_cast %swap3A_531 : vector<1x16xf32> to vector<16xf32>
        %swap3A_533 = vector.shape_cast %add3A_528 : vector<16xf32> to vector<1x16xf32>
        tpu.vector_store %arg10[%swap3A_529, %swap3A_530], %swap3A_533 {strides = array<i32>} : memref<40x128xf32, #tpu.memory_space<vmem>>, vector<1x16xf32>,
        %get3A_534 = arith.index_cast %scan3A_305 : i32 to index
        %get3A_535 = arith.constant 80 : index
        %get3A_536 = tpu.vector_load %arg9[%get3A_534, %get3A_535] {strides = array<i32>} : memref<40x640xf32, #tpu.memory_space<vmem>>, vector<1x16xf32>,
        %get3A_537 = vector.shape_cast %get3A_536 : vector<1x16xf32> to vector<16xf32>
        %mul3A_538 = vector.broadcast %squeeze3A_310 : f32 to vector<16xf32>
        %mul3A_539 = arith.mulf %get3A_537, %mul3A_538 : vector<16xf32>
        %get3A_540 = arith.index_cast %scan3A_305 : i32 to index
        %get3A_541 = arith.constant 208 : index
        %get3A_542 = tpu.vector_load %arg9[%get3A_540, %get3A_541] {strides = array<i32>} : memref<40x640xf32, #tpu.memory_space<vmem>>, vector<1x16xf32>,
        %get3A_543 = vector.shape_cast %get3A_542 : vector<1x16xf32> to vector<16xf32>
        %mul3A_544 = vector.broadcast %squeeze3A_317 : f32 to vector<16xf32>
        %mul3A_545 = arith.mulf %get3A_543, %mul3A_544 : vector<16xf32>
        %add3A_546 = arith.addf %mul3A_539, %mul3A_545 : vector<16xf32>
        %get3A_547 = arith.index_cast %scan3A_305 : i32 to index
        %get3A_548 = arith.constant 336 : index
        %get3A_549 = tpu.vector_load %arg9[%get3A_547, %get3A_548] {strides = array<i32>} : memref<40x640xf32, #tpu.memory_space<vmem>>, vector<1x16xf32>,
        %get3A_550 = vector.shape_cast %get3A_549 : vector<1x16xf32> to vector<16xf32>
        %mul3A_551 = vector.broadcast %squeeze3A_324 : f32 to vector<16xf32>
        %mul3A_552 = arith.mulf %get3A_550, %mul3A_551 : vector<16xf32>
        %add3A_553 = arith.addf %add3A_546, %mul3A_552 : vector<16xf32>
        %get3A_554 = arith.index_cast %scan3A_305 : i32 to index
        %get3A_555 = arith.constant 464 : index
        %get3A_556 = tpu.vector_load %arg9[%get3A_554, %get3A_555] {strides = array<i32>} : memref<40x640xf32, #tpu.memory_space<vmem>>, vector<1x16xf32>,
        %get3A_557 = vector.shape_cast %get3A_556 : vector<1x16xf32> to vector<16xf32>
        %mul3A_558 = vector.broadcast %squeeze3A_331 : f32 to vector<16xf32>
        %mul3A_559 = arith.mulf %get3A_557, %mul3A_558 : vector<16xf32>
        %add3A_560 = arith.addf %add3A_553, %mul3A_559 : vector<16xf32>
        %get3A_561 = arith.index_cast %scan3A_305 : i32 to index
        %get3A_562 = arith.constant 592 : index
        %get3A_563 = tpu.vector_load %arg9[%get3A_561, %get3A_562] {strides = array<i32>} : memref<40x640xf32, #tpu.memory_space<vmem>>, vector<1x16xf32>,
        %get3A_564 = vector.shape_cast %get3A_563 : vector<1x16xf32> to vector<16xf32>
        %mul3A_565 = vector.broadcast %squeeze3A_338 : f32 to vector<16xf32>
        %mul3A_566 = arith.mulf %get3A_564, %mul3A_565 : vector<16xf32>
        %add3A_567 = arith.addf %add3A_560, %mul3A_566 : vector<16xf32>
        %swap3A_568 = arith.index_cast %scan3A_305 : i32 to index
        %swap3A_569 = arith.constant 80 : index
        %swap3A_570 = tpu.vector_load %arg10[%swap3A_568, %swap3A_569] {strides = array<i32>} : memref<40x128xf32, #tpu.memory_space<vmem>>, vector<1x16xf32>,
        %swap3A_571 = vector.shape_cast %swap3A_570 : vector<1x16xf32> to vector<16xf32>
        %swap3A_572 = vector.shape_cast %add3A_567 : vector<16xf32> to vector<1x16xf32>
        tpu.vector_store %arg10[%swap3A_568, %swap3A_569], %swap3A_572 {strides = array<i32>} : memref<40x128xf32, #tpu.memory_space<vmem>>, vector<1x16xf32>,
        %get3A_573 = arith.index_cast %scan3A_305 : i32 to index
        %get3A_574 = arith.constant 96 : index
        %get3A_575 = tpu.vector_load %arg9[%get3A_573, %get3A_574] {strides = array<i32>} : memref<40x640xf32, #tpu.memory_space<vmem>>, vector<1x16xf32>,
        %get3A_576 = vector.shape_cast %get3A_575 : vector<1x16xf32> to vector<16xf32>
        %mul3A_577 = vector.broadcast %squeeze3A_310 : f32 to vector<16xf32>
        %mul3A_578 = arith.mulf %get3A_576, %mul3A_577 : vector<16xf32>
        %get3A_579 = arith.index_cast %scan3A_305 : i32 to index
        %get3A_580 = arith.constant 224 : index
        %get3A_581 = tpu.vector_load %arg9[%get3A_579, %get3A_580] {strides = array<i32>} : memref<40x640xf32, #tpu.memory_space<vmem>>, vector<1x16xf32>,
        %get3A_582 = vector.shape_cast %get3A_581 : vector<1x16xf32> to vector<16xf32>
        %mul3A_583 = vector.broadcast %squeeze3A_317 : f32 to vector<16xf32>
        %mul3A_584 = arith.mulf %get3A_582, %mul3A_583 : vector<16xf32>
        %add3A_585 = arith.addf %mul3A_578, %mul3A_584 : vector<16xf32>
        %get3A_586 = arith.index_cast %scan3A_305 : i32 to index
        %get3A_587 = arith.constant 352 : index
        %get3A_588 = tpu.vector_load %arg9[%get3A_586, %get3A_587] {strides = array<i32>} : memref<40x640xf32, #tpu.memory_space<vmem>>, vector<1x16xf32>,
        %get3A_589 = vector.shape_cast %get3A_588 : vector<1x16xf32> to vector<16xf32>
        %mul3A_590 = vector.broadcast %squeeze3A_324 : f32 to vector<16xf32>
        %mul3A_591 = arith.mulf %get3A_589, %mul3A_590 : vector<16xf32>
        %add3A_592 = arith.addf %add3A_585, %mul3A_591 : vector<16xf32>
        %get3A_593 = arith.index_cast %scan3A_305 : i32 to index
        %get3A_594 = arith.constant 480 : index
        %get3A_595 = tpu.vector_load %arg9[%get3A_593, %get3A_594] {strides = array<i32>} : memref<40x640xf32, #tpu.memory_space<vmem>>, vector<1x16xf32>,
        %get3A_596 = vector.shape_cast %get3A_595 : vector<1x16xf32> to vector<16xf32>
        %mul3A_597 = vector.broadcast %squeeze3A_331 : f32 to vector<16xf32>
        %mul3A_598 = arith.mulf %get3A_596, %mul3A_597 : vector<16xf32>
        %add3A_599 = arith.addf %add3A_592, %mul3A_598 : vector<16xf32>
        %get3A_600 = arith.index_cast %scan3A_305 : i32 to index
        %get3A_601 = arith.constant 608 : index
        %get3A_602 = tpu.vector_load %arg9[%get3A_600, %get3A_601] {strides = array<i32>} : memref<40x640xf32, #tpu.memory_space<vmem>>, vector<1x16xf32>,
        %get3A_603 = vector.shape_cast %get3A_602 : vector<1x16xf32> to vector<16xf32>
        %mul3A_604 = vector.broadcast %squeeze3A_338 : f32 to vector<16xf32>
        %mul3A_605 = arith.mulf %get3A_603, %mul3A_604 : vector<16xf32>
        %add3A_606 = arith.addf %add3A_599, %mul3A_605 : vector<16xf32>
        %swap3A_607 = arith.index_cast %scan3A_305 : i32 to index
        %swap3A_608 = arith.constant 96 : index
        %swap3A_609 = tpu.vector_load %arg10[%swap3A_607, %swap3A_608] {strides = array<i32>} : memref<40x128xf32, #tpu.memory_space<vmem>>, vector<1x16xf32>,
        %swap3A_610 = vector.shape_cast %swap3A_609 : vector<1x16xf32> to vector<16xf32>
        %swap3A_611 = vector.shape_cast %add3A_606 : vector<16xf32> to vector<1x16xf32>
        tpu.vector_store %arg10[%swap3A_607, %swap3A_608], %swap3A_611 {strides = array<i32>} : memref<40x128xf32, #tpu.memory_space<vmem>>, vector<1x16xf32>,
        %get3A_612 = arith.index_cast %scan3A_305 : i32 to index
        %get3A_613 = arith.constant 112 : index
        %get3A_614 = tpu.vector_load %arg9[%get3A_612, %get3A_613] {strides = array<i32>} : memref<40x640xf32, #tpu.memory_space<vmem>>, vector<1x16xf32>,
        %get3A_615 = vector.shape_cast %get3A_614 : vector<1x16xf32> to vector<16xf32>
        %mul3A_616 = vector.broadcast %squeeze3A_310 : f32 to vector<16xf32>
        %mul3A_617 = arith.mulf %get3A_615, %mul3A_616 : vector<16xf32>
        %get3A_618 = arith.index_cast %scan3A_305 : i32 to index
        %get3A_619 = arith.constant 240 : index
        %get3A_620 = tpu.vector_load %arg9[%get3A_618, %get3A_619] {strides = array<i32>} : memref<40x640xf32, #tpu.memory_space<vmem>>, vector<1x16xf32>,
        %get3A_621 = vector.shape_cast %get3A_620 : vector<1x16xf32> to vector<16xf32>
        %mul3A_622 = vector.broadcast %squeeze3A_317 : f32 to vector<16xf32>
        %mul3A_623 = arith.mulf %get3A_621, %mul3A_622 : vector<16xf32>
        %add3A_624 = arith.addf %mul3A_617, %mul3A_623 : vector<16xf32>
        %get3A_625 = arith.index_cast %scan3A_305 : i32 to index
        %get3A_626 = arith.constant 368 : index
        %get3A_627 = tpu.vector_load %arg9[%get3A_625, %get3A_626] {strides = array<i32>} : memref<40x640xf32, #tpu.memory_space<vmem>>, vector<1x16xf32>,
        %get3A_628 = vector.shape_cast %get3A_627 : vector<1x16xf32> to vector<16xf32>
        %mul3A_629 = vector.broadcast %squeeze3A_324 : f32 to vector<16xf32>
        %mul3A_630 = arith.mulf %get3A_628, %mul3A_629 : vector<16xf32>
        %add3A_631 = arith.addf %add3A_624, %mul3A_630 : vector<16xf32>
        %get3A_632 = arith.index_cast %scan3A_305 : i32 to index
        %get3A_633 = arith.constant 496 : index
        %get3A_634 = tpu.vector_load %arg9[%get3A_632, %get3A_633] {strides = array<i32>} : memref<40x640xf32, #tpu.memory_space<vmem>>, vector<1x16xf32>,
        %get3A_635 = vector.shape_cast %get3A_634 : vector<1x16xf32> to vector<16xf32>
        %mul3A_636 = vector.broadcast %squeeze3A_331 : f32 to vector<16xf32>
        %mul3A_637 = arith.mulf %get3A_635, %mul3A_636 : vector<16xf32>
        %add3A_638 = arith.addf %add3A_631, %mul3A_637 : vector<16xf32>
        %get3A_639 = arith.index_cast %scan3A_305 : i32 to index
        %get3A_640 = arith.constant 624 : index
        %get3A_641 = tpu.vector_load %arg9[%get3A_639, %get3A_640] {strides = array<i32>} : memref<40x640xf32, #tpu.memory_space<vmem>>, vector<1x16xf32>,
        %get3A_642 = vector.shape_cast %get3A_641 : vector<1x16xf32> to vector<16xf32>
        %mul3A_643 = vector.broadcast %squeeze3A_338 : f32 to vector<16xf32>
        %mul3A_644 = arith.mulf %get3A_642, %mul3A_643 : vector<16xf32>
        %add3A_645 = arith.addf %add3A_638, %mul3A_644 : vector<16xf32>
        %swap3A_646 = arith.index_cast %scan3A_305 : i32 to index
        %swap3A_647 = arith.constant 112 : index
        %swap3A_648 = tpu.vector_load %arg10[%swap3A_646, %swap3A_647] {strides = array<i32>} : memref<40x128xf32, #tpu.memory_space<vmem>>, vector<1x16xf32>,
        %swap3A_649 = vector.shape_cast %swap3A_648 : vector<1x16xf32> to vector<16xf32>
        %swap3A_650 = vector.shape_cast %add3A_645 : vector<16xf32> to vector<1x16xf32>
        tpu.vector_store %arg10[%swap3A_646, %swap3A_647], %swap3A_650 {strides = array<i32>} : memref<40x128xf32, #tpu.memory_space<vmem>>, vector<1x16xf32>,
      }
      %scan3A_304 = arith.constant 40 : i32
      "tpu.region"() ({
        %run_scoped3A = tpu.sem_alloc : memref<!tpu.dma_semaphore, #tpu.memory_space<semaphore_mem>>
        %dma_start3A_305 = arith.constant 0 : i32
        %dma_start3A_306 = arith.constant 0 : i32
        %dma_start3A_307 = tpu.memref_slice %arg8[%dma_start3A_305, %dma_start3A_306] : memref<10000x128xf32, #tpu.memory_space<vmem_shared>> -> memref<10000x128xf32, #tpu.memory_space<vmem_shared>>
        tpu.enqueue_indirect_dma source(%arg10 : memref<40x128xf32, #tpu.memory_space<vmem>>) target(%dma_start3A_307 : memref<10000x128xf32, #tpu.memory_space<vmem_shared>>) offsets(%arg14 : memref<40xi32, #tpu.memory_space<vmem>>) semaphore(%run_scoped3A : memref<!tpu.dma_semaphore, #tpu.memory_space<semaphore_mem>>) {add = true}
        %dma_wait3A_308 = arith.constant 0 : i32
        %dma_wait3A_309 = arith.constant 0 : i32
        %dma_wait3A_310 = tpu.memref_slice %arg8[%dma_wait3A_308, %dma_wait3A_309] : memref<10000x128xf32, #tpu.memory_space<vmem_shared>> -> memref<10000x128xf32, #tpu.memory_space<vmem_shared>>
        tpu.wait_indirect_dma semaphore(%run_scoped3A : memref<!tpu.dma_semaphore, #tpu.memory_space<semaphore_mem>>) src(%arg10 : memref<40x128xf32, #tpu.memory_space<vmem>>) dst(%dma_wait3A_310 : memref<10000x128xf32, #tpu.memory_space<vmem_shared>>)
        tpu.yield
      }) : () -> ()
    }
    %scan3A_69 = arith.constant 250 : i32
    %barrier3A_70 = arith.constant 0 : index
    tpu.barrier barrier_id(%barrier3A_70)
    "tpu.region"() ({
      %run_scoped3A = tpu.sem_alloc : memref<!tpu.dma_semaphore, #tpu.memory_space<semaphore_mem>>
      %dma_start3A = arith.constant 0 : i32
      %dma_start3A_76 = tpu.memref_slice %arg7[%arg0, %mul3A_25, %dma_start3A] : memref<2x10000x128xf32, #tpu.memory_space<hbm>> -> memref<1x624x128xf32, #tpu.memory_space<hbm>>
      %dma_start3A_77 = tpu.memref_squeeze %dma_start3A_76 : memref<1x624x128xf32, #tpu.memory_space<hbm>> -> memref<624x128xf32, #tpu.memory_space<hbm>>
      %dma_start3A_78 = arith.constant 0 : i32
      %dma_start3A_79 = tpu.memref_slice %arg8[%mul3A_25, %dma_start3A_78] : memref<10000x128xf32, #tpu.memory_space<vmem_shared>> -> memref<624x128xf32, #tpu.memory_space<vmem_shared>>
      tpu.enqueue_dma source(%dma_start3A_79 : memref<624x128xf32, #tpu.memory_space<vmem_shared>>) target(%dma_start3A_77 : memref<624x128xf32, #tpu.memory_space<hbm>>) target_semaphore(%run_scoped3A : memref<!tpu.dma_semaphore, #tpu.memory_space<semaphore_mem>>)
      %dma_wait3A = arith.constant 0 : i32
      %dma_wait3A_80 = tpu.memref_slice %arg7[%arg0, %mul3A_25, %dma_wait3A] : memref<2x10000x128xf32, #tpu.memory_space<hbm>> -> memref<1x624x128xf32, #tpu.memory_space<hbm>>
      %dma_wait3A_81 = tpu.memref_squeeze %dma_wait3A_80 : memref<1x624x128xf32, #tpu.memory_space<hbm>> -> memref<624x128xf32, #tpu.memory_space<hbm>>
      %dma_wait3A_82 = arith.constant 0 : i32
      %dma_wait3A_83 = tpu.memref_slice %arg8[%mul3A_25, %dma_wait3A_82] : memref<10000x128xf32, #tpu.memory_space<vmem_shared>> -> memref<624x128xf32, #tpu.memory_space<vmem_shared>>
      tpu.wait_dma2 semaphore(%run_scoped3A : memref<!tpu.dma_semaphore, #tpu.memory_space<semaphore_mem>>) src(%dma_wait3A_83 : memref<624x128xf32, #tpu.memory_space<vmem_shared>>) dst(%dma_wait3A_81 : memref<624x128xf32, #tpu.memory_space<hbm>>)
      tpu.yield
    }) : () -> ()
    %eq3A_71 = arith.constant 15 : i32
    %eq3A_72 = arith.cmpi eq, %arg1, %eq3A_71 : i32
    %convert_element_type3A_73 = arith.extui %eq3A_72 : i1 to i32
    %cond3A_74 = arith.constant 0 : i32
    %cond3A_75 = arith.cmpi ne, %convert_element_type3A_73, %cond3A_74 : i32
    scf.if %cond3A_75 {
      "tpu.region"() ({
        %run_scoped3A = tpu.sem_alloc : memref<!tpu.dma_semaphore, #tpu.memory_space<semaphore_mem>>
        %dma_start3A = arith.constant 9984 : i32
        %dma_start3A_76 = arith.constant 0 : i32
        %dma_start3A_77 = tpu.memref_slice %arg7[%arg0, %dma_start3A, %dma_start3A_76] : memref<2x10000x128xf32, #tpu.memory_space<hbm>> -> memref<1x16x128xf32, #tpu.memory_space<hbm>>
        %dma_start3A_78 = tpu.memref_squeeze %dma_start3A_77 : memref<1x16x128xf32, #tpu.memory_space<hbm>> -> memref<16x128xf32, #tpu.memory_space<hbm>>
        %dma_start3A_79 = arith.constant 9984 : i32
        %dma_start3A_80 = arith.constant 0 : i32
        %dma_start3A_81 = tpu.memref_slice %arg8[%dma_start3A_79, %dma_start3A_80] : memref<10000x128xf32, #tpu.memory_space<vmem_shared>> -> memref<16x128xf32, #tpu.memory_space<vmem_shared>>
        tpu.enqueue_dma source(%dma_start3A_81 : memref<16x128xf32, #tpu.memory_space<vmem_shared>>) target(%dma_start3A_78 : memref<16x128xf32, #tpu.memory_space<hbm>>) target_semaphore(%run_scoped3A : memref<!tpu.dma_semaphore, #tpu.memory_space<semaphore_mem>>)
        %dma_wait3A = arith.constant 9984 : i32
        %dma_wait3A_82 = arith.constant 0 : i32
        %dma_wait3A_83 = tpu.memref_slice %arg7[%arg0, %dma_wait3A, %dma_wait3A_82] : memref<2x10000x128xf32, #tpu.memory_space<hbm>> -> memref<1x16x128xf32, #tpu.memory_space<hbm>>
        %dma_wait3A_84 = tpu.memref_squeeze %dma_wait3A_83 : memref<1x16x128xf32, #tpu.memory_space<hbm>> -> memref<16x128xf32, #tpu.memory_space<hbm>>
        %dma_wait3A_85 = arith.constant 9984 : i32
        %dma_wait3A_86 = arith.constant 0 : i32
        %dma_wait3A_87 = tpu.memref_slice %arg8[%dma_wait3A_85, %dma_wait3A_86] : memref<10000x128xf32, #tpu.memory_space<vmem_shared>> -> memref<16x128xf32, #tpu.memory_space<vmem_shared>>
        tpu.wait_dma2 semaphore(%run_scoped3A : memref<!tpu.dma_semaphore, #tpu.memory_space<semaphore_mem>>) src(%dma_wait3A_87 : memref<16x128xf32, #tpu.memory_space<vmem_shared>>) dst(%dma_wait3A_84 : memref<16x128xf32, #tpu.memory_space<hbm>>)
        tpu.yield
      }) : () -> ()
    } else {
    }
    return
  }
}

module attributes {stable_mosaic.version = 14 : i64} {
  func.func @_mlp_body(%arg0: i32, %arg1: memref<100x256xf32, #tpu.memory_space<vmem>>, %arg2: memref<256x1024xf32, #tpu.memory_space<vmem>>, %arg3: memref<1x1024xf32, #tpu.memory_space<vmem>>, %arg4: memref<1024x2560xf32, #tpu.memory_space<vmem>>, %arg5: memref<1x2560xf32, #tpu.memory_space<vmem>>, %arg6: memref<100x2560xf32, #tpu.memory_space<vmem>>, %arg7: memref<100x1024xf32, #tpu.memory_space<vmem>>) attributes {dimension_semantics = [#tpu.dimension_semantics<arbitrary>], iteration_bounds = array<i64: 5>, scalar_prefetch = 0 : i64, scratch_operands = 1 : i64, tpu.core_type = #tpu.core_type<tc>, window_params = [{pipeline_mode = #tpu.pipeline_mode<synchronous>, transform_indices = @transform_0, window_bounds = array<i64: 100, 256>}, {pipeline_mode = #tpu.pipeline_mode<synchronous>, transform_indices = @transform_1, window_bounds = array<i64: 256, 1024>}, {pipeline_mode = #tpu.pipeline_mode<synchronous>, transform_indices = @transform_2, window_bounds = array<i64: 1, 1024>}, {transform_indices = @transform_3, window_bounds = array<i64: 1024, 2560>}, {transform_indices = @transform_4, window_bounds = array<i64: 1, 2560>}, {transform_indices = @transform_5, window_bounds = array<i64: 100, 2560>}]} {
    %eq3A = arith.constant 0 : i32
    %eq3A_0 = arith.cmpi eq, %arg0, %eq3A : i32
    %convert_element_type3A = arith.extui %eq3A_0 : i1 to i32
    %cond3A = arith.constant 0 : i32
    %cond3A_1 = arith.cmpi ne, %convert_element_type3A, %cond3A : i32
    scf.if %cond3A_1 {
      %get3A_20 = arith.constant 0 : index
      %get3A_21 = arith.constant 0 : index
      %get3A_22 = vector.load %arg1[%get3A_20, %get3A_21] : memref<100x256xf32, #tpu.memory_space<vmem>>, vector<100x256xf32>
      %get3A_23 = arith.constant 0 : index
      %get3A_24 = arith.constant 0 : index
      %get3A_25 = vector.load %arg2[%get3A_23, %get3A_24] : memref<256x1024xf32, #tpu.memory_space<vmem>>, vector<256x1024xf32>
      %dot_general3A_26 = arith.constant dense<0.000000e+00> : vector<100x1024xf32>
      %dot_general3A_27 = tpu.matmul %get3A_22, %get3A_25, %dot_general3A_26 {dimension_numbers = #tpu.dot_dimension_numbers<[1], [0], [0], [1], [0, 0, 1, 1], [], []>, precision = #tpu.contract_precision<fp32>, transpose_lhs_hint = false} : vector<100x256xf32>, vector<256x1024xf32>, vector<100x1024xf32> -> vector<100x1024xf32>
      %get3A_28 = arith.constant 0 : index
      %get3A_29 = arith.constant 0 : index
      %get3A_30 = vector.load %arg3[%get3A_28, %get3A_29] : memref<1x1024xf32, #tpu.memory_space<vmem>>, vector<1x1024xf32>
      %add3A_31 = vector.broadcast %get3A_30 : vector<1x1024xf32> to vector<100x1024xf32>
      %add3A_32 = arith.addf %dot_general3A_27, %add3A_31 : vector<100x1024xf32>
      %gt3A_33 = arith.constant 0.000000e+00 : f32
      %gt3A_34 = vector.broadcast %gt3A_33 : f32 to vector<100x1024xf32>
      %gt3A_35 = arith.cmpf ogt, %add3A_32, %gt3A_34 : vector<100x1024xf32>
      %min3A_36 = arith.constant 0.000000e+00 : f32
      %min3A_37 = vector.broadcast %min3A_36 : f32 to vector<100x1024xf32>
      %min3A_38 = arith.minimumf %add3A_32, %min3A_37 : vector<100x1024xf32>
      %exp3A_39 = math.exp %min3A_38 : vector<100x1024xf32>
      %sub3A_40 = arith.constant 1.000000e+00 : f32
      %sub3A_41 = vector.broadcast %sub3A_40 : f32 to vector<100x1024xf32>
      %sub3A_42 = arith.subf %exp3A_39, %sub3A_41 : vector<100x1024xf32>
      %select_n3A_43 = arith.select %gt3A_35, %add3A_32, %sub3A_42 : vector<100x1024xi1>, vector<100x1024xf32>
      %swap3A_44 = arith.constant 0 : index
      %swap3A_45 = arith.constant 0 : index
      %swap3A_46 = vector.load %arg7[%swap3A_44, %swap3A_45] : memref<100x1024xf32, #tpu.memory_space<vmem>>, vector<100x1024xf32>
      tpu.vector_store %arg7[%swap3A_44, %swap3A_45], %select_n3A_43 {strides = array<i32>} : memref<100x1024xf32, #tpu.memory_space<vmem>>, vector<100x1024xf32>,
    } else {
    }
    %get3A = arith.constant 0 : index
    %get3A_2 = arith.constant 0 : index
    %get3A_3 = vector.load %arg7[%get3A, %get3A_2] : memref<100x1024xf32, #tpu.memory_space<vmem>>, vector<100x1024xf32>
    %get3A_4 = arith.constant 0 : index
    %get3A_5 = arith.constant 0 : index
    %get3A_6 = vector.load %arg4[%get3A_4, %get3A_5] : memref<1024x2560xf32, #tpu.memory_space<vmem>>, vector<1024x2560xf32>
    %dot_general3A = arith.constant dense<0.000000e+00> : vector<100x2560xf32>
    %dot_general3A_7 = tpu.matmul %get3A_3, %get3A_6, %dot_general3A {dimension_numbers = #tpu.dot_dimension_numbers<[1], [0], [0], [1], [0, 0, 1, 1], [], []>, precision = #tpu.contract_precision<fp32>, transpose_lhs_hint = false} : vector<100x1024xf32>, vector<1024x2560xf32>, vector<100x2560xf32> -> vector<100x2560xf32>
    %get3A_8 = arith.constant 0 : index
    %get3A_9 = arith.constant 0 : index
    %get3A_10 = vector.load %arg5[%get3A_8, %get3A_9] : memref<1x2560xf32, #tpu.memory_space<vmem>>, vector<1x2560xf32>
    %add3A = vector.broadcast %get3A_10 : vector<1x2560xf32> to vector<100x2560xf32>
    %add3A_11 = arith.addf %dot_general3A_7, %add3A : vector<100x2560xf32>
    %gt3A = arith.constant 0.000000e+00 : f32
    %gt3A_12 = vector.broadcast %gt3A : f32 to vector<100x2560xf32>
    %gt3A_13 = arith.cmpf ogt, %add3A_11, %gt3A_12 : vector<100x2560xf32>
    %min3A = arith.constant 0.000000e+00 : f32
    %min3A_14 = vector.broadcast %min3A : f32 to vector<100x2560xf32>
    %min3A_15 = arith.minimumf %add3A_11, %min3A_14 : vector<100x2560xf32>
    %exp3A = math.exp %min3A_15 : vector<100x2560xf32>
    %sub3A = arith.constant 1.000000e+00 : f32
    %sub3A_16 = vector.broadcast %sub3A : f32 to vector<100x2560xf32>
    %sub3A_17 = arith.subf %exp3A, %sub3A_16 : vector<100x2560xf32>
    %select_n3A = arith.select %gt3A_13, %add3A_11, %sub3A_17 : vector<100x2560xi1>, vector<100x2560xf32>
    %swap3A = arith.constant 0 : index
    %swap3A_18 = arith.constant 0 : index
    %swap3A_19 = vector.load %arg6[%swap3A, %swap3A_18] : memref<100x2560xf32, #tpu.memory_space<vmem>>, vector<100x2560xf32>
    tpu.vector_store %arg6[%swap3A, %swap3A_18], %select_n3A {strides = array<i32>} : memref<100x2560xf32, #tpu.memory_space<vmem>>, vector<100x2560xf32>,
    return
  }
  func.func @transform_0(%arg0: i32) -> (i32, i32) {
    %c0_i32 = arith.constant 0 : i32
    %c0_i32_0 = arith.constant 0 : i32
    %c0_i32_1 = arith.constant 0 : i32
    return %c0_i32, %c0_i32_0 : i32, i32
  }
  func.func @transform_1(%arg0: i32) -> (i32, i32) {
    %c0_i32 = arith.constant 0 : i32
    %c0_i32_0 = arith.constant 0 : i32
    %c0_i32_1 = arith.constant 0 : i32
    return %c0_i32, %c0_i32_0 : i32, i32
  }
  func.func @transform_2(%arg0: i32) -> (i32, i32) {
    %c0_i32 = arith.constant 0 : i32
    %c0_i32_0 = arith.constant 0 : i32
    %c0_i32_1 = arith.constant 0 : i32
    return %c0_i32, %c0_i32_0 : i32, i32
  }
  func.func @transform_3(%arg0: i32) -> (i32, i32) {
    %c0_i32 = arith.constant 0 : i32
    %c0_i32_0 = arith.constant 0 : i32
    return %c0_i32, %arg0 : i32, i32
  }
  func.func @transform_4(%arg0: i32) -> (i32, i32) {
    %c0_i32 = arith.constant 0 : i32
    %c0_i32_0 = arith.constant 0 : i32
    return %c0_i32, %arg0 : i32, i32
  }
  func.func @transform_5(%arg0: i32) -> (i32, i32) {
    %c0_i32 = arith.constant 0 : i32
    %c0_i32_0 = arith.constant 0 : i32
    return %c0_i32, %arg0 : i32, i32
  }
}

module attributes {stable_mosaic.version = 14 : i64} {
  func.func @_xg_body(%arg0: i32, %arg1: memref<2000x128xf32, #tpu.memory_space<vmem>>, %arg2: memref<128x640xf32, #tpu.memory_space<vmem>>, %arg3: memref<128x128xf32, #tpu.memory_space<vmem>>, %arg4: memref<2000x640xf32, #tpu.memory_space<vmem>>, %arg5: memref<2000x128xf32, #tpu.memory_space<vmem>>) attributes {dimension_semantics = [#tpu.dimension_semantics<arbitrary>], iteration_bounds = array<i64: 5>, scalar_prefetch = 0 : i64, scratch_operands = 0 : i64, tpu.core_type = #tpu.core_type<tc>, window_params = [{transform_indices = @transform_0, window_bounds = array<i64: 2000, 128>}, {pipeline_mode = #tpu.pipeline_mode<synchronous>, transform_indices = @transform_1, window_bounds = array<i64: 128, 640>}, {pipeline_mode = #tpu.pipeline_mode<synchronous>, transform_indices = @transform_2, window_bounds = array<i64: 128, 128>}, {transform_indices = @transform_3, window_bounds = array<i64: 2000, 640>}, {transform_indices = @transform_4, window_bounds = array<i64: 2000, 128>}]} {
    %get3A = arith.constant 0 : index
    %get3A_0 = arith.constant 0 : index
    %get3A_1 = vector.load %arg1[%get3A, %get3A_0] : memref<2000x128xf32, #tpu.memory_space<vmem>>, vector<2000x128xf32>
    %get3A_2 = arith.constant 0 : index
    %get3A_3 = arith.constant 0 : index
    %get3A_4 = vector.load %arg2[%get3A_2, %get3A_3] : memref<128x640xf32, #tpu.memory_space<vmem>>, vector<128x640xf32>
    %dot_general3A = arith.constant dense<0.000000e+00> : vector<2000x640xf32>
    %dot_general3A_5 = tpu.matmul %get3A_1, %get3A_4, %dot_general3A {dimension_numbers = #tpu.dot_dimension_numbers<[1], [0], [0], [1], [0, 0, 1, 1], [], []>, precision = #tpu.contract_precision<fp32>, transpose_lhs_hint = false} : vector<2000x128xf32>, vector<128x640xf32>, vector<2000x640xf32> -> vector<2000x640xf32>
    %swap3A = arith.constant 0 : index
    %swap3A_6 = arith.constant 0 : index
    %swap3A_7 = vector.load %arg4[%swap3A, %swap3A_6] : memref<2000x640xf32, #tpu.memory_space<vmem>>, vector<2000x640xf32>
    tpu.vector_store %arg4[%swap3A, %swap3A_6], %dot_general3A_5 {strides = array<i32>} : memref<2000x640xf32, #tpu.memory_space<vmem>>, vector<2000x640xf32>,
    %get3A_8 = arith.constant 0 : index
    %get3A_9 = arith.constant 0 : index
    %get3A_10 = vector.load %arg1[%get3A_8, %get3A_9] : memref<2000x128xf32, #tpu.memory_space<vmem>>, vector<2000x128xf32>
    %get3A_11 = arith.constant 0 : index
    %get3A_12 = arith.constant 0 : index
    %get3A_13 = vector.load %arg3[%get3A_11, %get3A_12] : memref<128x128xf32, #tpu.memory_space<vmem>>, vector<128x128xf32>
    %dot_general3A_14 = arith.constant dense<0.000000e+00> : vector<2000x128xf32>
    %dot_general3A_15 = tpu.matmul %get3A_10, %get3A_13, %dot_general3A_14 {dimension_numbers = #tpu.dot_dimension_numbers<[1], [0], [0], [1], [0, 0, 1, 1], [], []>, precision = #tpu.contract_precision<fp32>, transpose_lhs_hint = false} : vector<2000x128xf32>, vector<128x128xf32>, vector<2000x128xf32> -> vector<2000x128xf32>
    %swap3A_16 = arith.constant 0 : index
    %swap3A_17 = arith.constant 0 : index
    %swap3A_18 = vector.load %arg5[%swap3A_16, %swap3A_17] : memref<2000x128xf32, #tpu.memory_space<vmem>>, vector<2000x128xf32>
    tpu.vector_store %arg5[%swap3A_16, %swap3A_17], %dot_general3A_15 {strides = array<i32>} : memref<2000x128xf32, #tpu.memory_space<vmem>>, vector<2000x128xf32>,
    return
  }
  func.func @transform_0(%arg0: i32) -> (i32, i32) {
    %c0_i32 = arith.constant 0 : i32
    %c0_i32_0 = arith.constant 0 : i32
    return %arg0, %c0_i32 : i32, i32
  }
  func.func @transform_1(%arg0: i32) -> (i32, i32) {
    %c0_i32 = arith.constant 0 : i32
    %c0_i32_0 = arith.constant 0 : i32
    %c0_i32_1 = arith.constant 0 : i32
    return %c0_i32, %c0_i32_0 : i32, i32
  }
  func.func @transform_2(%arg0: i32) -> (i32, i32) {
    %c0_i32 = arith.constant 0 : i32
    %c0_i32_0 = arith.constant 0 : i32
    %c0_i32_1 = arith.constant 0 : i32
    return %c0_i32, %c0_i32_0 : i32, i32
  }
  func.func @transform_3(%arg0: i32) -> (i32, i32) {
    %c0_i32 = arith.constant 0 : i32
    %c0_i32_0 = arith.constant 0 : i32
    return %arg0, %c0_i32 : i32, i32
  }
  func.func @transform_4(%arg0: i32) -> (i32, i32) {
    %c0_i32 = arith.constant 0 : i32
    %c0_i32_0 = arith.constant 0 : i32
    return %arg0, %c0_i32 : i32, i32
  }
}

module attributes {stable_mosaic.version = 14 : i64} {
  func.func @_hist_body(%arg0: i32, %arg1: memref<6400x1xi32, #tpu.memory_space<vmem>>, %arg2: memref<80x128xf32, #tpu.memory_space<vmem>>, %arg3: memref<80x128xf32, #tpu.memory_space<vmem>>) attributes {dimension_semantics = [#tpu.dimension_semantics<arbitrary>], iteration_bounds = array<i64: 50>, scalar_prefetch = 0 : i64, scratch_operands = 1 : i64, tpu.core_type = #tpu.core_type<tc>, window_params = [{transform_indices = @transform_0, window_bounds = array<i64: 6400, 1>}, {pipeline_mode = #tpu.pipeline_mode<synchronous>, transform_indices = @transform_1, window_bounds = array<i64: 80, 128>}]} {
    %eq3A = arith.constant 0 : i32
    %eq3A_0 = arith.cmpi eq, %arg0, %eq3A : i32
    %convert_element_type3A = arith.extui %eq3A_0 : i1 to i32
    %cond3A = arith.constant 0 : i32
    %cond3A_1 = arith.cmpi ne, %convert_element_type3A, %cond3A : i32
    scf.if %cond3A_1 {
      %broadcast_in_dim3A = arith.constant 0.000000e+00 : f32
      %broadcast_in_dim3A_68 = vector.broadcast %broadcast_in_dim3A : f32 to vector<80x128xf32>
      %swap3A_69 = arith.constant 0 : index
      %swap3A_70 = arith.constant 0 : index
      %swap3A_71 = vector.load %arg3[%swap3A_69, %swap3A_70] : memref<80x128xf32, #tpu.memory_space<vmem>>, vector<80x128xf32>
      tpu.vector_store %arg3[%swap3A_69, %swap3A_70], %broadcast_in_dim3A_68 {strides = array<i32>} : memref<80x128xf32, #tpu.memory_space<vmem>>, vector<80x128xf32>,
    } else {
    }
    %get3A = arith.constant 0 : index
    %get3A_2 = arith.constant 0 : index
    %get3A_3 = vector.load %arg1[%get3A, %get3A_2] : memref<6400x1xi32, #tpu.memory_space<vmem>>, vector<6400x1xi32>
    %iota3A = tpu.iota {dimensions = array<i32: 1>} : vector<6400x80xi32>
    %iota3A_4 = tpu.iota {dimensions = array<i32: 1>} : vector<6400x128xi32>
    %jit3A = arith.constant 128 : i32
    %div3A = vector.broadcast %jit3A : i32 to vector<6400x1xi32>
    %div3A_5 = arith.divsi %get3A_3, %div3A : vector<6400x1xi32>
    %sign3A = arith.constant 0 : i32
    %sign3A_6 = vector.broadcast %sign3A : i32 to vector<6400x1xi32>
    %sign3A_7 = arith.cmpi sgt, %get3A_3, %sign3A_6 : vector<6400x1xi32>
    %sign3A_8 = arith.extui %sign3A_7 : vector<6400x1xi1> to vector<6400x1xi32>
    %sign3A_9 = arith.constant 0 : i32
    %sign3A_10 = vector.broadcast %sign3A_9 : i32 to vector<6400x1xi32>
    %sign3A_11 = arith.cmpi slt, %get3A_3, %sign3A_10 : vector<6400x1xi32>
    %sign3A_12 = arith.extui %sign3A_11 : vector<6400x1xi1> to vector<6400x1xi32>
    %sign3A_13 = arith.subi %sign3A_8, %sign3A_12 : vector<6400x1xi32>
    %sign3A_14 = arith.constant 0 : i32
    %sign3A_15 = arith.cmpi sgt, %jit3A, %sign3A_14 : i32
    %sign3A_16 = arith.extui %sign3A_15 : i1 to i32
    %sign3A_17 = arith.constant 0 : i32
    %sign3A_18 = arith.cmpi slt, %jit3A, %sign3A_17 : i32
    %sign3A_19 = arith.extui %sign3A_18 : i1 to i32
    %sign3A_20 = arith.subi %sign3A_16, %sign3A_19 : i32
    %ne3A = vector.broadcast %sign3A_20 : i32 to vector<6400x1xi32>
    %ne3A_21 = arith.cmpi ne, %sign3A_13, %ne3A : vector<6400x1xi32>
    %rem3A = vector.broadcast %jit3A : i32 to vector<6400x1xi32>
    %rem3A_22 = arith.remsi %get3A_3, %rem3A : vector<6400x1xi32>
    %ne3A_23 = arith.constant 0 : i32
    %ne3A_24 = vector.broadcast %ne3A_23 : i32 to vector<6400x1xi32>
    %ne3A_25 = arith.cmpi ne, %rem3A_22, %ne3A_24 : vector<6400x1xi32>
    %and3A = arith.andi %ne3A_21, %ne3A_25 : vector<6400x1xi1>
    %sub3A = arith.constant 1 : i32
    %sub3A_26 = vector.broadcast %sub3A : i32 to vector<6400x1xi32>
    %sub3A_27 = arith.subi %div3A_5, %sub3A_26 : vector<6400x1xi32>
    %select_n3A = arith.select %and3A, %sub3A_27, %div3A_5 : vector<6400x1xi1>, vector<6400x1xi32>
    %eq3A_28 = vector.broadcast %select_n3A : vector<6400x1xi32> to vector<6400x80xi32>
    %eq3A_29 = arith.cmpi eq, %eq3A_28, %iota3A : vector<6400x80xi32>
    %convert_element_type3A_30 = arith.extui %eq3A_29 : vector<6400x80xi1> to vector<6400x80xi32>
    %convert_element_type3A_31 = arith.sitofp %convert_element_type3A_30 : vector<6400x80xi32> to vector<6400x80xf32>
    %jit3A_32 = arith.constant 128 : i32
    %eq3A_33 = arith.constant 0 : i32
    %eq3A_34 = arith.cmpi eq, %jit3A_32, %eq3A_33 : i32
    %jit3A_35 = arith.constant 1 : i32
    %select_n3A_36 = arith.select %eq3A_34, %jit3A_35, %jit3A_32 : i32
    %rem3A_37 = vector.broadcast %select_n3A_36 : i32 to vector<6400x1xi32>
    %rem3A_38 = arith.remsi %get3A_3, %rem3A_37 : vector<6400x1xi32>
    %ne3A_39 = arith.constant 0 : i32
    %ne3A_40 = vector.broadcast %ne3A_39 : i32 to vector<6400x1xi32>
    %ne3A_41 = arith.cmpi ne, %rem3A_38, %ne3A_40 : vector<6400x1xi32>
    %lt3A = arith.constant 0 : i32
    %lt3A_42 = vector.broadcast %lt3A : i32 to vector<6400x1xi32>
    %lt3A_43 = arith.cmpi slt, %rem3A_38, %lt3A_42 : vector<6400x1xi32>
    %lt3A_44 = arith.constant 0 : i32
    %lt3A_45 = arith.cmpi slt, %select_n3A_36, %lt3A_44 : i32
    %ne3A_46 = vector.broadcast %lt3A_45 : i1 to vector<6400x1xi1>
    %ne3A_47 = vector.broadcast %ne3A_46 : vector<6400x1xi1> to vector<6400x1xi1>
    %ne3A_48 = arith.xori %lt3A_43, %ne3A_47 : vector<6400x1xi1>
    %and3A_49 = arith.andi %ne3A_48, %ne3A_41 : vector<6400x1xi1>
    %add3A = vector.broadcast %select_n3A_36 : i32 to vector<6400x1xi32>
    %add3A_50 = arith.addi %rem3A_38, %add3A : vector<6400x1xi32>
    %select_n3A_51 = arith.select %and3A_49, %add3A_50, %rem3A_38 : vector<6400x1xi1>, vector<6400x1xi32>
    %eq3A_52 = vector.broadcast %select_n3A_51 : vector<6400x1xi32> to vector<6400x128xi32>
    %eq3A_53 = arith.cmpi eq, %eq3A_52, %iota3A_4 : vector<6400x128xi32>
    %convert_element_type3A_54 = arith.extui %eq3A_53 : vector<6400x128xi1> to vector<6400x128xi32>
    %convert_element_type3A_55 = arith.sitofp %convert_element_type3A_54 : vector<6400x128xi32> to vector<6400x128xf32>
    %get3A_56 = arith.constant 0 : index
    %get3A_57 = arith.constant 0 : index
    %get3A_58 = vector.load %arg3[%get3A_56, %get3A_57] : memref<80x128xf32, #tpu.memory_space<vmem>>, vector<80x128xf32>
    %dot_general3A = arith.constant dense<0.000000e+00> : vector<80x128xf32>
    %dot_general3A_59 = tpu.matmul %convert_element_type3A_31, %convert_element_type3A_55, %dot_general3A {dimension_numbers = #tpu.dot_dimension_numbers<[0], [0], [1], [1], [0, 1, 1, 1], [], []>, transpose_lhs_hint = false} : vector<6400x80xf32>, vector<6400x128xf32>, vector<80x128xf32> -> vector<80x128xf32>
    %add3A_60 = arith.addf %get3A_58, %dot_general3A_59 : vector<80x128xf32>
    %swap3A = arith.constant 0 : index
    %swap3A_61 = arith.constant 0 : index
    %swap3A_62 = vector.load %arg3[%swap3A, %swap3A_61] : memref<80x128xf32, #tpu.memory_space<vmem>>, vector<80x128xf32>
    tpu.vector_store %arg3[%swap3A, %swap3A_61], %add3A_60 {strides = array<i32>} : memref<80x128xf32, #tpu.memory_space<vmem>>, vector<80x128xf32>,
    %eq3A_63 = arith.constant 49 : i32
    %eq3A_64 = arith.cmpi eq, %arg0, %eq3A_63 : i32
    %convert_element_type3A_65 = arith.extui %eq3A_64 : i1 to i32
    %cond3A_66 = arith.constant 0 : i32
    %cond3A_67 = arith.cmpi ne, %convert_element_type3A_65, %cond3A_66 : i32
    scf.if %cond3A_67 {
      %get3A_68 = arith.constant 0 : index
      %get3A_69 = arith.constant 0 : index
      %get3A_70 = vector.load %arg3[%get3A_68, %get3A_69] : memref<80x128xf32, #tpu.memory_space<vmem>>, vector<80x128xf32>
      %swap3A_71 = arith.constant 0 : index
      %swap3A_72 = arith.constant 0 : index
      %swap3A_73 = vector.load %arg2[%swap3A_71, %swap3A_72] : memref<80x128xf32, #tpu.memory_space<vmem>>, vector<80x128xf32>
      tpu.vector_store %arg2[%swap3A_71, %swap3A_72], %get3A_70 {strides = array<i32>} : memref<80x128xf32, #tpu.memory_space<vmem>>, vector<80x128xf32>,
    } else {
    }
    return
  }
  func.func @transform_0(%arg0: i32) -> (i32, i32) {
    %c0_i32 = arith.constant 0 : i32
    %c0_i32_0 = arith.constant 0 : i32
    return %arg0, %c0_i32 : i32, i32
  }
  func.func @transform_1(%arg0: i32) -> (i32, i32) {
    %c0_i32 = arith.constant 0 : i32
    %c0_i32_0 = arith.constant 0 : i32
    %c0_i32_1 = arith.constant 0 : i32
    return %c0_i32, %c0_i32_0 : i32, i32
  }
}

module attributes {stable_mosaic.version = 14 : i64} {
  func.func @_epi_body(%arg0: i32, %arg1: memref<2x2000x128xf32, #tpu.memory_space<vmem>>, %arg2: memref<2000x1xf32, #tpu.memory_space<vmem>>, %arg3: memref<2000x128xf32, #tpu.memory_space<vmem>>, %arg4: memref<1x128xf32, #tpu.memory_space<vmem>>, %arg5: memref<2000x128xf32, #tpu.memory_space<vmem>>, %arg6: memref<2000x128xf32, #tpu.memory_space<vmem>>) attributes {dimension_semantics = [#tpu.dimension_semantics<arbitrary>], iteration_bounds = array<i64: 5>, scalar_prefetch = 0 : i64, scratch_operands = 0 : i64, tpu.core_type = #tpu.core_type<tc>, window_params = [{transform_indices = @transform_0, window_bounds = array<i64: 2, 2000, 128>}, {transform_indices = @transform_1, window_bounds = array<i64: 2000, 1>}, {transform_indices = @transform_2, window_bounds = array<i64: 2000, 128>}, {pipeline_mode = #tpu.pipeline_mode<synchronous>, transform_indices = @transform_3, window_bounds = array<i64: 1, 128>}, {transform_indices = @transform_4, window_bounds = array<i64: 2000, 128>}, {transform_indices = @transform_5, window_bounds = array<i64: 2000, 128>}]} {
    %get3A = arith.constant 0 : index
    %get3A_0 = arith.constant 0 : index
    %get3A_1 = arith.constant 0 : index
    %get3A_2 = vector.load %arg1[%get3A, %get3A_0, %get3A_1] : memref<2x2000x128xf32, #tpu.memory_space<vmem>>, vector<1x2000x128xf32>
    %get3A_3 = vector.shape_cast %get3A_2 : vector<1x2000x128xf32> to vector<2000x128xf32>
    %get3A_4 = arith.constant 1 : index
    %get3A_5 = arith.constant 0 : index
    %get3A_6 = arith.constant 0 : index
    %get3A_7 = vector.load %arg1[%get3A_4, %get3A_5, %get3A_6] : memref<2x2000x128xf32, #tpu.memory_space<vmem>>, vector<1x2000x128xf32>
    %get3A_8 = vector.shape_cast %get3A_7 : vector<1x2000x128xf32> to vector<2000x128xf32>
    %add3A = arith.addf %get3A_3, %get3A_8 : vector<2000x128xf32>
    %get3A_9 = arith.constant 0 : index
    %get3A_10 = arith.constant 0 : index
    %get3A_11 = vector.load %arg2[%get3A_9, %get3A_10] : memref<2000x1xf32, #tpu.memory_space<vmem>>, vector<2000x1xf32>
    %jit3A = arith.constant 1.000000e+00 : f32
    %max3A = vector.broadcast %jit3A : f32 to vector<2000x1xf32>
    %max3A_12 = arith.maximumf %max3A, %get3A_11 : vector<2000x1xf32>
    %div3A = vector.broadcast %max3A_12 : vector<2000x1xf32> to vector<2000x128xf32>
    %div3A_13 = arith.divf %add3A, %div3A : vector<2000x128xf32>
    %get3A_14 = arith.constant 0 : index
    %get3A_15 = arith.constant 0 : index
    %get3A_16 = vector.load %arg3[%get3A_14, %get3A_15] : memref<2000x128xf32, #tpu.memory_space<vmem>>, vector<2000x128xf32>
    %add3A_17 = arith.addf %div3A_13, %get3A_16 : vector<2000x128xf32>
    %get3A_18 = arith.constant 0 : index
    %get3A_19 = arith.constant 0 : index
    %get3A_20 = vector.load %arg4[%get3A_18, %get3A_19] : memref<1x128xf32, #tpu.memory_space<vmem>>, vector<1x128xf32>
    %add3A_21 = vector.broadcast %get3A_20 : vector<1x128xf32> to vector<2000x128xf32>
    %add3A_22 = arith.addf %add3A_17, %add3A_21 : vector<2000x128xf32>
    %gt3A = arith.constant 0.000000e+00 : f32
    %gt3A_23 = vector.broadcast %gt3A : f32 to vector<2000x128xf32>
    %gt3A_24 = arith.cmpf ogt, %add3A_22, %gt3A_23 : vector<2000x128xf32>
    %min3A = arith.constant 0.000000e+00 : f32
    %min3A_25 = vector.broadcast %min3A : f32 to vector<2000x128xf32>
    %min3A_26 = arith.minimumf %add3A_22, %min3A_25 : vector<2000x128xf32>
    %exp3A = math.exp %min3A_26 : vector<2000x128xf32>
    %sub3A = arith.constant 1.000000e+00 : f32
    %sub3A_27 = vector.broadcast %sub3A : f32 to vector<2000x128xf32>
    %sub3A_28 = arith.subf %exp3A, %sub3A_27 : vector<2000x128xf32>
    %select_n3A = arith.select %gt3A_24, %add3A_22, %sub3A_28 : vector<2000x128xi1>, vector<2000x128xf32>
    %get3A_29 = arith.constant 0 : index
    %get3A_30 = arith.constant 0 : index
    %get3A_31 = vector.load %arg5[%get3A_29, %get3A_30] : memref<2000x128xf32, #tpu.memory_space<vmem>>, vector<2000x128xf32>
    %add3A_32 = arith.addf %select_n3A, %get3A_31 : vector<2000x128xf32>
    %swap3A = arith.constant 0 : index
    %swap3A_33 = arith.constant 0 : index
    %swap3A_34 = vector.load %arg6[%swap3A, %swap3A_33] : memref<2000x128xf32, #tpu.memory_space<vmem>>, vector<2000x128xf32>
    tpu.vector_store %arg6[%swap3A, %swap3A_33], %add3A_32 {strides = array<i32>} : memref<2000x128xf32, #tpu.memory_space<vmem>>, vector<2000x128xf32>,
    return
  }
  func.func @transform_0(%arg0: i32) -> (i32, i32, i32) {
    %c0_i32 = arith.constant 0 : i32
    %c0_i32_0 = arith.constant 0 : i32
    %c0_i32_1 = arith.constant 0 : i32
    return %c0_i32, %arg0, %c0_i32_0 : i32, i32, i32
  }
  func.func @transform_1(%arg0: i32) -> (i32, i32) {
    %c0_i32 = arith.constant 0 : i32
    %c0_i32_0 = arith.constant 0 : i32
    return %arg0, %c0_i32 : i32, i32
  }
  func.func @transform_2(%arg0: i32) -> (i32, i32) {
    %c0_i32 = arith.constant 0 : i32
    %c0_i32_0 = arith.constant 0 : i32
    return %arg0, %c0_i32 : i32, i32
  }
  func.func @transform_3(%arg0: i32) -> (i32, i32) {
    %c0_i32 = arith.constant 0 : i32
    %c0_i32_0 = arith.constant 0 : i32
    %c0_i32_1 = arith.constant 0 : i32
    return %c0_i32, %c0_i32_0 : i32, i32
  }
  func.func @transform_4(%arg0: i32) -> (i32, i32) {
    %c0_i32 = arith.constant 0 : i32
    %c0_i32_0 = arith.constant 0 : i32
    return %arg0, %c0_i32 : i32, i32
  }
  func.func @transform_5(%arg0: i32) -> (i32, i32) {
    %c0_i32 = arith.constant 0 : i32
    %c0_i32_0 = arith.constant 0 : i32
    return %arg0, %c0_i32 : i32, i32
  }
}

module attributes {stable_mosaic.version = 14 : i64} {
  func.func @_epi_body(%arg0: i32, %arg1: memref<2x2000x128xf32, #tpu.memory_space<vmem>>, %arg2: memref<2000x1xf32, #tpu.memory_space<vmem>>, %arg3: memref<2000x128xf32, #tpu.memory_space<vmem>>, %arg4: memref<1x128xf32, #tpu.memory_space<vmem>>, %arg5: memref<2000x128xf32, #tpu.memory_space<vmem>>, %arg6: memref<2000x128xf32, #tpu.memory_space<vmem>>) attributes {dimension_semantics = [#tpu.dimension_semantics<arbitrary>], iteration_bounds = array<i64: 5>, scalar_prefetch = 0 : i64, scratch_operands = 0 : i64, tpu.core_type = #tpu.core_type<tc>, window_params = [{transform_indices = @transform_0, window_bounds = array<i64: 2, 2000, 128>}, {transform_indices = @transform_1, window_bounds = array<i64: 2000, 1>}, {transform_indices = @transform_2, window_bounds = array<i64: 2000, 128>}, {pipeline_mode = #tpu.pipeline_mode<synchronous>, transform_indices = @transform_3, window_bounds = array<i64: 1, 128>}, {transform_indices = @transform_4, window_bounds = array<i64: 2000, 128>}, {transform_indices = @transform_5, window_bounds = array<i64: 2000, 128>}]} {
    %get3A = arith.constant 0 : index
    %get3A_0 = arith.constant 0 : index
    %get3A_1 = arith.constant 0 : index
    %get3A_2 = vector.load %arg1[%get3A, %get3A_0, %get3A_1] : memref<2x2000x128xf32, #tpu.memory_space<vmem>>, vector<1x2000x128xf32>
    %get3A_3 = vector.shape_cast %get3A_2 : vector<1x2000x128xf32> to vector<2000x128xf32>
    %get3A_4 = arith.constant 1 : index
    %get3A_5 = arith.constant 0 : index
    %get3A_6 = arith.constant 0 : index
    %get3A_7 = vector.load %arg1[%get3A_4, %get3A_5, %get3A_6] : memref<2x2000x128xf32, #tpu.memory_space<vmem>>, vector<1x2000x128xf32>
    %get3A_8 = vector.shape_cast %get3A_7 : vector<1x2000x128xf32> to vector<2000x128xf32>
    %add3A = arith.addf %get3A_3, %get3A_8 : vector<2000x128xf32>
    %get3A_9 = arith.constant 0 : index
    %get3A_10 = arith.constant 0 : index
    %get3A_11 = vector.load %arg2[%get3A_9, %get3A_10] : memref<2000x1xf32, #tpu.memory_space<vmem>>, vector<2000x1xf32>
    %jit3A = arith.constant 1.000000e+00 : f32
    %max3A = vector.broadcast %jit3A : f32 to vector<2000x1xf32>
    %max3A_12 = arith.maximumf %max3A, %get3A_11 : vector<2000x1xf32>
    %div3A = vector.broadcast %max3A_12 : vector<2000x1xf32> to vector<2000x128xf32>
    %div3A_13 = arith.divf %add3A, %div3A : vector<2000x128xf32>
    %get3A_14 = arith.constant 0 : index
    %get3A_15 = arith.constant 0 : index
    %get3A_16 = vector.load %arg3[%get3A_14, %get3A_15] : memref<2000x128xf32, #tpu.memory_space<vmem>>, vector<2000x128xf32>
    %add3A_17 = arith.addf %div3A_13, %get3A_16 : vector<2000x128xf32>
    %get3A_18 = arith.constant 0 : index
    %get3A_19 = arith.constant 0 : index
    %get3A_20 = vector.load %arg4[%get3A_18, %get3A_19] : memref<1x128xf32, #tpu.memory_space<vmem>>, vector<1x128xf32>
    %add3A_21 = vector.broadcast %get3A_20 : vector<1x128xf32> to vector<2000x128xf32>
    %add3A_22 = arith.addf %add3A_17, %add3A_21 : vector<2000x128xf32>
    %get3A_23 = arith.constant 0 : index
    %get3A_24 = arith.constant 0 : index
    %get3A_25 = vector.load %arg5[%get3A_23, %get3A_24] : memref<2000x128xf32, #tpu.memory_space<vmem>>, vector<2000x128xf32>
    %add3A_26 = arith.addf %add3A_22, %get3A_25 : vector<2000x128xf32>
    %swap3A = arith.constant 0 : index
    %swap3A_27 = arith.constant 0 : index
    %swap3A_28 = vector.load %arg6[%swap3A, %swap3A_27] : memref<2000x128xf32, #tpu.memory_space<vmem>>, vector<2000x128xf32>
    tpu.vector_store %arg6[%swap3A, %swap3A_27], %add3A_26 {strides = array<i32>} : memref<2000x128xf32, #tpu.memory_space<vmem>>, vector<2000x128xf32>,
    return
  }
  func.func @transform_0(%arg0: i32) -> (i32, i32, i32) {
    %c0_i32 = arith.constant 0 : i32
    %c0_i32_0 = arith.constant 0 : i32
    %c0_i32_1 = arith.constant 0 : i32
    return %c0_i32, %arg0, %c0_i32_0 : i32, i32, i32
  }
  func.func @transform_1(%arg0: i32) -> (i32, i32) {
    %c0_i32 = arith.constant 0 : i32
    %c0_i32_0 = arith.constant 0 : i32
    return %arg0, %c0_i32 : i32, i32
  }
  func.func @transform_2(%arg0: i32) -> (i32, i32) {
    %c0_i32 = arith.constant 0 : i32
    %c0_i32_0 = arith.constant 0 : i32
    return %arg0, %c0_i32 : i32, i32
  }
  func.func @transform_3(%arg0: i32) -> (i32, i32) {
    %c0_i32 = arith.constant 0 : i32
    %c0_i32_0 = arith.constant 0 : i32
    %c0_i32_1 = arith.constant 0 : i32
    return %c0_i32, %c0_i32_0 : i32, i32
  }
  func.func @transform_4(%arg0: i32) -> (i32, i32) {
    %c0_i32 = arith.constant 0 : i32
    %c0_i32_0 = arith.constant 0 : i32
    return %arg0, %c0_i32 : i32, i32
  }
  func.func @transform_5(%arg0: i32) -> (i32, i32) {
    %c0_i32 = arith.constant 0 : i32
    %c0_i32_0 = arith.constant 0 : i32
    return %arg0, %c0_i32 : i32, i32
  }
}

</mosaic_0001>

<sc_bundles>
// kernel: kernel.10.cloned.1.call-start
scs
__scs_entry_jumppad:
0x0: {  	(pc) =	sbr.rel $0x88, $3  }
0x1: {  	(tag) =	ssettag $0x0;
	lr =	simm.s32 $0x1  }
0x2: {  	[smem:$0x3F90] =	sst lr;
	_ =	strace $0xD0000000  }
0x3: {  	_ = 	snop  }
0x4: {  	_ = 	snop  }
0x5: {  	_ = 	snop  }
0x6: {  	_ = 	snop  }
0x7: {  	_ = 	snop  }
__scs_overlays_trampoline_lowered:
0x8: {  	[smem:$0x3F9F] =	sst s0  }
0x9: {  	[smem:$0x3FA0] =	sst s1  }
0xa: {  	[smem:$0x3FA1] =	sst s2  }
0xb: {  	[smem:$0x3FA2] =	sst s3  }
0xc: {  	[smem:$0x3FA3] =	sst s4  }
0xd: {  	[smem:$0x3FA4] =	sst s5  }
0xe: {  	[smem:$0x3FA5] =	sst s6  }
0xf: {  	[smem:$0x3FA6] =	sst s7  }
0x10: {  	[smem:$0x3FA7] =	sst s8  }
0x11: {  	[smem:$0x3FA8] =	sst s9;
	s0 =	simm.s32 @!p0 $0x0  }
0x12: {  	s1 =	sld [smem:$0x3F8E];
	s0 =	simm.s32 @p0 $0x1  }
0x13: {  	[smem:$0x3FA9] =	sst s0;
	s0 =	simm.s32 @!p1 $0x0  }
0x14: {  	s2 =	sld [smem:$0x3F8D];
	s0 =	simm.s32 @p1 $0x1  }
0x15: {  	[smem:$0x3FAA] =	sst s0;
	s0 =	simm.s32 @!p2 $0x0  }
0x16: {  	s3 =	sld [smem:$0x3FDB];
	s0 =	simm.s32 @p2 $0x1  }
0x17: {  	s4 =	simm.s32 $0x1BF5;
	[smem:$0x3FAC] =	sst s0  }
0x18: {  	s0 =	sld [smem:$0x3F8F];
	_ =	swait.ge [sflag:s4], $0x0  }
0x19: {  	s7 =	sld [smem:$0x3F90]  }
0x1a: {  	s8 =	sadd.s32 $0xFFFFE003, lr  }
0x1b: {  	s9 =	sadd.s32 $0xFFFFFEF7, lr;
	s5 =	simm.s32 $0xFFFFFFFF;
	p2 =	slt.u32 s8, $0xFFFFF086  }
0x1c: {  	p1 =	slt.u32 s9, $0xF7A;
	s5 =	simm.s32 @!p2 $0x0  }
0x1d: {  	s5 =	simm.s32 @p1 $0x1;
	p0 =	seq.s32 s7, s2  }
0x1e: {  	s7 =	smul.u32 @!p0 $0xF7A, s2;
	p2 =	seq.s32 @!p0 s5, $0x0  }
0x1f: {  	s9 =	smul.u32 $0xF7A, s1;
	s8 =	simm.s32 @!p0 $0x1BF5;
	p2 =	por !p2, p0  }
0x20: {  	[sflag:s8] =	ssyncset.s32 @!p0 $0xFFFFF086;
	s6 =	sadd.s32 @!p0 s3, s7;
	s7 =	simm.s32 @!p0 $0x108  }
0x21: {  	s3 =	sadd.s32 s3, s9;
	s6 =	sadd.s32 @!p0 $0x88, s6;
	s7 =	simm.s32 @p2 $0x1082  }
0x22: {  	[simem:s7], [sflag:s8] =	dma.local @!p0 [hbm:s6], $0xF7A  }
0x23: {  	s9 =	sor.u32 $0xD0000000, s2;
	s6 =	simm.s32 $0x108;
	_ =	swait.ge @!p0 [sflag:s8], $0x0  }
0x24: {  	s3 =	sadd.s32 $0x88, s3;
	s6 =	simm.s32 @!p1 $0x1082;
	[sflag:s4] =	ssyncset.s32 $0xFFFFF086  }
0x25: {  	[simem:s6], [sflag:s4] =	dma.local [hbm:s3], $0xF7A  }
0x26: {  	[smem:$0x3F90] =	sst s1;
	(tag) =	ssettag s2;
	_ =	strace s9  }
0x27: {  	s1 =	sld [smem:$0x3FA0]  }
0x28: {  	s2 =	sld [smem:$0x3FA1]  }
0x29: {  	s4 =	sld [smem:$0x3FA3]  }
0x2a: {  	p0 =	seq.s32 s5, $0x0;
	s5 =	sld [smem:$0x3FA4]  }
0x2b: {  	s6 =	sld [smem:$0x3FA5]  }
0x2c: {  	s7 =	sld [smem:$0x3FA6]  }
0x2d: {  	s3 =	simm.s32 $0x108;
	s8 =	sld [smem:$0x3FA7]  }
0x2e: {  	s3 =	simm.s32 @!p0 $0x1082;
	s9 =	sld [smem:$0x3FA8]  }
0x2f: {  	lr =	sadd.s32 s0, s3;
	s0 =	sld [smem:$0x3F9F]  }
0x30: {  	s3 =	sld [smem:$0x3FA2]  }
0x31: {  	[smem:$0x3FAB] =	sst s10  }
0x32: {  	s10 =	sld [smem:$0x3FA9];
	_ =	sdelay $0x3  }
0x33: {  	p0 =	seq.s32 s10, $0x1;
	s10 =	sld [smem:$0x3FAB];
	_ =	sdelay $0x3  }
0x34: {  	[smem:$0x3FAB] =	sst s10  }
0x35: {  	s10 =	sld [smem:$0x3FAA];
	_ =	sdelay $0x3  }
0x36: {  	p1 =	seq.s32 s10, $0x1;
	s10 =	sld [smem:$0x3FAB];
	_ =	sdelay $0x3  }
0x37: {  	[smem:$0x3FAB] =	sst s10  }
0x38: {  	s10 =	sld [smem:$0x3FAC]  }
0x39: {  	_ = 	snop;
	(pc) =	sbr.ind lr, $3  }
0x3a: {  	_ = 	snop  }
0x3b: {  	_ = 	snop  }
0x3c: {  	p2 =	seq.s32 s10, $0x1;
	s10 =	sld [smem:$0x3FAB]  }
0x3d: {  	_ =	shalt  }
0x3e: {  	_ =	shalt  }
0x3f: {  	_ =	shalt  }
0x40: {  	_ =	shalt  }
0x41: {  	_ =	shalt  }
0x42: {  	_ =	shalt  }
0x43: {  	_ =	shalt  }
0x44: {  	_ =	shalt  }
0x45: {  	_ =	shalt  }
0x46: {  	_ =	shalt  }
0x47: {  	_ =	shalt  }
0x48: {  	_ =	shalt  }
0x49: {  	_ =	shalt  }
0x4a: {  	_ =	shalt  }
0x4b: {  	_ =	shalt  }
0x4c: {  	_ =	shalt  }
0x4d: {  	_ =	shalt  }
0x4e: {  	_ =	shalt  }
0x4f: {  	_ =	shalt  }
0x50: {  	_ =	shalt  }
0x51: {  	_ =	shalt  }
0x52: {  	_ =	shalt  }
0x53: {  	_ =	shalt  }
0x54: {  	_ =	shalt  }
0x55: {  	_ =	shalt  }
0x56: {  	_ =	shalt  }
0x57: {  	_ =	shalt  }
0x58: {  	_ =	shalt  }
0x59: {  	_ =	shalt  }
0x5a: {  	_ =	shalt  }
0x5b: {  	_ =	shalt  }
0x5c: {  	_ =	shalt  }
0x5d: {  	_ =	shalt  }
0x5e: {  	_ =	shalt  }
0x5f: {  	_ =	shalt  }
0x60: {  	_ =	shalt  }
0x61: {  	_ =	shalt  }
0x62: {  	_ =	shalt  }
0x63: {  	_ =	shalt  }
0x64: {  	_ =	shalt  }
0x65: {  	_ =	shalt  }
0x66: {  	_ =	shalt  }
0x67: {  	_ =	shalt  }
0x68: {  	_ =	shalt  }
0x69: {  	_ =	shalt  }
0x6a: {  	_ =	shalt  }
0x6b: {  	_ =	shalt  }
0x6c: {  	_ =	shalt  }
0x6d: {  	_ =	shalt  }
0x6e: {  	_ =	shalt  }
0x6f: {  	_ =	shalt  }
0x70: {  	_ =	shalt  }
0x71: {  	_ =	shalt  }
0x72: {  	_ =	shalt  }
0x73: {  	_ =	shalt  }
0x74: {  	_ =	shalt  }
0x75: {  	_ =	shalt  }
0x76: {  	_ =	shalt  }
0x77: {  	_ =	shalt  }
0x78: {  	_ =	shalt  }
0x79: {  	_ =	shalt  }
0x7a: {  	_ =	shalt  }
0x7b: {  	_ =	shalt  }
0x7c: {  	_ =	shalt  }
0x7d: {  	_ =	shalt  }
0x7e: {  	_ =	shalt  }
0x7f: {  	_ =	shalt  }
0x80: {  	_ =	shalt  }
0x81: {  	_ =	shalt  }
0x82: {  	_ =	shalt  }
0x83: {  	_ =	shalt  }
0x84: {  	_ =	shalt  }
0x85: {  	_ =	shalt  }
0x86: {  	_ =	shalt  }
0x87: {  	_ =	shalt  }
.Lfunc_end0:
.L_simem_size_0:
called_computation_lowered:
.L_overlay_start_0:
0x88: {  	s2 =	sld [smem:$0x3FD9]  }
0x89: {  	s3 =	sld [smem:$0x3FFE];
	_ =	sdelay $0x1  }
0x8a: {  	s1 =	srdreg.scid  }
0x8b: {  	s0 =	sand.u32 $0x1, s1  }
0x8c: {  	s17 =	sshll.u32 s0, $0xA;
	s2 =	sadd.s32 s3, s2  }
0x8d: {  	s2 =	sadd.s32 s2, s17  }
0x8e: {  	[smem:$0x3FB7] =	sst s2  }
0x8f: {  	_ = 	snop  }
0x90: {  	s2 =	sld [smem:$0x3FC7]  }
0x91: {  	s18 =	sld [smem:$0x3FD0];
	(tm) =	ssettm $0x1  }
0x92: {  	s4 =	sld [smem:$0x3FFB];
	_ =	sdelay $0x3  }
0x93: {  	_ =	strace s4  }
0x94: {  	s4 =	sld [smem:$0x3FFC];
	_ =	sdelay $0x3  }
0x95: {  	_ =	strace s4  }
0x96: {  	s4 =	sld [smem:$0x3FFD];
	_ =	sdelay $0x3  }
0x97: {  	_ =	strace s4  }
0x98: {  	_ =	strace $0x8FFFFFFF  }
0x99: {  	s19 =	sld [smem:$0x3FDB];
	_ =	sdelay $0x1  }
0x9a: {  	s5 =	simm.s32 $_scs_section_size  }
0x9b: {  	s6 =	simm.s32 $_size__tile_overlayer_lowered;
	s7 =	simm.s32 $_tile_overlayer_lowered  }
0x9c: {  	s22 =	simm.s32 $0x1BFF;
	s21 =	sshll.u32 s7, $0x1;
	s4 =	sadd.s32 s5, s19  }
0x9d: {  	s8 =	simm.s32 $0x0;
	s20 =	sshll.u32 s6, $0x1;
	s6 =	sadd.s32 s21, s4  }
0x9e: {  	[timem:s8], [sflag:s22] =	dma.local [hbm:s6], s20  }
0x9f: {  	_ =	swait.ge [sflag:s22], s20  }
0xa0: {  	s5 =	ssub.s32 $0x0, s20;
	[sflag:s22] =	ssyncset.done $0x0  }
0xa1: {  	[sflag:s22] =	ssyncadd.s32 s5;
	_ =	sdelay $0x1  }
0xa2: {  	s23 =	simm.s32 $0x1B8B  }
0xa3: {  	_ =	swait.ge [sflag:s23], $0x1  }
0xa4: {  	[sflag:s23] =	ssyncset.done $0x0  }
0xa5: {  	s25 =	simm.s32 $0x1B8E;
	s24 =	sld [smem:$0x3FFE];
	[sflag:s23] =	ssyncadd.s32 $0xFFFFFFFF  }
0xa6: {  	s26 =	simm.s32 $execute0_lowered;
	[smem:$0x3FD2] =	sst s25  }
0xa7: {  	s6 =	sshll.u32 s26, $0x1;
	_ =	strace $0x80000046;
	[dreg:$0x1] =	wrdreg $0xFFFFFFFF  }
0xa8: {  	s28 =	simm.s32 $_size_execute0_lowered;
	s4 =	sadd.s32 s4, s6;
	[dreg:$0x0] =	wrdreg $0x0  }
0xa9: {  	s6 =	sshll.u32 s28, $0x1;
	[dreg:$0x2] =	wrdreg s4  }
0xaa: {  	[dreg:$0x3] =	wrdreg s6  }
0xab: {  	[dreg:$0x4] =	wrdreg $0xC0  }
0xac: {  	_ =	task [dreg:s8], $0x5FFFF  }
0xad: {  	[dreg:$0x1] =	wrdreg $0xFFFFFFFF  }
0xae: {  	[dreg:$0x0] =	wrdreg $0x60  }
0xaf: {  	[dreg:$0x2] =	wrdreg s24  }
0xb0: {  	[dreg:$0x3] =	wrdreg s18  }
0xb1: {  	[dreg:$0x4] =	wrdreg s2  }
0xb2: {  	[dreg:$0x5] =	wrdreg $0x0  }
0xb3: {  	[dreg:$0x6] =	wrdreg $0x9  }
0xb4: {  	_ =	task.clear_ibuf [dreg:s8], $0x7FFFF;
	_ =	strace $0x90000046  }
0xb5: {  	s29 =	simm.s32 $0x9;
	_ =	strace $0x80000048  }
0xb6: {  	_ =	swait.ge [sflag:s29], $0x1  }
0xb7: {  	[sflag:s29] =	ssyncadd.s32 $0xFFFFFFFF  }
0xb8: {  	_ =	strace $0x90000048  }
0xb9: {  	_ =	sfence  }
0xba: {  	s30 =	sld [smem:$0x0];
	_ =	sdelay $0x2  }
0xbb: {  	s31 =	sshll.u32 s1, $0xD;
	s1 =	sshrl.u32 s1, $0x2  }
0xbc: {  	s3 =	sand.u32 $0x4000, s31;
	s1 =	sadd.s32 s1, s30  }
0xbd: {  	s0 =	sor.u32 s3, s0;
	s1 =	sshll.u32 s1, $0x11  }
0xbe: {  	s0 =	sor.u32 s1, s0  }
0xbf: {  	s0 =	sadd.s32 $0x8F2B, s0  }
0xc0: {  	[sflag:s0] =	ssyncadd.remote.s32 $0x1  }
0xc1: {  	_ =	sfence.sel $0xFFFF  }
0xc2: {  	[dreg:$0x0] =	wrdreg $0xFFFFFFFF;
	(pc) =	sbr.abs _section_cstart, $3  }
0xc3: {  	[dreg:$0x1] =	wrdreg $0xFFFFFFFF  }
0xc4: {  	_ =	task.clear_ibuf [dreg:s8], $0x2FFFF;
	_ =	strace $0x9FFFFFFF  }
0xc5: {  	(tm) =	ssettm $0x7FFFFFFF  }
tec
execute0_lowered:
.L_overlay_start_1:
0x0: {  	(tag) =	ssettag $0x1  }
0x1: {  	s0 =	rddreg [dreg:$0x0]  }
0x2: {  	s8 =	rddreg [dreg:$0x3]  }
0x3: {  	s1 =	simm.s32 $0x0;
	s17 =	srdreg.scid;
	s9 =	stileid.u32  }
0x4: {  	s28 =	simm.s32 $0x18880;
	s29 =	simm.s32 $0x19080;
	s30 =	simm.s32 $0x19880  }
0x5: {  	s31 =	simm.s32 $0x1;
	[smem:$0x7FF] =	sst s1;
	s6 =	sadd.s32 $0xC400, s0  }
0x6: {  	s1 =	sand.u32 $0x1, s17;
	s2 =	smul.u32 $0x4E000, s9;
	s7 =	sadd.s32 $0x2400, s0  }
0x7: {  	s3 =	sadd.s32 $0xC200, s0;
	s4 =	sadd.s32 $0xCFA00, s0;
	s19 =	sshll.u32 s9, $0x1  }
0x8: {  	s24 =	smul.u32 $0x13800, s9;
	p0 =	sne.s32 s9, $0xF;
	s2 =	sshrl.u32 s2, $0x2  }
0x9: {  	_ =	strace $0x80000047;
	[dreg:$0x5] =	wrdreg s3;
	s11 =	sadd.s32 s2, s8  }
0xa: {  	s9 =	simm.s32 $0x0;
	s8 =	sadd.s32 $0x138000, s8;
	[dreg:$0x6] =	wrdreg s11  }
0xb: {  	s18 =	ssub.s32 $0x2, s1;
	s21 =	sadd.s32 $0x1400, s11;
	[dreg:$0x19] =	wrdreg s8  }
0xc: {  	s20 =	sor.u32 s1, s19;
	s22 =	sadd.s32 $0x2800, s11;
	[dreg:$0x7] =	wrdreg s21  }
0xd: {  	s1 =	smul.u32 $0x138800, s1;
	s23 =	sadd.s32 $0x3C00, s11;
	[dreg:$0x8] =	wrdreg s22  }
0xe: {  	s5 =	sshrl.u32 s18, $0x1;
	s10 =	sadd.s32 $0x5000, s11;
	[dreg:$0x9] =	wrdreg s23  }
0xf: {  	s20 =	smul.u32 $0x2710, s20;
	s25 =	sadd.s32 $0x6400, s11;
	[dreg:$0xa] =	wrdreg s10  }
0x10: {  	s3 =	ssub.s32 s18, s5;
	s26 =	sadd.s32 $0x7800, s11;
	[dreg:$0xb] =	wrdreg s25  }
0x11: {  	s5 =	sadd.s32 s24, s1;
	s12 =	sadd.s32 $0x8C00, s11;
	[dreg:$0xc] =	wrdreg s26  }
0x12: {  	s1 =	sshrl.u32 s1, $0x3;
	s13 =	sadd.s32 $0xA000, s11;
	[dreg:$0xd] =	wrdreg s12  }
0x13: {  	s14 =	sadd.s32 $0xB400, s11;
	s15 =	sadd.s32 $0xC800, s11;
	[dreg:$0xe] =	wrdreg s13  }
0x14: {  	s5 =	sshrl.u32 s5, $0x3;
	s1 =	sadd.s32 s4, s1;
	[dreg:$0xf] =	wrdreg s14  }
0x15: {  	s18 =	smax.u32 s3, $0x1;
	s19 =	sadd.s32 $0xDC00, s11;
	[dreg:$0x10] =	wrdreg s15  }
0x16: {  	s24 =	sadd.s32 $0x10400, s11;
	s3 =	simm.s32 $0x0;
	[dreg:$0x13] =	wrdreg s18  }
0x17: {  	s16 =	sadd.s32 s4, s5;
	s22 =	sadd.s32 $0xC500, s0;
	[dreg:$0x14] =	wrdreg s19  }
0x18: {  	s23 =	sadd.s32 $0xC600, s0;
	s17 =	sadd.s32 $0x27000, s1;
	[dreg:$0x16] =	wrdreg s24  }
0x19: {  	s21 =	sadd.s32 $0xF000, s11;
	s25 =	sadd.s32 $0x11800, s11;
	[dreg:$0x11] =	wrdreg s16  }
0x1a: {  	s26 =	sadd.s32 $0x12C00, s11;
	s5 =	simm.s32 $0x2;
	[dreg:$0x12] =	wrdreg s17  }
0x1b: {  	s4 =	simm.s32 $0x19C80;
	s10 =	simm.s32 $0x1B280;
	[dreg:$0x15] =	wrdreg s21  }
0x1c: {  	v3 =	vlaneseq.u32;
	v0 =	vimm.f32 $0.0e+00;
	s18 =	simm.s32 $0x16080;
	s19 =	simm.s32 $0x16880;
	[dreg:$0x17] =	wrdreg s25  }
0x1d: {  	vm0 =	vmmov $0xffff;
	vm1 =	vmmov $0xff;
	v2 =	vshrl.u32 v3, $0x3;
	s24 =	simm.s32 $0x17480;
	s0 =	simm.s32 $0x28;
	[dreg:$0x18] =	wrdreg s26  }
0x1e: {  	v1 =	vand.u32 $0x7, v3;
	v3 =	vor.u32 $0x8, v3;
	v2 =	vmul.u32 $0x8, v2;
	s21 =	simm.s32 $0x17080;
	s25 =	simm.s32 $0x17C80;
	s26 =	simm.s32 $0x18480  }
.LBB2_1:
0x1f: {  	[dreg:$0x1a] =	wrdreg s3  }
0x20: {  	s1 =	simm.s32 $0x0;
	s2 =	rddreg [dreg:$0x5];
	s17 =	simm.s32 $0x1B300  }
0x21: {  	[tilespmem:s17], [sflag:$0x2] =	stream.linear.gather [hbm4b:s2+s1], $0x80, $0x38;
	[tilespmem:$0x1B380] =	vst v63  }
0x22: {  	_ =	swait.ge [sflag:s5], $0x80  }
0x23: {  	[sflag:s5] =	ssyncset.done $0x0  }
0x24: {  	[sflag:s5] =	ssyncadd.s32 $0xFFFFFF80  }
0x25: {  	[tilespmem:$0x1B180] =	vst v0  }
0x26: {  	[tilespmem:$0x1B190] =	vst v0  }
0x27: {  	s1 =	simm.s32 $0x0;
	s2 =	simm.s32 $0x200;
	[tilespmem:$0x1B1A0] =	vst v0  }
.LBB2_2:
0x28: {  	p1 =	sne.s32 s2, $0x4E00;
	[tilespmem:s1+$0x19CF0] =	vst v0  }
0x29: {  	[tilespmem:s1+$0x19C80] =	vst v0  }
0x2a: {  	[tilespmem:s1+$0x19C90] =	vst v0  }
.Ltmp0:
0x2b: {  	[tilespmem:s1+$0x19CA0] =	vst v0;
	(pc) =	sbr.rel @p1 .LBB2_2-.Ltmp0, $4  }
0x2c: {  	[tilespmem:s1+$0x19CB0] =	vst v0  }
0x2d: {  	[tilespmem:s1+$0x19CC0] =	vst v0  }
0x2e: {  	[tilespmem:s1+$0x19CD0] =	vst v0  }
0x2f: {  	[tilespmem:s1+$0x19CE0] =	vst v0;
	s1 =	sshra.s32 s2, $0x2;
	s2 =	sadd.s32 $0x200, s2  }
0x30: {  	[tilespmem:s1+$0x19CF0] =	vst v0  }
0x31: {  	[tilespmem:s1+$0x19C80] =	vst v0  }
0x32: {  	[tilespmem:s1+$0x19C90] =	vst v0  }
0x33: {  	[tilespmem:s1+$0x19CA0] =	vst v0  }
0x34: {  	[tilespmem:s1+$0x19CB0] =	vst v0  }
0x35: {  	[tilespmem:s1+$0x19CC0] =	vst v0  }
0x36: {  	[tilespmem:s1+$0x19CD0] =	vst v0  }
0x37: {  	[tilespmem:s1+$0x19CE0] =	vst v0  }
0x38: {  	[spmem:s11] =	stream.linear.scatter [tilespmem:s4], [sflag:$0x2], $0x1400, $0x38;
	[tilespmem:$0x1B380] =	vst v63  }
0x39: {  	_ =	swait.ge [sflag:s5], $0x1400  }
0x3a: {  	[sflag:s5] =	ssyncset.done $0x0  }
0x3b: {  	s12 =	rddreg [dreg:$0x7];
	[sflag:s5] =	ssyncadd.s32 $0xFFFFEC00  }
0x3c: {  	[spmem:s12] =	stream.linear.scatter [tilespmem:s4], [sflag:$0x2], $0x1400, $0x38;
	[tilespmem:$0x1B380] =	vst v63  }
0x3d: {  	_ =	swait.ge [sflag:s5], $0x1400  }
0x3e: {  	[sflag:s5] =	ssyncset.done $0x0  }
0x3f: {  	s13 =	rddreg [dreg:$0x8];
	[sflag:s5] =	ssyncadd.s32 $0xFFFFEC00  }
0x40: {  	[spmem:s13] =	stream.linear.scatter [tilespmem:s4], [sflag:$0x2], $0x1400, $0x38;
	[tilespmem:$0x1B380] =	vst v63  }
0x41: {  	_ =	swait.ge [sflag:s5], $0x1400  }
0x42: {  	[sflag:s5] =	ssyncset.done $0x0  }
0x43: {  	s14 =	rddreg [dreg:$0x9];
	[sflag:s5] =	ssyncadd.s32 $0xFFFFEC00  }
0x44: {  	[spmem:s14] =	stream.linear.scatter [tilespmem:s4], [sflag:$0x2], $0x1400, $0x38;
	[tilespmem:$0x1B380] =	vst v63  }
0x45: {  	_ =	swait.ge [sflag:s5], $0x1400  }
0x46: {  	[sflag:s5] =	ssyncset.done $0x0  }
0x47: {  	s15 =	rddreg [dreg:$0xa];
	[sflag:s5] =	ssyncadd.s32 $0xFFFFEC00  }
0x48: {  	[spmem:s15] =	stream.linear.scatter [tilespmem:s4], [sflag:$0x2], $0x1400, $0x38;
	[tilespmem:$0x1B380] =	vst v63  }
0x49: {  	_ =	swait.ge [sflag:s5], $0x1400  }
0x4a: {  	[sflag:s5] =	ssyncset.done $0x0  }
0x4b: {  	s16 =	rddreg [dreg:$0xb];
	[sflag:s5] =	ssyncadd.s32 $0xFFFFEC00  }
0x4c: {  	[spmem:s16] =	stream.linear.scatter [tilespmem:s4], [sflag:$0x2], $0x1400, $0x38;
	[tilespmem:$0x1B380] =	vst v63  }
0x4d: {  	_ =	swait.ge [sflag:s5], $0x1400  }
0x4e: {  	[sflag:s5] =	ssyncset.done $0x0  }
0x4f: {  	s17 =	rddreg [dreg:$0xc];
	[sflag:s5] =	ssyncadd.s32 $0xFFFFEC00  }
0x50: {  	[spmem:s17] =	stream.linear.scatter [tilespmem:s4], [sflag:$0x2], $0x1400, $0x38;
	[tilespmem:$0x1B380] =	vst v63  }
0x51: {  	_ =	swait.ge [sflag:s5], $0x1400  }
0x52: {  	[sflag:s5] =	ssyncset.done $0x0  }
0x53: {  	s2 =	rddreg [dreg:$0xd];
	[sflag:s5] =	ssyncadd.s32 $0xFFFFEC00  }
0x54: {  	[spmem:s2] =	stream.linear.scatter [tilespmem:s4], [sflag:$0x2], $0x1400, $0x38;
	[tilespmem:$0x1B380] =	vst v63  }
0x55: {  	_ =	swait.ge [sflag:s5], $0x1400  }
0x56: {  	[sflag:s5] =	ssyncset.done $0x0  }
0x57: {  	s3 =	rddreg [dreg:$0xe];
	[sflag:s5] =	ssyncadd.s32 $0xFFFFEC00  }
0x58: {  	[spmem:s3] =	stream.linear.scatter [tilespmem:s4], [sflag:$0x2], $0x1400, $0x38;
	[tilespmem:$0x1B380] =	vst v63  }
0x59: {  	_ =	swait.ge [sflag:s5], $0x1400  }
0x5a: {  	[sflag:s5] =	ssyncset.done $0x0  }
0x5b: {  	s11 =	rddreg [dreg:$0xf];
	[sflag:s5] =	ssyncadd.s32 $0xFFFFEC00  }
0x5c: {  	[spmem:s11] =	stream.linear.scatter [tilespmem:s4], [sflag:$0x2], $0x1400, $0x38;
	[tilespmem:$0x1B380] =	vst v63  }
0x5d: {  	_ =	swait.ge [sflag:s5], $0x1400  }
0x5e: {  	[sflag:s5] =	ssyncset.done $0x0  }
0x5f: {  	s12 =	rddreg [dreg:$0x10];
	[sflag:s5] =	ssyncadd.s32 $0xFFFFEC00  }
0x60: {  	[spmem:s12] =	stream.linear.scatter [tilespmem:s4], [sflag:$0x2], $0x1400, $0x38;
	[tilespmem:$0x1B380] =	vst v63  }
0x61: {  	_ =	swait.ge [sflag:s5], $0x1400  }
0x62: {  	[sflag:s5] =	ssyncset.done $0x0  }
0x63: {  	s13 =	rddreg [dreg:$0x14];
	[sflag:s5] =	ssyncadd.s32 $0xFFFFEC00  }
0x64: {  	[spmem:s13] =	stream.linear.scatter [tilespmem:s4], [sflag:$0x2], $0x1400, $0x38;
	[tilespmem:$0x1B380] =	vst v63  }
0x65: {  	_ =	swait.ge [sflag:s5], $0x1400  }
0x66: {  	[sflag:s5] =	ssyncset.done $0x0  }
0x67: {  	s14 =	rddreg [dreg:$0x15];
	[sflag:s5] =	ssyncadd.s32 $0xFFFFEC00  }
0x68: {  	[spmem:s14] =	stream.linear.scatter [tilespmem:s4], [sflag:$0x2], $0x1400, $0x38;
	[tilespmem:$0x1B380] =	vst v63  }
0x69: {  	_ =	swait.ge [sflag:s5], $0x1400  }
0x6a: {  	[sflag:s5] =	ssyncset.done $0x0  }
0x6b: {  	s15 =	rddreg [dreg:$0x16];
	[sflag:s5] =	ssyncadd.s32 $0xFFFFEC00  }
0x6c: {  	[spmem:s15] =	stream.linear.scatter [tilespmem:s4], [sflag:$0x2], $0x1400, $0x38;
	[tilespmem:$0x1B380] =	vst v63  }
0x6d: {  	_ =	swait.ge [sflag:s5], $0x1400  }
0x6e: {  	[sflag:s5] =	ssyncset.done $0x0  }
0x6f: {  	s16 =	rddreg [dreg:$0x17];
	[sflag:s5] =	ssyncadd.s32 $0xFFFFEC00  }
0x70: {  	[spmem:s16] =	stream.linear.scatter [tilespmem:s4], [sflag:$0x2], $0x1400, $0x38;
	[tilespmem:$0x1B380] =	vst v63  }
0x71: {  	_ =	swait.ge [sflag:s5], $0x1400  }
0x72: {  	[sflag:s5] =	ssyncset.done $0x0  }
0x73: {  	s17 =	rddreg [dreg:$0x18];
	[sflag:s5] =	ssyncadd.s32 $0xFFFFEC00  }
0x74: {  	[spmem:s17] =	stream.linear.scatter [tilespmem:s4], [sflag:$0x2], $0xC00, $0x38;
	[tilespmem:$0x1B380] =	vst v63  }
0x75: {  	_ =	swait.ge [sflag:s5], $0xC00  }
0x76: {  	[sflag:s5] =	ssyncset.done $0x0  }
0x77: {  	s1 =	simm.s32 @!p0 $0x19C80;
	[sflag:s5] =	ssyncadd.s32 $0xFFFFF400  }
0x78: {  	[spmem:s8] =	stream.linear.scatter @!p0 [tilespmem:s1], [sflag:$0x2], $0x800, $0x38;
	[tilespmem:$0x1B380] =	vst v63  }
0x79: {  	s1 =	simm.s32 @!p0 $0x2  }
0x7a: {  	_ =	swait.ge @!p0 [sflag:s1], $0x800  }
0x7b: {  	[sflag:s1] =	ssyncset.done @!p0 $0x0  }
0x7c: {  	[sflag:s1] =	ssyncadd.s32 @!p0 $0xFFFFF800  }
0x7d: {  	[bflag:$0x0] =	sbarrier.arrive $0xFFFF  }
0x7e: {  	v13 =	vld [tilespmem:$0x1B300];
	_ =	sdelay $0x4  }
0x7f: {  	v4 =	vbroadcast v13, $0x0;
	v5 =	vbroadcast v13, $0x8  }
0x80: {  	v6 =	vbroadcast v13, $0x1;
	v7 =	vbroadcast v13, $0x9  }
0x81: {  	v8 =	vbroadcast v13, $0x2;
	v9 =	vbroadcast v13, $0xA  }
0x82: {  	v10 =	vbroadcast v13, $0x3;
	v11 =	vbroadcast v13, $0xB  }
0x83: {  	s1 =	simm.s32 $0x0;
	v12 =	vbroadcast v13, $0x4;
	v13 =	vbroadcast v13, $0xC  }
.LBB2_4:
0x84: {  	s2 =	smul.u32 $0x28, s1;
	_ =	sdelay $0x1  }
0x85: {  	s2 =	sadd.s32 s20, s2  }
0x86: {  	s2 =	sshrl.u32 s2, $0x3  }
0x87: {  	s8 =	simm.s32 $0x1B200;
	s3 =	sadd.s32 s7, s2  }
0x88: {  	[tilespmem:s8], [sflag:$0x2] =	stream.linear.gather [hbm4b:s3+s9], $0x28, $0x38;
	[tilespmem:$0x1B380] =	vst v63  }
0x89: {  	_ =	swait.ge [sflag:s5], $0x28  }
0x8a: {  	[sflag:s5] =	ssyncset.done $0x0  }
0x8b: {  	[sflag:s5] =	ssyncadd.s32 $0xFFFFFFD8  }
0x8c: {  	s15 =	rddreg [dreg:$0x1]  }
0x8d: {  	s3 =	sadd.s32 s15, s2  }
0x8e: {  	[tilespmem:s10], [sflag:$0x2] =	stream.linear.gather [hbm4b:s3+s9], $0x28, $0x38;
	[tilespmem:$0x1B380] =	vst v63  }
0x8f: {  	_ =	swait.ge [sflag:s5], $0x28  }
0x90: {  	[sflag:s5] =	ssyncset.done $0x0  }
0x91: {  	[sflag:s5] =	ssyncadd.s32 $0xFFFFFFD8  }
0x92: {  	s16 =	rddreg [dreg:$0x2]  }
0x93: {  	s17 =	simm.s32 $0x1B180;
	s2 =	sadd.s32 s16, s2  }
0x94: {  	[tilespmem:s17], [sflag:$0x2] =	stream.linear.gather [hbm4b:s2+s9], $0x28, $0x38;
	[tilespmem:$0x1B380] =	vst v63  }
0x95: {  	_ =	swait.ge [sflag:s5], $0x28  }
0x96: {  	[sflag:s5] =	ssyncset.done $0x0  }
0x97: {  	[sflag:s5] =	ssyncadd.s32 $0xFFFFFFD8  }
0x98: {  	v14 =	vld [tilespmem:$0x1B200];
	_ =	sdelay $0x4  }
0x99: {  	v15 =	vshrl.u32 v14, $0x3  }
0x9a: {  	v15 =	vmul.u32 $0x28, v15  }
0x9b: {  	v14 =	vand.u32 $0x7, v14  }
0x9c: {  	v14 =	vor.u32 v14, v15  }
0x9d: {  	v15 =	vperm.xlane v14, v1;
	_ =	sdelay $0x1  }
0x9e: {  	v15 =	vadd.s32 v2, v15;
	_ =	sdelay $0x3  }
0x9f: {  	s8 =	simm.s32 $0x13880;
	v14 =	vperm.xlane v14, v3  }
0xa0: {  	[tilespmem:s8], [sflag:$0x1] =	stream.indirect_vreg.gather [hbm4b:s6+s9], $0x80, v15, vm0, $0xb8;
	[tilespmem:$0x1B380] =	vst v63  }
0xa1: {  	s11 =	simm.s32 $0x14080;
	v14 =	vadd.s32 v2, v14  }
0xa2: {  	[tilespmem:s11], [sflag:$0x1] =	stream.indirect_vreg.gather [hbm4b:s22+s9], $0x80, v15, vm0, $0xb8;
	[tilespmem:$0x1B380] =	vst v63  }
0xa3: {  	s12 =	simm.s32 $0x14880  }
0xa4: {  	[tilespmem:s12], [sflag:$0x1] =	stream.indirect_vreg.gather [hbm4b:s23+s9], $0x80, v15, vm1, $0xb8;
	[tilespmem:$0x1B380] =	vst v63  }
0xa5: {  	s13 =	simm.s32 $0x14C80  }
0xa6: {  	[tilespmem:s13], [sflag:$0x1] =	stream.indirect_vreg.gather [hbm4b:s6+s9], $0x80, v14, vm0, $0xb8;
	[tilespmem:$0x1B380] =	vst v63  }
0xa7: {  	s14 =	simm.s32 $0x15480  }
0xa8: {  	[tilespmem:s14], [sflag:$0x1] =	stream.indirect_vreg.gather [hbm4b:s22+s9], $0x80, v14, vm0, $0xb8;
	[tilespmem:$0x1B380] =	vst v63  }
0xa9: {  	s15 =	simm.s32 $0x15C80  }
0xaa: {  	[tilespmem:s15], [sflag:$0x1] =	stream.indirect_vreg.gather [hbm4b:s23+s9], $0x80, v14, vm1, $0xb8;
	[tilespmem:$0x1B380] =	vst v63  }
0xab: {  	v14 =	vld [tilespmem:$0x1B210];
	_ =	sdelay $0x4  }
0xac: {  	v15 =	vshrl.u32 v14, $0x3  }
0xad: {  	v15 =	vmul.u32 $0x28, v15  }
0xae: {  	v14 =	vand.u32 $0x7, v14  }
0xaf: {  	v14 =	vor.u32 v14, v15  }
0xb0: {  	v15 =	vperm.xlane v14, v1;
	_ =	sdelay $0x1  }
0xb1: {  	v15 =	vadd.s32 v2, v15;
	_ =	sdelay $0x3  }
0xb2: {  	v14 =	vperm.xlane v14, v3  }
0xb3: {  	[tilespmem:s18], [sflag:$0x1] =	stream.indirect_vreg.gather [hbm4b:s6+s9], $0x80, v15, vm0, $0xb8;
	[tilespmem:$0x1B380] =	vst v63  }
0xb4: {  	v14 =	vadd.s32 v2, v14  }
0xb5: {  	[tilespmem:s19], [sflag:$0x1] =	stream.indirect_vreg.gather [hbm4b:s22+s9], $0x80, v15, vm0, $0xb8;
	[tilespmem:$0x1B380] =	vst v63  }
0xb6: {  	_ = 	snop  }
0xb7: {  	[tilespmem:s21], [sflag:$0x1] =	stream.indirect_vreg.gather [hbm4b:s23+s9], $0x80, v15, vm1, $0xb8;
	[tilespmem:$0x1B380] =	vst v63  }
0xb8: {  	_ = 	snop  }
0xb9: {  	[tilespmem:s24], [sflag:$0x1] =	stream.indirect_vreg.gather [hbm4b:s6+s9], $0x80, v14, vm0, $0xb8;
	[tilespmem:$0x1B380] =	vst v63  }
0xba: {  	_ = 	snop  }
0xbb: {  	[tilespmem:s25], [sflag:$0x1] =	stream.indirect_vreg.gather [hbm4b:s22+s9], $0x80, v14, vm0, $0xb8;
	[tilespmem:$0x1B380] =	vst v63  }
0xbc: {  	_ = 	snop  }
0xbd: {  	[tilespmem:s26], [sflag:$0x1] =	stream.indirect_vreg.gather [hbm4b:s23+s9], $0x80, v14, vm1, $0xb8;
	[tilespmem:$0x1B380] =	vst v63  }
0xbe: {  	v14 =	vld.msk [tilespmem:$0x1B220], $0xff;
	_ =	sdelay $0x4  }
0xbf: {  	v15 =	vshrl.u32 v14, $0x3  }
0xc0: {  	v15 =	vmul.u32 $0x28, v15  }
0xc1: {  	v14 =	vand.u32 $0x7, v14  }
0xc2: {  	v14 =	vor.u32 v14, v15  }
0xc3: {  	v14 =	vperm.xlane v14, v1;
	_ =	sdelay $0x1  }
0xc4: {  	v14 =	vadd.s32 v2, v14;
	_ =	sdelay $0x4  }
0xc5: {  	[tilespmem:s28], [sflag:$0x1] =	stream.indirect_vreg.gather [hbm4b:s6+s9], $0x80, v14, vm0, $0xb8;
	[tilespmem:$0x1B380] =	vst v63  }
0xc6: {  	_ = 	snop  }
0xc7: {  	[tilespmem:s29], [sflag:$0x1] =	stream.indirect_vreg.gather [hbm4b:s22+s9], $0x80, v14, vm0, $0xb8;
	[tilespmem:$0x1B380] =	vst v63  }
0xc8: {  	_ = 	snop  }
0xc9: {  	[tilespmem:s30], [sflag:$0x1] =	stream.indirect_vreg.gather [hbm4b:s23+s9], $0x80, v14, vm1, $0xb8;
	[tilespmem:$0x1B380] =	vst v63  }
0xca: {  	_ =	swait.ge [sflag:s31], $0x6400  }
0xcb: {  	[sflag:s31] =	ssyncset.done $0x0  }
0xcc: {  	[sflag:s31] =	ssyncadd.s32 $0xFFFF9C00  }
0xcd: {  	v14 =	vld [tilespmem:$0x1B180];
	_ =	sdelay $0x4  }
0xce: {  	v15 =	vsub.f32 v14, v4  }
0xcf: {  	v16 =	vsub.f32 v14, v6  }
0xd0: {  	v17 =	vsub.f32 v14, v8;
	v15 =	vmul.f32 v15, v15  }
0xd1: {  	v16 =	vmul.f32 v16, v16  }
0xd2: {  	v18 =	vld [tilespmem:$0x1B190];
	v17 =	vmul.f32 v17, v17;
	v15 =	vmul.f32 v15, v5  }
0xd3: {  	v16 =	vmul.f32 v16, v7  }
0xd4: {  	v17 =	vmul.f32 v17, v9;
	v15 =	vmul.f32 $1.442695020e+00, v15  }
0xd5: {  	v19 =	vsub.f32 v14, v10;
	v16 =	vmul.f32 $1.442695020e+00, v16  }
0xd6: {  	v14 =	vsub.f32 v14, v12;
	(erf) = vpow2.f32 v15;
	v15 =	vmul.f32 $1.442695020e+00, v17  }
0xd7: {  	v17 =	vsub.f32 v18, v4;
	(erf) = vpow2.f32 v16;
	v16 =	vmul.f32 v19, v19  }
0xd8: {  	v14 =	vmul.f32 v14, v14;
	(erf) = vpow2.f32 v15;
	v15 =	vsub.f32 v18, v6  }
0xd9: {  	v17 =	vmul.f32 v17, v17;
	v16 =	vmul.f32 v16, v11  }
0xda: {  	v14 =	vmul.f32 v14, v13;
	v15 =	vmul.f32 v15, v15  }
0xdb: {  	v19 =	vld [tilespmem:$0x1B1A0];
	v17 =	vmul.f32 v17, v5;
	v16 =	vmul.f32 $1.442695020e+00, v16  }
0xdc: {  	v14 =	vmul.f32 $1.442695020e+00, v14;
	v15 =	vmul.f32 v15, v7  }
0xdd: {  	(erf) = vpow2.f32 v16;
	v16 =	vmul.f32 $1.442695020e+00, v17;
	v17 =	vsub.f32 v18, v8  }
0xde: {  	(erf) = vpow2.f32 v14;
	v14 =	vmul.f32 $1.442695020e+00, v15;
	v15 =	vsub.f32 v18, v10  }
0xdf: {  	(erf) = vpow2.f32 v16;
	v16 =	vmul.f32 v17, v17;
	v17 =	vsub.f32 v18, v12  }
0xe0: {  	(erf) = vpow2.f32 v14;
	v14 =	vmul.f32 v15, v15;
	v15 =	vsub.f32 v19, v4  }
0xe1: {  	v16 =	vmul.f32 v16, v9;
	v17 =	vmul.f32 v17, v17  }
0xe2: {  	v14 =	vmul.f32 v14, v11;
	v15 =	vmul.f32 v15, v15  }
0xe3: {  	v16 =	vmul.f32 $1.442695020e+00, v16;
	v17 =	vmul.f32 v17, v13  }
0xe4: {  	v14 =	vmul.f32 $1.442695020e+00, v14;
	v15 =	vmul.f32 v15, v5  }
0xe5: {  	(erf) = vpow2.f32 v16;
	v16 =	vmul.f32 $1.442695020e+00, v17;
	v17 =	vsub.f32 v19, v6  }
0xe6: {  	(erf) = vpow2.f32 v14;
	v14 =	vmul.f32 $1.442695020e+00, v15;
	v15 =	vsub.f32 v19, v8  }
0xe7: {  	(erf) = vpow2.f32 v16;
	v16 =	vmul.f32 v17, v17;
	v17 =	vsub.f32 v19, v10  }
0xe8: {  	(erf) = vpow2.f32 v14;
	v14 =	vmul.f32 v15, v15;
	v15 =	vsub.f32 v19, v12  }
0xe9: {  	v16 =	vmul.f32 v16, v7;
	v17 =	vmul.f32 v17, v17  }
0xea: {  	v14 =	vmul.f32 v14, v9;
	v15 =	vmul.f32 v15, v15  }
0xeb: {  	v18 =	vpop (erf);
	v16 =	vmul.f32 $1.442695020e+00, v16;
	v17 =	vmul.f32 v17, v11  }
0xec: {  	v19 =	vpop (erf);
	v14 =	vmul.f32 $1.442695020e+00, v14;
	v15 =	vmul.f32 v15, v13  }
0xed: {  	[tilespmem:$0x1B080] =	vst v18;
	v18 =	vpop (erf);
	(erf) = vpow2.f32 v16;
	v16 =	vmul.f32 $1.442695020e+00, v17  }
0xee: {  	[tilespmem:$0x1B0B0] =	vst v19;
	(erf) = vpow2.f32 v14;
	v14 =	vmul.f32 $1.442695020e+00, v15  }
0xef: {  	[tilespmem:$0x1B0E0] =	vst v18;
	v17 =	vpop (erf)  }
0xf0: {  	(erf) = vpow2.f32 v16;
	[tilespmem:$0x1B110] =	vst v17;
	v15 =	vpop (erf)  }
0xf1: {  	(erf) = vpow2.f32 v14;
	[tilespmem:$0x1B140] =	vst v15;
	v15 =	vpop (erf)  }
0xf2: {  	v14 =	vpop (erf);
	[tilespmem:$0x1B090] =	vst v15  }
0xf3: {  	v15 =	vpop (erf);
	[tilespmem:$0x1B0C0] =	vst v14  }
0xf4: {  	v14 =	vpop (erf);
	[tilespmem:$0x1B0F0] =	vst v15  }
0xf5: {  	v15 =	vpop (erf);
	[tilespmem:$0x1B120] =	vst v14  }
0xf6: {  	v14 =	vpop (erf);
	[tilespmem:$0x1B150] =	vst v15  }
0xf7: {  	s16 =	simm.s32 $0x0;
	v15 =	vpop (erf);
	[tilespmem:$0x1B0A0] =	vst v14  }
0xf8: {  	s2 =	smul.u32 $0x5000, s16;
	v14 =	vpop (erf);
	[tilespmem:$0x1B0D0] =	vst v15  }
0xf9: {  	v15 =	vpop (erf);
	[tilespmem:$0x1B100] =	vst v14  }
0xfa: {  	s17 =	sand.u32 $0x380, s9;
	s2 =	sshra.s32 s2, $0x2;
	[tilespmem:$0x1B130] =	vst v15;
	v14 =	vpop (erf)  }
0xfb: {  	s12 =	sor.u32 s17, s2;
	[tilespmem:$0x1B160] =	vst v14  }
0xfc: {  	s2 =	simm.s32 $0x1B0E0;
	v17 =	vld [tilespmem:s12+$0x13880]  }
0xfd: {  	v15 =	vld.msk [tilespmem:s2+$0xFFFFFFD0 ss:$0x0], $0xffff  }
0xfe: {  	v18 =	vld.msk [tilespmem:s2+$0xFFFFFFA0 ss:$0x0], $0xffff  }
0xff: {  	v19 =	vld [tilespmem:s12+$0x13C80]  }
0x100: {  	v16 =	vld.msk [tilespmem:s2+$0x0 ss:$0x0], $0xffff  }
0x101: {  	v20 =	vld [tilespmem:s12+$0x14080]  }
0x102: {  	v14 =	vld.msk [tilespmem:s2+$0x30 ss:$0x0], $0xffff  }
0x103: {  	v21 =	vld [tilespmem:s12+$0x14480]  }
0x104: {  	v23 =	vld [tilespmem:s12+$0x14880];
	v22 =	vmul.f32 v17, v18;
	v19 =	vmul.f32 v19, v15  }
0x105: {  	v17 =	vld.msk [tilespmem:s2+$0x60 ss:$0x0], $0xffff  }
0x106: {  	v20 =	vmul.f32 v20, v16;
	v19 =	vadd.f32 v19, v22;
	_ =	sdelay $0x1  }
0x107: {  	v19 =	vadd.f32 v20, v19;
	v20 =	vmul.f32 v21, v14;
	_ =	sdelay $0x1  }
0x108: {  	v19 =	vadd.f32 v20, v19;
	v20 =	vmul.f32 v23, v17;
	_ =	sdelay $0x1  }
0x109: {  	v19 =	vadd.f32 v20, v19  }
0x10a: {  	s3 =	simm.s32 $0x19CC0  }
0x10b: {  	s13 =	sadd.s32 $0x13880, s12;
	[tilespmem:s3+$0xFFFFFFC0] =	vst v19  }
0x10c: {  	s8 =	sadd.s32 $0x13C80, s12;
	v19 =	vld [tilespmem:s13+$0x10]  }
0x10d: {  	v20 =	vld [tilespmem:s8+$0x10]  }
0x10e: {  	s11 =	sadd.s32 $0x14080, s12  }
0x10f: {  	v46 =	vld [tilespmem:s11+$0x10]  }
0x110: {  	s14 =	sadd.s32 $0x14480, s12  }
0x111: {  	v47 =	vld [tilespmem:s14+$0x10]  }
0x112: {  	s12 =	sadd.s32 $0x14880, s12;
	v19 =	vmul.f32 v19, v18;
	v20 =	vmul.f32 v20, v15  }
0x113: {  	v48 =	vld [tilespmem:s12+$0x10]  }
0x114: {  	v19 =	vadd.f32 v20, v19;
	v20 =	vmul.f32 v46, v16;
	_ =	sdelay $0x1  }
0x115: {  	v19 =	vadd.f32 v20, v19;
	v20 =	vmul.f32 v47, v14;
	_ =	sdelay $0x1  }
0x116: {  	v19 =	vadd.f32 v20, v19;
	v20 =	vmul.f32 v48, v17;
	_ =	sdelay $0x1  }
0x117: {  	v19 =	vadd.f32 v20, v19;
	_ =	sdelay $0x1  }
0x118: {  	[tilespmem:s3+$0xFFFFFFD0] =	vst v19  }
0x119: {  	v19 =	vld [tilespmem:s13+$0x20]  }
0x11a: {  	v20 =	vld [tilespmem:s8+$0x20];
	_ =	sdelay $0x1  }
0x11b: {  	v49 =	vld [tilespmem:s11+$0x20];
	_ =	sdelay $0x1  }
0x11c: {  	v50 =	vld [tilespmem:s14+$0x20]  }
0x11d: {  	v19 =	vmul.f32 v19, v18;
	v20 =	vmul.f32 v20, v15  }
0x11e: {  	v51 =	vld [tilespmem:s12+$0x20]  }
0x11f: {  	v19 =	vadd.f32 v20, v19;
	v20 =	vmul.f32 v49, v16;
	_ =	sdelay $0x1  }
0x120: {  	v19 =	vadd.f32 v20, v19;
	v20 =	vmul.f32 v50, v14;
	_ =	sdelay $0x1  }
0x121: {  	v19 =	vadd.f32 v20, v19;
	v20 =	vmul.f32 v51, v17;
	_ =	sdelay $0x1  }
0x122: {  	v19 =	vadd.f32 v20, v19;
	_ =	sdelay $0x1  }
0x123: {  	[tilespmem:s3+$0xFFFFFFE0] =	vst v19  }
0x124: {  	v19 =	vld [tilespmem:s13+$0x30]  }
0x125: {  	v20 =	vld [tilespmem:s8+$0x30];
	_ =	sdelay $0x1  }
0x126: {  	v52 =	vld [tilespmem:s11+$0x30];
	_ =	sdelay $0x1  }
0x127: {  	v53 =	vld [tilespmem:s14+$0x30]  }
0x128: {  	v19 =	vmul.f32 v19, v18;
	v20 =	vmul.f32 v20, v15  }
0x129: {  	v54 =	vld [tilespmem:s12+$0x30]  }
0x12a: {  	v21 =	vmul.f32 v52, v16;
	v19 =	vadd.f32 v20, v19;
	_ =	sdelay $0x1  }
0x12b: {  	v20 =	vmul.f32 v53, v14;
	v19 =	vadd.f32 v21, v19;
	_ =	sdelay $0x1  }
0x12c: {  	v19 =	vadd.f32 v20, v19;
	v20 =	vmul.f32 v54, v17;
	_ =	sdelay $0x1  }
0x12d: {  	v19 =	vadd.f32 v20, v19;
	_ =	sdelay $0x1  }
0x12e: {  	[tilespmem:s3+$0xFFFFFFF0] =	vst v19  }
0x12f: {  	v19 =	vld [tilespmem:s8+$0x40]  }
0x130: {  	v20 =	vld [tilespmem:s13+$0x40];
	_ =	sdelay $0x1  }
0x131: {  	v55 =	vld [tilespmem:s11+$0x40];
	_ =	sdelay $0x1  }
0x132: {  	v56 =	vld [tilespmem:s14+$0x40]  }
0x133: {  	v19 =	vmul.f32 v19, v15;
	v20 =	vmul.f32 v20, v18  }
0x134: {  	v57 =	vld [tilespmem:s12+$0x40]  }
0x135: {  	v21 =	vmul.f32 v55, v16;
	v19 =	vadd.f32 v19, v20;
	_ =	sdelay $0x1  }
0x136: {  	v20 =	vmul.f32 v56, v14;
	v19 =	vadd.f32 v21, v19;
	_ =	sdelay $0x1  }
0x137: {  	v19 =	vadd.f32 v20, v19;
	v20 =	vmul.f32 v57, v17;
	_ =	sdelay $0x1  }
0x138: {  	v19 =	vadd.f32 v20, v19;
	_ =	sdelay $0x1  }
0x139: {  	[tilespmem:s3+$0x0] =	vst v19  }
0x13a: {  	v19 =	vld [tilespmem:s8+$0x50]  }
0x13b: {  	v20 =	vld [tilespmem:s13+$0x50];
	_ =	sdelay $0x1  }
0x13c: {  	v58 =	vld [tilespmem:s11+$0x50];
	_ =	sdelay $0x1  }
0x13d: {  	v59 =	vld [tilespmem:s14+$0x50]  }
0x13e: {  	v19 =	vmul.f32 v19, v15;
	v20 =	vmul.f32 v20, v18  }
0x13f: {  	v60 =	vld [tilespmem:s12+$0x50]  }
0x140: {  	v21 =	vmul.f32 v58, v16;
	v19 =	vadd.f32 v19, v20;
	_ =	sdelay $0x1  }
0x141: {  	v20 =	vmul.f32 v59, v14;
	v19 =	vadd.f32 v21, v19;
	_ =	sdelay $0x1  }
0x142: {  	v19 =	vadd.f32 v20, v19;
	v20 =	vmul.f32 v60, v17;
	_ =	sdelay $0x1  }
0x143: {  	v19 =	vadd.f32 v20, v19;
	_ =	sdelay $0x1  }
0x144: {  	[tilespmem:s3+$0x10] =	vst v19  }
0x145: {  	v19 =	vld [tilespmem:s13+$0x60]  }
0x146: {  	v20 =	vld [tilespmem:s8+$0x60];
	_ =	sdelay $0x1  }
0x147: {  	v61 =	vld [tilespmem:s11+$0x60];
	_ =	sdelay $0x1  }
0x148: {  	v62 =	vld [tilespmem:s14+$0x60]  }
0x149: {  	v19 =	vmul.f32 v19, v18;
	v20 =	vmul.f32 v20, v15  }
0x14a: {  	v63 =	vld [tilespmem:s12+$0x60]  }
0x14b: {  	v21 =	vmul.f32 v61, v16;
	v19 =	vadd.f32 v20, v19;
	_ =	sdelay $0x1  }
0x14c: {  	v20 =	vmul.f32 v62, v14;
	v19 =	vadd.f32 v21, v19;
	_ =	sdelay $0x1  }
0x14d: {  	v19 =	vadd.f32 v20, v19;
	v20 =	vmul.f32 v63, v17;
	_ =	sdelay $0x1  }
0x14e: {  	v19 =	vadd.f32 v20, v19;
	_ =	sdelay $0x1  }
0x14f: {  	s16 =	simm.s32 $0x1;
	s17 =	simm.s32 $0x0;
	s15 =	simm.s32 $0x19CC0;
	[tilespmem:s3+$0x20] =	vst v19  }
.LBB2_5:
0x150: {  	v19 =	vld [tilespmem:s13+$0x70];
	s2 =	sadd.s32 $0x1, s2;
	s17 =	sadd.s32 $0x80, s17;
	s3 =	sadd.s32 $0x80, s3  }
0x151: {  	p1 =	sne.s32 s16, $0x27;
	s13 =	smov.u32 s16;
	s16 =	sadd.s32 $0x1, s16  }
0x152: {  	v20 =	vld [tilespmem:s8+$0x70];
	_ =	sdelay $0x1  }
0x153: {  	v21 =	vld [tilespmem:s11+$0x70]  }
0x154: {  	v18 =	vmul.f32 v19, v18  }
0x155: {  	v19 =	vld [tilespmem:s14+$0x70]  }
0x156: {  	s8 =	sshrl.u32 s13, $0x3;
	v15 =	vmul.f32 v20, v15  }
0x157: {  	s8 =	smul.u32 $0x5000, s8;
	v20 =	vld [tilespmem:s12+$0x70]  }
0x158: {  	v15 =	vadd.f32 v15, v18;
	v16 =	vmul.f32 v21, v16  }
0x159: {  	s11 =	sand.u32 $0x380, s17;
	s8 =	sshra.s32 s8, $0x2  }
0x15a: {  	s12 =	sor.u32 s11, s8;
	v15 =	vadd.f32 v16, v15;
	v14 =	vmul.f32 v19, v14;
	_ =	sdelay $0x1  }
0x15b: {  	v14 =	vadd.f32 v14, v15;
	v15 =	vmul.f32 v20, v17;
	_ =	sdelay $0x1  }
0x15c: {  	v14 =	vadd.f32 v15, v14;
	_ =	sdelay $0x1  }
0x15d: {  	[tilespmem:s15+$0x30] =	vst v14;
	s15 =	smov.u32 s3  }
0x15e: {  	v17 =	vld [tilespmem:s12+$0x13880]  }
0x15f: {  	v15 =	vld.msk [tilespmem:s2+$0xFFFFFFD0 ss:$0x0], $0xffff  }
0x160: {  	v18 =	vld.msk [tilespmem:s2+$0xFFFFFFA0 ss:$0x0], $0xffff  }
0x161: {  	v19 =	vld [tilespmem:s12+$0x13C80]  }
0x162: {  	v16 =	vld.msk [tilespmem:s2+$0x0 ss:$0x0], $0xffff  }
0x163: {  	v20 =	vld [tilespmem:s12+$0x14080]  }
0x164: {  	v14 =	vld.msk [tilespmem:s2+$0x30 ss:$0x0], $0xffff  }
0x165: {  	v21 =	vld [tilespmem:s12+$0x14480]  }
0x166: {  	v22 =	vmul.f32 v17, v18;
	v19 =	vmul.f32 v19, v15;
	v17 =	vld.msk [tilespmem:s2+$0x60 ss:$0x0], $0xffff  }
0x167: {  	v23 =	vld [tilespmem:s12+$0x14880]  }
0x168: {  	v19 =	vadd.f32 v19, v22;
	v20 =	vmul.f32 v20, v16;
	_ =	sdelay $0x1  }
0x169: {  	v19 =	vadd.f32 v20, v19;
	v20 =	vmul.f32 v21, v14;
	_ =	sdelay $0x1  }
0x16a: {  	v19 =	vadd.f32 v20, v19;
	v20 =	vmul.f32 v23, v17;
	_ =	sdelay $0x1  }
0x16b: {  	v19 =	vadd.f32 v20, v19;
	_ =	sdelay $0x1  }
0x16c: {  	s13 =	sadd.s32 $0x13880, s12;
	[tilespmem:s3+$0xFFFFFFC0] =	vst v19  }
0x16d: {  	s8 =	sadd.s32 $0x13C80, s12;
	v19 =	vld [tilespmem:s13+$0x10]  }
0x16e: {  	v20 =	vld [tilespmem:s8+$0x10]  }
0x16f: {  	s11 =	sadd.s32 $0x14080, s12  }
0x170: {  	v21 =	vld [tilespmem:s11+$0x10]  }
0x171: {  	s14 =	sadd.s32 $0x14480, s12  }
0x172: {  	v19 =	vmul.f32 v19, v18;
	v22 =	vld [tilespmem:s14+$0x10]  }
0x173: {  	s12 =	sadd.s32 $0x14880, s12;
	v20 =	vmul.f32 v20, v15  }
0x174: {  	v23 =	vld [tilespmem:s12+$0x10]  }
0x175: {  	v19 =	vadd.f32 v20, v19;
	v20 =	vmul.f32 v21, v16;
	_ =	sdelay $0x1  }
0x176: {  	v19 =	vadd.f32 v20, v19;
	v20 =	vmul.f32 v22, v14;
	_ =	sdelay $0x1  }
0x177: {  	v19 =	vadd.f32 v20, v19;
	v20 =	vmul.f32 v23, v17;
	_ =	sdelay $0x1  }
0x178: {  	v19 =	vadd.f32 v20, v19;
	_ =	sdelay $0x1  }
0x179: {  	[tilespmem:s3+$0xFFFFFFD0] =	vst v19  }
0x17a: {  	v19 =	vld [tilespmem:s13+$0x20]  }
0x17b: {  	v20 =	vld [tilespmem:s8+$0x20];
	_ =	sdelay $0x1  }
0x17c: {  	v21 =	vld [tilespmem:s11+$0x20];
	_ =	sdelay $0x1  }
0x17d: {  	v19 =	vmul.f32 v19, v18;
	v22 =	vld [tilespmem:s14+$0x20]  }
0x17e: {  	v20 =	vmul.f32 v20, v15  }
0x17f: {  	v23 =	vld [tilespmem:s12+$0x20]  }
0x180: {  	v19 =	vadd.f32 v20, v19;
	v20 =	vmul.f32 v21, v16;
	_ =	sdelay $0x1  }
0x181: {  	v19 =	vadd.f32 v20, v19;
	v20 =	vmul.f32 v22, v14;
	_ =	sdelay $0x1  }
0x182: {  	v19 =	vadd.f32 v20, v19;
	v20 =	vmul.f32 v23, v17;
	_ =	sdelay $0x1  }
0x183: {  	v19 =	vadd.f32 v20, v19;
	_ =	sdelay $0x1  }
0x184: {  	[tilespmem:s3+$0xFFFFFFE0] =	vst v19  }
0x185: {  	v19 =	vld [tilespmem:s13+$0x30]  }
0x186: {  	v20 =	vld [tilespmem:s8+$0x30]  }
0x187: {  	v21 =	vld [tilespmem:s11+$0x30];
	_ =	sdelay $0x2  }
0x188: {  	v19 =	vmul.f32 v19, v18;
	v22 =	vld [tilespmem:s14+$0x30]  }
0x189: {  	v20 =	vmul.f32 v20, v15  }
0x18a: {  	v21 =	vmul.f32 v21, v16;
	v23 =	vld [tilespmem:s12+$0x30]  }
0x18b: {  	v19 =	vadd.f32 v20, v19;
	_ =	sdelay $0x1  }
0x18c: {  	v19 =	vadd.f32 v21, v19;
	v20 =	vmul.f32 v22, v14;
	_ =	sdelay $0x1  }
0x18d: {  	v19 =	vadd.f32 v20, v19;
	v20 =	vmul.f32 v23, v17;
	_ =	sdelay $0x1  }
0x18e: {  	v19 =	vadd.f32 v20, v19;
	_ =	sdelay $0x1  }
0x18f: {  	[tilespmem:s3+$0xFFFFFFF0] =	vst v19  }
0x190: {  	v19 =	vld [tilespmem:s8+$0x40]  }
0x191: {  	v20 =	vld [tilespmem:s13+$0x40]  }
0x192: {  	v21 =	vld [tilespmem:s11+$0x40];
	_ =	sdelay $0x2  }
0x193: {  	v19 =	vmul.f32 v19, v15;
	v22 =	vld [tilespmem:s14+$0x40]  }
0x194: {  	v20 =	vmul.f32 v20, v18  }
0x195: {  	v21 =	vmul.f32 v21, v16;
	v23 =	vld [tilespmem:s12+$0x40]  }
0x196: {  	v19 =	vadd.f32 v19, v20;
	_ =	sdelay $0x1  }
0x197: {  	v19 =	vadd.f32 v21, v19;
	v20 =	vmul.f32 v22, v14;
	_ =	sdelay $0x1  }
0x198: {  	v19 =	vadd.f32 v20, v19;
	v20 =	vmul.f32 v23, v17;
	_ =	sdelay $0x1  }
0x199: {  	v19 =	vadd.f32 v20, v19;
	_ =	sdelay $0x1  }
0x19a: {  	[tilespmem:s3+$0x0] =	vst v19  }
0x19b: {  	v19 =	vld [tilespmem:s8+$0x50]  }
0x19c: {  	v20 =	vld [tilespmem:s13+$0x50]  }
0x19d: {  	v21 =	vld [tilespmem:s11+$0x50]  }
0x19e: {  	v22 =	vld [tilespmem:s14+$0x50]  }
0x19f: {  	v23 =	vld [tilespmem:s12+$0x50]  }
0x1a0: {  	v19 =	vmul.f32 v19, v15  }
0x1a1: {  	v20 =	vmul.f32 v20, v18  }
0x1a2: {  	v21 =	vmul.f32 v21, v16  }
0x1a3: {  	v19 =	vadd.f32 v19, v20;
	_ =	sdelay $0x1  }
0x1a4: {  	v20 =	vmul.f32 v22, v14;
	v19 =	vadd.f32 v21, v19;
	_ =	sdelay $0x1  }
0x1a5: {  	v19 =	vadd.f32 v20, v19;
	v20 =	vmul.f32 v23, v17;
	_ =	sdelay $0x1  }
0x1a6: {  	v19 =	vadd.f32 v20, v19;
	_ =	sdelay $0x1  }
0x1a7: {  	[tilespmem:s3+$0x10] =	vst v19  }
0x1a8: {  	v19 =	vld [tilespmem:s13+$0x60]  }
0x1a9: {  	v20 =	vld [tilespmem:s8+$0x60]  }
0x1aa: {  	v21 =	vld [tilespmem:s11+$0x60]  }
0x1ab: {  	v22 =	vld [tilespmem:s14+$0x60]  }
0x1ac: {  	v23 =	vld [tilespmem:s12+$0x60]  }
0x1ad: {  	v19 =	vmul.f32 v19, v18  }
0x1ae: {  	v20 =	vmul.f32 v20, v15  }
0x1af: {  	v21 =	vmul.f32 v21, v16  }
0x1b0: {  	v19 =	vadd.f32 v20, v19;
	_ =	sdelay $0x1  }
0x1b1: {  	v20 =	vmul.f32 v22, v14;
	v19 =	vadd.f32 v21, v19;
	_ =	sdelay $0x1  }
.Ltmp1:
0x1b2: {  	v19 =	vadd.f32 v20, v19;
	v20 =	vmul.f32 v23, v17;
	(pc) =	sbr.rel @p1 .LBB2_5-.Ltmp1, $3  }
0x1b3: {  	_ = 	snop  }
0x1b4: {  	v19 =	vadd.f32 v20, v19;
	_ =	sdelay $0x1  }
0x1b5: {  	[tilespmem:s3+$0x20] =	vst v19  }
0x1b6: {  	v19 =	vld [tilespmem:s13+$0x70]  }
0x1b7: {  	v20 =	vld [tilespmem:s8+$0x70];
	_ =	sdelay $0x1  }
0x1b8: {  	v21 =	vld [tilespmem:s11+$0x70];
	_ =	sdelay $0x1  }
0x1b9: {  	v22 =	vld [tilespmem:s14+$0x70]  }
0x1ba: {  	v18 =	vmul.f32 v19, v18;
	v15 =	vmul.f32 v20, v15  }
0x1bb: {  	v63 =	vld [tilespmem:s12+$0x70]  }
0x1bc: {  	v16 =	vmul.f32 v21, v16;
	v15 =	vadd.f32 v15, v18;
	_ =	sdelay $0x1  }
0x1bd: {  	v14 =	vmul.f32 v22, v14;
	v15 =	vadd.f32 v16, v15;
	_ =	sdelay $0x1  }
0x1be: {  	v14 =	vadd.f32 v14, v15;
	v15 =	vmul.f32 v63, v17;
	_ =	sdelay $0x1  }
0x1bf: {  	s1 =	sadd.s32 $0x1, s1;
	v14 =	vadd.f32 v15, v14  }
0x1c0: {  	p1 =	sne.s32 s1, $0xFA  }
.Ltmp2:
0x1c1: {  	s2 =	rddreg [dreg:$0x3];
	[tilespmem:s15+$0x30] =	vst v14;
	(pc) =	sbr.rel @p1 .LBB2_4-.Ltmp2, $4  }
0x1c2: {  	[spmem:s2] =	stream.indirect.scatter.add.f32 [tilespmem:s4], [sflag:$0x2], $0x80, s10, s0, $0xb8;
	[tilespmem:$0x1B380] =	vst v63  }
0x1c3: {  	_ =	swait.ge [sflag:s5], $0x1400  }
0x1c4: {  	[sflag:s5] =	ssyncset.done $0x0  }
0x1c5: {  	[sflag:s5] =	ssyncadd.s32 $0xFFFFEC00  }
0x1c6: {  	s1 =	stileid.u32;
	[bflag:$0x0] =	sbarrier.arrive $0xFFFF  }
0x1c7: {  	s1 =	sshll.u32 s1, $0x6;
	s11 =	rddreg [dreg:$0x6]  }
0x1c8: {  	s3 =	rddreg [dreg:$0x11];
	s1 =	sor.u32 $0x1C02, s1;
	s2 =	sshrl.u32 s11, $0x3  }
0x1c9: {  	[hbm:s3], [sflag:s1] =	dma.local [spmem:s2], $0x2700  }
0x1ca: {  	_ =	swait.ge [sflag:s5], $0x2700  }
0x1cb: {  	[sflag:s5] =	ssyncset.done $0x0;
	s8 =	rddreg [dreg:$0x19]  }
0x1cc: {  	s3 =	rddreg [dreg:$0x12];
	[sflag:s5] =	ssyncadd.s32 $0xFFFFD900;
	s2 =	sshrl.u32 @!p0 s8, $0x3  }
0x1cd: {  	[hbm:s3], [sflag:s1] =	dma.local @!p0 [spmem:s2], $0x100  }
0x1ce: {  	s1 =	simm.s32 @!p0 $0x2  }
0x1cf: {  	_ =	swait.ge @!p0 [sflag:s1], $0x100  }
0x1d0: {  	s16 =	rddreg [dreg:$0x1a]  }
0x1d1: {  	s17 =	rddreg [dreg:$0x13];
	s3 =	sadd.s32 $0x1, s16  }
0x1d2: {  	p1 =	sne.s32 s3, s17  }
.Ltmp3:
0x1d3: {  	_ = 	snop;
	(pc) =	sbr.rel @p1 .LBB2_1-.Ltmp3, $3  }
0x1d4: {  	_ =	sdelay $0x1  }
0x1d5: {  	[sflag:s1] =	ssyncset.done @!p0 $0x0  }
0x1d6: {  	[sflag:s1] =	ssyncadd.s32 @!p0 $0xFFFFFF00  }
0x1d7: {  	_ =	sfence.sel $0x180000  }
0x1d8: {  	[bflag:$0x0] =	sbarrier.arrive $0xFFFF  }
0x1d9: {  	_ =	strace $0x90000047  }
0x1da: {  	s0 =	stileid.u32;
	[bflag:$0x2] =	sbarrier.arrive $0xFFFF  }
0x1db: {  	p0 =	sne.s32 s0, $0x0;
	s0 =	rddreg [dreg:$0x4]  }
0x1dc: {  	s0 =	sadd.s32 @!p0 $0x100000, s0  }
0x1dd: {  	[sflag:s0] =	ssyncadd.tile.s32 @!p0 $0x1;
	_ =	shalt  }
.Lfunc_end2:
_tile_overlayer_lowered:
.L_overlay_start_2:
0x1de: {  	(tag) =	ssettag $0x2  }
0x1df: {  	s0 =	rddreg [dreg:$0x0];
	s2 =	stileid.u32  }
0x1e0: {  	s1 =	rddreg [dreg:$0x1];
	p0 =	sne.s32 s2, $0x0  }
0x1e1: {  	s3 =	rddreg [dreg:$0x2];
	[bflag:$0x3] =	sbarrier.arrive $0xFFFF;
	s2 =	simm.s32 @!p0 $0x1C02  }
0x1e2: {  	[timem:s3], [sflag:s2] =	dma.local @!p0 [hbm:s0], s1  }
0x1e3: {  	s0 =	simm.s32 @!p0 $0x2  }
0x1e4: {  	_ =	swait.ge @!p0 [sflag:s0], s1  }
0x1e5: {  	s1 =	ssub.s32 @!p0 $0x0, s1;
	[sflag:s0] =	ssyncset.done @!p0 $0x0  }
0x1e6: {  	[sflag:s0] =	ssyncadd.s32 @!p0 s1  }
0x1e7: {  	[bflag:$0x3] =	sbarrier.arrive $0xFFFF  }
0x1e8: {  	_ =	shalt  }

// kernel: kernel.13.cloned.1.call-start
scs
__scs_entry_jumppad:
0x0: {  	(pc) =	sbr.rel $0x88, $3  }
0x1: {  	(tag) =	ssettag $0x0;
	lr =	simm.s32 $0x1  }
0x2: {  	[smem:$0x3F90] =	sst lr;
	_ =	strace $0xD0000000  }
0x3: {  	_ = 	snop  }
0x4: {  	_ = 	snop  }
0x5: {  	_ = 	snop  }
0x6: {  	_ = 	snop  }
0x7: {  	_ = 	snop  }
__scs_overlays_trampoline_lowered:
0x8: {  	[smem:$0x3F9F] =	sst s0  }
0x9: {  	[smem:$0x3FA0] =	sst s1  }
0xa: {  	[smem:$0x3FA1] =	sst s2  }
0xb: {  	[smem:$0x3FA2] =	sst s3  }
0xc: {  	[smem:$0x3FA3] =	sst s4  }
0xd: {  	[smem:$0x3FA4] =	sst s5  }
0xe: {  	[smem:$0x3FA5] =	sst s6  }
0xf: {  	[smem:$0x3FA6] =	sst s7  }
0x10: {  	[smem:$0x3FA7] =	sst s8  }
0x11: {  	[smem:$0x3FA8] =	sst s9;
	s0 =	simm.s32 @!p0 $0x0  }
0x12: {  	s1 =	sld [smem:$0x3F8E];
	s0 =	simm.s32 @p0 $0x1  }
0x13: {  	[smem:$0x3FA9] =	sst s0;
	s0 =	simm.s32 @!p1 $0x0  }
0x14: {  	s2 =	sld [smem:$0x3F8D];
	s0 =	simm.s32 @p1 $0x1  }
0x15: {  	[smem:$0x3FAA] =	sst s0;
	s0 =	simm.s32 @!p2 $0x0  }
0x16: {  	s3 =	sld [smem:$0x3FDB];
	s0 =	simm.s32 @p2 $0x1  }
0x17: {  	s4 =	simm.s32 $0x1BF5;
	[smem:$0x3FAC] =	sst s0  }
0x18: {  	s0 =	sld [smem:$0x3F8F];
	_ =	swait.ge [sflag:s4], $0x0  }
0x19: {  	s7 =	sld [smem:$0x3F90]  }
0x1a: {  	s8 =	sadd.s32 $0xFFFFE003, lr  }
0x1b: {  	s9 =	sadd.s32 $0xFFFFFEF7, lr;
	s5 =	simm.s32 $0xFFFFFFFF;
	p2 =	slt.u32 s8, $0xFFFFF086  }
0x1c: {  	p1 =	slt.u32 s9, $0xF7A;
	s5 =	simm.s32 @!p2 $0x0  }
0x1d: {  	s5 =	simm.s32 @p1 $0x1;
	p0 =	seq.s32 s7, s2  }
0x1e: {  	s7 =	smul.u32 @!p0 $0xF7A, s2;
	p2 =	seq.s32 @!p0 s5, $0x0  }
0x1f: {  	s9 =	smul.u32 $0xF7A, s1;
	s8 =	simm.s32 @!p0 $0x1BF5;
	p2 =	por !p2, p0  }
0x20: {  	[sflag:s8] =	ssyncset.s32 @!p0 $0xFFFFF086;
	s6 =	sadd.s32 @!p0 s3, s7;
	s7 =	simm.s32 @!p0 $0x108  }
0x21: {  	s3 =	sadd.s32 s3, s9;
	s6 =	sadd.s32 @!p0 $0x88, s6;
	s7 =	simm.s32 @p2 $0x1082  }
0x22: {  	[simem:s7], [sflag:s8] =	dma.local @!p0 [hbm:s6], $0xF7A  }
0x23: {  	s9 =	sor.u32 $0xD0000000, s2;
	s6 =	simm.s32 $0x108;
	_ =	swait.ge @!p0 [sflag:s8], $0x0  }
0x24: {  	s3 =	sadd.s32 $0x88, s3;
	s6 =	simm.s32 @!p1 $0x1082;
	[sflag:s4] =	ssyncset.s32 $0xFFFFF086  }
0x25: {  	[simem:s6], [sflag:s4] =	dma.local [hbm:s3], $0xF7A  }
0x26: {  	[smem:$0x3F90] =	sst s1;
	(tag) =	ssettag s2;
	_ =	strace s9  }
0x27: {  	s1 =	sld [smem:$0x3FA0]  }
0x28: {  	s2 =	sld [smem:$0x3FA1]  }
0x29: {  	s4 =	sld [smem:$0x3FA3]  }
0x2a: {  	p0 =	seq.s32 s5, $0x0;
	s5 =	sld [smem:$0x3FA4]  }
0x2b: {  	s6 =	sld [smem:$0x3FA5]  }
0x2c: {  	s7 =	sld [smem:$0x3FA6]  }
0x2d: {  	s3 =	simm.s32 $0x108;
	s8 =	sld [smem:$0x3FA7]  }
0x2e: {  	s3 =	simm.s32 @!p0 $0x1082;
	s9 =	sld [smem:$0x3FA8]  }
0x2f: {  	lr =	sadd.s32 s0, s3;
	s0 =	sld [smem:$0x3F9F]  }
0x30: {  	s3 =	sld [smem:$0x3FA2]  }
0x31: {  	[smem:$0x3FAB] =	sst s10  }
0x32: {  	s10 =	sld [smem:$0x3FA9];
	_ =	sdelay $0x3  }
0x33: {  	p0 =	seq.s32 s10, $0x1;
	s10 =	sld [smem:$0x3FAB];
	_ =	sdelay $0x3  }
0x34: {  	[smem:$0x3FAB] =	sst s10  }
0x35: {  	s10 =	sld [smem:$0x3FAA];
	_ =	sdelay $0x3  }
0x36: {  	p1 =	seq.s32 s10, $0x1;
	s10 =	sld [smem:$0x3FAB];
	_ =	sdelay $0x3  }
0x37: {  	[smem:$0x3FAB] =	sst s10  }
0x38: {  	s10 =	sld [smem:$0x3FAC]  }
0x39: {  	_ = 	snop;
	(pc) =	sbr.ind lr, $3  }
0x3a: {  	_ = 	snop  }
0x3b: {  	_ = 	snop  }
0x3c: {  	p2 =	seq.s32 s10, $0x1;
	s10 =	sld [smem:$0x3FAB]  }
0x3d: {  	_ =	shalt  }
0x3e: {  	_ =	shalt  }
0x3f: {  	_ =	shalt  }
0x40: {  	_ =	shalt  }
0x41: {  	_ =	shalt  }
0x42: {  	_ =	shalt  }
0x43: {  	_ =	shalt  }
0x44: {  	_ =	shalt  }
0x45: {  	_ =	shalt  }
0x46: {  	_ =	shalt  }
0x47: {  	_ =	shalt  }
0x48: {  	_ =	shalt  }
0x49: {  	_ =	shalt  }
0x4a: {  	_ =	shalt  }
0x4b: {  	_ =	shalt  }
0x4c: {  	_ =	shalt  }
0x4d: {  	_ =	shalt  }
0x4e: {  	_ =	shalt  }
0x4f: {  	_ =	shalt  }
0x50: {  	_ =	shalt  }
0x51: {  	_ =	shalt  }
0x52: {  	_ =	shalt  }
0x53: {  	_ =	shalt  }
0x54: {  	_ =	shalt  }
0x55: {  	_ =	shalt  }
0x56: {  	_ =	shalt  }
0x57: {  	_ =	shalt  }
0x58: {  	_ =	shalt  }
0x59: {  	_ =	shalt  }
0x5a: {  	_ =	shalt  }
0x5b: {  	_ =	shalt  }
0x5c: {  	_ =	shalt  }
0x5d: {  	_ =	shalt  }
0x5e: {  	_ =	shalt  }
0x5f: {  	_ =	shalt  }
0x60: {  	_ =	shalt  }
0x61: {  	_ =	shalt  }
0x62: {  	_ =	shalt  }
0x63: {  	_ =	shalt  }
0x64: {  	_ =	shalt  }
0x65: {  	_ =	shalt  }
0x66: {  	_ =	shalt  }
0x67: {  	_ =	shalt  }
0x68: {  	_ =	shalt  }
0x69: {  	_ =	shalt  }
0x6a: {  	_ =	shalt  }
0x6b: {  	_ =	shalt  }
0x6c: {  	_ =	shalt  }
0x6d: {  	_ =	shalt  }
0x6e: {  	_ =	shalt  }
0x6f: {  	_ =	shalt  }
0x70: {  	_ =	shalt  }
0x71: {  	_ =	shalt  }
0x72: {  	_ =	shalt  }
0x73: {  	_ =	shalt  }
0x74: {  	_ =	shalt  }
0x75: {  	_ =	shalt  }
0x76: {  	_ =	shalt  }
0x77: {  	_ =	shalt  }
0x78: {  	_ =	shalt  }
0x79: {  	_ =	shalt  }
0x7a: {  	_ =	shalt  }
0x7b: {  	_ =	shalt  }
0x7c: {  	_ =	shalt  }
0x7d: {  	_ =	shalt  }
0x7e: {  	_ =	shalt  }
0x7f: {  	_ =	shalt  }
0x80: {  	_ =	shalt  }
0x81: {  	_ =	shalt  }
0x82: {  	_ =	shalt  }
0x83: {  	_ =	shalt  }
0x84: {  	_ =	shalt  }
0x85: {  	_ =	shalt  }
0x86: {  	_ =	shalt  }
0x87: {  	_ =	shalt  }
.Lfunc_end0:
.L_simem_size_0:
called_computation.1_lowered:
.L_overlay_start_0:
0x88: {  	s2 =	sld [smem:$0x3FD9]  }
0x89: {  	s3 =	sld [smem:$0x3FFE];
	_ =	sdelay $0x1  }
0x8a: {  	s1 =	srdreg.scid  }
0x8b: {  	s0 =	sand.u32 $0x1, s1  }
0x8c: {  	s17 =	sshll.u32 s0, $0xA;
	s2 =	sadd.s32 s3, s2  }
0x8d: {  	s2 =	sadd.s32 s2, s17  }
0x8e: {  	[smem:$0x3FB7] =	sst s2  }
0x8f: {  	_ = 	snop  }
0x90: {  	s2 =	sld [smem:$0x3FC7]  }
0x91: {  	s18 =	sld [smem:$0x3FD0];
	(tm) =	ssettm $0x1  }
0x92: {  	s4 =	sld [smem:$0x3FFB];
	_ =	sdelay $0x3  }
0x93: {  	_ =	strace s4  }
0x94: {  	s4 =	sld [smem:$0x3FFC];
	_ =	sdelay $0x3  }
0x95: {  	_ =	strace s4  }
0x96: {  	s4 =	sld [smem:$0x3FFD];
	_ =	sdelay $0x3  }
0x97: {  	_ =	strace s4  }
0x98: {  	_ =	strace $0x8FFFFFFF  }
0x99: {  	s19 =	sld [smem:$0x3FDB];
	_ =	sdelay $0x1  }
0x9a: {  	s5 =	simm.s32 $_scs_section_size  }
0x9b: {  	s6 =	simm.s32 $_size__tile_overlayer_lowered;
	s7 =	simm.s32 $_tile_overlayer_lowered  }
0x9c: {  	s22 =	simm.s32 $0x1BFF;
	s21 =	sshll.u32 s7, $0x1;
	s4 =	sadd.s32 s5, s19  }
0x9d: {  	s8 =	simm.s32 $0x0;
	s20 =	sshll.u32 s6, $0x1;
	s6 =	sadd.s32 s21, s4  }
0x9e: {  	[timem:s8], [sflag:s22] =	dma.local [hbm:s6], s20  }
0x9f: {  	_ =	swait.ge [sflag:s22], s20  }
0xa0: {  	s5 =	ssub.s32 $0x0, s20;
	[sflag:s22] =	ssyncset.done $0x0  }
0xa1: {  	[sflag:s22] =	ssyncadd.s32 s5;
	_ =	sdelay $0x1  }
0xa2: {  	s23 =	simm.s32 $0x1B8B  }
0xa3: {  	_ =	swait.ge [sflag:s23], $0x1  }
0xa4: {  	[sflag:s23] =	ssyncset.done $0x0  }
0xa5: {  	s25 =	simm.s32 $0x1B8E;
	s24 =	sld [smem:$0x3FFE];
	[sflag:s23] =	ssyncadd.s32 $0xFFFFFFFF  }
0xa6: {  	s26 =	simm.s32 $execute0_lowered;
	[smem:$0x3FD2] =	sst s25  }
0xa7: {  	s6 =	sshll.u32 s26, $0x1;
	_ =	strace $0x80000049;
	[dreg:$0x1] =	wrdreg $0xFFFFFFFF  }
0xa8: {  	s28 =	simm.s32 $_size_execute0_lowered;
	s4 =	sadd.s32 s4, s6;
	[dreg:$0x0] =	wrdreg $0x0  }
0xa9: {  	s6 =	sshll.u32 s28, $0x1;
	[dreg:$0x2] =	wrdreg s4  }
0xaa: {  	[dreg:$0x3] =	wrdreg s6  }
0xab: {  	[dreg:$0x4] =	wrdreg $0xC0  }
0xac: {  	_ =	task [dreg:s8], $0x5FFFF  }
0xad: {  	[dreg:$0x1] =	wrdreg $0xFFFFFFFF  }
0xae: {  	[dreg:$0x0] =	wrdreg $0x60  }
0xaf: {  	[dreg:$0x2] =	wrdreg s24  }
0xb0: {  	[dreg:$0x3] =	wrdreg s18  }
0xb1: {  	[dreg:$0x4] =	wrdreg s2  }
0xb2: {  	[dreg:$0x5] =	wrdreg $0x0  }
0xb3: {  	[dreg:$0x6] =	wrdreg $0x9  }
0xb4: {  	_ =	task.clear_ibuf [dreg:s8], $0x7FFFF;
	_ =	strace $0x90000049  }
0xb5: {  	s29 =	simm.s32 $0x9;
	_ =	strace $0x8000004B  }
0xb6: {  	_ =	swait.ge [sflag:s29], $0x1  }
0xb7: {  	[sflag:s29] =	ssyncadd.s32 $0xFFFFFFFF  }
0xb8: {  	_ =	strace $0x9000004B  }
0xb9: {  	_ =	sfence  }
0xba: {  	s30 =	sld [smem:$0x0];
	_ =	sdelay $0x2  }
0xbb: {  	s31 =	sshll.u32 s1, $0xD;
	s1 =	sshrl.u32 s1, $0x2  }
0xbc: {  	s3 =	sand.u32 $0x4000, s31;
	s1 =	sadd.s32 s1, s30  }
0xbd: {  	s0 =	sor.u32 s3, s0;
	s1 =	sshll.u32 s1, $0x11  }
0xbe: {  	s0 =	sor.u32 s1, s0  }
0xbf: {  	s0 =	sadd.s32 $0x8F2B, s0  }
0xc0: {  	[sflag:s0] =	ssyncadd.remote.s32 $0x1  }
0xc1: {  	_ =	sfence.sel $0xFFFF  }
0xc2: {  	[dreg:$0x0] =	wrdreg $0xFFFFFFFF;
	(pc) =	sbr.abs _section_cstart, $3  }
0xc3: {  	[dreg:$0x1] =	wrdreg $0xFFFFFFFF  }
0xc4: {  	_ =	task.clear_ibuf [dreg:s8], $0x2FFFF;
	_ =	strace $0x9FFFFFFF  }
0xc5: {  	(tm) =	ssettm $0x7FFFFFFF  }
tec
execute0_lowered:
.L_overlay_start_1:
0x0: {  	(tag) =	ssettag $0x1  }
0x1: {  	s0 =	rddreg [dreg:$0x0]  }
0x2: {  	s8 =	rddreg [dreg:$0x3]  }
0x3: {  	s1 =	simm.s32 $0x0;
	s17 =	srdreg.scid;
	s9 =	stileid.u32  }
0x4: {  	s28 =	simm.s32 $0x18880;
	s29 =	simm.s32 $0x19080;
	s30 =	simm.s32 $0x19880  }
0x5: {  	s31 =	simm.s32 $0x1;
	[smem:$0x7FF] =	sst s1;
	s6 =	sadd.s32 $0xC200, s0  }
0x6: {  	s1 =	sand.u32 $0x1, s17;
	s2 =	smul.u32 $0x4E000, s9;
	s7 =	sadd.s32 $0x2400, s0  }
0x7: {  	s3 =	sadd.s32 $0x11DC00, s0;
	s4 =	sadd.s32 $0xCF800, s0;
	s19 =	sshll.u32 s9, $0x1  }
0x8: {  	s24 =	smul.u32 $0x13800, s9;
	p0 =	sne.s32 s9, $0xF;
	s2 =	sshrl.u32 s2, $0x2  }
0x9: {  	_ =	strace $0x8000004A;
	[dreg:$0x5] =	wrdreg s3;
	s11 =	sadd.s32 s2, s8  }
0xa: {  	s9 =	simm.s32 $0x0;
	s8 =	sadd.s32 $0x138000, s8;
	[dreg:$0x6] =	wrdreg s11  }
0xb: {  	s18 =	ssub.s32 $0x2, s1;
	s21 =	sadd.s32 $0x1400, s11;
	[dreg:$0x19] =	wrdreg s8  }
0xc: {  	s20 =	sor.u32 s1, s19;
	s22 =	sadd.s32 $0x2800, s11;
	[dreg:$0x7] =	wrdreg s21  }
0xd: {  	s1 =	smul.u32 $0x138800, s1;
	s23 =	sadd.s32 $0x3C00, s11;
	[dreg:$0x8] =	wrdreg s22  }
0xe: {  	s5 =	sshrl.u32 s18, $0x1;
	s10 =	sadd.s32 $0x5000, s11;
	[dreg:$0x9] =	wrdreg s23  }
0xf: {  	s20 =	smul.u32 $0x2710, s20;
	s25 =	sadd.s32 $0x6400, s11;
	[dreg:$0xa] =	wrdreg s10  }
0x10: {  	s3 =	ssub.s32 s18, s5;
	s26 =	sadd.s32 $0x7800, s11;
	[dreg:$0xb] =	wrdreg s25  }
0x11: {  	s5 =	sadd.s32 s24, s1;
	s12 =	sadd.s32 $0x8C00, s11;
	[dreg:$0xc] =	wrdreg s26  }
0x12: {  	s1 =	sshrl.u32 s1, $0x3;
	s13 =	sadd.s32 $0xA000, s11;
	[dreg:$0xd] =	wrdreg s12  }
0x13: {  	s14 =	sadd.s32 $0xB400, s11;
	s15 =	sadd.s32 $0xC800, s11;
	[dreg:$0xe] =	wrdreg s13  }
0x14: {  	s5 =	sshrl.u32 s5, $0x3;
	s1 =	sadd.s32 s4, s1;
	[dreg:$0xf] =	wrdreg s14  }
0x15: {  	s18 =	smax.u32 s3, $0x1;
	s19 =	sadd.s32 $0xDC00, s11;
	[dreg:$0x10] =	wrdreg s15  }
0x16: {  	s24 =	sadd.s32 $0x10400, s11;
	s3 =	simm.s32 $0x0;
	[dreg:$0x13] =	wrdreg s18  }
0x17: {  	s16 =	sadd.s32 s4, s5;
	s22 =	sadd.s32 $0xC300, s0;
	[dreg:$0x14] =	wrdreg s19  }
0x18: {  	s23 =	sadd.s32 $0xC400, s0;
	s17 =	sadd.s32 $0x27000, s1;
	[dreg:$0x16] =	wrdreg s24  }
0x19: {  	s21 =	sadd.s32 $0xF000, s11;
	s25 =	sadd.s32 $0x11800, s11;
	[dreg:$0x11] =	wrdreg s16  }
0x1a: {  	s26 =	sadd.s32 $0x12C00, s11;
	s5 =	simm.s32 $0x2;
	[dreg:$0x12] =	wrdreg s17  }
0x1b: {  	s4 =	simm.s32 $0x19C80;
	s10 =	simm.s32 $0x1B280;
	[dreg:$0x15] =	wrdreg s21  }
0x1c: {  	v3 =	vlaneseq.u32;
	v0 =	vimm.f32 $0.0e+00;
	s18 =	simm.s32 $0x16080;
	s19 =	simm.s32 $0x16880;
	[dreg:$0x17] =	wrdreg s25  }
0x1d: {  	vm0 =	vmmov $0xffff;
	vm1 =	vmmov $0xff;
	v2 =	vshrl.u32 v3, $0x3;
	s24 =	simm.s32 $0x17480;
	s0 =	simm.s32 $0x28;
	[dreg:$0x18] =	wrdreg s26  }
0x1e: {  	v1 =	vand.u32 $0x7, v3;
	v3 =	vor.u32 $0x8, v3;
	v2 =	vmul.u32 $0x8, v2;
	s21 =	simm.s32 $0x17080;
	s25 =	simm.s32 $0x17C80;
	s26 =	simm.s32 $0x18480  }
.LBB2_1:
0x1f: {  	[dreg:$0x1a] =	wrdreg s3  }
0x20: {  	s1 =	simm.s32 $0x0;
	s2 =	rddreg [dreg:$0x5];
	s17 =	simm.s32 $0x1B300  }
0x21: {  	[tilespmem:s17], [sflag:$0x2] =	stream.linear.gather [hbm4b:s2+s1], $0x80, $0x38;
	[tilespmem:$0x1B380] =	vst v63  }
0x22: {  	_ =	swait.ge [sflag:s5], $0x80  }
0x23: {  	[sflag:s5] =	ssyncset.done $0x0  }
0x24: {  	[sflag:s5] =	ssyncadd.s32 $0xFFFFFF80  }
0x25: {  	[tilespmem:$0x1B180] =	vst v0  }
0x26: {  	[tilespmem:$0x1B190] =	vst v0  }
0x27: {  	s1 =	simm.s32 $0x0;
	s2 =	simm.s32 $0x200;
	[tilespmem:$0x1B1A0] =	vst v0  }
.LBB2_2:
0x28: {  	p1 =	sne.s32 s2, $0x4E00;
	[tilespmem:s1+$0x19CF0] =	vst v0  }
0x29: {  	[tilespmem:s1+$0x19C80] =	vst v0  }
0x2a: {  	[tilespmem:s1+$0x19C90] =	vst v0  }
.Ltmp0:
0x2b: {  	[tilespmem:s1+$0x19CA0] =	vst v0;
	(pc) =	sbr.rel @p1 .LBB2_2-.Ltmp0, $4  }
0x2c: {  	[tilespmem:s1+$0x19CB0] =	vst v0  }
0x2d: {  	[tilespmem:s1+$0x19CC0] =	vst v0  }
0x2e: {  	[tilespmem:s1+$0x19CD0] =	vst v0  }
0x2f: {  	[tilespmem:s1+$0x19CE0] =	vst v0;
	s1 =	sshra.s32 s2, $0x2;
	s2 =	sadd.s32 $0x200, s2  }
0x30: {  	[tilespmem:s1+$0x19CF0] =	vst v0  }
0x31: {  	[tilespmem:s1+$0x19C80] =	vst v0  }
0x32: {  	[tilespmem:s1+$0x19C90] =	vst v0  }
0x33: {  	[tilespmem:s1+$0x19CA0] =	vst v0  }
0x34: {  	[tilespmem:s1+$0x19CB0] =	vst v0  }
0x35: {  	[tilespmem:s1+$0x19CC0] =	vst v0  }
0x36: {  	[tilespmem:s1+$0x19CD0] =	vst v0  }
0x37: {  	[tilespmem:s1+$0x19CE0] =	vst v0  }
0x38: {  	[spmem:s11] =	stream.linear.scatter [tilespmem:s4], [sflag:$0x2], $0x1400, $0x38;
	[tilespmem:$0x1B380] =	vst v63  }
0x39: {  	_ =	swait.ge [sflag:s5], $0x1400  }
0x3a: {  	[sflag:s5] =	ssyncset.done $0x0  }
0x3b: {  	s12 =	rddreg [dreg:$0x7];
	[sflag:s5] =	ssyncadd.s32 $0xFFFFEC00  }
0x3c: {  	[spmem:s12] =	stream.linear.scatter [tilespmem:s4], [sflag:$0x2], $0x1400, $0x38;
	[tilespmem:$0x1B380] =	vst v63  }
0x3d: {  	_ =	swait.ge [sflag:s5], $0x1400  }
0x3e: {  	[sflag:s5] =	ssyncset.done $0x0  }
0x3f: {  	s13 =	rddreg [dreg:$0x8];
	[sflag:s5] =	ssyncadd.s32 $0xFFFFEC00  }
0x40: {  	[spmem:s13] =	stream.linear.scatter [tilespmem:s4], [sflag:$0x2], $0x1400, $0x38;
	[tilespmem:$0x1B380] =	vst v63  }
0x41: {  	_ =	swait.ge [sflag:s5], $0x1400  }
0x42: {  	[sflag:s5] =	ssyncset.done $0x0  }
0x43: {  	s14 =	rddreg [dreg:$0x9];
	[sflag:s5] =	ssyncadd.s32 $0xFFFFEC00  }
0x44: {  	[spmem:s14] =	stream.linear.scatter [tilespmem:s4], [sflag:$0x2], $0x1400, $0x38;
	[tilespmem:$0x1B380] =	vst v63  }
0x45: {  	_ =	swait.ge [sflag:s5], $0x1400  }
0x46: {  	[sflag:s5] =	ssyncset.done $0x0  }
0x47: {  	s15 =	rddreg [dreg:$0xa];
	[sflag:s5] =	ssyncadd.s32 $0xFFFFEC00  }
0x48: {  	[spmem:s15] =	stream.linear.scatter [tilespmem:s4], [sflag:$0x2], $0x1400, $0x38;
	[tilespmem:$0x1B380] =	vst v63  }
0x49: {  	_ =	swait.ge [sflag:s5], $0x1400  }
0x4a: {  	[sflag:s5] =	ssyncset.done $0x0  }
0x4b: {  	s16 =	rddreg [dreg:$0xb];
	[sflag:s5] =	ssyncadd.s32 $0xFFFFEC00  }
0x4c: {  	[spmem:s16] =	stream.linear.scatter [tilespmem:s4], [sflag:$0x2], $0x1400, $0x38;
	[tilespmem:$0x1B380] =	vst v63  }
0x4d: {  	_ =	swait.ge [sflag:s5], $0x1400  }
0x4e: {  	[sflag:s5] =	ssyncset.done $0x0  }
0x4f: {  	s17 =	rddreg [dreg:$0xc];
	[sflag:s5] =	ssyncadd.s32 $0xFFFFEC00  }
0x50: {  	[spmem:s17] =	stream.linear.scatter [tilespmem:s4], [sflag:$0x2], $0x1400, $0x38;
	[tilespmem:$0x1B380] =	vst v63  }
0x51: {  	_ =	swait.ge [sflag:s5], $0x1400  }
0x52: {  	[sflag:s5] =	ssyncset.done $0x0  }
0x53: {  	s2 =	rddreg [dreg:$0xd];
	[sflag:s5] =	ssyncadd.s32 $0xFFFFEC00  }
0x54: {  	[spmem:s2] =	stream.linear.scatter [tilespmem:s4], [sflag:$0x2], $0x1400, $0x38;
	[tilespmem:$0x1B380] =	vst v63  }
0x55: {  	_ =	swait.ge [sflag:s5], $0x1400  }
0x56: {  	[sflag:s5] =	ssyncset.done $0x0  }
0x57: {  	s3 =	rddreg [dreg:$0xe];
	[sflag:s5] =	ssyncadd.s32 $0xFFFFEC00  }
0x58: {  	[spmem:s3] =	stream.linear.scatter [tilespmem:s4], [sflag:$0x2], $0x1400, $0x38;
	[tilespmem:$0x1B380] =	vst v63  }
0x59: {  	_ =	swait.ge [sflag:s5], $0x1400  }
0x5a: {  	[sflag:s5] =	ssyncset.done $0x0  }
0x5b: {  	s11 =	rddreg [dreg:$0xf];
	[sflag:s5] =	ssyncadd.s32 $0xFFFFEC00  }
0x5c: {  	[spmem:s11] =	stream.linear.scatter [tilespmem:s4], [sflag:$0x2], $0x1400, $0x38;
	[tilespmem:$0x1B380] =	vst v63  }
0x5d: {  	_ =	swait.ge [sflag:s5], $0x1400  }
0x5e: {  	[sflag:s5] =	ssyncset.done $0x0  }
0x5f: {  	s12 =	rddreg [dreg:$0x10];
	[sflag:s5] =	ssyncadd.s32 $0xFFFFEC00  }
0x60: {  	[spmem:s12] =	stream.linear.scatter [tilespmem:s4], [sflag:$0x2], $0x1400, $0x38;
	[tilespmem:$0x1B380] =	vst v63  }
0x61: {  	_ =	swait.ge [sflag:s5], $0x1400  }
0x62: {  	[sflag:s5] =	ssyncset.done $0x0  }
0x63: {  	s13 =	rddreg [dreg:$0x14];
	[sflag:s5] =	ssyncadd.s32 $0xFFFFEC00  }
0x64: {  	[spmem:s13] =	stream.linear.scatter [tilespmem:s4], [sflag:$0x2], $0x1400, $0x38;
	[tilespmem:$0x1B380] =	vst v63  }
0x65: {  	_ =	swait.ge [sflag:s5], $0x1400  }
0x66: {  	[sflag:s5] =	ssyncset.done $0x0  }
0x67: {  	s14 =	rddreg [dreg:$0x15];
	[sflag:s5] =	ssyncadd.s32 $0xFFFFEC00  }
0x68: {  	[spmem:s14] =	stream.linear.scatter [tilespmem:s4], [sflag:$0x2], $0x1400, $0x38;
	[tilespmem:$0x1B380] =	vst v63  }
0x69: {  	_ =	swait.ge [sflag:s5], $0x1400  }
0x6a: {  	[sflag:s5] =	ssyncset.done $0x0  }
0x6b: {  	s15 =	rddreg [dreg:$0x16];
	[sflag:s5] =	ssyncadd.s32 $0xFFFFEC00  }
0x6c: {  	[spmem:s15] =	stream.linear.scatter [tilespmem:s4], [sflag:$0x2], $0x1400, $0x38;
	[tilespmem:$0x1B380] =	vst v63  }
0x6d: {  	_ =	swait.ge [sflag:s5], $0x1400  }
0x6e: {  	[sflag:s5] =	ssyncset.done $0x0  }
0x6f: {  	s16 =	rddreg [dreg:$0x17];
	[sflag:s5] =	ssyncadd.s32 $0xFFFFEC00  }
0x70: {  	[spmem:s16] =	stream.linear.scatter [tilespmem:s4], [sflag:$0x2], $0x1400, $0x38;
	[tilespmem:$0x1B380] =	vst v63  }
0x71: {  	_ =	swait.ge [sflag:s5], $0x1400  }
0x72: {  	[sflag:s5] =	ssyncset.done $0x0  }
0x73: {  	s17 =	rddreg [dreg:$0x18];
	[sflag:s5] =	ssyncadd.s32 $0xFFFFEC00  }
0x74: {  	[spmem:s17] =	stream.linear.scatter [tilespmem:s4], [sflag:$0x2], $0xC00, $0x38;
	[tilespmem:$0x1B380] =	vst v63  }
0x75: {  	_ =	swait.ge [sflag:s5], $0xC00  }
0x76: {  	[sflag:s5] =	ssyncset.done $0x0  }
0x77: {  	s1 =	simm.s32 @!p0 $0x19C80;
	[sflag:s5] =	ssyncadd.s32 $0xFFFFF400  }
0x78: {  	[spmem:s8] =	stream.linear.scatter @!p0 [tilespmem:s1], [sflag:$0x2], $0x800, $0x38;
	[tilespmem:$0x1B380] =	vst v63  }
0x79: {  	s1 =	simm.s32 @!p0 $0x2  }
0x7a: {  	_ =	swait.ge @!p0 [sflag:s1], $0x800  }
0x7b: {  	[sflag:s1] =	ssyncset.done @!p0 $0x0  }
0x7c: {  	[sflag:s1] =	ssyncadd.s32 @!p0 $0xFFFFF800  }
0x7d: {  	[bflag:$0x0] =	sbarrier.arrive $0xFFFF  }
0x7e: {  	v13 =	vld [tilespmem:$0x1B300];
	_ =	sdelay $0x4  }
0x7f: {  	v4 =	vbroadcast v13, $0x0;
	v5 =	vbroadcast v13, $0x8  }
0x80: {  	v6 =	vbroadcast v13, $0x1;
	v7 =	vbroadcast v13, $0x9  }
0x81: {  	v8 =	vbroadcast v13, $0x2;
	v9 =	vbroadcast v13, $0xA  }
0x82: {  	v10 =	vbroadcast v13, $0x3;
	v11 =	vbroadcast v13, $0xB  }
0x83: {  	s1 =	simm.s32 $0x0;
	v12 =	vbroadcast v13, $0x4;
	v13 =	vbroadcast v13, $0xC  }
.LBB2_4:
0x84: {  	s2 =	smul.u32 $0x28, s1;
	_ =	sdelay $0x1  }
0x85: {  	s2 =	sadd.s32 s20, s2  }
0x86: {  	s2 =	sshrl.u32 s2, $0x3  }
0x87: {  	s8 =	simm.s32 $0x1B200;
	s3 =	sadd.s32 s7, s2  }
0x88: {  	[tilespmem:s8], [sflag:$0x2] =	stream.linear.gather [hbm4b:s3+s9], $0x28, $0x38;
	[tilespmem:$0x1B380] =	vst v63  }
0x89: {  	_ =	swait.ge [sflag:s5], $0x28  }
0x8a: {  	[sflag:s5] =	ssyncset.done $0x0  }
0x8b: {  	[sflag:s5] =	ssyncadd.s32 $0xFFFFFFD8  }
0x8c: {  	s15 =	rddreg [dreg:$0x1]  }
0x8d: {  	s3 =	sadd.s32 s15, s2  }
0x8e: {  	[tilespmem:s10], [sflag:$0x2] =	stream.linear.gather [hbm4b:s3+s9], $0x28, $0x38;
	[tilespmem:$0x1B380] =	vst v63  }
0x8f: {  	_ =	swait.ge [sflag:s5], $0x28  }
0x90: {  	[sflag:s5] =	ssyncset.done $0x0  }
0x91: {  	[sflag:s5] =	ssyncadd.s32 $0xFFFFFFD8  }
0x92: {  	s16 =	rddreg [dreg:$0x2]  }
0x93: {  	s17 =	simm.s32 $0x1B180;
	s2 =	sadd.s32 s16, s2  }
0x94: {  	[tilespmem:s17], [sflag:$0x2] =	stream.linear.gather [hbm4b:s2+s9], $0x28, $0x38;
	[tilespmem:$0x1B380] =	vst v63  }
0x95: {  	_ =	swait.ge [sflag:s5], $0x28  }
0x96: {  	[sflag:s5] =	ssyncset.done $0x0  }
0x97: {  	[sflag:s5] =	ssyncadd.s32 $0xFFFFFFD8  }
0x98: {  	v14 =	vld [tilespmem:$0x1B200];
	_ =	sdelay $0x4  }
0x99: {  	v15 =	vshrl.u32 v14, $0x3  }
0x9a: {  	v15 =	vmul.u32 $0x28, v15  }
0x9b: {  	v14 =	vand.u32 $0x7, v14  }
0x9c: {  	v14 =	vor.u32 v14, v15  }
0x9d: {  	v15 =	vperm.xlane v14, v1;
	_ =	sdelay $0x1  }
0x9e: {  	v15 =	vadd.s32 v2, v15;
	_ =	sdelay $0x3  }
0x9f: {  	s8 =	simm.s32 $0x13880;
	v14 =	vperm.xlane v14, v3  }
0xa0: {  	[tilespmem:s8], [sflag:$0x1] =	stream.indirect_vreg.gather [hbm4b:s6+s9], $0x80, v15, vm0, $0xb8;
	[tilespmem:$0x1B380] =	vst v63  }
0xa1: {  	s11 =	simm.s32 $0x14080;
	v14 =	vadd.s32 v2, v14  }
0xa2: {  	[tilespmem:s11], [sflag:$0x1] =	stream.indirect_vreg.gather [hbm4b:s22+s9], $0x80, v15, vm0, $0xb8;
	[tilespmem:$0x1B380] =	vst v63  }
0xa3: {  	s12 =	simm.s32 $0x14880  }
0xa4: {  	[tilespmem:s12], [sflag:$0x1] =	stream.indirect_vreg.gather [hbm4b:s23+s9], $0x80, v15, vm1, $0xb8;
	[tilespmem:$0x1B380] =	vst v63  }
0xa5: {  	s13 =	simm.s32 $0x14C80  }
0xa6: {  	[tilespmem:s13], [sflag:$0x1] =	stream.indirect_vreg.gather [hbm4b:s6+s9], $0x80, v14, vm0, $0xb8;
	[tilespmem:$0x1B380] =	vst v63  }
0xa7: {  	s14 =	simm.s32 $0x15480  }
0xa8: {  	[tilespmem:s14], [sflag:$0x1] =	stream.indirect_vreg.gather [hbm4b:s22+s9], $0x80, v14, vm0, $0xb8;
	[tilespmem:$0x1B380] =	vst v63  }
0xa9: {  	s15 =	simm.s32 $0x15C80  }
0xaa: {  	[tilespmem:s15], [sflag:$0x1] =	stream.indirect_vreg.gather [hbm4b:s23+s9], $0x80, v14, vm1, $0xb8;
	[tilespmem:$0x1B380] =	vst v63  }
0xab: {  	v14 =	vld [tilespmem:$0x1B210];
	_ =	sdelay $0x4  }
0xac: {  	v15 =	vshrl.u32 v14, $0x3  }
0xad: {  	v15 =	vmul.u32 $0x28, v15  }
0xae: {  	v14 =	vand.u32 $0x7, v14  }
0xaf: {  	v14 =	vor.u32 v14, v15  }
0xb0: {  	v15 =	vperm.xlane v14, v1;
	_ =	sdelay $0x1  }
0xb1: {  	v15 =	vadd.s32 v2, v15;
	_ =	sdelay $0x3  }
0xb2: {  	v14 =	vperm.xlane v14, v3  }
0xb3: {  	[tilespmem:s18], [sflag:$0x1] =	stream.indirect_vreg.gather [hbm4b:s6+s9], $0x80, v15, vm0, $0xb8;
	[tilespmem:$0x1B380] =	vst v63  }
0xb4: {  	v14 =	vadd.s32 v2, v14  }
0xb5: {  	[tilespmem:s19], [sflag:$0x1] =	stream.indirect_vreg.gather [hbm4b:s22+s9], $0x80, v15, vm0, $0xb8;
	[tilespmem:$0x1B380] =	vst v63  }
0xb6: {  	_ = 	snop  }
0xb7: {  	[tilespmem:s21], [sflag:$0x1] =	stream.indirect_vreg.gather [hbm4b:s23+s9], $0x80, v15, vm1, $0xb8;
	[tilespmem:$0x1B380] =	vst v63  }
0xb8: {  	_ = 	snop  }
0xb9: {  	[tilespmem:s24], [sflag:$0x1] =	stream.indirect_vreg.gather [hbm4b:s6+s9], $0x80, v14, vm0, $0xb8;
	[tilespmem:$0x1B380] =	vst v63  }
0xba: {  	_ = 	snop  }
0xbb: {  	[tilespmem:s25], [sflag:$0x1] =	stream.indirect_vreg.gather [hbm4b:s22+s9], $0x80, v14, vm0, $0xb8;
	[tilespmem:$0x1B380] =	vst v63  }
0xbc: {  	_ = 	snop  }
0xbd: {  	[tilespmem:s26], [sflag:$0x1] =	stream.indirect_vreg.gather [hbm4b:s23+s9], $0x80, v14, vm1, $0xb8;
	[tilespmem:$0x1B380] =	vst v63  }
0xbe: {  	v14 =	vld.msk [tilespmem:$0x1B220], $0xff;
	_ =	sdelay $0x4  }
0xbf: {  	v15 =	vshrl.u32 v14, $0x3  }
0xc0: {  	v15 =	vmul.u32 $0x28, v15  }
0xc1: {  	v14 =	vand.u32 $0x7, v14  }
0xc2: {  	v14 =	vor.u32 v14, v15  }
0xc3: {  	v14 =	vperm.xlane v14, v1;
	_ =	sdelay $0x1  }
0xc4: {  	v14 =	vadd.s32 v2, v14;
	_ =	sdelay $0x4  }
0xc5: {  	[tilespmem:s28], [sflag:$0x1] =	stream.indirect_vreg.gather [hbm4b:s6+s9], $0x80, v14, vm0, $0xb8;
	[tilespmem:$0x1B380] =	vst v63  }
0xc6: {  	_ = 	snop  }
0xc7: {  	[tilespmem:s29], [sflag:$0x1] =	stream.indirect_vreg.gather [hbm4b:s22+s9], $0x80, v14, vm0, $0xb8;
	[tilespmem:$0x1B380] =	vst v63  }
0xc8: {  	_ = 	snop  }
0xc9: {  	[tilespmem:s30], [sflag:$0x1] =	stream.indirect_vreg.gather [hbm4b:s23+s9], $0x80, v14, vm1, $0xb8;
	[tilespmem:$0x1B380] =	vst v63  }
0xca: {  	_ =	swait.ge [sflag:s31], $0x6400  }
0xcb: {  	[sflag:s31] =	ssyncset.done $0x0  }
0xcc: {  	[sflag:s31] =	ssyncadd.s32 $0xFFFF9C00  }
0xcd: {  	v14 =	vld [tilespmem:$0x1B180];
	_ =	sdelay $0x4  }
0xce: {  	v15 =	vsub.f32 v14, v4  }
0xcf: {  	v16 =	vsub.f32 v14, v6  }
0xd0: {  	v17 =	vsub.f32 v14, v8;
	v15 =	vmul.f32 v15, v15  }
0xd1: {  	v16 =	vmul.f32 v16, v16  }
0xd2: {  	v18 =	vld [tilespmem:$0x1B190];
	v17 =	vmul.f32 v17, v17;
	v15 =	vmul.f32 v15, v5  }
0xd3: {  	v16 =	vmul.f32 v16, v7  }
0xd4: {  	v17 =	vmul.f32 v17, v9;
	v15 =	vmul.f32 $1.442695020e+00, v15  }
0xd5: {  	v19 =	vsub.f32 v14, v10;
	v16 =	vmul.f32 $1.442695020e+00, v16  }
0xd6: {  	v14 =	vsub.f32 v14, v12;
	(erf) = vpow2.f32 v15;
	v15 =	vmul.f32 $1.442695020e+00, v17  }
0xd7: {  	v17 =	vsub.f32 v18, v4;
	(erf) = vpow2.f32 v16;
	v16 =	vmul.f32 v19, v19  }
0xd8: {  	v14 =	vmul.f32 v14, v14;
	(erf) = vpow2.f32 v15;
	v15 =	vsub.f32 v18, v6  }
0xd9: {  	v17 =	vmul.f32 v17, v17;
	v16 =	vmul.f32 v16, v11  }
0xda: {  	v14 =	vmul.f32 v14, v13;
	v15 =	vmul.f32 v15, v15  }
0xdb: {  	v19 =	vld [tilespmem:$0x1B1A0];
	v17 =	vmul.f32 v17, v5;
	v16 =	vmul.f32 $1.442695020e+00, v16  }
0xdc: {  	v14 =	vmul.f32 $1.442695020e+00, v14;
	v15 =	vmul.f32 v15, v7  }
0xdd: {  	(erf) = vpow2.f32 v16;
	v16 =	vmul.f32 $1.442695020e+00, v17;
	v17 =	vsub.f32 v18, v8  }
0xde: {  	(erf) = vpow2.f32 v14;
	v14 =	vmul.f32 $1.442695020e+00, v15;
	v15 =	vsub.f32 v18, v10  }
0xdf: {  	(erf) = vpow2.f32 v16;
	v16 =	vmul.f32 v17, v17;
	v17 =	vsub.f32 v18, v12  }
0xe0: {  	(erf) = vpow2.f32 v14;
	v14 =	vmul.f32 v15, v15;
	v15 =	vsub.f32 v19, v4  }
0xe1: {  	v16 =	vmul.f32 v16, v9;
	v17 =	vmul.f32 v17, v17  }
0xe2: {  	v14 =	vmul.f32 v14, v11;
	v15 =	vmul.f32 v15, v15  }
0xe3: {  	v16 =	vmul.f32 $1.442695020e+00, v16;
	v17 =	vmul.f32 v17, v13  }
0xe4: {  	v14 =	vmul.f32 $1.442695020e+00, v14;
	v15 =	vmul.f32 v15, v5  }
0xe5: {  	(erf) = vpow2.f32 v16;
	v16 =	vmul.f32 $1.442695020e+00, v17;
	v17 =	vsub.f32 v19, v6  }
0xe6: {  	(erf) = vpow2.f32 v14;
	v14 =	vmul.f32 $1.442695020e+00, v15;
	v15 =	vsub.f32 v19, v8  }
0xe7: {  	(erf) = vpow2.f32 v16;
	v16 =	vmul.f32 v17, v17;
	v17 =	vsub.f32 v19, v10  }
0xe8: {  	(erf) = vpow2.f32 v14;
	v14 =	vmul.f32 v15, v15;
	v15 =	vsub.f32 v19, v12  }
0xe9: {  	v16 =	vmul.f32 v16, v7;
	v17 =	vmul.f32 v17, v17  }
0xea: {  	v14 =	vmul.f32 v14, v9;
	v15 =	vmul.f32 v15, v15  }
0xeb: {  	v18 =	vpop (erf);
	v16 =	vmul.f32 $1.442695020e+00, v16;
	v17 =	vmul.f32 v17, v11  }
0xec: {  	v19 =	vpop (erf);
	v14 =	vmul.f32 $1.442695020e+00, v14;
	v15 =	vmul.f32 v15, v13  }
0xed: {  	[tilespmem:$0x1B080] =	vst v18;
	v18 =	vpop (erf);
	(erf) = vpow2.f32 v16;
	v16 =	vmul.f32 $1.442695020e+00, v17  }
0xee: {  	[tilespmem:$0x1B0B0] =	vst v19;
	(erf) = vpow2.f32 v14;
	v14 =	vmul.f32 $1.442695020e+00, v15  }
0xef: {  	[tilespmem:$0x1B0E0] =	vst v18;
	v17 =	vpop (erf)  }
0xf0: {  	(erf) = vpow2.f32 v16;
	[tilespmem:$0x1B110] =	vst v17;
	v15 =	vpop (erf)  }
0xf1: {  	(erf) = vpow2.f32 v14;
	[tilespmem:$0x1B140] =	vst v15;
	v15 =	vpop (erf)  }
0xf2: {  	v14 =	vpop (erf);
	[tilespmem:$0x1B090] =	vst v15  }
0xf3: {  	v15 =	vpop (erf);
	[tilespmem:$0x1B0C0] =	vst v14  }
0xf4: {  	v14 =	vpop (erf);
	[tilespmem:$0x1B0F0] =	vst v15  }
0xf5: {  	v15 =	vpop (erf);
	[tilespmem:$0x1B120] =	vst v14  }
0xf6: {  	v14 =	vpop (erf);
	[tilespmem:$0x1B150] =	vst v15  }
0xf7: {  	s16 =	simm.s32 $0x0;
	v15 =	vpop (erf);
	[tilespmem:$0x1B0A0] =	vst v14  }
0xf8: {  	s2 =	smul.u32 $0x5000, s16;
	v14 =	vpop (erf);
	[tilespmem:$0x1B0D0] =	vst v15  }
0xf9: {  	v15 =	vpop (erf);
	[tilespmem:$0x1B100] =	vst v14  }
0xfa: {  	s17 =	sand.u32 $0x380, s9;
	s2 =	sshra.s32 s2, $0x2;
	[tilespmem:$0x1B130] =	vst v15;
	v14 =	vpop (erf)  }
0xfb: {  	s12 =	sor.u32 s17, s2;
	[tilespmem:$0x1B160] =	vst v14  }
0xfc: {  	s2 =	simm.s32 $0x1B0E0;
	v17 =	vld [tilespmem:s12+$0x13880]  }
0xfd: {  	v15 =	vld.msk [tilespmem:s2+$0xFFFFFFD0 ss:$0x0], $0xffff  }
0xfe: {  	v18 =	vld.msk [tilespmem:s2+$0xFFFFFFA0 ss:$0x0], $0xffff  }
0xff: {  	v19 =	vld [tilespmem:s12+$0x13C80]  }
0x100: {  	v16 =	vld.msk [tilespmem:s2+$0x0 ss:$0x0], $0xffff  }
0x101: {  	v20 =	vld [tilespmem:s12+$0x14080]  }
0x102: {  	v14 =	vld.msk [tilespmem:s2+$0x30 ss:$0x0], $0xffff  }
0x103: {  	v21 =	vld [tilespmem:s12+$0x14480]  }
0x104: {  	v23 =	vld [tilespmem:s12+$0x14880];
	v22 =	vmul.f32 v17, v18;
	v19 =	vmul.f32 v19, v15  }
0x105: {  	v17 =	vld.msk [tilespmem:s2+$0x60 ss:$0x0], $0xffff  }
0x106: {  	v20 =	vmul.f32 v20, v16;
	v19 =	vadd.f32 v19, v22;
	_ =	sdelay $0x1  }
0x107: {  	v19 =	vadd.f32 v20, v19;
	v20 =	vmul.f32 v21, v14;
	_ =	sdelay $0x1  }
0x108: {  	v19 =	vadd.f32 v20, v19;
	v20 =	vmul.f32 v23, v17;
	_ =	sdelay $0x1  }
0x109: {  	v19 =	vadd.f32 v20, v19  }
0x10a: {  	s3 =	simm.s32 $0x19CC0  }
0x10b: {  	s13 =	sadd.s32 $0x13880, s12;
	[tilespmem:s3+$0xFFFFFFC0] =	vst v19  }
0x10c: {  	s8 =	sadd.s32 $0x13C80, s12;
	v19 =	vld [tilespmem:s13+$0x10]  }
0x10d: {  	v20 =	vld [tilespmem:s8+$0x10]  }
0x10e: {  	s11 =	sadd.s32 $0x14080, s12  }
0x10f: {  	v46 =	vld [tilespmem:s11+$0x10]  }
0x110: {  	s14 =	sadd.s32 $0x14480, s12  }
0x111: {  	v47 =	vld [tilespmem:s14+$0x10]  }
0x112: {  	s12 =	sadd.s32 $0x14880, s12;
	v19 =	vmul.f32 v19, v18;
	v20 =	vmul.f32 v20, v15  }
0x113: {  	v48 =	vld [tilespmem:s12+$0x10]  }
0x114: {  	v19 =	vadd.f32 v20, v19;
	v20 =	vmul.f32 v46, v16;
	_ =	sdelay $0x1  }
0x115: {  	v19 =	vadd.f32 v20, v19;
	v20 =	vmul.f32 v47, v14;
	_ =	sdelay $0x1  }
0x116: {  	v19 =	vadd.f32 v20, v19;
	v20 =	vmul.f32 v48, v17;
	_ =	sdelay $0x1  }
0x117: {  	v19 =	vadd.f32 v20, v19;
	_ =	sdelay $0x1  }
0x118: {  	[tilespmem:s3+$0xFFFFFFD0] =	vst v19  }
0x119: {  	v19 =	vld [tilespmem:s13+$0x20]  }
0x11a: {  	v20 =	vld [tilespmem:s8+$0x20];
	_ =	sdelay $0x1  }
0x11b: {  	v49 =	vld [tilespmem:s11+$0x20];
	_ =	sdelay $0x1  }
0x11c: {  	v50 =	vld [tilespmem:s14+$0x20]  }
0x11d: {  	v19 =	vmul.f32 v19, v18;
	v20 =	vmul.f32 v20, v15  }
0x11e: {  	v51 =	vld [tilespmem:s12+$0x20]  }
0x11f: {  	v19 =	vadd.f32 v20, v19;
	v20 =	vmul.f32 v49, v16;
	_ =	sdelay $0x1  }
0x120: {  	v19 =	vadd.f32 v20, v19;
	v20 =	vmul.f32 v50, v14;
	_ =	sdelay $0x1  }
0x121: {  	v19 =	vadd.f32 v20, v19;
	v20 =	vmul.f32 v51, v17;
	_ =	sdelay $0x1  }
0x122: {  	v19 =	vadd.f32 v20, v19;
	_ =	sdelay $0x1  }
0x123: {  	[tilespmem:s3+$0xFFFFFFE0] =	vst v19  }
0x124: {  	v19 =	vld [tilespmem:s13+$0x30]  }
0x125: {  	v20 =	vld [tilespmem:s8+$0x30];
	_ =	sdelay $0x1  }
0x126: {  	v52 =	vld [tilespmem:s11+$0x30];
	_ =	sdelay $0x1  }
0x127: {  	v53 =	vld [tilespmem:s14+$0x30]  }
0x128: {  	v19 =	vmul.f32 v19, v18;
	v20 =	vmul.f32 v20, v15  }
0x129: {  	v54 =	vld [tilespmem:s12+$0x30]  }
0x12a: {  	v21 =	vmul.f32 v52, v16;
	v19 =	vadd.f32 v20, v19;
	_ =	sdelay $0x1  }
0x12b: {  	v20 =	vmul.f32 v53, v14;
	v19 =	vadd.f32 v21, v19;
	_ =	sdelay $0x1  }
0x12c: {  	v19 =	vadd.f32 v20, v19;
	v20 =	vmul.f32 v54, v17;
	_ =	sdelay $0x1  }
0x12d: {  	v19 =	vadd.f32 v20, v19;
	_ =	sdelay $0x1  }
0x12e: {  	[tilespmem:s3+$0xFFFFFFF0] =	vst v19  }
0x12f: {  	v19 =	vld [tilespmem:s8+$0x40]  }
0x130: {  	v20 =	vld [tilespmem:s13+$0x40];
	_ =	sdelay $0x1  }
0x131: {  	v55 =	vld [tilespmem:s11+$0x40];
	_ =	sdelay $0x1  }
0x132: {  	v56 =	vld [tilespmem:s14+$0x40]  }
0x133: {  	v19 =	vmul.f32 v19, v15;
	v20 =	vmul.f32 v20, v18  }
0x134: {  	v57 =	vld [tilespmem:s12+$0x40]  }
0x135: {  	v21 =	vmul.f32 v55, v16;
	v19 =	vadd.f32 v19, v20;
	_ =	sdelay $0x1  }
0x136: {  	v20 =	vmul.f32 v56, v14;
	v19 =	vadd.f32 v21, v19;
	_ =	sdelay $0x1  }
0x137: {  	v19 =	vadd.f32 v20, v19;
	v20 =	vmul.f32 v57, v17;
	_ =	sdelay $0x1  }
0x138: {  	v19 =	vadd.f32 v20, v19;
	_ =	sdelay $0x1  }
0x139: {  	[tilespmem:s3+$0x0] =	vst v19  }
0x13a: {  	v19 =	vld [tilespmem:s8+$0x50]  }
0x13b: {  	v20 =	vld [tilespmem:s13+$0x50];
	_ =	sdelay $0x1  }
0x13c: {  	v58 =	vld [tilespmem:s11+$0x50];
	_ =	sdelay $0x1  }
0x13d: {  	v59 =	vld [tilespmem:s14+$0x50]  }
0x13e: {  	v19 =	vmul.f32 v19, v15;
	v20 =	vmul.f32 v20, v18  }
0x13f: {  	v60 =	vld [tilespmem:s12+$0x50]  }
0x140: {  	v21 =	vmul.f32 v58, v16;
	v19 =	vadd.f32 v19, v20;
	_ =	sdelay $0x1  }
0x141: {  	v20 =	vmul.f32 v59, v14;
	v19 =	vadd.f32 v21, v19;
	_ =	sdelay $0x1  }
0x142: {  	v19 =	vadd.f32 v20, v19;
	v20 =	vmul.f32 v60, v17;
	_ =	sdelay $0x1  }
0x143: {  	v19 =	vadd.f32 v20, v19;
	_ =	sdelay $0x1  }
0x144: {  	[tilespmem:s3+$0x10] =	vst v19  }
0x145: {  	v19 =	vld [tilespmem:s13+$0x60]  }
0x146: {  	v20 =	vld [tilespmem:s8+$0x60];
	_ =	sdelay $0x1  }
0x147: {  	v61 =	vld [tilespmem:s11+$0x60];
	_ =	sdelay $0x1  }
0x148: {  	v62 =	vld [tilespmem:s14+$0x60]  }
0x149: {  	v19 =	vmul.f32 v19, v18;
	v20 =	vmul.f32 v20, v15  }
0x14a: {  	v63 =	vld [tilespmem:s12+$0x60]  }
0x14b: {  	v21 =	vmul.f32 v61, v16;
	v19 =	vadd.f32 v20, v19;
	_ =	sdelay $0x1  }
0x14c: {  	v20 =	vmul.f32 v62, v14;
	v19 =	vadd.f32 v21, v19;
	_ =	sdelay $0x1  }
0x14d: {  	v19 =	vadd.f32 v20, v19;
	v20 =	vmul.f32 v63, v17;
	_ =	sdelay $0x1  }
0x14e: {  	v19 =	vadd.f32 v20, v19;
	_ =	sdelay $0x1  }
0x14f: {  	s16 =	simm.s32 $0x1;
	s17 =	simm.s32 $0x0;
	s15 =	simm.s32 $0x19CC0;
	[tilespmem:s3+$0x20] =	vst v19  }
.LBB2_5:
0x150: {  	v19 =	vld [tilespmem:s13+$0x70];
	s2 =	sadd.s32 $0x1, s2;
	s17 =	sadd.s32 $0x80, s17;
	s3 =	sadd.s32 $0x80, s3  }
0x151: {  	p1 =	sne.s32 s16, $0x27;
	s13 =	smov.u32 s16;
	s16 =	sadd.s32 $0x1, s16  }
0x152: {  	v20 =	vld [tilespmem:s8+$0x70];
	_ =	sdelay $0x1  }
0x153: {  	v21 =	vld [tilespmem:s11+$0x70]  }
0x154: {  	v18 =	vmul.f32 v19, v18  }
0x155: {  	v19 =	vld [tilespmem:s14+$0x70]  }
0x156: {  	s8 =	sshrl.u32 s13, $0x3;
	v15 =	vmul.f32 v20, v15  }
0x157: {  	s8 =	smul.u32 $0x5000, s8;
	v20 =	vld [tilespmem:s12+$0x70]  }
0x158: {  	v15 =	vadd.f32 v15, v18;
	v16 =	vmul.f32 v21, v16  }
0x159: {  	s11 =	sand.u32 $0x380, s17;
	s8 =	sshra.s32 s8, $0x2  }
0x15a: {  	s12 =	sor.u32 s11, s8;
	v15 =	vadd.f32 v16, v15;
	v14 =	vmul.f32 v19, v14;
	_ =	sdelay $0x1  }
0x15b: {  	v14 =	vadd.f32 v14, v15;
	v15 =	vmul.f32 v20, v17;
	_ =	sdelay $0x1  }
0x15c: {  	v14 =	vadd.f32 v15, v14;
	_ =	sdelay $0x1  }
0x15d: {  	[tilespmem:s15+$0x30] =	vst v14;
	s15 =	smov.u32 s3  }
0x15e: {  	v17 =	vld [tilespmem:s12+$0x13880]  }
0x15f: {  	v15 =	vld.msk [tilespmem:s2+$0xFFFFFFD0 ss:$0x0], $0xffff  }
0x160: {  	v18 =	vld.msk [tilespmem:s2+$0xFFFFFFA0 ss:$0x0], $0xffff  }
0x161: {  	v19 =	vld [tilespmem:s12+$0x13C80]  }
0x162: {  	v16 =	vld.msk [tilespmem:s2+$0x0 ss:$0x0], $0xffff  }
0x163: {  	v20 =	vld [tilespmem:s12+$0x14080]  }
0x164: {  	v14 =	vld.msk [tilespmem:s2+$0x30 ss:$0x0], $0xffff  }
0x165: {  	v21 =	vld [tilespmem:s12+$0x14480]  }
0x166: {  	v22 =	vmul.f32 v17, v18;
	v19 =	vmul.f32 v19, v15;
	v17 =	vld.msk [tilespmem:s2+$0x60 ss:$0x0], $0xffff  }
0x167: {  	v23 =	vld [tilespmem:s12+$0x14880]  }
0x168: {  	v19 =	vadd.f32 v19, v22;
	v20 =	vmul.f32 v20, v16;
	_ =	sdelay $0x1  }
0x169: {  	v19 =	vadd.f32 v20, v19;
	v20 =	vmul.f32 v21, v14;
	_ =	sdelay $0x1  }
0x16a: {  	v19 =	vadd.f32 v20, v19;
	v20 =	vmul.f32 v23, v17;
	_ =	sdelay $0x1  }
0x16b: {  	v19 =	vadd.f32 v20, v19;
	_ =	sdelay $0x1  }
0x16c: {  	s13 =	sadd.s32 $0x13880, s12;
	[tilespmem:s3+$0xFFFFFFC0] =	vst v19  }
0x16d: {  	s8 =	sadd.s32 $0x13C80, s12;
	v19 =	vld [tilespmem:s13+$0x10]  }
0x16e: {  	v20 =	vld [tilespmem:s8+$0x10]  }
0x16f: {  	s11 =	sadd.s32 $0x14080, s12  }
0x170: {  	v21 =	vld [tilespmem:s11+$0x10]  }
0x171: {  	s14 =	sadd.s32 $0x14480, s12  }
0x172: {  	v19 =	vmul.f32 v19, v18;
	v22 =	vld [tilespmem:s14+$0x10]  }
0x173: {  	s12 =	sadd.s32 $0x14880, s12;
	v20 =	vmul.f32 v20, v15  }
0x174: {  	v23 =	vld [tilespmem:s12+$0x10]  }
0x175: {  	v19 =	vadd.f32 v20, v19;
	v20 =	vmul.f32 v21, v16;
	_ =	sdelay $0x1  }
0x176: {  	v19 =	vadd.f32 v20, v19;
	v20 =	vmul.f32 v22, v14;
	_ =	sdelay $0x1  }
0x177: {  	v19 =	vadd.f32 v20, v19;
	v20 =	vmul.f32 v23, v17;
	_ =	sdelay $0x1  }
0x178: {  	v19 =	vadd.f32 v20, v19;
	_ =	sdelay $0x1  }
0x179: {  	[tilespmem:s3+$0xFFFFFFD0] =	vst v19  }
0x17a: {  	v19 =	vld [tilespmem:s13+$0x20]  }
0x17b: {  	v20 =	vld [tilespmem:s8+$0x20];
	_ =	sdelay $0x1  }
0x17c: {  	v21 =	vld [tilespmem:s11+$0x20];
	_ =	sdelay $0x1  }
0x17d: {  	v19 =	vmul.f32 v19, v18;
	v22 =	vld [tilespmem:s14+$0x20]  }
0x17e: {  	v20 =	vmul.f32 v20, v15  }
0x17f: {  	v23 =	vld [tilespmem:s12+$0x20]  }
0x180: {  	v19 =	vadd.f32 v20, v19;
	v20 =	vmul.f32 v21, v16;
	_ =	sdelay $0x1  }
0x181: {  	v19 =	vadd.f32 v20, v19;
	v20 =	vmul.f32 v22, v14;
	_ =	sdelay $0x1  }
0x182: {  	v19 =	vadd.f32 v20, v19;
	v20 =	vmul.f32 v23, v17;
	_ =	sdelay $0x1  }
0x183: {  	v19 =	vadd.f32 v20, v19;
	_ =	sdelay $0x1  }
0x184: {  	[tilespmem:s3+$0xFFFFFFE0] =	vst v19  }
0x185: {  	v19 =	vld [tilespmem:s13+$0x30]  }
0x186: {  	v20 =	vld [tilespmem:s8+$0x30]  }
0x187: {  	v21 =	vld [tilespmem:s11+$0x30];
	_ =	sdelay $0x2  }
0x188: {  	v19 =	vmul.f32 v19, v18;
	v22 =	vld [tilespmem:s14+$0x30]  }
0x189: {  	v20 =	vmul.f32 v20, v15  }
0x18a: {  	v21 =	vmul.f32 v21, v16;
	v23 =	vld [tilespmem:s12+$0x30]  }
0x18b: {  	v19 =	vadd.f32 v20, v19;
	_ =	sdelay $0x1  }
0x18c: {  	v19 =	vadd.f32 v21, v19;
	v20 =	vmul.f32 v22, v14;
	_ =	sdelay $0x1  }
0x18d: {  	v19 =	vadd.f32 v20, v19;
	v20 =	vmul.f32 v23, v17;
	_ =	sdelay $0x1  }
0x18e: {  	v19 =	vadd.f32 v20, v19;
	_ =	sdelay $0x1  }
0x18f: {  	[tilespmem:s3+$0xFFFFFFF0] =	vst v19  }
0x190: {  	v19 =	vld [tilespmem:s8+$0x40]  }
0x191: {  	v20 =	vld [tilespmem:s13+$0x40]  }
0x192: {  	v21 =	vld [tilespmem:s11+$0x40];
	_ =	sdelay $0x2  }
0x193: {  	v19 =	vmul.f32 v19, v15;
	v22 =	vld [tilespmem:s14+$0x40]  }
0x194: {  	v20 =	vmul.f32 v20, v18  }
0x195: {  	v21 =	vmul.f32 v21, v16;
	v23 =	vld [tilespmem:s12+$0x40]  }
0x196: {  	v19 =	vadd.f32 v19, v20;
	_ =	sdelay $0x1  }
0x197: {  	v19 =	vadd.f32 v21, v19;
	v20 =	vmul.f32 v22, v14;
	_ =	sdelay $0x1  }
0x198: {  	v19 =	vadd.f32 v20, v19;
	v20 =	vmul.f32 v23, v17;
	_ =	sdelay $0x1  }
0x199: {  	v19 =	vadd.f32 v20, v19;
	_ =	sdelay $0x1  }
0x19a: {  	[tilespmem:s3+$0x0] =	vst v19  }
0x19b: {  	v19 =	vld [tilespmem:s8+$0x50]  }
0x19c: {  	v20 =	vld [tilespmem:s13+$0x50]  }
0x19d: {  	v21 =	vld [tilespmem:s11+$0x50]  }
0x19e: {  	v22 =	vld [tilespmem:s14+$0x50]  }
0x19f: {  	v23 =	vld [tilespmem:s12+$0x50]  }
0x1a0: {  	v19 =	vmul.f32 v19, v15  }
0x1a1: {  	v20 =	vmul.f32 v20, v18  }
0x1a2: {  	v21 =	vmul.f32 v21, v16  }
0x1a3: {  	v19 =	vadd.f32 v19, v20;
	_ =	sdelay $0x1  }
0x1a4: {  	v20 =	vmul.f32 v22, v14;
	v19 =	vadd.f32 v21, v19;
	_ =	sdelay $0x1  }
0x1a5: {  	v19 =	vadd.f32 v20, v19;
	v20 =	vmul.f32 v23, v17;
	_ =	sdelay $0x1  }
0x1a6: {  	v19 =	vadd.f32 v20, v19;
	_ =	sdelay $0x1  }
0x1a7: {  	[tilespmem:s3+$0x10] =	vst v19  }
0x1a8: {  	v19 =	vld [tilespmem:s13+$0x60]  }
0x1a9: {  	v20 =	vld [tilespmem:s8+$0x60]  }
0x1aa: {  	v21 =	vld [tilespmem:s11+$0x60]  }
0x1ab: {  	v22 =	vld [tilespmem:s14+$0x60]  }
0x1ac: {  	v23 =	vld [tilespmem:s12+$0x60]  }
0x1ad: {  	v19 =	vmul.f32 v19, v18  }
0x1ae: {  	v20 =	vmul.f32 v20, v15  }
0x1af: {  	v21 =	vmul.f32 v21, v16  }
0x1b0: {  	v19 =	vadd.f32 v20, v19;
	_ =	sdelay $0x1  }
0x1b1: {  	v20 =	vmul.f32 v22, v14;
	v19 =	vadd.f32 v21, v19;
	_ =	sdelay $0x1  }
.Ltmp1:
0x1b2: {  	v19 =	vadd.f32 v20, v19;
	v20 =	vmul.f32 v23, v17;
	(pc) =	sbr.rel @p1 .LBB2_5-.Ltmp1, $3  }
0x1b3: {  	_ = 	snop  }
0x1b4: {  	v19 =	vadd.f32 v20, v19;
	_ =	sdelay $0x1  }
0x1b5: {  	[tilespmem:s3+$0x20] =	vst v19  }
0x1b6: {  	v19 =	vld [tilespmem:s13+$0x70]  }
0x1b7: {  	v20 =	vld [tilespmem:s8+$0x70];
	_ =	sdelay $0x1  }
0x1b8: {  	v21 =	vld [tilespmem:s11+$0x70];
	_ =	sdelay $0x1  }
0x1b9: {  	v22 =	vld [tilespmem:s14+$0x70]  }
0x1ba: {  	v18 =	vmul.f32 v19, v18;
	v15 =	vmul.f32 v20, v15  }
0x1bb: {  	v63 =	vld [tilespmem:s12+$0x70]  }
0x1bc: {  	v16 =	vmul.f32 v21, v16;
	v15 =	vadd.f32 v15, v18;
	_ =	sdelay $0x1  }
0x1bd: {  	v14 =	vmul.f32 v22, v14;
	v15 =	vadd.f32 v16, v15;
	_ =	sdelay $0x1  }
0x1be: {  	v14 =	vadd.f32 v14, v15;
	v15 =	vmul.f32 v63, v17;
	_ =	sdelay $0x1  }
0x1bf: {  	s1 =	sadd.s32 $0x1, s1;
	v14 =	vadd.f32 v15, v14  }
0x1c0: {  	p1 =	sne.s32 s1, $0xFA  }
.Ltmp2:
0x1c1: {  	s2 =	rddreg [dreg:$0x3];
	[tilespmem:s15+$0x30] =	vst v14;
	(pc) =	sbr.rel @p1 .LBB2_4-.Ltmp2, $4  }
0x1c2: {  	[spmem:s2] =	stream.indirect.scatter.add.f32 [tilespmem:s4], [sflag:$0x2], $0x80, s10, s0, $0xb8;
	[tilespmem:$0x1B380] =	vst v63  }
0x1c3: {  	_ =	swait.ge [sflag:s5], $0x1400  }
0x1c4: {  	[sflag:s5] =	ssyncset.done $0x0  }
0x1c5: {  	[sflag:s5] =	ssyncadd.s32 $0xFFFFEC00  }
0x1c6: {  	s1 =	stileid.u32;
	[bflag:$0x0] =	sbarrier.arrive $0xFFFF  }
0x1c7: {  	s1 =	sshll.u32 s1, $0x6;
	s11 =	rddreg [dreg:$0x6]  }
0x1c8: {  	s3 =	rddreg [dreg:$0x11];
	s1 =	sor.u32 $0x1C02, s1;
	s2 =	sshrl.u32 s11, $0x3  }
0x1c9: {  	[hbm:s3], [sflag:s1] =	dma.local [spmem:s2], $0x2700  }
0x1ca: {  	_ =	swait.ge [sflag:s5], $0x2700  }
0x1cb: {  	[sflag:s5] =	ssyncset.done $0x0;
	s8 =	rddreg [dreg:$0x19]  }
0x1cc: {  	s3 =	rddreg [dreg:$0x12];
	[sflag:s5] =	ssyncadd.s32 $0xFFFFD900;
	s2 =	sshrl.u32 @!p0 s8, $0x3  }
0x1cd: {  	[hbm:s3], [sflag:s1] =	dma.local @!p0 [spmem:s2], $0x100  }
0x1ce: {  	s1 =	simm.s32 @!p0 $0x2  }
0x1cf: {  	_ =	swait.ge @!p0 [sflag:s1], $0x100  }
0x1d0: {  	s16 =	rddreg [dreg:$0x1a]  }
0x1d1: {  	s17 =	rddreg [dreg:$0x13];
	s3 =	sadd.s32 $0x1, s16  }
0x1d2: {  	p1 =	sne.s32 s3, s17  }
.Ltmp3:
0x1d3: {  	_ = 	snop;
	(pc) =	sbr.rel @p1 .LBB2_1-.Ltmp3, $3  }
0x1d4: {  	_ =	sdelay $0x1  }
0x1d5: {  	[sflag:s1] =	ssyncset.done @!p0 $0x0  }
0x1d6: {  	[sflag:s1] =	ssyncadd.s32 @!p0 $0xFFFFFF00  }
0x1d7: {  	_ =	sfence.sel $0x180000  }
0x1d8: {  	[bflag:$0x0] =	sbarrier.arrive $0xFFFF  }
0x1d9: {  	_ =	strace $0x9000004A  }
0x1da: {  	s0 =	stileid.u32;
	[bflag:$0x2] =	sbarrier.arrive $0xFFFF  }
0x1db: {  	p0 =	sne.s32 s0, $0x0;
	s0 =	rddreg [dreg:$0x4]  }
0x1dc: {  	s0 =	sadd.s32 @!p0 $0x100000, s0  }
0x1dd: {  	[sflag:s0] =	ssyncadd.tile.s32 @!p0 $0x1;
	_ =	shalt  }
.Lfunc_end2:
_tile_overlayer_lowered:
.L_overlay_start_2:
0x1de: {  	(tag) =	ssettag $0x2  }
0x1df: {  	s0 =	rddreg [dreg:$0x0];
	s2 =	stileid.u32  }
0x1e0: {  	s1 =	rddreg [dreg:$0x1];
	p0 =	sne.s32 s2, $0x0  }
0x1e1: {  	s3 =	rddreg [dreg:$0x2];
	[bflag:$0x3] =	sbarrier.arrive $0xFFFF;
	s2 =	simm.s32 @!p0 $0x1C02  }
0x1e2: {  	[timem:s3], [sflag:s2] =	dma.local @!p0 [hbm:s0], s1  }
0x1e3: {  	s0 =	simm.s32 @!p0 $0x2  }
0x1e4: {  	_ =	swait.ge @!p0 [sflag:s0], s1  }
0x1e5: {  	s1 =	ssub.s32 @!p0 $0x0, s1;
	[sflag:s0] =	ssyncset.done @!p0 $0x0  }
0x1e6: {  	[sflag:s0] =	ssyncadd.s32 @!p0 s1  }
0x1e7: {  	[bflag:$0x3] =	sbarrier.arrive $0xFFFF  }
0x1e8: {  	_ =	shalt  }

</sc_bundles>
